<compile_context>
chip_gen: v7x
topology: tpu7x:2x2x1
jax: 0.10.2.dev20260603
libtpu: 0.0.44.dev20260713+nightly
codegen_flags: <defaults>
</compile_context>

<pallas_src>
import functools

import jax
import jax.numpy as jnp
from jax import lax
from jax.experimental import pallas as pl
from jax.experimental.pallas import tpu as pltpu
from jax.experimental.pallas import tpu_sc as plsc

N = 100000
E = 1600000
G = 64
D_IN = 6
DH = 32
DOUT = 6

NC = 2
NS = 16
NHALF = N // NC
TRASH = 1024
STRIPE1 = 3136
DEG_PAD = NS * STRIPE1
ACC1_ROWS = DEG_PAD + TRASH
ACC2_ROWS = NHALF + TRASH
STRIPE2 = 3128
QOUT = 400
NQ = NHALF // QOUT

_mesh = plsc.VectorSubcoreMesh(core_axis_name="c", subcore_axis_name="s")

KP = 800
NCHUNK = E // KP
TP = NCHUNK // NS
K2 = 400
WREG = E // (NC * NS) + 1600
NW = NC * NS
PSIZE = NW * WREG + NW * 16
DUMP0 = NW * WREG


def _lane_iota():
    return lax.broadcasted_iota(jnp.int32, (16,), 0)


@functools.partial(
    pl.kernel,
    mesh=_mesh,
    compiler_params=pltpu.CompilerParams(needs_layout_passes=False),
    out_type=[
        jax.ShapeDtypeStruct((NC * DEG_PAD,), jnp.float32),
        jax.ShapeDtypeStruct((PSIZE,), jnp.int32),
        jax.ShapeDtypeStruct((PSIZE,), jnp.int32),
        jax.ShapeDtypeStruct((NW * 16,), jnp.int32),
    ],
    scratch_types=[
        pltpu.VMEM((KP,), jnp.int32),
        pltpu.VMEM((KP,), jnp.int32),
        pltpu.VMEM((KP,), jnp.float32),
        pltpu.VMEM((2 * KP,), jnp.int32),
        pltpu.VMEM((2 * KP,), jnp.int32),
        pltpu.VMEM((16,), jnp.int32),
        pltpu.SemaphoreType.DMA,
        pltpu.SemaphoreType.DMA,
        pltpu.VMEM_SHARED((ACC1_ROWS,), jnp.float32),
    ],
)
def _sc_deg(dst_hbm, src_hbm, deg_hbm, srcp_hbm, dstp_hbm, cnt_hbm,
            dbuf, sbuf, ones_v, ssta, dsta, cntb, isem, wsem, acc):
    c = lax.axis_index("c")
    s = lax.axis_index("s")
    base = c * NHALF
    rid = c * NS + s
    rb = rid * WREG

    def zfill(i, _):
        ones_v[pl.ds(i * 16, 16)] = jnp.zeros((16,), jnp.float32)
        return 0
    lax.fori_loop(0, KP // 16, zfill, 0)
    z0 = s * STRIPE1
    for k0 in range(0, STRIPE1, KP):
        n = min(KP, STRIPE1 - k0)
        pltpu.sync_copy(ones_v.at[pl.ds(0, n)], acc.at[pl.ds(z0 + k0, n)])
    def ofill(i, _):
        ones_v[pl.ds(i * 16, 16)] = jnp.full((16,), 1.0, jnp.float32)
        return 0
    lax.fori_loop(0, KP // 16, ofill, 0)
    plsc.subcore_barrier()

    ii = _lane_iota()

    def chunk(t, cnt8):
        off = (t * NS + s) * KP
        pltpu.async_copy(dst_hbm.at[pl.ds(off, KP)], dbuf, isem)
        pltpu.async_copy(src_hbm.at[pl.ds(off, KP)], sbuf, isem)

        @pl.when(t > 0)
        def _():
            pltpu.make_async_copy(ssta.at[pl.ds(0, KP)],
                                  srcp_hbm.at[pl.ds(0, KP)], wsem).wait()
            pltpu.make_async_copy(dsta.at[pl.ds(0, KP)],
                                  dstp_hbm.at[pl.ds(0, KP)], wsem).wait()
        pltpu.make_async_copy(dst_hbm.at[pl.ds(off, KP)], dbuf, isem).wait()
        pltpu.make_async_copy(src_hbm.at[pl.ds(off, KP)], sbuf, isem).wait()

        def vec(j, fill):
            d16 = dbuf[pl.ds(j * 16, 16)]
            s16 = sbuf[pl.ds(j * 16, 16)]
            local = d16 - base
            okb = (local >= 0) & (local < NHALF)
            oki = okb.astype(jnp.int32)
            dbuf[pl.ds(j * 16, 16)] = jnp.where(
                okb, local, NHALF + (d16 & (TRASH - 1)))
            incl = plsc.cumsum(oki)
            pos = fill + incl - oki
            plsc.store_scatter(ssta, [pos], s16, mask=okb)
            plsc.store_scatter(dsta, [pos], local, mask=okb)
            return fill + jnp.max(incl)
        m = lax.fori_loop(0, KP // 16, vec, 0)

        pltpu.sync_copy(ones_v, acc.at[dbuf], add=True)

        m8 = ((m + 7) // 8) * 8
        okp = (m + ii) < m8
        ppos = m + ii
        plsc.store_scatter(ssta, [ppos], jnp.zeros((16,), jnp.int32),
                           mask=okp)
        plsc.store_scatter(dsta, [ppos], NHALF + ((ppos + s) & (TRASH - 1)),
                           mask=okp)
        off2 = pl.multiple_of(rb + cnt8, 8)
        pltpu.async_copy(ssta.at[pl.ds(0, KP)],
                         srcp_hbm.at[pl.ds(off2, KP)], wsem)
        pltpu.async_copy(dsta.at[pl.ds(0, KP)],
                         dstp_hbm.at[pl.ds(off2, KP)], wsem)
        return cnt8 + m8
    cnt = lax.fori_loop(0, TP, chunk, 0)
    pltpu.make_async_copy(ssta.at[pl.ds(0, KP)],
                          srcp_hbm.at[pl.ds(0, KP)], wsem).wait()
    pltpu.make_async_copy(dsta.at[pl.ds(0, KP)],
                          dstp_hbm.at[pl.ds(0, KP)], wsem).wait()

    def trailv(j, _):
        tpos = j * 16 + ii
        ssta[pl.ds(j * 16, 16)] = jnp.zeros((16,), jnp.int32)
        dsta[pl.ds(j * 16, 16)] = NHALF + ((tpos + s) & (TRASH - 1))
        return 0
    lax.fori_loop(0, KP // 16, trailv, 0)
    off3 = pl.multiple_of(rb + cnt, 8)
    pltpu.sync_copy(ssta.at[pl.ds(0, KP)], srcp_hbm.at[pl.ds(off3, KP)])
    pltpu.sync_copy(dsta.at[pl.ds(0, KP)], dstp_hbm.at[pl.ds(off3, KP)])

    cntb[pl.ds(0, 16)] = jnp.zeros((16,), jnp.int32) + cnt
    pltpu.sync_copy(cntb, cnt_hbm.at[pl.ds(rid * 16, 16)])
    plsc.subcore_barrier()

    for k0 in range(0, STRIPE1, KP):
        n = min(KP, STRIPE1 - k0)
        pltpu.sync_copy(acc.at[pl.ds(z0 + k0, n)], ones_v.at[pl.ds(0, n)])
        pltpu.sync_copy(ones_v.at[pl.ds(0, n)],
                        deg_hbm.at[pl.ds(c * DEG_PAD + z0 + k0, n)])


@functools.partial(
    pl.kernel,
    mesh=_mesh,
    compiler_params=pltpu.CompilerParams(use_tc_tiling_on_sc=False,
                                         needs_layout_passes=False),
    out_type=jax.ShapeDtypeStruct((N, DH), jnp.float32),
    scratch_types=[
        pltpu.VMEM((16,), jnp.int32),
        pltpu.VMEM((K2,), jnp.int32),
        pltpu.VMEM((K2,), jnp.int32),
        pltpu.VMEM((K2,), jnp.int32),
        pltpu.VMEM((K2,), jnp.int32),
        pltpu.VMEM((K2, DH), jnp.float32),
        pltpu.VMEM((K2, DH), jnp.float32),
        pltpu.SemaphoreType.DMA,
        pltpu.SemaphoreType.DMA,
        pltpu.SemaphoreType.DMA,
        pltpu.SemaphoreType.DMA,
        pltpu.SemaphoreType.DMA,
        pltpu.VMEM_SHARED((ACC2_ROWS, DH), jnp.float32),
    ],
)
def _sc_scatter(hp_hbm, srcp_hbm, dstp_hbm, cnt_hbm, acc_hbm,
                cbuf, sbA, sbB, dbA, dbB, rowsA, rowsB,
                isem, gsA, gsB, ssA, ssB, acc):
    c = lax.axis_index("c")
    s = lax.axis_index("s")
    rid = c * NS + s
    rb = rid * WREG

    def zfill(i, _):
        r = i // 2
        q = (i % 2) * 16
        rowsA[r, pl.ds(q, 16)] = jnp.zeros((16,), jnp.float32)
        rowsB[r, pl.ds(q, 16)] = jnp.zeros((16,), jnp.float32)
        return 0
    lax.fori_loop(0, 2 * K2, zfill, 0)
    z0 = s * STRIPE2
    for k0 in range(0, STRIPE2, 2 * K2):
        n1 = min(K2, STRIPE2 - k0)
        pltpu.sync_copy(rowsA.at[pl.ds(0, n1)], acc.at[pl.ds(z0 + k0, n1)])
        n2 = min(K2, STRIPE2 - k0 - n1)
        if n2 > 0:
            pltpu.sync_copy(rowsB.at[pl.ds(0, n2)],
                            acc.at[pl.ds(z0 + k0 + n1, n2)])
    plsc.subcore_barrier()

    pltpu.sync_copy(cnt_hbm.at[pl.ds(rid * 16, 16)], cbuf)
    m = jnp.max(cbuf[pl.ds(0, 16)])
    nch = (m + K2 - 1) // K2
    ngroups = (nch + 1) // 2

    def group(i, _):
        bval = 2 * i + 1 < nch
        @pl.when(i > 0)
        def _():
            pltpu.make_async_copy(rowsA, acc.at[dbA], ssA).wait()

        @pl.when((i > 0) & bval)
        def _():
            pltpu.make_async_copy(rowsB, acc.at[dbB], ssB).wait()

        offA = pl.multiple_of(rb + (2 * i) * K2, 8)
        offB = pl.multiple_of(rb + (2 * i + 1) * K2, 8)
        pltpu.async_copy(srcp_hbm.at[pl.ds(offA, K2)], sbA, isem)
        pltpu.async_copy(dstp_hbm.at[pl.ds(offA, K2)], dbA, isem)

        @pl.when(bval)
        def _():
            pltpu.async_copy(srcp_hbm.at[pl.ds(offB, K2)], sbB, isem)
            pltpu.async_copy(dstp_hbm.at[pl.ds(offB, K2)], dbB, isem)

        pltpu.make_async_copy(srcp_hbm.at[pl.ds(offA, K2)], sbA, isem).wait()
        pltpu.make_async_copy(dstp_hbm.at[pl.ds(offA, K2)], dbA, isem).wait()

        @pl.when(bval)
        def _():
            pltpu.make_async_copy(srcp_hbm.at[pl.ds(offB, K2)], sbB,
                                  isem).wait()
            pltpu.make_async_copy(dstp_hbm.at[pl.ds(offB, K2)], dbB,
                                  isem).wait()

        pltpu.async_copy(hp_hbm.at[sbA], rowsA, gsA)

        @pl.when(bval)
        def _():
            pltpu.async_copy(hp_hbm.at[sbB], rowsB, gsB)

        pltpu.make_async_copy(hp_hbm.at[sbA], rowsA, gsA).wait()

        @pl.when(bval)
        def _():
            pltpu.make_async_copy(hp_hbm.at[sbB], rowsB, gsB).wait()

        pltpu.async_copy(rowsA, acc.at[dbA], ssA, add=True)

        @pl.when(bval)
        def _():
            pltpu.async_copy(rowsB, acc.at[dbB], ssB, add=True)
        return 0
    lax.fori_loop(0, ngroups, group, 0)

    @pl.when(nch >= 1)
    def _():
        pltpu.make_async_copy(rowsA, acc.at[dbA], ssA).wait()

    @pl.when(nch >= 2)
    def _():
        pltpu.make_async_copy(rowsB, acc.at[dbB], ssB).wait()
    plsc.subcore_barrier()

    def cp(j, _):
        r0 = (s + j * NS) * QOUT
        pltpu.sync_copy(acc.at[pl.ds(r0, QOUT)], rowsA.at[pl.ds(0, QOUT)])
        pltpu.sync_copy(rowsA.at[pl.ds(0, QOUT)],
                        acc_hbm.at[pl.ds(c * NHALF + r0, QOUT)])
        return 0
    lax.fori_loop(0, (NQ - s + NS - 1) // NS, cp, 0)


B = 5000
GRID = N // B


def _tc1_body(x_ref, cnt_ref, w_ref, o_ref):
    dinv = lax.rsqrt(cnt_ref[...] + 1.0)
    h = jnp.dot(x_ref[...], w_ref[...], preferred_element_type=jnp.float32)
    o_ref[...] = h * dinv


def _tc1(x, cnt, W1):
    return pl.pallas_call(
        _tc1_body,
        grid=(GRID,),
        in_specs=[
            pl.BlockSpec((B, D_IN), lambda i: (i, 0)),
            pl.BlockSpec((B, 1), lambda i: (i, 0)),
            pl.BlockSpec((D_IN, DH), lambda i: (0, 0)),
        ],
        out_specs=pl.BlockSpec((B, DH), lambda i: (i, 0)),
        out_shape=jax.ShapeDtypeStruct((N, DH), jnp.float32),
    )(x, cnt, W1)


def _tcs_body(acc_ref, hp_ref, cnt_ref, b_ref, w_ref, o_ref):
    dinv = lax.rsqrt(cnt_ref[...] + 1.0)
    f = jnp.tanh(dinv * (acc_ref[...] + hp_ref[...]) + b_ref[...])
    o_ref[...] = jnp.dot(f, w_ref[...],
                         preferred_element_type=jnp.float32) * dinv


def _tc_stage(acc, hp, cnt, b, W):
    return pl.pallas_call(
        _tcs_body,
        grid=(GRID,),
        in_specs=[
            pl.BlockSpec((B, DH), lambda i: (i, 0)),
            pl.BlockSpec((B, DH), lambda i: (i, 0)),
            pl.BlockSpec((B, 1), lambda i: (i, 0)),
            pl.BlockSpec((1, DH), lambda i: (0, 0)),
            pl.BlockSpec((DH, DH), lambda i: (0, 0)),
        ],
        out_specs=pl.BlockSpec((B, DH), lambda i: (i, 0)),
        out_shape=jax.ShapeDtypeStruct((N, DH), jnp.float32),
    )(acc, hp, cnt, b, W)


def _tc4_body(acc_ref, hp_ref, cnt_ref, b_ref, batch_ref, wc_ref, bc_ref,
              o_ref, sums, cnts):
    i = pl.program_id(0)

    @pl.when(i == 0)
    def _():
        sums[...] = jnp.zeros_like(sums)
        cnts[...] = jnp.zeros_like(cnts)

    dinv = lax.rsqrt(cnt_ref[...] + 1.0)
    f = jnp.tanh(dinv * (acc_ref[...] + hp_ref[...]) + b_ref[...])
    onehot = (lax.broadcasted_iota(jnp.int32, (B, G), 1)
              == batch_ref[...]).astype(jnp.float32)
    sums[...] += lax.dot_general(onehot, f, (((0,), (0,)), ((), ())),
                                 preferred_element_type=jnp.float32)
    cnts[...] += jnp.sum(onehot, axis=0).reshape(G, 1)

    @pl.when(i == pl.num_programs(0) - 1)
    def _():
        pooled = sums[...] / jnp.maximum(cnts[...], 1.0)
        o_ref[...] = jnp.dot(pooled, wc_ref[...],
                             preferred_element_type=jnp.float32) + bc_ref[...]


def _tc4(acc, hp, cnt, b, batch, Wc, bc):
    return pl.pallas_call(
        _tc4_body,
        grid=(GRID,),
        in_specs=[
            pl.BlockSpec((B, DH), lambda i: (i, 0)),
            pl.BlockSpec((B, DH), lambda i: (i, 0)),
            pl.BlockSpec((B, 1), lambda i: (i, 0)),
            pl.BlockSpec((1, DH), lambda i: (0, 0)),
            pl.BlockSpec((B, 1), lambda i: (i, 0)),
            pl.BlockSpec((DH, DOUT), lambda i: (0, 0)),
            pl.BlockSpec((1, DOUT), lambda i: (0, 0)),
        ],
        out_specs=pl.BlockSpec((G, DOUT), lambda i: (0, 0)),
        out_shape=jax.ShapeDtypeStruct((G, DOUT), jnp.float32),
        scratch_shapes=[
            pltpu.VMEM((G, DH), jnp.float32),
            pltpu.VMEM((G, 1), jnp.float32),
        ],
    )(acc, hp, cnt, b, batch, Wc, bc)


def kernel(x, edge_index, batch, W1, b1, W2, b2, W3, b3, Wc, bc):
    src = edge_index[0]
    dst = edge_index[1]

    deg_pad, srcp, dstp, cnts = _sc_deg(dst, src)
    cnt = jnp.concatenate(
        [deg_pad[:NHALF], deg_pad[DEG_PAD:DEG_PAD + NHALF]]).reshape(N, 1)

    h1p = _tc1(x, cnt, W1)
    acc1 = _sc_scatter(h1p, srcp, dstp, cnts)
    h2p = _tc_stage(acc1, h1p, cnt, b1.reshape(1, DH), W2)
    acc2 = _sc_scatter(h2p, srcp, dstp, cnts)
    h3p = _tc_stage(acc2, h2p, cnt, b2.reshape(1, DH), W3)
    acc3 = _sc_scatter(h3p, srcp, dstp, cnts)
    return _tc4(acc3, h3p, cnt, b3.reshape(1, DH), batch.reshape(N, 1), Wc,
                bc.reshape(1, DOUT))

# --- scband reference (transcript-rebuilt; emitter-appended) ---
"""Pipeline reference for scband-gcn-63024350101829 (READ-ONLY COPY).

The authoritative reference and input builder live on the scoring server;
editing this copy changes nothing except your own understanding.
"""

import jax, jax.numpy as jnp
import numpy as np

N = 100000
E = 1600000
NUM_GRAPHS = 64
D_IN = 6
D_H = 32
D_OUT = 6


def setup_inputs(seed: int = 0) -> dict:
    key = jax.random.key(seed)
    ks = jax.random.split(key, 12)
    x = jax.random.normal(ks[0], (N, D_IN), dtype=jnp.float32)
    edge_index = jax.random.randint(ks[1], (2, E), 0, N, dtype=jnp.int32)
    batch = jnp.sort(jax.random.randint(ks[2], (N,), 0, NUM_GRAPHS, dtype=jnp.int32))
    W1 = jax.random.normal(ks[3], (D_IN, D_H), dtype=jnp.float32) * (1.0 / np.sqrt(D_IN))
    b1 = jnp.zeros((D_H,), dtype=jnp.float32)
    W2 = jax.random.normal(ks[4], (D_H, D_H), dtype=jnp.float32) * (1.0 / np.sqrt(D_H))
    b2 = jnp.zeros((D_H,), dtype=jnp.float32)
    W3 = jax.random.normal(ks[5], (D_H, D_H), dtype=jnp.float32) * (1.0 / np.sqrt(D_H))
    b3 = jnp.zeros((D_H,), dtype=jnp.float32)
    Wc = jax.random.normal(ks[6], (D_H, D_OUT), dtype=jnp.float32) * (1.0 / np.sqrt(D_H))
    bc = jnp.zeros((D_OUT,), dtype=jnp.float32)
    return {"x": x, "edge_index": edge_index, "batch": batch,
            "W1": W1, "b1": b1, "W2": W2, "b2": b2, "W3": W3, "b3": b3,
            "Wc": Wc, "bc": bc}


def _gcn_conv(x, edge_index, W, b):
    # x: [N, d_in] -> [N, d_out], symmetric-normalized GCN with self-loops (PyG GCNConv semantics)
    n = x.shape[0]
    h = x @ W
    loop = jnp.arange(n, dtype=edge_index.dtype)
    src = jnp.concatenate([edge_index[0], loop])
    dst = jnp.concatenate([edge_index[1], loop])
    deg = jnp.zeros((n,), dtype=h.dtype).at[dst].add(1.0)
    dinv = jnp.where(deg > 0, 1.0 / jnp.sqrt(deg), 0.0)
    norm = dinv[src] * dinv[dst]
    msg = h[src] * norm[:, None]
    out = jnp.zeros((n, h.shape[1]), dtype=h.dtype).at[dst].add(msg)
    return out + b


def reference(x, edge_index, batch, W1, b1, W2, b2, W3, b3, Wc, bc):
    h = jnp.tanh(_gcn_conv(x, edge_index, W1, b1))
    h = jnp.tanh(_gcn_conv(h, edge_index, W2, b2))
    h = jnp.tanh(_gcn_conv(h, edge_index, W3, b3))
    # global_mean_pool over segment ids `batch`
    sums = jax.ops.segment_sum(h, batch, num_segments=NUM_GRAPHS)
    cnt = jax.ops.segment_sum(jnp.ones((h.shape[0], 1), dtype=h.dtype), batch, num_segments=NUM_GRAPHS)
    pooled = sums / jnp.maximum(cnt, 1.0)
    # dropout p=0.5 is identity in eval mode
    return pooled @ Wc + bc

if __name__ == "__main__":
    import jax
    _d = setup_inputs()
    print(jax.jit(kernel)(*tuple(_d.values())))

</pallas_src>

<mosaic_0001>
#map = affine_map<(d0, d1) -> (0, 0)>
#map1 = affine_map<(d0, d1) -> (0)>
module attributes {stable_mosaic.version = 14 : i64} {
  func.func @_sc_scatter(%arg0: i32, %arg1: i32, %arg2: memref<100000x32xf32, #tpu.memory_space<hbm>>, %arg3: memref<1651712xi32, #tpu.memory_space<hbm>>, %arg4: memref<1651712xi32, #tpu.memory_space<hbm>>, %arg5: memref<512xi32, #tpu.memory_space<hbm>>, %arg6: memref<100000x32xf32, #tpu.memory_space<hbm>>, %arg7: memref<16xi32, #tpu.memory_space<vmem>>, %arg8: memref<400xi32, #tpu.memory_space<vmem>>, %arg9: memref<400xi32, #tpu.memory_space<vmem>>, %arg10: memref<400xi32, #tpu.memory_space<vmem>>, %arg11: memref<400xi32, #tpu.memory_space<vmem>>, %arg12: memref<400x32xf32, #tpu.memory_space<vmem>>, %arg13: memref<400x32xf32, #tpu.memory_space<vmem>>, %arg14: memref<!tpu.dma_semaphore, #tpu.memory_space<semaphore_mem>>, %arg15: memref<!tpu.dma_semaphore, #tpu.memory_space<semaphore_mem>>, %arg16: memref<!tpu.dma_semaphore, #tpu.memory_space<semaphore_mem>>, %arg17: memref<!tpu.dma_semaphore, #tpu.memory_space<semaphore_mem>>, %arg18: memref<!tpu.dma_semaphore, #tpu.memory_space<semaphore_mem>>, %arg19: memref<51024x32xf32, #tpu.memory_space<vmem_shared>>) attributes {dimension_semantics = [#tpu.dimension_semantics<core_parallel>, #tpu.dimension_semantics<subcore_parallel>], iteration_bounds = array<i64: 2, 16>, scalar_prefetch = 0 : i64, scratch_operands = 13 : i64, tpu.core_type = #tpu.core_type<sc_vector_subcore>, window_params = [{transform_indices = #map}, {transform_indices = #map1}, {transform_indices = #map1}, {transform_indices = #map1}, {transform_indices = #map}]} {
    %mul3A = arith.constant 16 : i32
    %mul3A_0 = arith.muli %arg0, %mul3A : i32
    %add3A = arith.addi %mul3A_0, %arg1 : i32
    %mul3A_1 = arith.constant 51600 : i32
    %mul3A_2 = arith.muli %add3A, %mul3A_1 : i32
    %scan3A = arith.constant 0 : i32
    %scan3A_3 = arith.constant 0 : i32
    %scan3A_4 = arith.constant 800 : i32
    %scan3A_5 = arith.addi %scan3A_3, %scan3A_4 : i32
    %scan3A_6 = arith.constant 1 : i32
    %scan3A_7 = scf.for %scan3A_152 = %scan3A_3 to %scan3A_5 step %scan3A_6 iter_args(%scan3A_153 = %scan3A) -> (i32)  : i32 {
      %jit3A_154 = arith.constant 2 : i32
      %div3A_155 = arith.divsi %scan3A_152, %jit3A_154 : i32
      %sign3A_156 = arith.constant 0 : i32
      %sign3A_157 = arith.cmpi sgt, %scan3A_152, %sign3A_156 : i32
      %sign3A_158 = arith.extui %sign3A_157 : i1 to i32
      %sign3A_159 = arith.constant 0 : i32
      %sign3A_160 = arith.cmpi slt, %scan3A_152, %sign3A_159 : i32
      %sign3A_161 = arith.extui %sign3A_160 : i1 to i32
      %sign3A_162 = arith.subi %sign3A_158, %sign3A_161 : i32
      %sign3A_163 = arith.constant 0 : i32
      %sign3A_164 = arith.cmpi sgt, %jit3A_154, %sign3A_163 : i32
      %sign3A_165 = arith.extui %sign3A_164 : i1 to i32
      %sign3A_166 = arith.constant 0 : i32
      %sign3A_167 = arith.cmpi slt, %jit3A_154, %sign3A_166 : i32
      %sign3A_168 = arith.extui %sign3A_167 : i1 to i32
      %sign3A_169 = arith.subi %sign3A_165, %sign3A_168 : i32
      %ne3A_170 = arith.cmpi ne, %sign3A_162, %sign3A_169 : i32
      %rem3A_171 = arith.remsi %scan3A_152, %jit3A_154 : i32
      %ne3A_172 = arith.constant 0 : i32
      %ne3A_173 = arith.cmpi ne, %rem3A_171, %ne3A_172 : i32
      %and3A_174 = arith.andi %ne3A_170, %ne3A_173 : i1
      %sub3A_175 = arith.constant 1 : i32
      %sub3A_176 = arith.subi %div3A_155, %sub3A_175 : i32
      %select_n3A_177 = arith.select %and3A_174, %sub3A_176, %div3A_155 : i32
      %jit3A_178 = arith.constant 2 : i32
      %eq3A = arith.constant 0 : i32
      %eq3A_179 = arith.cmpi eq, %jit3A_178, %eq3A : i32
      %jit3A_180 = arith.constant 1 : i32
      %select_n3A_181 = arith.select %eq3A_179, %jit3A_180, %jit3A_178 : i32
      %rem3A_182 = arith.remsi %scan3A_152, %select_n3A_181 : i32
      %ne3A_183 = arith.constant 0 : i32
      %ne3A_184 = arith.cmpi ne, %rem3A_182, %ne3A_183 : i32
      %lt3A = arith.constant 0 : i32
      %lt3A_185 = arith.cmpi slt, %rem3A_182, %lt3A : i32
      %lt3A_186 = arith.constant 0 : i32
      %lt3A_187 = arith.cmpi slt, %select_n3A_181, %lt3A_186 : i32
      %ne3A_188 = arith.xori %lt3A_185, %lt3A_187 : i1
      %and3A_189 = arith.andi %ne3A_188, %ne3A_184 : i1
      %add3A_190 = arith.addi %rem3A_182, %select_n3A_181 : i32
      %select_n3A_191 = arith.select %and3A_189, %add3A_190, %rem3A_182 : i32
      %mul3A_192 = arith.constant 16 : i32
      %mul3A_193 = arith.muli %select_n3A_191, %mul3A_192 : i32
      %broadcast_in_dim3A = arith.constant 0.000000e+00 : f32
      %broadcast_in_dim3A_194 = vector.broadcast %broadcast_in_dim3A : f32 to vector<16xf32>
      %swap3A = arith.index_cast %select_n3A_177 : i32 to index
      %swap3A_195 = arith.index_cast %mul3A_193 : i32 to index
      %swap3A_196 = tpu.vector_load %arg12[%swap3A, %swap3A_195] {strides = array<i32>} : memref<400x32xf32, #tpu.memory_space<vmem>>, vector<16xf32>,
      tpu.vector_store %arg12[%swap3A, %swap3A_195], %broadcast_in_dim3A_194 {strides = array<i32>} : memref<400x32xf32, #tpu.memory_space<vmem>>, vector<16xf32>,
      %broadcast_in_dim3A_197 = arith.constant 0.000000e+00 : f32
      %broadcast_in_dim3A_198 = vector.broadcast %broadcast_in_dim3A_197 : f32 to vector<16xf32>
      %swap3A_199 = arith.index_cast %select_n3A_177 : i32 to index
      %swap3A_200 = arith.index_cast %mul3A_193 : i32 to index
      %swap3A_201 = tpu.vector_load %arg13[%swap3A_199, %swap3A_200] {strides = array<i32>} : memref<400x32xf32, #tpu.memory_space<vmem>>, vector<16xf32>,
      tpu.vector_store %arg13[%swap3A_199, %swap3A_200], %broadcast_in_dim3A_198 {strides = array<i32>} : memref<400x32xf32, #tpu.memory_space<vmem>>, vector<16xf32>,
      %scan3A_202 = arith.constant 0 : i32
      scf.yield %scan3A_202 : i32
    }
    %scan3A_8 = arith.constant 800 : i32
    %mul3A_9 = arith.constant 3128 : i32
    %mul3A_10 = arith.muli %arg1, %mul3A_9 : i32
    %add3A_11 = arith.constant 0 : i32
    %add3A_12 = arith.addi %mul3A_10, %add3A_11 : i32
    "tpu.region"() ({
      %run_scoped3A = tpu.sem_alloc : memref<!tpu.dma_semaphore, #tpu.memory_space<semaphore_mem>>
      %dma_start3A = arith.constant 0 : i32
      %dma_start3A_152 = arith.constant 0 : i32
      %dma_start3A_153 = tpu.memref_slice %arg12[%dma_start3A, %dma_start3A_152] : memref<400x32xf32, #tpu.memory_space<vmem>> -> memref<400x32xf32, #tpu.memory_space<vmem>>
      %dma_start3A_154 = arith.constant 0 : i32
      %dma_start3A_155 = tpu.memref_slice %arg19[%add3A_12, %dma_start3A_154] : memref<51024x32xf32, #tpu.memory_space<vmem_shared>> -> memref<400x32xf32, #tpu.memory_space<vmem_shared>>
      %dma_start3A_156 = arith.constant 0 : i32
      %dma_start3A_157 = tpu.memref_slice %arg19[%add3A_12, %dma_start3A_156] : memref<51024x32xf32, #tpu.memory_space<vmem_shared>> -> memref<400x32xf32, #tpu.memory_space<vmem_shared>>
      %dma_start3A_158 = arith.constant 0 : i32
      %dma_start3A_159 = arith.constant 0 : i32
      %dma_start3A_160 = tpu.memref_slice %arg12[%dma_start3A_158, %dma_start3A_159] : memref<400x32xf32, #tpu.memory_space<vmem>> -> memref<400x32xf32, #tpu.memory_space<vmem>>
      tpu.enqueue_dma source(%dma_start3A_160 : memref<400x32xf32, #tpu.memory_space<vmem>>) target(%dma_start3A_157 : memref<400x32xf32, #tpu.memory_space<vmem_shared>>) target_semaphore(%run_scoped3A : memref<!tpu.dma_semaphore, #tpu.memory_space<semaphore_mem>>)
      %dma_wait3A = arith.constant 0 : i32
      %dma_wait3A_161 = arith.constant 0 : i32
      %dma_wait3A_162 = tpu.memref_slice %arg12[%dma_wait3A, %dma_wait3A_161] : memref<400x32xf32, #tpu.memory_space<vmem>> -> memref<400x32xf32, #tpu.memory_space<vmem>>
      %dma_wait3A_163 = arith.constant 0 : i32
      %dma_wait3A_164 = tpu.memref_slice %arg19[%add3A_12, %dma_wait3A_163] : memref<51024x32xf32, #tpu.memory_space<vmem_shared>> -> memref<400x32xf32, #tpu.memory_space<vmem_shared>>
      %dma_wait3A_165 = arith.constant 0 : i32
      %dma_wait3A_166 = tpu.memref_slice %arg19[%add3A_12, %dma_wait3A_165] : memref<51024x32xf32, #tpu.memory_space<vmem_shared>> -> memref<400x32xf32, #tpu.memory_space<vmem_shared>>
      %dma_wait3A_167 = arith.constant 0 : i32
      %dma_wait3A_168 = arith.constant 0 : i32
      %dma_wait3A_169 = tpu.memref_slice %arg12[%dma_wait3A_167, %dma_wait3A_168] : memref<400x32xf32, #tpu.memory_space<vmem>> -> memref<400x32xf32, #tpu.memory_space<vmem>>
      tpu.wait_dma2 semaphore(%run_scoped3A : memref<!tpu.dma_semaphore, #tpu.memory_space<semaphore_mem>>) src(%dma_wait3A_169 : memref<400x32xf32, #tpu.memory_space<vmem>>) dst(%dma_wait3A_166 : memref<400x32xf32, #tpu.memory_space<vmem_shared>>)
      tpu.yield
    }) : () -> ()
    %add3A_13 = arith.constant 0 : i32
    %add3A_14 = arith.addi %mul3A_10, %add3A_13 : i32
    %add3A_15 = arith.constant 400 : i32
    %add3A_16 = arith.addi %add3A_14, %add3A_15 : i32
    "tpu.region"() ({
      %run_scoped3A = tpu.sem_alloc : memref<!tpu.dma_semaphore, #tpu.memory_space<semaphore_mem>>
      %dma_start3A = arith.constant 0 : i32
      %dma_start3A_152 = arith.constant 0 : i32
      %dma_start3A_153 = tpu.memref_slice %arg13[%dma_start3A, %dma_start3A_152] : memref<400x32xf32, #tpu.memory_space<vmem>> -> memref<400x32xf32, #tpu.memory_space<vmem>>
      %dma_start3A_154 = arith.constant 0 : i32
      %dma_start3A_155 = tpu.memref_slice %arg19[%add3A_16, %dma_start3A_154] : memref<51024x32xf32, #tpu.memory_space<vmem_shared>> -> memref<400x32xf32, #tpu.memory_space<vmem_shared>>
      %dma_start3A_156 = arith.constant 0 : i32
      %dma_start3A_157 = tpu.memref_slice %arg19[%add3A_16, %dma_start3A_156] : memref<51024x32xf32, #tpu.memory_space<vmem_shared>> -> memref<400x32xf32, #tpu.memory_space<vmem_shared>>
      %dma_start3A_158 = arith.constant 0 : i32
      %dma_start3A_159 = arith.constant 0 : i32
      %dma_start3A_160 = tpu.memref_slice %arg13[%dma_start3A_158, %dma_start3A_159] : memref<400x32xf32, #tpu.memory_space<vmem>> -> memref<400x32xf32, #tpu.memory_space<vmem>>
      tpu.enqueue_dma source(%dma_start3A_160 : memref<400x32xf32, #tpu.memory_space<vmem>>) target(%dma_start3A_157 : memref<400x32xf32, #tpu.memory_space<vmem_shared>>) target_semaphore(%run_scoped3A : memref<!tpu.dma_semaphore, #tpu.memory_space<semaphore_mem>>)
      %dma_wait3A = arith.constant 0 : i32
      %dma_wait3A_161 = arith.constant 0 : i32
      %dma_wait3A_162 = tpu.memref_slice %arg13[%dma_wait3A, %dma_wait3A_161] : memref<400x32xf32, #tpu.memory_space<vmem>> -> memref<400x32xf32, #tpu.memory_space<vmem>>
      %dma_wait3A_163 = arith.constant 0 : i32
      %dma_wait3A_164 = tpu.memref_slice %arg19[%add3A_16, %dma_wait3A_163] : memref<51024x32xf32, #tpu.memory_space<vmem_shared>> -> memref<400x32xf32, #tpu.memory_space<vmem_shared>>
      %dma_wait3A_165 = arith.constant 0 : i32
      %dma_wait3A_166 = tpu.memref_slice %arg19[%add3A_16, %dma_wait3A_165] : memref<51024x32xf32, #tpu.memory_space<vmem_shared>> -> memref<400x32xf32, #tpu.memory_space<vmem_shared>>
      %dma_wait3A_167 = arith.constant 0 : i32
      %dma_wait3A_168 = arith.constant 0 : i32
      %dma_wait3A_169 = tpu.memref_slice %arg13[%dma_wait3A_167, %dma_wait3A_168] : memref<400x32xf32, #tpu.memory_space<vmem>> -> memref<400x32xf32, #tpu.memory_space<vmem>>
      tpu.wait_dma2 semaphore(%run_scoped3A : memref<!tpu.dma_semaphore, #tpu.memory_space<semaphore_mem>>) src(%dma_wait3A_169 : memref<400x32xf32, #tpu.memory_space<vmem>>) dst(%dma_wait3A_166 : memref<400x32xf32, #tpu.memory_space<vmem_shared>>)
      tpu.yield
    }) : () -> ()
    %add3A_17 = arith.constant 800 : i32
    %add3A_18 = arith.addi %mul3A_10, %add3A_17 : i32
    "tpu.region"() ({
      %run_scoped3A = tpu.sem_alloc : memref<!tpu.dma_semaphore, #tpu.memory_space<semaphore_mem>>
      %dma_start3A = arith.constant 0 : i32
      %dma_start3A_152 = arith.constant 0 : i32
      %dma_start3A_153 = tpu.memref_slice %arg12[%dma_start3A, %dma_start3A_152] : memref<400x32xf32, #tpu.memory_space<vmem>> -> memref<400x32xf32, #tpu.memory_space<vmem>>
      %dma_start3A_154 = arith.constant 0 : i32
      %dma_start3A_155 = tpu.memref_slice %arg19[%add3A_18, %dma_start3A_154] : memref<51024x32xf32, #tpu.memory_space<vmem_shared>> -> memref<400x32xf32, #tpu.memory_space<vmem_shared>>
      %dma_start3A_156 = arith.constant 0 : i32
      %dma_start3A_157 = tpu.memref_slice %arg19[%add3A_18, %dma_start3A_156] : memref<51024x32xf32, #tpu.memory_space<vmem_shared>> -> memref<400x32xf32, #tpu.memory_space<vmem_shared>>
      %dma_start3A_158 = arith.constant 0 : i32
      %dma_start3A_159 = arith.constant 0 : i32
      %dma_start3A_160 = tpu.memref_slice %arg12[%dma_start3A_158, %dma_start3A_159] : memref<400x32xf32, #tpu.memory_space<vmem>> -> memref<400x32xf32, #tpu.memory_space<vmem>>
      tpu.enqueue_dma source(%dma_start3A_160 : memref<400x32xf32, #tpu.memory_space<vmem>>) target(%dma_start3A_157 : memref<400x32xf32, #tpu.memory_space<vmem_shared>>) target_semaphore(%run_scoped3A : memref<!tpu.dma_semaphore, #tpu.memory_space<semaphore_mem>>)
      %dma_wait3A = arith.constant 0 : i32
      %dma_wait3A_161 = arith.constant 0 : i32
      %dma_wait3A_162 = tpu.memref_slice %arg12[%dma_wait3A, %dma_wait3A_161] : memref<400x32xf32, #tpu.memory_space<vmem>> -> memref<400x32xf32, #tpu.memory_space<vmem>>
      %dma_wait3A_163 = arith.constant 0 : i32
      %dma_wait3A_164 = tpu.memref_slice %arg19[%add3A_18, %dma_wait3A_163] : memref<51024x32xf32, #tpu.memory_space<vmem_shared>> -> memref<400x32xf32, #tpu.memory_space<vmem_shared>>
      %dma_wait3A_165 = arith.constant 0 : i32
      %dma_wait3A_166 = tpu.memref_slice %arg19[%add3A_18, %dma_wait3A_165] : memref<51024x32xf32, #tpu.memory_space<vmem_shared>> -> memref<400x32xf32, #tpu.memory_space<vmem_shared>>
      %dma_wait3A_167 = arith.constant 0 : i32
      %dma_wait3A_168 = arith.constant 0 : i32
      %dma_wait3A_169 = tpu.memref_slice %arg12[%dma_wait3A_167, %dma_wait3A_168] : memref<400x32xf32, #tpu.memory_space<vmem>> -> memref<400x32xf32, #tpu.memory_space<vmem>>
      tpu.wait_dma2 semaphore(%run_scoped3A : memref<!tpu.dma_semaphore, #tpu.memory_space<semaphore_mem>>) src(%dma_wait3A_169 : memref<400x32xf32, #tpu.memory_space<vmem>>) dst(%dma_wait3A_166 : memref<400x32xf32, #tpu.memory_space<vmem_shared>>)
      tpu.yield
    }) : () -> ()
    %add3A_19 = arith.constant 800 : i32
    %add3A_20 = arith.addi %mul3A_10, %add3A_19 : i32
    %add3A_21 = arith.constant 400 : i32
    %add3A_22 = arith.addi %add3A_20, %add3A_21 : i32
    "tpu.region"() ({
      %run_scoped3A = tpu.sem_alloc : memref<!tpu.dma_semaphore, #tpu.memory_space<semaphore_mem>>
      %dma_start3A = arith.constant 0 : i32
      %dma_start3A_152 = arith.constant 0 : i32
      %dma_start3A_153 = tpu.memref_slice %arg13[%dma_start3A, %dma_start3A_152] : memref<400x32xf32, #tpu.memory_space<vmem>> -> memref<400x32xf32, #tpu.memory_space<vmem>>
      %dma_start3A_154 = arith.constant 0 : i32
      %dma_start3A_155 = tpu.memref_slice %arg19[%add3A_22, %dma_start3A_154] : memref<51024x32xf32, #tpu.memory_space<vmem_shared>> -> memref<400x32xf32, #tpu.memory_space<vmem_shared>>
      %dma_start3A_156 = arith.constant 0 : i32
      %dma_start3A_157 = tpu.memref_slice %arg19[%add3A_22, %dma_start3A_156] : memref<51024x32xf32, #tpu.memory_space<vmem_shared>> -> memref<400x32xf32, #tpu.memory_space<vmem_shared>>
      %dma_start3A_158 = arith.constant 0 : i32
      %dma_start3A_159 = arith.constant 0 : i32
      %dma_start3A_160 = tpu.memref_slice %arg13[%dma_start3A_158, %dma_start3A_159] : memref<400x32xf32, #tpu.memory_space<vmem>> -> memref<400x32xf32, #tpu.memory_space<vmem>>
      tpu.enqueue_dma source(%dma_start3A_160 : memref<400x32xf32, #tpu.memory_space<vmem>>) target(%dma_start3A_157 : memref<400x32xf32, #tpu.memory_space<vmem_shared>>) target_semaphore(%run_scoped3A : memref<!tpu.dma_semaphore, #tpu.memory_space<semaphore_mem>>)
      %dma_wait3A = arith.constant 0 : i32
      %dma_wait3A_161 = arith.constant 0 : i32
      %dma_wait3A_162 = tpu.memref_slice %arg13[%dma_wait3A, %dma_wait3A_161] : memref<400x32xf32, #tpu.memory_space<vmem>> -> memref<400x32xf32, #tpu.memory_space<vmem>>
      %dma_wait3A_163 = arith.constant 0 : i32
      %dma_wait3A_164 = tpu.memref_slice %arg19[%add3A_22, %dma_wait3A_163] : memref<51024x32xf32, #tpu.memory_space<vmem_shared>> -> memref<400x32xf32, #tpu.memory_space<vmem_shared>>
      %dma_wait3A_165 = arith.constant 0 : i32
      %dma_wait3A_166 = tpu.memref_slice %arg19[%add3A_22, %dma_wait3A_165] : memref<51024x32xf32, #tpu.memory_space<vmem_shared>> -> memref<400x32xf32, #tpu.memory_space<vmem_shared>>
      %dma_wait3A_167 = arith.constant 0 : i32
      %dma_wait3A_168 = arith.constant 0 : i32
      %dma_wait3A_169 = tpu.memref_slice %arg13[%dma_wait3A_167, %dma_wait3A_168] : memref<400x32xf32, #tpu.memory_space<vmem>> -> memref<400x32xf32, #tpu.memory_space<vmem>>
      tpu.wait_dma2 semaphore(%run_scoped3A : memref<!tpu.dma_semaphore, #tpu.memory_space<semaphore_mem>>) src(%dma_wait3A_169 : memref<400x32xf32, #tpu.memory_space<vmem>>) dst(%dma_wait3A_166 : memref<400x32xf32, #tpu.memory_space<vmem_shared>>)
      tpu.yield
    }) : () -> ()
    %add3A_23 = arith.constant 1600 : i32
    %add3A_24 = arith.addi %mul3A_10, %add3A_23 : i32
    "tpu.region"() ({
      %run_scoped3A = tpu.sem_alloc : memref<!tpu.dma_semaphore, #tpu.memory_space<semaphore_mem>>
      %dma_start3A = arith.constant 0 : i32
      %dma_start3A_152 = arith.constant 0 : i32
      %dma_start3A_153 = tpu.memref_slice %arg12[%dma_start3A, %dma_start3A_152] : memref<400x32xf32, #tpu.memory_space<vmem>> -> memref<400x32xf32, #tpu.memory_space<vmem>>
      %dma_start3A_154 = arith.constant 0 : i32
      %dma_start3A_155 = tpu.memref_slice %arg19[%add3A_24, %dma_start3A_154] : memref<51024x32xf32, #tpu.memory_space<vmem_shared>> -> memref<400x32xf32, #tpu.memory_space<vmem_shared>>
      %dma_start3A_156 = arith.constant 0 : i32
      %dma_start3A_157 = tpu.memref_slice %arg19[%add3A_24, %dma_start3A_156] : memref<51024x32xf32, #tpu.memory_space<vmem_shared>> -> memref<400x32xf32, #tpu.memory_space<vmem_shared>>
      %dma_start3A_158 = arith.constant 0 : i32
      %dma_start3A_159 = arith.constant 0 : i32
      %dma_start3A_160 = tpu.memref_slice %arg12[%dma_start3A_158, %dma_start3A_159] : memref<400x32xf32, #tpu.memory_space<vmem>> -> memref<400x32xf32, #tpu.memory_space<vmem>>
      tpu.enqueue_dma source(%dma_start3A_160 : memref<400x32xf32, #tpu.memory_space<vmem>>) target(%dma_start3A_157 : memref<400x32xf32, #tpu.memory_space<vmem_shared>>) target_semaphore(%run_scoped3A : memref<!tpu.dma_semaphore, #tpu.memory_space<semaphore_mem>>)
      %dma_wait3A = arith.constant 0 : i32
      %dma_wait3A_161 = arith.constant 0 : i32
      %dma_wait3A_162 = tpu.memref_slice %arg12[%dma_wait3A, %dma_wait3A_161] : memref<400x32xf32, #tpu.memory_space<vmem>> -> memref<400x32xf32, #tpu.memory_space<vmem>>
      %dma_wait3A_163 = arith.constant 0 : i32
      %dma_wait3A_164 = tpu.memref_slice %arg19[%add3A_24, %dma_wait3A_163] : memref<51024x32xf32, #tpu.memory_space<vmem_shared>> -> memref<400x32xf32, #tpu.memory_space<vmem_shared>>
      %dma_wait3A_165 = arith.constant 0 : i32
      %dma_wait3A_166 = tpu.memref_slice %arg19[%add3A_24, %dma_wait3A_165] : memref<51024x32xf32, #tpu.memory_space<vmem_shared>> -> memref<400x32xf32, #tpu.memory_space<vmem_shared>>
      %dma_wait3A_167 = arith.constant 0 : i32
      %dma_wait3A_168 = arith.constant 0 : i32
      %dma_wait3A_169 = tpu.memref_slice %arg12[%dma_wait3A_167, %dma_wait3A_168] : memref<400x32xf32, #tpu.memory_space<vmem>> -> memref<400x32xf32, #tpu.memory_space<vmem>>
      tpu.wait_dma2 semaphore(%run_scoped3A : memref<!tpu.dma_semaphore, #tpu.memory_space<semaphore_mem>>) src(%dma_wait3A_169 : memref<400x32xf32, #tpu.memory_space<vmem>>) dst(%dma_wait3A_166 : memref<400x32xf32, #tpu.memory_space<vmem_shared>>)
      tpu.yield
    }) : () -> ()
    %add3A_25 = arith.constant 1600 : i32
    %add3A_26 = arith.addi %mul3A_10, %add3A_25 : i32
    %add3A_27 = arith.constant 400 : i32
    %add3A_28 = arith.addi %add3A_26, %add3A_27 : i32
    "tpu.region"() ({
      %run_scoped3A = tpu.sem_alloc : memref<!tpu.dma_semaphore, #tpu.memory_space<semaphore_mem>>
      %dma_start3A = arith.constant 0 : i32
      %dma_start3A_152 = arith.constant 0 : i32
      %dma_start3A_153 = tpu.memref_slice %arg13[%dma_start3A, %dma_start3A_152] : memref<400x32xf32, #tpu.memory_space<vmem>> -> memref<400x32xf32, #tpu.memory_space<vmem>>
      %dma_start3A_154 = arith.constant 0 : i32
      %dma_start3A_155 = tpu.memref_slice %arg19[%add3A_28, %dma_start3A_154] : memref<51024x32xf32, #tpu.memory_space<vmem_shared>> -> memref<400x32xf32, #tpu.memory_space<vmem_shared>>
      %dma_start3A_156 = arith.constant 0 : i32
      %dma_start3A_157 = tpu.memref_slice %arg19[%add3A_28, %dma_start3A_156] : memref<51024x32xf32, #tpu.memory_space<vmem_shared>> -> memref<400x32xf32, #tpu.memory_space<vmem_shared>>
      %dma_start3A_158 = arith.constant 0 : i32
      %dma_start3A_159 = arith.constant 0 : i32
      %dma_start3A_160 = tpu.memref_slice %arg13[%dma_start3A_158, %dma_start3A_159] : memref<400x32xf32, #tpu.memory_space<vmem>> -> memref<400x32xf32, #tpu.memory_space<vmem>>
      tpu.enqueue_dma source(%dma_start3A_160 : memref<400x32xf32, #tpu.memory_space<vmem>>) target(%dma_start3A_157 : memref<400x32xf32, #tpu.memory_space<vmem_shared>>) target_semaphore(%run_scoped3A : memref<!tpu.dma_semaphore, #tpu.memory_space<semaphore_mem>>)
      %dma_wait3A = arith.constant 0 : i32
      %dma_wait3A_161 = arith.constant 0 : i32
      %dma_wait3A_162 = tpu.memref_slice %arg13[%dma_wait3A, %dma_wait3A_161] : memref<400x32xf32, #tpu.memory_space<vmem>> -> memref<400x32xf32, #tpu.memory_space<vmem>>
      %dma_wait3A_163 = arith.constant 0 : i32
      %dma_wait3A_164 = tpu.memref_slice %arg19[%add3A_28, %dma_wait3A_163] : memref<51024x32xf32, #tpu.memory_space<vmem_shared>> -> memref<400x32xf32, #tpu.memory_space<vmem_shared>>
      %dma_wait3A_165 = arith.constant 0 : i32
      %dma_wait3A_166 = tpu.memref_slice %arg19[%add3A_28, %dma_wait3A_165] : memref<51024x32xf32, #tpu.memory_space<vmem_shared>> -> memref<400x32xf32, #tpu.memory_space<vmem_shared>>
      %dma_wait3A_167 = arith.constant 0 : i32
      %dma_wait3A_168 = arith.constant 0 : i32
      %dma_wait3A_169 = tpu.memref_slice %arg13[%dma_wait3A_167, %dma_wait3A_168] : memref<400x32xf32, #tpu.memory_space<vmem>> -> memref<400x32xf32, #tpu.memory_space<vmem>>
      tpu.wait_dma2 semaphore(%run_scoped3A : memref<!tpu.dma_semaphore, #tpu.memory_space<semaphore_mem>>) src(%dma_wait3A_169 : memref<400x32xf32, #tpu.memory_space<vmem>>) dst(%dma_wait3A_166 : memref<400x32xf32, #tpu.memory_space<vmem_shared>>)
      tpu.yield
    }) : () -> ()
    %add3A_29 = arith.constant 2400 : i32
    %add3A_30 = arith.addi %mul3A_10, %add3A_29 : i32
    "tpu.region"() ({
      %run_scoped3A = tpu.sem_alloc : memref<!tpu.dma_semaphore, #tpu.memory_space<semaphore_mem>>
      %dma_start3A = arith.constant 0 : i32
      %dma_start3A_152 = arith.constant 0 : i32
      %dma_start3A_153 = tpu.memref_slice %arg12[%dma_start3A, %dma_start3A_152] : memref<400x32xf32, #tpu.memory_space<vmem>> -> memref<400x32xf32, #tpu.memory_space<vmem>>
      %dma_start3A_154 = arith.constant 0 : i32
      %dma_start3A_155 = tpu.memref_slice %arg19[%add3A_30, %dma_start3A_154] : memref<51024x32xf32, #tpu.memory_space<vmem_shared>> -> memref<400x32xf32, #tpu.memory_space<vmem_shared>>
      %dma_start3A_156 = arith.constant 0 : i32
      %dma_start3A_157 = tpu.memref_slice %arg19[%add3A_30, %dma_start3A_156] : memref<51024x32xf32, #tpu.memory_space<vmem_shared>> -> memref<400x32xf32, #tpu.memory_space<vmem_shared>>
      %dma_start3A_158 = arith.constant 0 : i32
      %dma_start3A_159 = arith.constant 0 : i32
      %dma_start3A_160 = tpu.memref_slice %arg12[%dma_start3A_158, %dma_start3A_159] : memref<400x32xf32, #tpu.memory_space<vmem>> -> memref<400x32xf32, #tpu.memory_space<vmem>>
      tpu.enqueue_dma source(%dma_start3A_160 : memref<400x32xf32, #tpu.memory_space<vmem>>) target(%dma_start3A_157 : memref<400x32xf32, #tpu.memory_space<vmem_shared>>) target_semaphore(%run_scoped3A : memref<!tpu.dma_semaphore, #tpu.memory_space<semaphore_mem>>)
      %dma_wait3A = arith.constant 0 : i32
      %dma_wait3A_161 = arith.constant 0 : i32
      %dma_wait3A_162 = tpu.memref_slice %arg12[%dma_wait3A, %dma_wait3A_161] : memref<400x32xf32, #tpu.memory_space<vmem>> -> memref<400x32xf32, #tpu.memory_space<vmem>>
      %dma_wait3A_163 = arith.constant 0 : i32
      %dma_wait3A_164 = tpu.memref_slice %arg19[%add3A_30, %dma_wait3A_163] : memref<51024x32xf32, #tpu.memory_space<vmem_shared>> -> memref<400x32xf32, #tpu.memory_space<vmem_shared>>
      %dma_wait3A_165 = arith.constant 0 : i32
      %dma_wait3A_166 = tpu.memref_slice %arg19[%add3A_30, %dma_wait3A_165] : memref<51024x32xf32, #tpu.memory_space<vmem_shared>> -> memref<400x32xf32, #tpu.memory_space<vmem_shared>>
      %dma_wait3A_167 = arith.constant 0 : i32
      %dma_wait3A_168 = arith.constant 0 : i32
      %dma_wait3A_169 = tpu.memref_slice %arg12[%dma_wait3A_167, %dma_wait3A_168] : memref<400x32xf32, #tpu.memory_space<vmem>> -> memref<400x32xf32, #tpu.memory_space<vmem>>
      tpu.wait_dma2 semaphore(%run_scoped3A : memref<!tpu.dma_semaphore, #tpu.memory_space<semaphore_mem>>) src(%dma_wait3A_169 : memref<400x32xf32, #tpu.memory_space<vmem>>) dst(%dma_wait3A_166 : memref<400x32xf32, #tpu.memory_space<vmem_shared>>)
      tpu.yield
    }) : () -> ()
    %add3A_31 = arith.constant 2400 : i32
    %add3A_32 = arith.addi %mul3A_10, %add3A_31 : i32
    %add3A_33 = arith.constant 400 : i32
    %add3A_34 = arith.addi %add3A_32, %add3A_33 : i32
    "tpu.region"() ({
      %run_scoped3A = tpu.sem_alloc : memref<!tpu.dma_semaphore, #tpu.memory_space<semaphore_mem>>
      %dma_start3A = arith.constant 0 : i32
      %dma_start3A_152 = arith.constant 0 : i32
      %dma_start3A_153 = tpu.memref_slice %arg13[%dma_start3A, %dma_start3A_152] : memref<400x32xf32, #tpu.memory_space<vmem>> -> memref<328x32xf32, #tpu.memory_space<vmem>>
      %dma_start3A_154 = arith.constant 0 : i32
      %dma_start3A_155 = tpu.memref_slice %arg19[%add3A_34, %dma_start3A_154] : memref<51024x32xf32, #tpu.memory_space<vmem_shared>> -> memref<328x32xf32, #tpu.memory_space<vmem_shared>>
      %dma_start3A_156 = arith.constant 0 : i32
      %dma_start3A_157 = tpu.memref_slice %arg19[%add3A_34, %dma_start3A_156] : memref<51024x32xf32, #tpu.memory_space<vmem_shared>> -> memref<328x32xf32, #tpu.memory_space<vmem_shared>>
      %dma_start3A_158 = arith.constant 0 : i32
      %dma_start3A_159 = arith.constant 0 : i32
      %dma_start3A_160 = tpu.memref_slice %arg13[%dma_start3A_158, %dma_start3A_159] : memref<400x32xf32, #tpu.memory_space<vmem>> -> memref<328x32xf32, #tpu.memory_space<vmem>>
      tpu.enqueue_dma source(%dma_start3A_160 : memref<328x32xf32, #tpu.memory_space<vmem>>) target(%dma_start3A_157 : memref<328x32xf32, #tpu.memory_space<vmem_shared>>) target_semaphore(%run_scoped3A : memref<!tpu.dma_semaphore, #tpu.memory_space<semaphore_mem>>)
      %dma_wait3A = arith.constant 0 : i32
      %dma_wait3A_161 = arith.constant 0 : i32
      %dma_wait3A_162 = tpu.memref_slice %arg13[%dma_wait3A, %dma_wait3A_161] : memref<400x32xf32, #tpu.memory_space<vmem>> -> memref<328x32xf32, #tpu.memory_space<vmem>>
      %dma_wait3A_163 = arith.constant 0 : i32
      %dma_wait3A_164 = tpu.memref_slice %arg19[%add3A_34, %dma_wait3A_163] : memref<51024x32xf32, #tpu.memory_space<vmem_shared>> -> memref<328x32xf32, #tpu.memory_space<vmem_shared>>
      %dma_wait3A_165 = arith.constant 0 : i32
      %dma_wait3A_166 = tpu.memref_slice %arg19[%add3A_34, %dma_wait3A_165] : memref<51024x32xf32, #tpu.memory_space<vmem_shared>> -> memref<328x32xf32, #tpu.memory_space<vmem_shared>>
      %dma_wait3A_167 = arith.constant 0 : i32
      %dma_wait3A_168 = arith.constant 0 : i32
      %dma_wait3A_169 = tpu.memref_slice %arg13[%dma_wait3A_167, %dma_wait3A_168] : memref<400x32xf32, #tpu.memory_space<vmem>> -> memref<328x32xf32, #tpu.memory_space<vmem>>
      tpu.wait_dma2 semaphore(%run_scoped3A : memref<!tpu.dma_semaphore, #tpu.memory_space<semaphore_mem>>) src(%dma_wait3A_169 : memref<328x32xf32, #tpu.memory_space<vmem>>) dst(%dma_wait3A_166 : memref<328x32xf32, #tpu.memory_space<vmem_shared>>)
      tpu.yield
    }) : () -> ()
    %barrier3A = arith.constant 0 : index
    tpu.barrier barrier_id(%barrier3A)
    %mul3A_35 = arith.constant 16 : i32
    %mul3A_36 = arith.muli %add3A, %mul3A_35 : i32
    "tpu.region"() ({
      %run_scoped3A = tpu.sem_alloc : memref<!tpu.dma_semaphore, #tpu.memory_space<semaphore_mem>>
      %dma_start3A = tpu.memref_slice %arg5[%mul3A_36] : memref<512xi32, #tpu.memory_space<hbm>> -> memref<16xi32, #tpu.memory_space<hbm>>
      %dma_start3A_152 = tpu.memref_slice %arg5[%mul3A_36] : memref<512xi32, #tpu.memory_space<hbm>> -> memref<16xi32, #tpu.memory_space<hbm>>
      tpu.enqueue_dma source(%dma_start3A_152 : memref<16xi32, #tpu.memory_space<hbm>>) target(%arg7 : memref<16xi32, #tpu.memory_space<vmem>>) target_semaphore(%run_scoped3A : memref<!tpu.dma_semaphore, #tpu.memory_space<semaphore_mem>>)
      %dma_wait3A = tpu.memref_slice %arg5[%mul3A_36] : memref<512xi32, #tpu.memory_space<hbm>> -> memref<16xi32, #tpu.memory_space<hbm>>
      %dma_wait3A_153 = tpu.memref_slice %arg5[%mul3A_36] : memref<512xi32, #tpu.memory_space<hbm>> -> memref<16xi32, #tpu.memory_space<hbm>>
      tpu.wait_dma2 semaphore(%run_scoped3A : memref<!tpu.dma_semaphore, #tpu.memory_space<semaphore_mem>>) src(%dma_wait3A_153 : memref<16xi32, #tpu.memory_space<hbm>>) dst(%arg7 : memref<16xi32, #tpu.memory_space<vmem>>)
      tpu.yield
    }) : () -> ()
    %get3A = arith.constant 0 : index
    %get3A_37 = tpu.vector_load %arg7[%get3A] {strides = array<i32>} : memref<16xi32, #tpu.memory_space<vmem>>, vector<16xi32>,
    %reduce_max3A = arith.constant true
    %reduce_max3A_38 = vector.broadcast %reduce_max3A : i1 to vector<16xi1>
    %reduce_max3A_39 = arith.constant -2147483648 : i32
    %reduce_max3A_40 = vector.broadcast %reduce_max3A_39 : i32 to vector<16xi32>
    %reduce_max3A_41 = arith.xori %get3A_37, %reduce_max3A_40 : vector<16xi32>
    %reduce_max3A_42 = tpu.scan <max>, %reduce_max3A_41 masked %reduce_max3A_38 : vector<16xi32>, vector<16xi1> -> vector<16xi32>
    %reduce_max3A_43 = arith.xori %reduce_max3A_42, %reduce_max3A_40 : vector<16xi32>
    %reduce_max3A_44 = vector.extract %reduce_max3A_43[15] : i32 from vector<16xi32>
    %add3A_45 = arith.constant 400 : i32
    %add3A_46 = arith.addi %reduce_max3A_44, %add3A_45 : i32
    %sub3A = arith.constant 1 : i32
    %sub3A_47 = arith.subi %add3A_46, %sub3A : i32
    %jit3A = arith.constant 400 : i32
    %div3A = arith.divsi %sub3A_47, %jit3A : i32
    %sign3A = arith.constant 0 : i32
    %sign3A_48 = arith.cmpi sgt, %sub3A_47, %sign3A : i32
    %sign3A_49 = arith.extui %sign3A_48 : i1 to i32
    %sign3A_50 = arith.constant 0 : i32
    %sign3A_51 = arith.cmpi slt, %sub3A_47, %sign3A_50 : i32
    %sign3A_52 = arith.extui %sign3A_51 : i1 to i32
    %sign3A_53 = arith.subi %sign3A_49, %sign3A_52 : i32
    %sign3A_54 = arith.constant 0 : i32
    %sign3A_55 = arith.cmpi sgt, %jit3A, %sign3A_54 : i32
    %sign3A_56 = arith.extui %sign3A_55 : i1 to i32
    %sign3A_57 = arith.constant 0 : i32
    %sign3A_58 = arith.cmpi slt, %jit3A, %sign3A_57 : i32
    %sign3A_59 = arith.extui %sign3A_58 : i1 to i32
    %sign3A_60 = arith.subi %sign3A_56, %sign3A_59 : i32
    %ne3A = arith.cmpi ne, %sign3A_53, %sign3A_60 : i32
    %rem3A = arith.remsi %sub3A_47, %jit3A : i32
    %ne3A_61 = arith.constant 0 : i32
    %ne3A_62 = arith.cmpi ne, %rem3A, %ne3A_61 : i32
    %and3A = arith.andi %ne3A, %ne3A_62 : i1
    %sub3A_63 = arith.constant 1 : i32
    %sub3A_64 = arith.subi %div3A, %sub3A_63 : i32
    %select_n3A = arith.select %and3A, %sub3A_64, %div3A : i32
    %add3A_65 = arith.constant 1 : i32
    %add3A_66 = arith.addi %select_n3A, %add3A_65 : i32
    %jit3A_67 = arith.constant 2 : i32
    %div3A_68 = arith.divsi %add3A_66, %jit3A_67 : i32
    %sign3A_69 = arith.constant 0 : i32
    %sign3A_70 = arith.cmpi sgt, %add3A_66, %sign3A_69 : i32
    %sign3A_71 = arith.extui %sign3A_70 : i1 to i32
    %sign3A_72 = arith.constant 0 : i32
    %sign3A_73 = arith.cmpi slt, %add3A_66, %sign3A_72 : i32
    %sign3A_74 = arith.extui %sign3A_73 : i1 to i32
    %sign3A_75 = arith.subi %sign3A_71, %sign3A_74 : i32
    %sign3A_76 = arith.constant 0 : i32
    %sign3A_77 = arith.cmpi sgt, %jit3A_67, %sign3A_76 : i32
    %sign3A_78 = arith.extui %sign3A_77 : i1 to i32
    %sign3A_79 = arith.constant 0 : i32
    %sign3A_80 = arith.cmpi slt, %jit3A_67, %sign3A_79 : i32
    %sign3A_81 = arith.extui %sign3A_80 : i1 to i32
    %sign3A_82 = arith.subi %sign3A_78, %sign3A_81 : i32
    %ne3A_83 = arith.cmpi ne, %sign3A_75, %sign3A_82 : i32
    %rem3A_84 = arith.remsi %add3A_66, %jit3A_67 : i32
    %ne3A_85 = arith.constant 0 : i32
    %ne3A_86 = arith.cmpi ne, %rem3A_84, %ne3A_85 : i32
    %and3A_87 = arith.andi %ne3A_83, %ne3A_86 : i1
    %sub3A_88 = arith.constant 1 : i32
    %sub3A_89 = arith.subi %div3A_68, %sub3A_88 : i32
    %select_n3A_90 = arith.select %and3A_87, %sub3A_89, %div3A_68 : i32
    %while3A = arith.constant 0 : i32
    %while3A_91 = arith.constant 0 : i32
    %while3A_92 = arith.subi %select_n3A_90, %while3A : i32
    %while3A_93 = arith.addi %while3A, %while3A_92 : i32
    %while3A_94 = arith.constant 1 : i32
    %while3A_95 = arith.divsi %while3A_92, %while3A_94 : i32
    %while3A_96 = arith.muli %while3A_95, %while3A_94 : i32
    %while3A_97 = arith.addi %while3A, %while3A_96 : i32
    %while3A_98 = arith.constant 1 : i32
    %while3A_99 = scf.for %while3A_152 = %while3A to %while3A_97 step %while3A_98 iter_args(%while3A_153 = %while3A_91) -> (i32)  : i32 {
      %mul3A_154 = arith.constant 2 : i32
      %mul3A_155 = arith.muli %mul3A_154, %while3A_152 : i32
      %add3A_156 = arith.constant 1 : i32
      %add3A_157 = arith.addi %mul3A_155, %add3A_156 : i32
      %lt3A = arith.cmpi slt, %add3A_157, %select_n3A : i32
      %gt3A = arith.constant 0 : i32
      %gt3A_158 = arith.cmpi sgt, %while3A_152, %gt3A : i32
      %convert_element_type3A_159 = arith.extui %gt3A_158 : i1 to i32
      %cond3A_160 = arith.constant 0 : i32
      %cond3A_161 = arith.cmpi ne, %convert_element_type3A_159, %cond3A_160 : i32
      scf.if %cond3A_161 {
        %dma_wait3A_212 = arith.constant 0 : i32
        %dma_wait3A_213 = arith.constant 0 : i32
        %dma_wait3A_214 = tpu.memref_slice %arg19[%dma_wait3A_212, %dma_wait3A_213] : memref<51024x32xf32, #tpu.memory_space<vmem_shared>> -> memref<51024x32xf32, #tpu.memory_space<vmem_shared>>
        tpu.wait_indirect_dma semaphore(%arg17 : memref<!tpu.dma_semaphore, #tpu.memory_space<semaphore_mem>>) src(%arg12 : memref<400x32xf32, #tpu.memory_space<vmem>>) dst(%dma_wait3A_214 : memref<51024x32xf32, #tpu.memory_space<vmem_shared>>)
      } else {
      }
      %gt3A_162 = arith.constant 0 : i32
      %gt3A_163 = arith.cmpi sgt, %while3A_152, %gt3A_162 : i32
      %and3A_164 = arith.andi %gt3A_163, %lt3A : i1
      %convert_element_type3A_165 = arith.extui %and3A_164 : i1 to i32
      %cond3A_166 = arith.constant 0 : i32
      %cond3A_167 = arith.cmpi ne, %convert_element_type3A_165, %cond3A_166 : i32
      scf.if %cond3A_167 {
        %dma_wait3A_212 = arith.constant 0 : i32
        %dma_wait3A_213 = arith.constant 0 : i32
        %dma_wait3A_214 = tpu.memref_slice %arg19[%dma_wait3A_212, %dma_wait3A_213] : memref<51024x32xf32, #tpu.memory_space<vmem_shared>> -> memref<51024x32xf32, #tpu.memory_space<vmem_shared>>
        tpu.wait_indirect_dma semaphore(%arg18 : memref<!tpu.dma_semaphore, #tpu.memory_space<semaphore_mem>>) src(%arg13 : memref<400x32xf32, #tpu.memory_space<vmem>>) dst(%dma_wait3A_214 : memref<51024x32xf32, #tpu.memory_space<vmem_shared>>)
      } else {
      }
      %mul3A_168 = arith.constant 2 : i32
      %mul3A_169 = arith.muli %mul3A_168, %while3A_152 : i32
      %mul3A_170 = arith.constant 400 : i32
      %mul3A_171 = arith.muli %mul3A_169, %mul3A_170 : i32
      %add3A_172 = arith.addi %mul3A_2, %mul3A_171 : i32
      %multiple_of3A = tpu.assume_multiple %add3A_172, 8 : i32
      %mul3A_173 = arith.constant 2 : i32
      %mul3A_174 = arith.muli %mul3A_173, %while3A_152 : i32
      %add3A_175 = arith.constant 1 : i32
      %add3A_176 = arith.addi %mul3A_174, %add3A_175 : i32
      %mul3A_177 = arith.constant 400 : i32
      %mul3A_178 = arith.muli %add3A_176, %mul3A_177 : i32
      %add3A_179 = arith.addi %mul3A_2, %mul3A_178 : i32
      %multiple_of3A_180 = tpu.assume_multiple %add3A_179, 8 : i32
      %dma_start3A = tpu.memref_slice %arg3[%multiple_of3A] : memref<1651712xi32, #tpu.memory_space<hbm>> -> memref<400xi32, #tpu.memory_space<hbm>>
      %dma_start3A_181 = tpu.memref_slice %arg3[%multiple_of3A] : memref<1651712xi32, #tpu.memory_space<hbm>> -> memref<400xi32, #tpu.memory_space<hbm>>
      tpu.enqueue_dma source(%dma_start3A_181 : memref<400xi32, #tpu.memory_space<hbm>>) target(%arg8 : memref<400xi32, #tpu.memory_space<vmem>>) target_semaphore(%arg14 : memref<!tpu.dma_semaphore, #tpu.memory_space<semaphore_mem>>)
      %dma_start3A_182 = tpu.memref_slice %arg4[%multiple_of3A] : memref<1651712xi32, #tpu.memory_space<hbm>> -> memref<400xi32, #tpu.memory_space<hbm>>
      %dma_start3A_183 = tpu.memref_slice %arg4[%multiple_of3A] : memref<1651712xi32, #tpu.memory_space<hbm>> -> memref<400xi32, #tpu.memory_space<hbm>>
      tpu.enqueue_dma source(%dma_start3A_183 : memref<400xi32, #tpu.memory_space<hbm>>) target(%arg10 : memref<400xi32, #tpu.memory_space<vmem>>) target_semaphore(%arg14 : memref<!tpu.dma_semaphore, #tpu.memory_space<semaphore_mem>>)
      %convert_element_type3A_184 = arith.extui %lt3A : i1 to i32
      %cond3A_185 = arith.constant 0 : i32
      %cond3A_186 = arith.cmpi ne, %convert_element_type3A_184, %cond3A_185 : i32
      scf.if %cond3A_186 {
        %dma_start3A_212 = tpu.memref_slice %arg3[%multiple_of3A_180] : memref<1651712xi32, #tpu.memory_space<hbm>> -> memref<400xi32, #tpu.memory_space<hbm>>
        %dma_start3A_213 = tpu.memref_slice %arg3[%multiple_of3A_180] : memref<1651712xi32, #tpu.memory_space<hbm>> -> memref<400xi32, #tpu.memory_space<hbm>>
        tpu.enqueue_dma source(%dma_start3A_213 : memref<400xi32, #tpu.memory_space<hbm>>) target(%arg9 : memref<400xi32, #tpu.memory_space<vmem>>) target_semaphore(%arg14 : memref<!tpu.dma_semaphore, #tpu.memory_space<semaphore_mem>>)
        %dma_start3A_214 = tpu.memref_slice %arg4[%multiple_of3A_180] : memref<1651712xi32, #tpu.memory_space<hbm>> -> memref<400xi32, #tpu.memory_space<hbm>>
        %dma_start3A_215 = tpu.memref_slice %arg4[%multiple_of3A_180] : memref<1651712xi32, #tpu.memory_space<hbm>> -> memref<400xi32, #tpu.memory_space<hbm>>
        tpu.enqueue_dma source(%dma_start3A_215 : memref<400xi32, #tpu.memory_space<hbm>>) target(%arg11 : memref<400xi32, #tpu.memory_space<vmem>>) target_semaphore(%arg14 : memref<!tpu.dma_semaphore, #tpu.memory_space<semaphore_mem>>)
      } else {
      }
      %dma_wait3A = tpu.memref_slice %arg3[%multiple_of3A] : memref<1651712xi32, #tpu.memory_space<hbm>> -> memref<400xi32, #tpu.memory_space<hbm>>
      %dma_wait3A_187 = tpu.memref_slice %arg3[%multiple_of3A] : memref<1651712xi32, #tpu.memory_space<hbm>> -> memref<400xi32, #tpu.memory_space<hbm>>
      tpu.wait_dma2 semaphore(%arg14 : memref<!tpu.dma_semaphore, #tpu.memory_space<semaphore_mem>>) src(%dma_wait3A_187 : memref<400xi32, #tpu.memory_space<hbm>>) dst(%arg8 : memref<400xi32, #tpu.memory_space<vmem>>)
      %dma_wait3A_188 = tpu.memref_slice %arg4[%multiple_of3A] : memref<1651712xi32, #tpu.memory_space<hbm>> -> memref<400xi32, #tpu.memory_space<hbm>>
      %dma_wait3A_189 = tpu.memref_slice %arg4[%multiple_of3A] : memref<1651712xi32, #tpu.memory_space<hbm>> -> memref<400xi32, #tpu.memory_space<hbm>>
      tpu.wait_dma2 semaphore(%arg14 : memref<!tpu.dma_semaphore, #tpu.memory_space<semaphore_mem>>) src(%dma_wait3A_189 : memref<400xi32, #tpu.memory_space<hbm>>) dst(%arg10 : memref<400xi32, #tpu.memory_space<vmem>>)
      %convert_element_type3A_190 = arith.extui %lt3A : i1 to i32
      %cond3A_191 = arith.constant 0 : i32
      %cond3A_192 = arith.cmpi ne, %convert_element_type3A_190, %cond3A_191 : i32
      scf.if %cond3A_192 {
        %dma_wait3A_212 = tpu.memref_slice %arg3[%multiple_of3A_180] : memref<1651712xi32, #tpu.memory_space<hbm>> -> memref<400xi32, #tpu.memory_space<hbm>>
        %dma_wait3A_213 = tpu.memref_slice %arg3[%multiple_of3A_180] : memref<1651712xi32, #tpu.memory_space<hbm>> -> memref<400xi32, #tpu.memory_space<hbm>>
        tpu.wait_dma2 semaphore(%arg14 : memref<!tpu.dma_semaphore, #tpu.memory_space<semaphore_mem>>) src(%dma_wait3A_213 : memref<400xi32, #tpu.memory_space<hbm>>) dst(%arg9 : memref<400xi32, #tpu.memory_space<vmem>>)
        %dma_wait3A_214 = tpu.memref_slice %arg4[%multiple_of3A_180] : memref<1651712xi32, #tpu.memory_space<hbm>> -> memref<400xi32, #tpu.memory_space<hbm>>
        %dma_wait3A_215 = tpu.memref_slice %arg4[%multiple_of3A_180] : memref<1651712xi32, #tpu.memory_space<hbm>> -> memref<400xi32, #tpu.memory_space<hbm>>
        tpu.wait_dma2 semaphore(%arg14 : memref<!tpu.dma_semaphore, #tpu.memory_space<semaphore_mem>>) src(%dma_wait3A_215 : memref<400xi32, #tpu.memory_space<hbm>>) dst(%arg11 : memref<400xi32, #tpu.memory_space<vmem>>)
      } else {
      }
      %dma_start3A_193 = arith.constant 0 : i32
      %dma_start3A_194 = arith.constant 0 : i32
      %dma_start3A_195 = tpu.memref_slice %arg2[%dma_start3A_193, %dma_start3A_194] : memref<100000x32xf32, #tpu.memory_space<hbm>> -> memref<100000x32xf32, #tpu.memory_space<hbm>>
      tpu.enqueue_indirect_dma source(%dma_start3A_195 : memref<100000x32xf32, #tpu.memory_space<hbm>>) target(%arg12 : memref<400x32xf32, #tpu.memory_space<vmem>>) offsets(%arg8 : memref<400xi32, #tpu.memory_space<vmem>>) semaphore(%arg15 : memref<!tpu.dma_semaphore, #tpu.memory_space<semaphore_mem>>)
      %convert_element_type3A_196 = arith.extui %lt3A : i1 to i32
      %cond3A_197 = arith.constant 0 : i32
      %cond3A_198 = arith.cmpi ne, %convert_element_type3A_196, %cond3A_197 : i32
      scf.if %cond3A_198 {
        %dma_start3A_212 = arith.constant 0 : i32
        %dma_start3A_213 = arith.constant 0 : i32
        %dma_start3A_214 = tpu.memref_slice %arg2[%dma_start3A_212, %dma_start3A_213] : memref<100000x32xf32, #tpu.memory_space<hbm>> -> memref<100000x32xf32, #tpu.memory_space<hbm>>
        tpu.enqueue_indirect_dma source(%dma_start3A_214 : memref<100000x32xf32, #tpu.memory_space<hbm>>) target(%arg13 : memref<400x32xf32, #tpu.memory_space<vmem>>) offsets(%arg9 : memref<400xi32, #tpu.memory_space<vmem>>) semaphore(%arg16 : memref<!tpu.dma_semaphore, #tpu.memory_space<semaphore_mem>>)
      } else {
      }
      %dma_wait3A_199 = arith.constant 0 : i32
      %dma_wait3A_200 = arith.constant 0 : i32
      %dma_wait3A_201 = tpu.memref_slice %arg2[%dma_wait3A_199, %dma_wait3A_200] : memref<100000x32xf32, #tpu.memory_space<hbm>> -> memref<100000x32xf32, #tpu.memory_space<hbm>>
      tpu.wait_indirect_dma semaphore(%arg15 : memref<!tpu.dma_semaphore, #tpu.memory_space<semaphore_mem>>) src(%dma_wait3A_201 : memref<100000x32xf32, #tpu.memory_space<hbm>>) dst(%arg12 : memref<400x32xf32, #tpu.memory_space<vmem>>)
      %convert_element_type3A_202 = arith.extui %lt3A : i1 to i32
      %cond3A_203 = arith.constant 0 : i32
      %cond3A_204 = arith.cmpi ne, %convert_element_type3A_202, %cond3A_203 : i32
      scf.if %cond3A_204 {
        %dma_wait3A_212 = arith.constant 0 : i32
        %dma_wait3A_213 = arith.constant 0 : i32
        %dma_wait3A_214 = tpu.memref_slice %arg2[%dma_wait3A_212, %dma_wait3A_213] : memref<100000x32xf32, #tpu.memory_space<hbm>> -> memref<100000x32xf32, #tpu.memory_space<hbm>>
        tpu.wait_indirect_dma semaphore(%arg16 : memref<!tpu.dma_semaphore, #tpu.memory_space<semaphore_mem>>) src(%dma_wait3A_214 : memref<100000x32xf32, #tpu.memory_space<hbm>>) dst(%arg13 : memref<400x32xf32, #tpu.memory_space<vmem>>)
      } else {
      }
      %dma_start3A_205 = arith.constant 0 : i32
      %dma_start3A_206 = arith.constant 0 : i32
      %dma_start3A_207 = tpu.memref_slice %arg19[%dma_start3A_205, %dma_start3A_206] : memref<51024x32xf32, #tpu.memory_space<vmem_shared>> -> memref<51024x32xf32, #tpu.memory_space<vmem_shared>>
      tpu.enqueue_indirect_dma source(%arg12 : memref<400x32xf32, #tpu.memory_space<vmem>>) target(%dma_start3A_207 : memref<51024x32xf32, #tpu.memory_space<vmem_shared>>) offsets(%arg10 : memref<400xi32, #tpu.memory_space<vmem>>) semaphore(%arg17 : memref<!tpu.dma_semaphore, #tpu.memory_space<semaphore_mem>>) {add = true}
      %convert_element_type3A_208 = arith.extui %lt3A : i1 to i32
      %cond3A_209 = arith.constant 0 : i32
      %cond3A_210 = arith.cmpi ne, %convert_element_type3A_208, %cond3A_209 : i32
      scf.if %cond3A_210 {
        %dma_start3A_212 = arith.constant 0 : i32
        %dma_start3A_213 = arith.constant 0 : i32
        %dma_start3A_214 = tpu.memref_slice %arg19[%dma_start3A_212, %dma_start3A_213] : memref<51024x32xf32, #tpu.memory_space<vmem_shared>> -> memref<51024x32xf32, #tpu.memory_space<vmem_shared>>
        tpu.enqueue_indirect_dma source(%arg13 : memref<400x32xf32, #tpu.memory_space<vmem>>) target(%dma_start3A_214 : memref<51024x32xf32, #tpu.memory_space<vmem_shared>>) offsets(%arg11 : memref<400xi32, #tpu.memory_space<vmem>>) semaphore(%arg18 : memref<!tpu.dma_semaphore, #tpu.memory_space<semaphore_mem>>) {add = true}
      } else {
      }
      %while3A_211 = arith.constant 0 : i32
      scf.yield %while3A_211 : i32
    }
    %while3A_100 = arith.constant 1 : i32
    %while3A_101 = scf.for %while3A_152 = %while3A_97 to %while3A_93 step %while3A_100 iter_args(%while3A_153 = %while3A_99) -> (i32)  : i32 {
      %mul3A_154 = arith.constant 2 : i32
      %mul3A_155 = arith.muli %mul3A_154, %while3A_152 : i32
      %add3A_156 = arith.constant 1 : i32
      %add3A_157 = arith.addi %mul3A_155, %add3A_156 : i32
      %lt3A = arith.cmpi slt, %add3A_157, %select_n3A : i32
      %gt3A = arith.constant 0 : i32
      %gt3A_158 = arith.cmpi sgt, %while3A_152, %gt3A : i32
      %convert_element_type3A_159 = arith.extui %gt3A_158 : i1 to i32
      %cond3A_160 = arith.constant 0 : i32
      %cond3A_161 = arith.cmpi ne, %convert_element_type3A_159, %cond3A_160 : i32
      scf.if %cond3A_161 {
        %dma_wait3A_212 = arith.constant 0 : i32
        %dma_wait3A_213 = arith.constant 0 : i32
        %dma_wait3A_214 = tpu.memref_slice %arg19[%dma_wait3A_212, %dma_wait3A_213] : memref<51024x32xf32, #tpu.memory_space<vmem_shared>> -> memref<51024x32xf32, #tpu.memory_space<vmem_shared>>
        tpu.wait_indirect_dma semaphore(%arg17 : memref<!tpu.dma_semaphore, #tpu.memory_space<semaphore_mem>>) src(%arg12 : memref<400x32xf32, #tpu.memory_space<vmem>>) dst(%dma_wait3A_214 : memref<51024x32xf32, #tpu.memory_space<vmem_shared>>)
      } else {
      }
      %gt3A_162 = arith.constant 0 : i32
      %gt3A_163 = arith.cmpi sgt, %while3A_152, %gt3A_162 : i32
      %and3A_164 = arith.andi %gt3A_163, %lt3A : i1
      %convert_element_type3A_165 = arith.extui %and3A_164 : i1 to i32
      %cond3A_166 = arith.constant 0 : i32
      %cond3A_167 = arith.cmpi ne, %convert_element_type3A_165, %cond3A_166 : i32
      scf.if %cond3A_167 {
        %dma_wait3A_212 = arith.constant 0 : i32
        %dma_wait3A_213 = arith.constant 0 : i32
        %dma_wait3A_214 = tpu.memref_slice %arg19[%dma_wait3A_212, %dma_wait3A_213] : memref<51024x32xf32, #tpu.memory_space<vmem_shared>> -> memref<51024x32xf32, #tpu.memory_space<vmem_shared>>
        tpu.wait_indirect_dma semaphore(%arg18 : memref<!tpu.dma_semaphore, #tpu.memory_space<semaphore_mem>>) src(%arg13 : memref<400x32xf32, #tpu.memory_space<vmem>>) dst(%dma_wait3A_214 : memref<51024x32xf32, #tpu.memory_space<vmem_shared>>)
      } else {
      }
      %mul3A_168 = arith.constant 2 : i32
      %mul3A_169 = arith.muli %mul3A_168, %while3A_152 : i32
      %mul3A_170 = arith.constant 400 : i32
      %mul3A_171 = arith.muli %mul3A_169, %mul3A_170 : i32
      %add3A_172 = arith.addi %mul3A_2, %mul3A_171 : i32
      %multiple_of3A = tpu.assume_multiple %add3A_172, 8 : i32
      %mul3A_173 = arith.constant 2 : i32
      %mul3A_174 = arith.muli %mul3A_173, %while3A_152 : i32
      %add3A_175 = arith.constant 1 : i32
      %add3A_176 = arith.addi %mul3A_174, %add3A_175 : i32
      %mul3A_177 = arith.constant 400 : i32
      %mul3A_178 = arith.muli %add3A_176, %mul3A_177 : i32
      %add3A_179 = arith.addi %mul3A_2, %mul3A_178 : i32
      %multiple_of3A_180 = tpu.assume_multiple %add3A_179, 8 : i32
      %dma_start3A = tpu.memref_slice %arg3[%multiple_of3A] : memref<1651712xi32, #tpu.memory_space<hbm>> -> memref<400xi32, #tpu.memory_space<hbm>>
      %dma_start3A_181 = tpu.memref_slice %arg3[%multiple_of3A] : memref<1651712xi32, #tpu.memory_space<hbm>> -> memref<400xi32, #tpu.memory_space<hbm>>
      tpu.enqueue_dma source(%dma_start3A_181 : memref<400xi32, #tpu.memory_space<hbm>>) target(%arg8 : memref<400xi32, #tpu.memory_space<vmem>>) target_semaphore(%arg14 : memref<!tpu.dma_semaphore, #tpu.memory_space<semaphore_mem>>)
      %dma_start3A_182 = tpu.memref_slice %arg4[%multiple_of3A] : memref<1651712xi32, #tpu.memory_space<hbm>> -> memref<400xi32, #tpu.memory_space<hbm>>
      %dma_start3A_183 = tpu.memref_slice %arg4[%multiple_of3A] : memref<1651712xi32, #tpu.memory_space<hbm>> -> memref<400xi32, #tpu.memory_space<hbm>>
      tpu.enqueue_dma source(%dma_start3A_183 : memref<400xi32, #tpu.memory_space<hbm>>) target(%arg10 : memref<400xi32, #tpu.memory_space<vmem>>) target_semaphore(%arg14 : memref<!tpu.dma_semaphore, #tpu.memory_space<semaphore_mem>>)
      %convert_element_type3A_184 = arith.extui %lt3A : i1 to i32
      %cond3A_185 = arith.constant 0 : i32
      %cond3A_186 = arith.cmpi ne, %convert_element_type3A_184, %cond3A_185 : i32
      scf.if %cond3A_186 {
        %dma_start3A_212 = tpu.memref_slice %arg3[%multiple_of3A_180] : memref<1651712xi32, #tpu.memory_space<hbm>> -> memref<400xi32, #tpu.memory_space<hbm>>
        %dma_start3A_213 = tpu.memref_slice %arg3[%multiple_of3A_180] : memref<1651712xi32, #tpu.memory_space<hbm>> -> memref<400xi32, #tpu.memory_space<hbm>>
        tpu.enqueue_dma source(%dma_start3A_213 : memref<400xi32, #tpu.memory_space<hbm>>) target(%arg9 : memref<400xi32, #tpu.memory_space<vmem>>) target_semaphore(%arg14 : memref<!tpu.dma_semaphore, #tpu.memory_space<semaphore_mem>>)
        %dma_start3A_214 = tpu.memref_slice %arg4[%multiple_of3A_180] : memref<1651712xi32, #tpu.memory_space<hbm>> -> memref<400xi32, #tpu.memory_space<hbm>>
        %dma_start3A_215 = tpu.memref_slice %arg4[%multiple_of3A_180] : memref<1651712xi32, #tpu.memory_space<hbm>> -> memref<400xi32, #tpu.memory_space<hbm>>
        tpu.enqueue_dma source(%dma_start3A_215 : memref<400xi32, #tpu.memory_space<hbm>>) target(%arg11 : memref<400xi32, #tpu.memory_space<vmem>>) target_semaphore(%arg14 : memref<!tpu.dma_semaphore, #tpu.memory_space<semaphore_mem>>)
      } else {
      }
      %dma_wait3A = tpu.memref_slice %arg3[%multiple_of3A] : memref<1651712xi32, #tpu.memory_space<hbm>> -> memref<400xi32, #tpu.memory_space<hbm>>
      %dma_wait3A_187 = tpu.memref_slice %arg3[%multiple_of3A] : memref<1651712xi32, #tpu.memory_space<hbm>> -> memref<400xi32, #tpu.memory_space<hbm>>
      tpu.wait_dma2 semaphore(%arg14 : memref<!tpu.dma_semaphore, #tpu.memory_space<semaphore_mem>>) src(%dma_wait3A_187 : memref<400xi32, #tpu.memory_space<hbm>>) dst(%arg8 : memref<400xi32, #tpu.memory_space<vmem>>)
      %dma_wait3A_188 = tpu.memref_slice %arg4[%multiple_of3A] : memref<1651712xi32, #tpu.memory_space<hbm>> -> memref<400xi32, #tpu.memory_space<hbm>>
      %dma_wait3A_189 = tpu.memref_slice %arg4[%multiple_of3A] : memref<1651712xi32, #tpu.memory_space<hbm>> -> memref<400xi32, #tpu.memory_space<hbm>>
      tpu.wait_dma2 semaphore(%arg14 : memref<!tpu.dma_semaphore, #tpu.memory_space<semaphore_mem>>) src(%dma_wait3A_189 : memref<400xi32, #tpu.memory_space<hbm>>) dst(%arg10 : memref<400xi32, #tpu.memory_space<vmem>>)
      %convert_element_type3A_190 = arith.extui %lt3A : i1 to i32
      %cond3A_191 = arith.constant 0 : i32
      %cond3A_192 = arith.cmpi ne, %convert_element_type3A_190, %cond3A_191 : i32
      scf.if %cond3A_192 {
        %dma_wait3A_212 = tpu.memref_slice %arg3[%multiple_of3A_180] : memref<1651712xi32, #tpu.memory_space<hbm>> -> memref<400xi32, #tpu.memory_space<hbm>>
        %dma_wait3A_213 = tpu.memref_slice %arg3[%multiple_of3A_180] : memref<1651712xi32, #tpu.memory_space<hbm>> -> memref<400xi32, #tpu.memory_space<hbm>>
        tpu.wait_dma2 semaphore(%arg14 : memref<!tpu.dma_semaphore, #tpu.memory_space<semaphore_mem>>) src(%dma_wait3A_213 : memref<400xi32, #tpu.memory_space<hbm>>) dst(%arg9 : memref<400xi32, #tpu.memory_space<vmem>>)
        %dma_wait3A_214 = tpu.memref_slice %arg4[%multiple_of3A_180] : memref<1651712xi32, #tpu.memory_space<hbm>> -> memref<400xi32, #tpu.memory_space<hbm>>
        %dma_wait3A_215 = tpu.memref_slice %arg4[%multiple_of3A_180] : memref<1651712xi32, #tpu.memory_space<hbm>> -> memref<400xi32, #tpu.memory_space<hbm>>
        tpu.wait_dma2 semaphore(%arg14 : memref<!tpu.dma_semaphore, #tpu.memory_space<semaphore_mem>>) src(%dma_wait3A_215 : memref<400xi32, #tpu.memory_space<hbm>>) dst(%arg11 : memref<400xi32, #tpu.memory_space<vmem>>)
      } else {
      }
      %dma_start3A_193 = arith.constant 0 : i32
      %dma_start3A_194 = arith.constant 0 : i32
      %dma_start3A_195 = tpu.memref_slice %arg2[%dma_start3A_193, %dma_start3A_194] : memref<100000x32xf32, #tpu.memory_space<hbm>> -> memref<100000x32xf32, #tpu.memory_space<hbm>>
      tpu.enqueue_indirect_dma source(%dma_start3A_195 : memref<100000x32xf32, #tpu.memory_space<hbm>>) target(%arg12 : memref<400x32xf32, #tpu.memory_space<vmem>>) offsets(%arg8 : memref<400xi32, #tpu.memory_space<vmem>>) semaphore(%arg15 : memref<!tpu.dma_semaphore, #tpu.memory_space<semaphore_mem>>)
      %convert_element_type3A_196 = arith.extui %lt3A : i1 to i32
      %cond3A_197 = arith.constant 0 : i32
      %cond3A_198 = arith.cmpi ne, %convert_element_type3A_196, %cond3A_197 : i32
      scf.if %cond3A_198 {
        %dma_start3A_212 = arith.constant 0 : i32
        %dma_start3A_213 = arith.constant 0 : i32
        %dma_start3A_214 = tpu.memref_slice %arg2[%dma_start3A_212, %dma_start3A_213] : memref<100000x32xf32, #tpu.memory_space<hbm>> -> memref<100000x32xf32, #tpu.memory_space<hbm>>
        tpu.enqueue_indirect_dma source(%dma_start3A_214 : memref<100000x32xf32, #tpu.memory_space<hbm>>) target(%arg13 : memref<400x32xf32, #tpu.memory_space<vmem>>) offsets(%arg9 : memref<400xi32, #tpu.memory_space<vmem>>) semaphore(%arg16 : memref<!tpu.dma_semaphore, #tpu.memory_space<semaphore_mem>>)
      } else {
      }
      %dma_wait3A_199 = arith.constant 0 : i32
      %dma_wait3A_200 = arith.constant 0 : i32
      %dma_wait3A_201 = tpu.memref_slice %arg2[%dma_wait3A_199, %dma_wait3A_200] : memref<100000x32xf32, #tpu.memory_space<hbm>> -> memref<100000x32xf32, #tpu.memory_space<hbm>>
      tpu.wait_indirect_dma semaphore(%arg15 : memref<!tpu.dma_semaphore, #tpu.memory_space<semaphore_mem>>) src(%dma_wait3A_201 : memref<100000x32xf32, #tpu.memory_space<hbm>>) dst(%arg12 : memref<400x32xf32, #tpu.memory_space<vmem>>)
      %convert_element_type3A_202 = arith.extui %lt3A : i1 to i32
      %cond3A_203 = arith.constant 0 : i32
      %cond3A_204 = arith.cmpi ne, %convert_element_type3A_202, %cond3A_203 : i32
      scf.if %cond3A_204 {
        %dma_wait3A_212 = arith.constant 0 : i32
        %dma_wait3A_213 = arith.constant 0 : i32
        %dma_wait3A_214 = tpu.memref_slice %arg2[%dma_wait3A_212, %dma_wait3A_213] : memref<100000x32xf32, #tpu.memory_space<hbm>> -> memref<100000x32xf32, #tpu.memory_space<hbm>>
        tpu.wait_indirect_dma semaphore(%arg16 : memref<!tpu.dma_semaphore, #tpu.memory_space<semaphore_mem>>) src(%dma_wait3A_214 : memref<100000x32xf32, #tpu.memory_space<hbm>>) dst(%arg13 : memref<400x32xf32, #tpu.memory_space<vmem>>)
      } else {
      }
      %dma_start3A_205 = arith.constant 0 : i32
      %dma_start3A_206 = arith.constant 0 : i32
      %dma_start3A_207 = tpu.memref_slice %arg19[%dma_start3A_205, %dma_start3A_206] : memref<51024x32xf32, #tpu.memory_space<vmem_shared>> -> memref<51024x32xf32, #tpu.memory_space<vmem_shared>>
      tpu.enqueue_indirect_dma source(%arg12 : memref<400x32xf32, #tpu.memory_space<vmem>>) target(%dma_start3A_207 : memref<51024x32xf32, #tpu.memory_space<vmem_shared>>) offsets(%arg10 : memref<400xi32, #tpu.memory_space<vmem>>) semaphore(%arg17 : memref<!tpu.dma_semaphore, #tpu.memory_space<semaphore_mem>>) {add = true}
      %convert_element_type3A_208 = arith.extui %lt3A : i1 to i32
      %cond3A_209 = arith.constant 0 : i32
      %cond3A_210 = arith.cmpi ne, %convert_element_type3A_208, %cond3A_209 : i32
      scf.if %cond3A_210 {
        %dma_start3A_212 = arith.constant 0 : i32
        %dma_start3A_213 = arith.constant 0 : i32
        %dma_start3A_214 = tpu.memref_slice %arg19[%dma_start3A_212, %dma_start3A_213] : memref<51024x32xf32, #tpu.memory_space<vmem_shared>> -> memref<51024x32xf32, #tpu.memory_space<vmem_shared>>
        tpu.enqueue_indirect_dma source(%arg13 : memref<400x32xf32, #tpu.memory_space<vmem>>) target(%dma_start3A_214 : memref<51024x32xf32, #tpu.memory_space<vmem_shared>>) offsets(%arg11 : memref<400xi32, #tpu.memory_space<vmem>>) semaphore(%arg18 : memref<!tpu.dma_semaphore, #tpu.memory_space<semaphore_mem>>) {add = true}
      } else {
      }
      %while3A_211 = arith.constant 0 : i32
      scf.yield %while3A_211 : i32
    }
    %ge3A = arith.constant 1 : i32
    %ge3A_102 = arith.cmpi sge, %select_n3A, %ge3A : i32
    %convert_element_type3A = arith.extui %ge3A_102 : i1 to i32
    %cond3A = arith.constant 0 : i32
    %cond3A_103 = arith.cmpi ne, %convert_element_type3A, %cond3A : i32
    scf.if %cond3A_103 {
      %dma_wait3A = arith.constant 0 : i32
      %dma_wait3A_152 = arith.constant 0 : i32
      %dma_wait3A_153 = tpu.memref_slice %arg19[%dma_wait3A, %dma_wait3A_152] : memref<51024x32xf32, #tpu.memory_space<vmem_shared>> -> memref<51024x32xf32, #tpu.memory_space<vmem_shared>>
      tpu.wait_indirect_dma semaphore(%arg17 : memref<!tpu.dma_semaphore, #tpu.memory_space<semaphore_mem>>) src(%arg12 : memref<400x32xf32, #tpu.memory_space<vmem>>) dst(%dma_wait3A_153 : memref<51024x32xf32, #tpu.memory_space<vmem_shared>>)
    } else {
    }
    %ge3A_104 = arith.constant 2 : i32
    %ge3A_105 = arith.cmpi sge, %select_n3A, %ge3A_104 : i32
    %convert_element_type3A_106 = arith.extui %ge3A_105 : i1 to i32
    %cond3A_107 = arith.constant 0 : i32
    %cond3A_108 = arith.cmpi ne, %convert_element_type3A_106, %cond3A_107 : i32
    scf.if %cond3A_108 {
      %dma_wait3A = arith.constant 0 : i32
      %dma_wait3A_152 = arith.constant 0 : i32
      %dma_wait3A_153 = tpu.memref_slice %arg19[%dma_wait3A, %dma_wait3A_152] : memref<51024x32xf32, #tpu.memory_space<vmem_shared>> -> memref<51024x32xf32, #tpu.memory_space<vmem_shared>>
      tpu.wait_indirect_dma semaphore(%arg18 : memref<!tpu.dma_semaphore, #tpu.memory_space<semaphore_mem>>) src(%arg13 : memref<400x32xf32, #tpu.memory_space<vmem>>) dst(%dma_wait3A_153 : memref<51024x32xf32, #tpu.memory_space<vmem_shared>>)
    } else {
    }
    %barrier3A_109 = arith.constant 0 : index
    tpu.barrier barrier_id(%barrier3A_109)
    %sub3A_110 = arith.constant 125 : i32
    %sub3A_111 = arith.subi %sub3A_110, %arg1 : i32
    %add3A_112 = arith.constant 16 : i32
    %add3A_113 = arith.addi %sub3A_111, %add3A_112 : i32
    %sub3A_114 = arith.constant 1 : i32
    %sub3A_115 = arith.subi %add3A_113, %sub3A_114 : i32
    %jit3A_116 = arith.constant 16 : i32
    %div3A_117 = arith.divsi %sub3A_115, %jit3A_116 : i32
    %sign3A_118 = arith.constant 0 : i32
    %sign3A_119 = arith.cmpi sgt, %sub3A_115, %sign3A_118 : i32
    %sign3A_120 = arith.extui %sign3A_119 : i1 to i32
    %sign3A_121 = arith.constant 0 : i32
    %sign3A_122 = arith.cmpi slt, %sub3A_115, %sign3A_121 : i32
    %sign3A_123 = arith.extui %sign3A_122 : i1 to i32
    %sign3A_124 = arith.subi %sign3A_120, %sign3A_123 : i32
    %sign3A_125 = arith.constant 0 : i32
    %sign3A_126 = arith.cmpi sgt, %jit3A_116, %sign3A_125 : i32
    %sign3A_127 = arith.extui %sign3A_126 : i1 to i32
    %sign3A_128 = arith.constant 0 : i32
    %sign3A_129 = arith.cmpi slt, %jit3A_116, %sign3A_128 : i32
    %sign3A_130 = arith.extui %sign3A_129 : i1 to i32
    %sign3A_131 = arith.subi %sign3A_127, %sign3A_130 : i32
    %ne3A_132 = arith.cmpi ne, %sign3A_124, %sign3A_131 : i32
    %rem3A_133 = arith.remsi %sub3A_115, %jit3A_116 : i32
    %ne3A_134 = arith.constant 0 : i32
    %ne3A_135 = arith.cmpi ne, %rem3A_133, %ne3A_134 : i32
    %and3A_136 = arith.andi %ne3A_132, %ne3A_135 : i1
    %sub3A_137 = arith.constant 1 : i32
    %sub3A_138 = arith.subi %div3A_117, %sub3A_137 : i32
    %select_n3A_139 = arith.select %and3A_136, %sub3A_138, %div3A_117 : i32
    %while3A_140 = arith.constant 0 : i32
    %while3A_141 = arith.constant 0 : i32
    %while3A_142 = arith.subi %select_n3A_139, %while3A_140 : i32
    %while3A_143 = arith.addi %while3A_140, %while3A_142 : i32
    %while3A_144 = arith.constant 1 : i32
    %while3A_145 = arith.divsi %while3A_142, %while3A_144 : i32
    %while3A_146 = arith.muli %while3A_145, %while3A_144 : i32
    %while3A_147 = arith.addi %while3A_140, %while3A_146 : i32
    %while3A_148 = arith.constant 1 : i32
    %while3A_149 = scf.for %while3A_152 = %while3A_140 to %while3A_147 step %while3A_148 iter_args(%while3A_153 = %while3A_141) -> (i32)  : i32 {
      %mul3A_154 = arith.constant 16 : i32
      %mul3A_155 = arith.muli %while3A_152, %mul3A_154 : i32
      %add3A_156 = arith.addi %arg1, %mul3A_155 : i32
      %mul3A_157 = arith.constant 400 : i32
      %mul3A_158 = arith.muli %add3A_156, %mul3A_157 : i32
      "tpu.region"() ({
        %run_scoped3A = tpu.sem_alloc : memref<!tpu.dma_semaphore, #tpu.memory_space<semaphore_mem>>
        %dma_start3A = arith.constant 0 : i32
        %dma_start3A_163 = arith.constant 0 : i32
        %dma_start3A_164 = tpu.memref_slice %arg12[%dma_start3A, %dma_start3A_163] : memref<400x32xf32, #tpu.memory_space<vmem>> -> memref<400x32xf32, #tpu.memory_space<vmem>>
        %dma_start3A_165 = arith.constant 0 : i32
        %dma_start3A_166 = tpu.memref_slice %arg19[%mul3A_158, %dma_start3A_165] : memref<51024x32xf32, #tpu.memory_space<vmem_shared>> -> memref<400x32xf32, #tpu.memory_space<vmem_shared>>
        %dma_start3A_167 = arith.constant 0 : i32
        %dma_start3A_168 = arith.constant 0 : i32
        %dma_start3A_169 = tpu.memref_slice %arg12[%dma_start3A_167, %dma_start3A_168] : memref<400x32xf32, #tpu.memory_space<vmem>> -> memref<400x32xf32, #tpu.memory_space<vmem>>
        %dma_start3A_170 = arith.constant 0 : i32
        %dma_start3A_171 = tpu.memref_slice %arg19[%mul3A_158, %dma_start3A_170] : memref<51024x32xf32, #tpu.memory_space<vmem_shared>> -> memref<400x32xf32, #tpu.memory_space<vmem_shared>>
        tpu.enqueue_dma source(%dma_start3A_171 : memref<400x32xf32, #tpu.memory_space<vmem_shared>>) target(%dma_start3A_169 : memref<400x32xf32, #tpu.memory_space<vmem>>) target_semaphore(%run_scoped3A : memref<!tpu.dma_semaphore, #tpu.memory_space<semaphore_mem>>)
        %dma_wait3A = arith.constant 0 : i32
        %dma_wait3A_172 = arith.constant 0 : i32
        %dma_wait3A_173 = tpu.memref_slice %arg12[%dma_wait3A, %dma_wait3A_172] : memref<400x32xf32, #tpu.memory_space<vmem>> -> memref<400x32xf32, #tpu.memory_space<vmem>>
        %dma_wait3A_174 = arith.constant 0 : i32
        %dma_wait3A_175 = tpu.memref_slice %arg19[%mul3A_158, %dma_wait3A_174] : memref<51024x32xf32, #tpu.memory_space<vmem_shared>> -> memref<400x32xf32, #tpu.memory_space<vmem_shared>>
        %dma_wait3A_176 = arith.constant 0 : i32
        %dma_wait3A_177 = arith.constant 0 : i32
        %dma_wait3A_178 = tpu.memref_slice %arg12[%dma_wait3A_176, %dma_wait3A_177] : memref<400x32xf32, #tpu.memory_space<vmem>> -> memref<400x32xf32, #tpu.memory_space<vmem>>
        %dma_wait3A_179 = arith.constant 0 : i32
        %dma_wait3A_180 = tpu.memref_slice %arg19[%mul3A_158, %dma_wait3A_179] : memref<51024x32xf32, #tpu.memory_space<vmem_shared>> -> memref<400x32xf32, #tpu.memory_space<vmem_shared>>
        tpu.wait_dma2 semaphore(%run_scoped3A : memref<!tpu.dma_semaphore, #tpu.memory_space<semaphore_mem>>) src(%dma_wait3A_180 : memref<400x32xf32, #tpu.memory_space<vmem_shared>>) dst(%dma_wait3A_178 : memref<400x32xf32, #tpu.memory_space<vmem>>)
        tpu.yield
      }) : () -> ()
      %mul3A_159 = arith.constant 50000 : i32
      %mul3A_160 = arith.muli %arg0, %mul3A_159 : i32
      %add3A_161 = arith.addi %mul3A_160, %mul3A_158 : i32
      "tpu.region"() ({
        %run_scoped3A = tpu.sem_alloc : memref<!tpu.dma_semaphore, #tpu.memory_space<semaphore_mem>>
        %dma_start3A = arith.constant 0 : i32
        %dma_start3A_163 = arith.constant 0 : i32
        %dma_start3A_164 = tpu.memref_slice %arg12[%dma_start3A, %dma_start3A_163] : memref<400x32xf32, #tpu.memory_space<vmem>> -> memref<400x32xf32, #tpu.memory_space<vmem>>
        %dma_start3A_165 = arith.constant 0 : i32
        %dma_start3A_166 = tpu.memref_slice %arg6[%add3A_161, %dma_start3A_165] : memref<100000x32xf32, #tpu.memory_space<hbm>> -> memref<400x32xf32, #tpu.memory_space<hbm>>
        %dma_start3A_167 = arith.constant 0 : i32
        %dma_start3A_168 = tpu.memref_slice %arg6[%add3A_161, %dma_start3A_167] : memref<100000x32xf32, #tpu.memory_space<hbm>> -> memref<400x32xf32, #tpu.memory_space<hbm>>
        %dma_start3A_169 = arith.constant 0 : i32
        %dma_start3A_170 = arith.constant 0 : i32
        %dma_start3A_171 = tpu.memref_slice %arg12[%dma_start3A_169, %dma_start3A_170] : memref<400x32xf32, #tpu.memory_space<vmem>> -> memref<400x32xf32, #tpu.memory_space<vmem>>
        tpu.enqueue_dma source(%dma_start3A_171 : memref<400x32xf32, #tpu.memory_space<vmem>>) target(%dma_start3A_168 : memref<400x32xf32, #tpu.memory_space<hbm>>) target_semaphore(%run_scoped3A : memref<!tpu.dma_semaphore, #tpu.memory_space<semaphore_mem>>)
        %dma_wait3A = arith.constant 0 : i32
        %dma_wait3A_172 = arith.constant 0 : i32
        %dma_wait3A_173 = tpu.memref_slice %arg12[%dma_wait3A, %dma_wait3A_172] : memref<400x32xf32, #tpu.memory_space<vmem>> -> memref<400x32xf32, #tpu.memory_space<vmem>>
        %dma_wait3A_174 = arith.constant 0 : i32
        %dma_wait3A_175 = tpu.memref_slice %arg6[%add3A_161, %dma_wait3A_174] : memref<100000x32xf32, #tpu.memory_space<hbm>> -> memref<400x32xf32, #tpu.memory_space<hbm>>
        %dma_wait3A_176 = arith.constant 0 : i32
        %dma_wait3A_177 = tpu.memref_slice %arg6[%add3A_161, %dma_wait3A_176] : memref<100000x32xf32, #tpu.memory_space<hbm>> -> memref<400x32xf32, #tpu.memory_space<hbm>>
        %dma_wait3A_178 = arith.constant 0 : i32
        %dma_wait3A_179 = arith.constant 0 : i32
        %dma_wait3A_180 = tpu.memref_slice %arg12[%dma_wait3A_178, %dma_wait3A_179] : memref<400x32xf32, #tpu.memory_space<vmem>> -> memref<400x32xf32, #tpu.memory_space<vmem>>
        tpu.wait_dma2 semaphore(%run_scoped3A : memref<!tpu.dma_semaphore, #tpu.memory_space<semaphore_mem>>) src(%dma_wait3A_180 : memref<400x32xf32, #tpu.memory_space<vmem>>) dst(%dma_wait3A_177 : memref<400x32xf32, #tpu.memory_space<hbm>>)
        tpu.yield
      }) : () -> ()
      %while3A_162 = arith.constant 0 : i32
      scf.yield %while3A_162 : i32
    }
    %while3A_150 = arith.constant 1 : i32
    %while3A_151 = scf.for %while3A_152 = %while3A_147 to %while3A_143 step %while3A_150 iter_args(%while3A_153 = %while3A_149) -> (i32)  : i32 {
      %mul3A_154 = arith.constant 16 : i32
      %mul3A_155 = arith.muli %while3A_152, %mul3A_154 : i32
      %add3A_156 = arith.addi %arg1, %mul3A_155 : i32
      %mul3A_157 = arith.constant 400 : i32
      %mul3A_158 = arith.muli %add3A_156, %mul3A_157 : i32
      "tpu.region"() ({
        %run_scoped3A = tpu.sem_alloc : memref<!tpu.dma_semaphore, #tpu.memory_space<semaphore_mem>>
        %dma_start3A = arith.constant 0 : i32
        %dma_start3A_163 = arith.constant 0 : i32
        %dma_start3A_164 = tpu.memref_slice %arg12[%dma_start3A, %dma_start3A_163] : memref<400x32xf32, #tpu.memory_space<vmem>> -> memref<400x32xf32, #tpu.memory_space<vmem>>
        %dma_start3A_165 = arith.constant 0 : i32
        %dma_start3A_166 = tpu.memref_slice %arg19[%mul3A_158, %dma_start3A_165] : memref<51024x32xf32, #tpu.memory_space<vmem_shared>> -> memref<400x32xf32, #tpu.memory_space<vmem_shared>>
        %dma_start3A_167 = arith.constant 0 : i32
        %dma_start3A_168 = arith.constant 0 : i32
        %dma_start3A_169 = tpu.memref_slice %arg12[%dma_start3A_167, %dma_start3A_168] : memref<400x32xf32, #tpu.memory_space<vmem>> -> memref<400x32xf32, #tpu.memory_space<vmem>>
        %dma_start3A_170 = arith.constant 0 : i32
        %dma_start3A_171 = tpu.memref_slice %arg19[%mul3A_158, %dma_start3A_170] : memref<51024x32xf32, #tpu.memory_space<vmem_shared>> -> memref<400x32xf32, #tpu.memory_space<vmem_shared>>
        tpu.enqueue_dma source(%dma_start3A_171 : memref<400x32xf32, #tpu.memory_space<vmem_shared>>) target(%dma_start3A_169 : memref<400x32xf32, #tpu.memory_space<vmem>>) target_semaphore(%run_scoped3A : memref<!tpu.dma_semaphore, #tpu.memory_space<semaphore_mem>>)
        %dma_wait3A = arith.constant 0 : i32
        %dma_wait3A_172 = arith.constant 0 : i32
        %dma_wait3A_173 = tpu.memref_slice %arg12[%dma_wait3A, %dma_wait3A_172] : memref<400x32xf32, #tpu.memory_space<vmem>> -> memref<400x32xf32, #tpu.memory_space<vmem>>
        %dma_wait3A_174 = arith.constant 0 : i32
        %dma_wait3A_175 = tpu.memref_slice %arg19[%mul3A_158, %dma_wait3A_174] : memref<51024x32xf32, #tpu.memory_space<vmem_shared>> -> memref<400x32xf32, #tpu.memory_space<vmem_shared>>
        %dma_wait3A_176 = arith.constant 0 : i32
        %dma_wait3A_177 = arith.constant 0 : i32
        %dma_wait3A_178 = tpu.memref_slice %arg12[%dma_wait3A_176, %dma_wait3A_177] : memref<400x32xf32, #tpu.memory_space<vmem>> -> memref<400x32xf32, #tpu.memory_space<vmem>>
        %dma_wait3A_179 = arith.constant 0 : i32
        %dma_wait3A_180 = tpu.memref_slice %arg19[%mul3A_158, %dma_wait3A_179] : memref<51024x32xf32, #tpu.memory_space<vmem_shared>> -> memref<400x32xf32, #tpu.memory_space<vmem_shared>>
        tpu.wait_dma2 semaphore(%run_scoped3A : memref<!tpu.dma_semaphore, #tpu.memory_space<semaphore_mem>>) src(%dma_wait3A_180 : memref<400x32xf32, #tpu.memory_space<vmem_shared>>) dst(%dma_wait3A_178 : memref<400x32xf32, #tpu.memory_space<vmem>>)
        tpu.yield
      }) : () -> ()
      %mul3A_159 = arith.constant 50000 : i32
      %mul3A_160 = arith.muli %arg0, %mul3A_159 : i32
      %add3A_161 = arith.addi %mul3A_160, %mul3A_158 : i32
      "tpu.region"() ({
        %run_scoped3A = tpu.sem_alloc : memref<!tpu.dma_semaphore, #tpu.memory_space<semaphore_mem>>
        %dma_start3A = arith.constant 0 : i32
        %dma_start3A_163 = arith.constant 0 : i32
        %dma_start3A_164 = tpu.memref_slice %arg12[%dma_start3A, %dma_start3A_163] : memref<400x32xf32, #tpu.memory_space<vmem>> -> memref<400x32xf32, #tpu.memory_space<vmem>>
        %dma_start3A_165 = arith.constant 0 : i32
        %dma_start3A_166 = tpu.memref_slice %arg6[%add3A_161, %dma_start3A_165] : memref<100000x32xf32, #tpu.memory_space<hbm>> -> memref<400x32xf32, #tpu.memory_space<hbm>>
        %dma_start3A_167 = arith.constant 0 : i32
        %dma_start3A_168 = tpu.memref_slice %arg6[%add3A_161, %dma_start3A_167] : memref<100000x32xf32, #tpu.memory_space<hbm>> -> memref<400x32xf32, #tpu.memory_space<hbm>>
        %dma_start3A_169 = arith.constant 0 : i32
        %dma_start3A_170 = arith.constant 0 : i32
        %dma_start3A_171 = tpu.memref_slice %arg12[%dma_start3A_169, %dma_start3A_170] : memref<400x32xf32, #tpu.memory_space<vmem>> -> memref<400x32xf32, #tpu.memory_space<vmem>>
        tpu.enqueue_dma source(%dma_start3A_171 : memref<400x32xf32, #tpu.memory_space<vmem>>) target(%dma_start3A_168 : memref<400x32xf32, #tpu.memory_space<hbm>>) target_semaphore(%run_scoped3A : memref<!tpu.dma_semaphore, #tpu.memory_space<semaphore_mem>>)
        %dma_wait3A = arith.constant 0 : i32
        %dma_wait3A_172 = arith.constant 0 : i32
        %dma_wait3A_173 = tpu.memref_slice %arg12[%dma_wait3A, %dma_wait3A_172] : memref<400x32xf32, #tpu.memory_space<vmem>> -> memref<400x32xf32, #tpu.memory_space<vmem>>
        %dma_wait3A_174 = arith.constant 0 : i32
        %dma_wait3A_175 = tpu.memref_slice %arg6[%add3A_161, %dma_wait3A_174] : memref<100000x32xf32, #tpu.memory_space<hbm>> -> memref<400x32xf32, #tpu.memory_space<hbm>>
        %dma_wait3A_176 = arith.constant 0 : i32
        %dma_wait3A_177 = tpu.memref_slice %arg6[%add3A_161, %dma_wait3A_176] : memref<100000x32xf32, #tpu.memory_space<hbm>> -> memref<400x32xf32, #tpu.memory_space<hbm>>
        %dma_wait3A_178 = arith.constant 0 : i32
        %dma_wait3A_179 = arith.constant 0 : i32
        %dma_wait3A_180 = tpu.memref_slice %arg12[%dma_wait3A_178, %dma_wait3A_179] : memref<400x32xf32, #tpu.memory_space<vmem>> -> memref<400x32xf32, #tpu.memory_space<vmem>>
        tpu.wait_dma2 semaphore(%run_scoped3A : memref<!tpu.dma_semaphore, #tpu.memory_space<semaphore_mem>>) src(%dma_wait3A_180 : memref<400x32xf32, #tpu.memory_space<vmem>>) dst(%dma_wait3A_177 : memref<400x32xf32, #tpu.memory_space<hbm>>)
        tpu.yield
      }) : () -> ()
      %while3A_162 = arith.constant 0 : i32
      scf.yield %while3A_162 : i32
    }
    return
  }
}

#map = affine_map<(d0, d1) -> (0)>
module attributes {stable_mosaic.version = 14 : i64} {
  func.func @_sc_deg(%arg0: i32, %arg1: i32, %arg2: memref<1600000xi32, #tpu.memory_space<hbm>>, %arg3: memref<1600000xi32, #tpu.memory_space<hbm>>, %arg4: memref<100352xf32, #tpu.memory_space<hbm>>, %arg5: memref<1651712xi32, #tpu.memory_space<hbm>>, %arg6: memref<1651712xi32, #tpu.memory_space<hbm>>, %arg7: memref<512xi32, #tpu.memory_space<hbm>>, %arg8: memref<800xi32, #tpu.memory_space<vmem>>, %arg9: memref<800xi32, #tpu.memory_space<vmem>>, %arg10: memref<800xf32, #tpu.memory_space<vmem>>, %arg11: memref<1600xi32, #tpu.memory_space<vmem>>, %arg12: memref<1600xi32, #tpu.memory_space<vmem>>, %arg13: memref<16xi32, #tpu.memory_space<vmem>>, %arg14: memref<!tpu.dma_semaphore, #tpu.memory_space<semaphore_mem>>, %arg15: memref<!tpu.dma_semaphore, #tpu.memory_space<semaphore_mem>>, %arg16: memref<51200xf32, #tpu.memory_space<vmem_shared>>) attributes {dimension_semantics = [#tpu.dimension_semantics<core_parallel>, #tpu.dimension_semantics<subcore_parallel>], iteration_bounds = array<i64: 2, 16>, scalar_prefetch = 0 : i64, scratch_operands = 9 : i64, tpu.core_type = #tpu.core_type<sc_vector_subcore>, window_params = [{transform_indices = #map}, {transform_indices = #map}, {transform_indices = #map}, {transform_indices = #map}, {transform_indices = #map}, {transform_indices = #map}]} {
    %mul3A = arith.constant 50000 : i32
    %mul3A_0 = arith.muli %arg0, %mul3A : i32
    %mul3A_1 = arith.constant 16 : i32
    %mul3A_2 = arith.muli %arg0, %mul3A_1 : i32
    %add3A = arith.addi %mul3A_2, %arg1 : i32
    %mul3A_3 = arith.constant 51600 : i32
    %mul3A_4 = arith.muli %add3A, %mul3A_3 : i32
    %scan3A = arith.constant 0 : i32
    %scan3A_5 = arith.constant 0 : i32
    %scan3A_6 = arith.constant 50 : i32
    %scan3A_7 = arith.addi %scan3A_5, %scan3A_6 : i32
    %scan3A_8 = arith.constant 1 : i32
    %scan3A_9 = scf.for %scan3A_93 = %scan3A_5 to %scan3A_7 step %scan3A_8 iter_args(%scan3A_94 = %scan3A) -> (i32)  : i32 {
      %broadcast_in_dim3A_95 = arith.constant 0.000000e+00 : f32
      %broadcast_in_dim3A_96 = vector.broadcast %broadcast_in_dim3A_95 : f32 to vector<16xf32>
      %mul3A_97 = arith.constant 16 : i32
      %mul3A_98 = arith.muli %scan3A_93, %mul3A_97 : i32
      %swap3A_99 = arith.index_cast %mul3A_98 : i32 to index
      %swap3A_100 = tpu.vector_load %arg10[%swap3A_99] {strides = array<i32>} : memref<800xf32, #tpu.memory_space<vmem>>, vector<16xf32>,
      tpu.vector_store %arg10[%swap3A_99], %broadcast_in_dim3A_96 {strides = array<i32>} : memref<800xf32, #tpu.memory_space<vmem>>, vector<16xf32>,
      %scan3A_101 = arith.constant 0 : i32
      scf.yield %scan3A_101 : i32
    }
    %scan3A_10 = arith.constant 50 : i32
    %mul3A_11 = arith.constant 3136 : i32
    %mul3A_12 = arith.muli %arg1, %mul3A_11 : i32
    %add3A_13 = arith.constant 0 : i32
    %add3A_14 = arith.addi %mul3A_12, %add3A_13 : i32
    "tpu.region"() ({
      %run_scoped3A = tpu.sem_alloc : memref<!tpu.dma_semaphore, #tpu.memory_space<semaphore_mem>>
      %dma_start3A = arith.constant 0 : i32
      %dma_start3A_93 = tpu.memref_slice %arg10[%dma_start3A] : memref<800xf32, #tpu.memory_space<vmem>> -> memref<800xf32, #tpu.memory_space<vmem>>
      %dma_start3A_94 = tpu.memref_slice %arg16[%add3A_14] : memref<51200xf32, #tpu.memory_space<vmem_shared>> -> memref<800xf32, #tpu.memory_space<vmem_shared>>
      %dma_start3A_95 = tpu.memref_slice %arg16[%add3A_14] : memref<51200xf32, #tpu.memory_space<vmem_shared>> -> memref<800xf32, #tpu.memory_space<vmem_shared>>
      %dma_start3A_96 = arith.constant 0 : i32
      %dma_start3A_97 = tpu.memref_slice %arg10[%dma_start3A_96] : memref<800xf32, #tpu.memory_space<vmem>> -> memref<800xf32, #tpu.memory_space<vmem>>
      tpu.enqueue_dma source(%dma_start3A_97 : memref<800xf32, #tpu.memory_space<vmem>>) target(%dma_start3A_95 : memref<800xf32, #tpu.memory_space<vmem_shared>>) target_semaphore(%run_scoped3A : memref<!tpu.dma_semaphore, #tpu.memory_space<semaphore_mem>>)
      %dma_wait3A_98 = arith.constant 0 : i32
      %dma_wait3A_99 = tpu.memref_slice %arg10[%dma_wait3A_98] : memref<800xf32, #tpu.memory_space<vmem>> -> memref<800xf32, #tpu.memory_space<vmem>>
      %dma_wait3A_100 = tpu.memref_slice %arg16[%add3A_14] : memref<51200xf32, #tpu.memory_space<vmem_shared>> -> memref<800xf32, #tpu.memory_space<vmem_shared>>
      %dma_wait3A_101 = tpu.memref_slice %arg16[%add3A_14] : memref<51200xf32, #tpu.memory_space<vmem_shared>> -> memref<800xf32, #tpu.memory_space<vmem_shared>>
      %dma_wait3A_102 = arith.constant 0 : i32
      %dma_wait3A_103 = tpu.memref_slice %arg10[%dma_wait3A_102] : memref<800xf32, #tpu.memory_space<vmem>> -> memref<800xf32, #tpu.memory_space<vmem>>
      tpu.wait_dma2 semaphore(%run_scoped3A : memref<!tpu.dma_semaphore, #tpu.memory_space<semaphore_mem>>) src(%dma_wait3A_103 : memref<800xf32, #tpu.memory_space<vmem>>) dst(%dma_wait3A_101 : memref<800xf32, #tpu.memory_space<vmem_shared>>)
      tpu.yield
    }) : () -> ()
    %add3A_15 = arith.constant 800 : i32
    %add3A_16 = arith.addi %mul3A_12, %add3A_15 : i32
    "tpu.region"() ({
      %run_scoped3A = tpu.sem_alloc : memref<!tpu.dma_semaphore, #tpu.memory_space<semaphore_mem>>
      %dma_start3A = arith.constant 0 : i32
      %dma_start3A_93 = tpu.memref_slice %arg10[%dma_start3A] : memref<800xf32, #tpu.memory_space<vmem>> -> memref<800xf32, #tpu.memory_space<vmem>>
      %dma_start3A_94 = tpu.memref_slice %arg16[%add3A_16] : memref<51200xf32, #tpu.memory_space<vmem_shared>> -> memref<800xf32, #tpu.memory_space<vmem_shared>>
      %dma_start3A_95 = tpu.memref_slice %arg16[%add3A_16] : memref<51200xf32, #tpu.memory_space<vmem_shared>> -> memref<800xf32, #tpu.memory_space<vmem_shared>>
      %dma_start3A_96 = arith.constant 0 : i32
      %dma_start3A_97 = tpu.memref_slice %arg10[%dma_start3A_96] : memref<800xf32, #tpu.memory_space<vmem>> -> memref<800xf32, #tpu.memory_space<vmem>>
      tpu.enqueue_dma source(%dma_start3A_97 : memref<800xf32, #tpu.memory_space<vmem>>) target(%dma_start3A_95 : memref<800xf32, #tpu.memory_space<vmem_shared>>) target_semaphore(%run_scoped3A : memref<!tpu.dma_semaphore, #tpu.memory_space<semaphore_mem>>)
      %dma_wait3A_98 = arith.constant 0 : i32
      %dma_wait3A_99 = tpu.memref_slice %arg10[%dma_wait3A_98] : memref<800xf32, #tpu.memory_space<vmem>> -> memref<800xf32, #tpu.memory_space<vmem>>
      %dma_wait3A_100 = tpu.memref_slice %arg16[%add3A_16] : memref<51200xf32, #tpu.memory_space<vmem_shared>> -> memref<800xf32, #tpu.memory_space<vmem_shared>>
      %dma_wait3A_101 = tpu.memref_slice %arg16[%add3A_16] : memref<51200xf32, #tpu.memory_space<vmem_shared>> -> memref<800xf32, #tpu.memory_space<vmem_shared>>
      %dma_wait3A_102 = arith.constant 0 : i32
      %dma_wait3A_103 = tpu.memref_slice %arg10[%dma_wait3A_102] : memref<800xf32, #tpu.memory_space<vmem>> -> memref<800xf32, #tpu.memory_space<vmem>>
      tpu.wait_dma2 semaphore(%run_scoped3A : memref<!tpu.dma_semaphore, #tpu.memory_space<semaphore_mem>>) src(%dma_wait3A_103 : memref<800xf32, #tpu.memory_space<vmem>>) dst(%dma_wait3A_101 : memref<800xf32, #tpu.memory_space<vmem_shared>>)
      tpu.yield
    }) : () -> ()
    %add3A_17 = arith.constant 1600 : i32
    %add3A_18 = arith.addi %mul3A_12, %add3A_17 : i32
    "tpu.region"() ({
      %run_scoped3A = tpu.sem_alloc : memref<!tpu.dma_semaphore, #tpu.memory_space<semaphore_mem>>
      %dma_start3A = arith.constant 0 : i32
      %dma_start3A_93 = tpu.memref_slice %arg10[%dma_start3A] : memref<800xf32, #tpu.memory_space<vmem>> -> memref<800xf32, #tpu.memory_space<vmem>>
      %dma_start3A_94 = tpu.memref_slice %arg16[%add3A_18] : memref<51200xf32, #tpu.memory_space<vmem_shared>> -> memref<800xf32, #tpu.memory_space<vmem_shared>>
      %dma_start3A_95 = tpu.memref_slice %arg16[%add3A_18] : memref<51200xf32, #tpu.memory_space<vmem_shared>> -> memref<800xf32, #tpu.memory_space<vmem_shared>>
      %dma_start3A_96 = arith.constant 0 : i32
      %dma_start3A_97 = tpu.memref_slice %arg10[%dma_start3A_96] : memref<800xf32, #tpu.memory_space<vmem>> -> memref<800xf32, #tpu.memory_space<vmem>>
      tpu.enqueue_dma source(%dma_start3A_97 : memref<800xf32, #tpu.memory_space<vmem>>) target(%dma_start3A_95 : memref<800xf32, #tpu.memory_space<vmem_shared>>) target_semaphore(%run_scoped3A : memref<!tpu.dma_semaphore, #tpu.memory_space<semaphore_mem>>)
      %dma_wait3A_98 = arith.constant 0 : i32
      %dma_wait3A_99 = tpu.memref_slice %arg10[%dma_wait3A_98] : memref<800xf32, #tpu.memory_space<vmem>> -> memref<800xf32, #tpu.memory_space<vmem>>
      %dma_wait3A_100 = tpu.memref_slice %arg16[%add3A_18] : memref<51200xf32, #tpu.memory_space<vmem_shared>> -> memref<800xf32, #tpu.memory_space<vmem_shared>>
      %dma_wait3A_101 = tpu.memref_slice %arg16[%add3A_18] : memref<51200xf32, #tpu.memory_space<vmem_shared>> -> memref<800xf32, #tpu.memory_space<vmem_shared>>
      %dma_wait3A_102 = arith.constant 0 : i32
      %dma_wait3A_103 = tpu.memref_slice %arg10[%dma_wait3A_102] : memref<800xf32, #tpu.memory_space<vmem>> -> memref<800xf32, #tpu.memory_space<vmem>>
      tpu.wait_dma2 semaphore(%run_scoped3A : memref<!tpu.dma_semaphore, #tpu.memory_space<semaphore_mem>>) src(%dma_wait3A_103 : memref<800xf32, #tpu.memory_space<vmem>>) dst(%dma_wait3A_101 : memref<800xf32, #tpu.memory_space<vmem_shared>>)
      tpu.yield
    }) : () -> ()
    %add3A_19 = arith.constant 2400 : i32
    %add3A_20 = arith.addi %mul3A_12, %add3A_19 : i32
    "tpu.region"() ({
      %run_scoped3A = tpu.sem_alloc : memref<!tpu.dma_semaphore, #tpu.memory_space<semaphore_mem>>
      %dma_start3A = arith.constant 0 : i32
      %dma_start3A_93 = tpu.memref_slice %arg10[%dma_start3A] : memref<800xf32, #tpu.memory_space<vmem>> -> memref<736xf32, #tpu.memory_space<vmem>>
      %dma_start3A_94 = tpu.memref_slice %arg16[%add3A_20] : memref<51200xf32, #tpu.memory_space<vmem_shared>> -> memref<736xf32, #tpu.memory_space<vmem_shared>>
      %dma_start3A_95 = tpu.memref_slice %arg16[%add3A_20] : memref<51200xf32, #tpu.memory_space<vmem_shared>> -> memref<736xf32, #tpu.memory_space<vmem_shared>>
      %dma_start3A_96 = arith.constant 0 : i32
      %dma_start3A_97 = tpu.memref_slice %arg10[%dma_start3A_96] : memref<800xf32, #tpu.memory_space<vmem>> -> memref<736xf32, #tpu.memory_space<vmem>>
      tpu.enqueue_dma source(%dma_start3A_97 : memref<736xf32, #tpu.memory_space<vmem>>) target(%dma_start3A_95 : memref<736xf32, #tpu.memory_space<vmem_shared>>) target_semaphore(%run_scoped3A : memref<!tpu.dma_semaphore, #tpu.memory_space<semaphore_mem>>)
      %dma_wait3A_98 = arith.constant 0 : i32
      %dma_wait3A_99 = tpu.memref_slice %arg10[%dma_wait3A_98] : memref<800xf32, #tpu.memory_space<vmem>> -> memref<736xf32, #tpu.memory_space<vmem>>
      %dma_wait3A_100 = tpu.memref_slice %arg16[%add3A_20] : memref<51200xf32, #tpu.memory_space<vmem_shared>> -> memref<736xf32, #tpu.memory_space<vmem_shared>>
      %dma_wait3A_101 = tpu.memref_slice %arg16[%add3A_20] : memref<51200xf32, #tpu.memory_space<vmem_shared>> -> memref<736xf32, #tpu.memory_space<vmem_shared>>
      %dma_wait3A_102 = arith.constant 0 : i32
      %dma_wait3A_103 = tpu.memref_slice %arg10[%dma_wait3A_102] : memref<800xf32, #tpu.memory_space<vmem>> -> memref<736xf32, #tpu.memory_space<vmem>>
      tpu.wait_dma2 semaphore(%run_scoped3A : memref<!tpu.dma_semaphore, #tpu.memory_space<semaphore_mem>>) src(%dma_wait3A_103 : memref<736xf32, #tpu.memory_space<vmem>>) dst(%dma_wait3A_101 : memref<736xf32, #tpu.memory_space<vmem_shared>>)
      tpu.yield
    }) : () -> ()
    %scan3A_21 = arith.constant 0 : i32
    %scan3A_22 = arith.constant 0 : i32
    %scan3A_23 = arith.constant 50 : i32
    %scan3A_24 = arith.addi %scan3A_22, %scan3A_23 : i32
    %scan3A_25 = arith.constant 1 : i32
    %scan3A_26 = scf.for %scan3A_93 = %scan3A_22 to %scan3A_24 step %scan3A_25 iter_args(%scan3A_94 = %scan3A_21) -> (i32)  : i32 {
      %broadcast_in_dim3A_95 = arith.constant 1.000000e+00 : f32
      %broadcast_in_dim3A_96 = vector.broadcast %broadcast_in_dim3A_95 : f32 to vector<16xf32>
      %mul3A_97 = arith.constant 16 : i32
      %mul3A_98 = arith.muli %scan3A_93, %mul3A_97 : i32
      %swap3A_99 = arith.index_cast %mul3A_98 : i32 to index
      %swap3A_100 = tpu.vector_load %arg10[%swap3A_99] {strides = array<i32>} : memref<800xf32, #tpu.memory_space<vmem>>, vector<16xf32>,
      tpu.vector_store %arg10[%swap3A_99], %broadcast_in_dim3A_96 {strides = array<i32>} : memref<800xf32, #tpu.memory_space<vmem>>, vector<16xf32>,
      %scan3A_101 = arith.constant 0 : i32
      scf.yield %scan3A_101 : i32
    }
    %scan3A_27 = arith.constant 50 : i32
    %barrier3A = arith.constant 0 : index
    tpu.barrier barrier_id(%barrier3A)
    %iota3A = tpu.iota {dimensions = array<i32: 0>} : vector<16xi32>
    %scan3A_28 = arith.constant 0 : i32
    %scan3A_29 = arith.constant 0 : i32
    %scan3A_30 = arith.constant 125 : i32
    %scan3A_31 = arith.addi %scan3A_29, %scan3A_30 : i32
    %scan3A_32 = arith.constant 1 : i32
    %scan3A_33 = scf.for %scan3A_93 = %scan3A_29 to %scan3A_31 step %scan3A_32 iter_args(%scan3A_94 = %scan3A_28) -> (i32)  : i32 {
      %mul3A_95 = arith.constant 16 : i32
      %mul3A_96 = arith.muli %scan3A_93, %mul3A_95 : i32
      %add3A_97 = arith.addi %mul3A_96, %arg1 : i32
      %mul3A_98 = arith.constant 800 : i32
      %mul3A_99 = arith.muli %add3A_97, %mul3A_98 : i32
      %dma_start3A = tpu.memref_slice %arg2[%mul3A_99] : memref<1600000xi32, #tpu.memory_space<hbm>> -> memref<800xi32, #tpu.memory_space<hbm>>
      %dma_start3A_100 = tpu.memref_slice %arg2[%mul3A_99] : memref<1600000xi32, #tpu.memory_space<hbm>> -> memref<800xi32, #tpu.memory_space<hbm>>
      tpu.enqueue_dma source(%dma_start3A_100 : memref<800xi32, #tpu.memory_space<hbm>>) target(%arg8 : memref<800xi32, #tpu.memory_space<vmem>>) target_semaphore(%arg14 : memref<!tpu.dma_semaphore, #tpu.memory_space<semaphore_mem>>)
      %dma_start3A_101 = tpu.memref_slice %arg3[%mul3A_99] : memref<1600000xi32, #tpu.memory_space<hbm>> -> memref<800xi32, #tpu.memory_space<hbm>>
      %dma_start3A_102 = tpu.memref_slice %arg3[%mul3A_99] : memref<1600000xi32, #tpu.memory_space<hbm>> -> memref<800xi32, #tpu.memory_space<hbm>>
      tpu.enqueue_dma source(%dma_start3A_102 : memref<800xi32, #tpu.memory_space<hbm>>) target(%arg9 : memref<800xi32, #tpu.memory_space<vmem>>) target_semaphore(%arg14 : memref<!tpu.dma_semaphore, #tpu.memory_space<semaphore_mem>>)
      %gt3A = arith.constant 0 : i32
      %gt3A_103 = arith.cmpi sgt, %scan3A_93, %gt3A : i32
      %convert_element_type3A = arith.extui %gt3A_103 : i1 to i32
      %cond3A = arith.constant 0 : i32
      %cond3A_104 = arith.cmpi ne, %convert_element_type3A, %cond3A : i32
      scf.if %cond3A_104 {
        %dma_wait3A_166 = arith.constant 0 : i32
        %dma_wait3A_167 = tpu.memref_slice %arg11[%dma_wait3A_166] : memref<1600xi32, #tpu.memory_space<vmem>> -> memref<800xi32, #tpu.memory_space<vmem>>
        %dma_wait3A_168 = arith.constant 0 : i32
        %dma_wait3A_169 = tpu.memref_slice %arg5[%dma_wait3A_168] : memref<1651712xi32, #tpu.memory_space<hbm>> -> memref<800xi32, #tpu.memory_space<hbm>>
        %dma_wait3A_170 = arith.constant 0 : i32
        %dma_wait3A_171 = tpu.memref_slice %arg5[%dma_wait3A_170] : memref<1651712xi32, #tpu.memory_space<hbm>> -> memref<800xi32, #tpu.memory_space<hbm>>
        %dma_wait3A_172 = arith.constant 0 : i32
        %dma_wait3A_173 = tpu.memref_slice %arg11[%dma_wait3A_172] : memref<1600xi32, #tpu.memory_space<vmem>> -> memref<800xi32, #tpu.memory_space<vmem>>
        tpu.wait_dma2 semaphore(%arg15 : memref<!tpu.dma_semaphore, #tpu.memory_space<semaphore_mem>>) src(%dma_wait3A_173 : memref<800xi32, #tpu.memory_space<vmem>>) dst(%dma_wait3A_171 : memref<800xi32, #tpu.memory_space<hbm>>)
        %dma_wait3A_174 = arith.constant 0 : i32
        %dma_wait3A_175 = tpu.memref_slice %arg12[%dma_wait3A_174] : memref<1600xi32, #tpu.memory_space<vmem>> -> memref<800xi32, #tpu.memory_space<vmem>>
        %dma_wait3A_176 = arith.constant 0 : i32
        %dma_wait3A_177 = tpu.memref_slice %arg6[%dma_wait3A_176] : memref<1651712xi32, #tpu.memory_space<hbm>> -> memref<800xi32, #tpu.memory_space<hbm>>
        %dma_wait3A_178 = arith.constant 0 : i32
        %dma_wait3A_179 = tpu.memref_slice %arg6[%dma_wait3A_178] : memref<1651712xi32, #tpu.memory_space<hbm>> -> memref<800xi32, #tpu.memory_space<hbm>>
        %dma_wait3A_180 = arith.constant 0 : i32
        %dma_wait3A_181 = tpu.memref_slice %arg12[%dma_wait3A_180] : memref<1600xi32, #tpu.memory_space<vmem>> -> memref<800xi32, #tpu.memory_space<vmem>>
        tpu.wait_dma2 semaphore(%arg15 : memref<!tpu.dma_semaphore, #tpu.memory_space<semaphore_mem>>) src(%dma_wait3A_181 : memref<800xi32, #tpu.memory_space<vmem>>) dst(%dma_wait3A_179 : memref<800xi32, #tpu.memory_space<hbm>>)
      } else {
      }
      %dma_wait3A_105 = tpu.memref_slice %arg2[%mul3A_99] : memref<1600000xi32, #tpu.memory_space<hbm>> -> memref<800xi32, #tpu.memory_space<hbm>>
      %dma_wait3A_106 = tpu.memref_slice %arg2[%mul3A_99] : memref<1600000xi32, #tpu.memory_space<hbm>> -> memref<800xi32, #tpu.memory_space<hbm>>
      tpu.wait_dma2 semaphore(%arg14 : memref<!tpu.dma_semaphore, #tpu.memory_space<semaphore_mem>>) src(%dma_wait3A_106 : memref<800xi32, #tpu.memory_space<hbm>>) dst(%arg8 : memref<800xi32, #tpu.memory_space<vmem>>)
      %dma_wait3A_107 = tpu.memref_slice %arg3[%mul3A_99] : memref<1600000xi32, #tpu.memory_space<hbm>> -> memref<800xi32, #tpu.memory_space<hbm>>
      %dma_wait3A_108 = tpu.memref_slice %arg3[%mul3A_99] : memref<1600000xi32, #tpu.memory_space<hbm>> -> memref<800xi32, #tpu.memory_space<hbm>>
      tpu.wait_dma2 semaphore(%arg14 : memref<!tpu.dma_semaphore, #tpu.memory_space<semaphore_mem>>) src(%dma_wait3A_108 : memref<800xi32, #tpu.memory_space<hbm>>) dst(%arg9 : memref<800xi32, #tpu.memory_space<vmem>>)
      %scan3A_109 = arith.constant 0 : i32
      %scan3A_110 = arith.constant 0 : i32
      %scan3A_111 = arith.constant 50 : i32
      %scan3A_112 = arith.addi %scan3A_110, %scan3A_111 : i32
      %scan3A_113 = arith.constant 1 : i32
      %scan3A_114 = scf.for %scan3A_166 = %scan3A_110 to %scan3A_112 step %scan3A_113 iter_args(%scan3A_167 = %scan3A_109) -> (i32)  : i32 {
        %mul3A_168 = arith.constant 16 : i32
        %mul3A_169 = arith.muli %scan3A_166, %mul3A_168 : i32
        %get3A = arith.index_cast %mul3A_169 : i32 to index
        %get3A_170 = tpu.vector_load %arg8[%get3A] {strides = array<i32>} : memref<800xi32, #tpu.memory_space<vmem>>, vector<16xi32>,
        %mul3A_171 = arith.constant 16 : i32
        %mul3A_172 = arith.muli %scan3A_166, %mul3A_171 : i32
        %get3A_173 = arith.index_cast %mul3A_172 : i32 to index
        %get3A_174 = tpu.vector_load %arg9[%get3A_173] {strides = array<i32>} : memref<800xi32, #tpu.memory_space<vmem>>, vector<16xi32>,
        %sub3A_175 = vector.broadcast %mul3A_0 : i32 to vector<16xi32>
        %sub3A_176 = arith.subi %get3A_170, %sub3A_175 : vector<16xi32>
        %ge3A = arith.constant 0 : i32
        %ge3A_177 = vector.broadcast %ge3A : i32 to vector<16xi32>
        %ge3A_178 = arith.cmpi sge, %sub3A_176, %ge3A_177 : vector<16xi32>
        %lt3A_179 = arith.constant 50000 : i32
        %lt3A_180 = vector.broadcast %lt3A_179 : i32 to vector<16xi32>
        %lt3A_181 = arith.cmpi slt, %sub3A_176, %lt3A_180 : vector<16xi32>
        %and3A_182 = arith.andi %ge3A_178, %lt3A_181 : vector<16xi1>
        %convert_element_type3A_183 = arith.extui %and3A_182 : vector<16xi1> to vector<16xi32>
        %and3A_184 = arith.constant 1023 : i32
        %and3A_185 = vector.broadcast %and3A_184 : i32 to vector<16xi32>
        %and3A_186 = arith.andi %get3A_170, %and3A_185 : vector<16xi32>
        %add3A_187 = arith.constant 50000 : i32
        %add3A_188 = vector.broadcast %add3A_187 : i32 to vector<16xi32>
        %add3A_189 = arith.addi %add3A_188, %and3A_186 : vector<16xi32>
        %select_n3A_190 = arith.select %and3A_182, %sub3A_176, %add3A_189 : vector<16xi1>, vector<16xi32>
        %mul3A_191 = arith.constant 16 : i32
        %mul3A_192 = arith.muli %scan3A_166, %mul3A_191 : i32
        %swap3A_193 = arith.index_cast %mul3A_192 : i32 to index
        %swap3A_194 = tpu.vector_load %arg8[%swap3A_193] {strides = array<i32>} : memref<800xi32, #tpu.memory_space<vmem>>, vector<16xi32>,
        tpu.vector_store %arg8[%swap3A_193], %select_n3A_190 {strides = array<i32>} : memref<800xi32, #tpu.memory_space<vmem>>, vector<16xi32>,
        %broadcast_in_dim3A_195 = arith.constant true
        %broadcast_in_dim3A_196 = vector.broadcast %broadcast_in_dim3A_195 : i1 to vector<16xi1>
        %masked_cumsum3A = tpu.scan <sum>, %convert_element_type3A_183 masked %broadcast_in_dim3A_196 : vector<16xi32>, vector<16xi1> -> vector<16xi32>
        %add3A_197 = vector.broadcast %scan3A_167 : i32 to vector<16xi32>
        %add3A_198 = arith.addi %add3A_197, %masked_cumsum3A : vector<16xi32>
        %sub3A_199 = arith.subi %add3A_198, %convert_element_type3A_183 : vector<16xi32>
        tpu.vector_store_idx %arg11[%sub3A_199], %get3A_174 masked %and3A_182 : memref<1600xi32, #tpu.memory_space<vmem>>[vector<16xi32>], vector<16xi32>, vector<16xi1>
        tpu.vector_store_idx %arg12[%sub3A_199], %sub3A_176 masked %and3A_182 : memref<1600xi32, #tpu.memory_space<vmem>>[vector<16xi32>], vector<16xi32>, vector<16xi1>
        %reduce_max3A = arith.constant true
        %reduce_max3A_200 = vector.broadcast %reduce_max3A : i1 to vector<16xi1>
        %reduce_max3A_201 = arith.constant -2147483648 : i32
        %reduce_max3A_202 = vector.broadcast %reduce_max3A_201 : i32 to vector<16xi32>
        %reduce_max3A_203 = arith.xori %masked_cumsum3A, %reduce_max3A_202 : vector<16xi32>
        %reduce_max3A_204 = tpu.scan <max>, %reduce_max3A_203 masked %reduce_max3A_200 : vector<16xi32>, vector<16xi1> -> vector<16xi32>
        %reduce_max3A_205 = arith.xori %reduce_max3A_204, %reduce_max3A_202 : vector<16xi32>
        %reduce_max3A_206 = vector.extract %reduce_max3A_205[15] : i32 from vector<16xi32>
        %add3A_207 = arith.addi %scan3A_167, %reduce_max3A_206 : i32
        scf.yield %add3A_207 : i32
      }
      %scan3A_115 = arith.constant 50 : i32
      "tpu.region"() ({
        %run_scoped3A = tpu.sem_alloc : memref<!tpu.dma_semaphore, #tpu.memory_space<semaphore_mem>>
        %dma_start3A_166 = arith.constant 0 : i32
        %dma_start3A_167 = tpu.memref_slice %arg16[%dma_start3A_166] : memref<51200xf32, #tpu.memory_space<vmem_shared>> -> memref<51200xf32, #tpu.memory_space<vmem_shared>>
        tpu.enqueue_indirect_dma source(%arg10 : memref<800xf32, #tpu.memory_space<vmem>>) target(%dma_start3A_167 : memref<51200xf32, #tpu.memory_space<vmem_shared>>) offsets(%arg8 : memref<800xi32, #tpu.memory_space<vmem>>) semaphore(%run_scoped3A : memref<!tpu.dma_semaphore, #tpu.memory_space<semaphore_mem>>) {add = true}
        %dma_wait3A_168 = arith.constant 0 : i32
        %dma_wait3A_169 = tpu.memref_slice %arg16[%dma_wait3A_168] : memref<51200xf32, #tpu.memory_space<vmem_shared>> -> memref<51200xf32, #tpu.memory_space<vmem_shared>>
        tpu.wait_indirect_dma semaphore(%run_scoped3A : memref<!tpu.dma_semaphore, #tpu.memory_space<semaphore_mem>>) src(%arg10 : memref<800xf32, #tpu.memory_space<vmem>>) dst(%dma_wait3A_169 : memref<51200xf32, #tpu.memory_space<vmem_shared>>)
        tpu.yield
      }) : () -> ()
      %add3A_116 = arith.constant 7 : i32
      %add3A_117 = arith.addi %scan3A_114, %add3A_116 : i32
      %jit3A = arith.constant 8 : i32
      %div3A = arith.divsi %add3A_117, %jit3A : i32
      %sign3A = arith.constant 0 : i32
      %sign3A_118 = arith.cmpi sgt, %add3A_117, %sign3A : i32
      %sign3A_119 = arith.extui %sign3A_118 : i1 to i32
      %sign3A_120 = arith.constant 0 : i32
      %sign3A_121 = arith.cmpi slt, %add3A_117, %sign3A_120 : i32
      %sign3A_122 = arith.extui %sign3A_121 : i1 to i32
      %sign3A_123 = arith.subi %sign3A_119, %sign3A_122 : i32
      %sign3A_124 = arith.constant 0 : i32
      %sign3A_125 = arith.cmpi sgt, %jit3A, %sign3A_124 : i32
      %sign3A_126 = arith.extui %sign3A_125 : i1 to i32
      %sign3A_127 = arith.constant 0 : i32
      %sign3A_128 = arith.cmpi slt, %jit3A, %sign3A_127 : i32
      %sign3A_129 = arith.extui %sign3A_128 : i1 to i32
      %sign3A_130 = arith.subi %sign3A_126, %sign3A_129 : i32
      %ne3A = arith.cmpi ne, %sign3A_123, %sign3A_130 : i32
      %rem3A = arith.remsi %add3A_117, %jit3A : i32
      %ne3A_131 = arith.constant 0 : i32
      %ne3A_132 = arith.cmpi ne, %rem3A, %ne3A_131 : i32
      %and3A = arith.andi %ne3A, %ne3A_132 : i1
      %sub3A = arith.constant 1 : i32
      %sub3A_133 = arith.subi %div3A, %sub3A : i32
      %select_n3A = arith.select %and3A, %sub3A_133, %div3A : i32
      %mul3A_134 = arith.constant 8 : i32
      %mul3A_135 = arith.muli %select_n3A, %mul3A_134 : i32
      %add3A_136 = vector.broadcast %scan3A_114 : i32 to vector<16xi32>
      %add3A_137 = arith.addi %add3A_136, %iota3A : vector<16xi32>
      %lt3A = vector.broadcast %mul3A_135 : i32 to vector<16xi32>
      %lt3A_138 = arith.cmpi slt, %add3A_137, %lt3A : vector<16xi32>
      %add3A_139 = vector.broadcast %scan3A_114 : i32 to vector<16xi32>
      %add3A_140 = arith.addi %add3A_139, %iota3A : vector<16xi32>
      %broadcast_in_dim3A_141 = arith.constant 0 : i32
      %broadcast_in_dim3A_142 = vector.broadcast %broadcast_in_dim3A_141 : i32 to vector<16xi32>
      tpu.vector_store_idx %arg11[%add3A_140], %broadcast_in_dim3A_142 masked %lt3A_138 : memref<1600xi32, #tpu.memory_space<vmem>>[vector<16xi32>], vector<16xi32>, vector<16xi1>
      %add3A_143 = vector.broadcast %arg1 : i32 to vector<16xi32>
      %add3A_144 = arith.addi %add3A_140, %add3A_143 : vector<16xi32>
      %and3A_145 = arith.constant 1023 : i32
      %and3A_146 = vector.broadcast %and3A_145 : i32 to vector<16xi32>
      %and3A_147 = arith.andi %add3A_144, %and3A_146 : vector<16xi32>
      %add3A_148 = arith.constant 50000 : i32
      %add3A_149 = vector.broadcast %add3A_148 : i32 to vector<16xi32>
      %add3A_150 = arith.addi %add3A_149, %and3A_147 : vector<16xi32>
      tpu.vector_store_idx %arg12[%add3A_140], %add3A_150 masked %lt3A_138 : memref<1600xi32, #tpu.memory_space<vmem>>[vector<16xi32>], vector<16xi32>, vector<16xi1>
      %add3A_151 = arith.addi %mul3A_4, %scan3A_94 : i32
      %multiple_of3A_152 = tpu.assume_multiple %add3A_151, 8 : i32
      %dma_start3A_153 = arith.constant 0 : i32
      %dma_start3A_154 = tpu.memref_slice %arg11[%dma_start3A_153] : memref<1600xi32, #tpu.memory_space<vmem>> -> memref<800xi32, #tpu.memory_space<vmem>>
      %dma_start3A_155 = tpu.memref_slice %arg5[%multiple_of3A_152] : memref<1651712xi32, #tpu.memory_space<hbm>> -> memref<800xi32, #tpu.memory_space<hbm>>
      %dma_start3A_156 = tpu.memref_slice %arg5[%multiple_of3A_152] : memref<1651712xi32, #tpu.memory_space<hbm>> -> memref<800xi32, #tpu.memory_space<hbm>>
      %dma_start3A_157 = arith.constant 0 : i32
      %dma_start3A_158 = tpu.memref_slice %arg11[%dma_start3A_157] : memref<1600xi32, #tpu.memory_space<vmem>> -> memref<800xi32, #tpu.memory_space<vmem>>
      tpu.enqueue_dma source(%dma_start3A_158 : memref<800xi32, #tpu.memory_space<vmem>>) target(%dma_start3A_156 : memref<800xi32, #tpu.memory_space<hbm>>) target_semaphore(%arg15 : memref<!tpu.dma_semaphore, #tpu.memory_space<semaphore_mem>>)
      %dma_start3A_159 = arith.constant 0 : i32
      %dma_start3A_160 = tpu.memref_slice %arg12[%dma_start3A_159] : memref<1600xi32, #tpu.memory_space<vmem>> -> memref<800xi32, #tpu.memory_space<vmem>>
      %dma_start3A_161 = tpu.memref_slice %arg6[%multiple_of3A_152] : memref<1651712xi32, #tpu.memory_space<hbm>> -> memref<800xi32, #tpu.memory_space<hbm>>
      %dma_start3A_162 = tpu.memref_slice %arg6[%multiple_of3A_152] : memref<1651712xi32, #tpu.memory_space<hbm>> -> memref<800xi32, #tpu.memory_space<hbm>>
      %dma_start3A_163 = arith.constant 0 : i32
      %dma_start3A_164 = tpu.memref_slice %arg12[%dma_start3A_163] : memref<1600xi32, #tpu.memory_space<vmem>> -> memref<800xi32, #tpu.memory_space<vmem>>
      tpu.enqueue_dma source(%dma_start3A_164 : memref<800xi32, #tpu.memory_space<vmem>>) target(%dma_start3A_162 : memref<800xi32, #tpu.memory_space<hbm>>) target_semaphore(%arg15 : memref<!tpu.dma_semaphore, #tpu.memory_space<semaphore_mem>>)
      %add3A_165 = arith.addi %scan3A_94, %mul3A_135 : i32
      scf.yield %add3A_165 : i32
    }
    %scan3A_34 = arith.constant 125 : i32
    %dma_wait3A = arith.constant 0 : i32
    %dma_wait3A_35 = tpu.memref_slice %arg11[%dma_wait3A] : memref<1600xi32, #tpu.memory_space<vmem>> -> memref<800xi32, #tpu.memory_space<vmem>>
    %dma_wait3A_36 = arith.constant 0 : i32
    %dma_wait3A_37 = tpu.memref_slice %arg5[%dma_wait3A_36] : memref<1651712xi32, #tpu.memory_space<hbm>> -> memref<800xi32, #tpu.memory_space<hbm>>
    %dma_wait3A_38 = arith.constant 0 : i32
    %dma_wait3A_39 = tpu.memref_slice %arg5[%dma_wait3A_38] : memref<1651712xi32, #tpu.memory_space<hbm>> -> memref<800xi32, #tpu.memory_space<hbm>>
    %dma_wait3A_40 = arith.constant 0 : i32
    %dma_wait3A_41 = tpu.memref_slice %arg11[%dma_wait3A_40] : memref<1600xi32, #tpu.memory_space<vmem>> -> memref<800xi32, #tpu.memory_space<vmem>>
    tpu.wait_dma2 semaphore(%arg15 : memref<!tpu.dma_semaphore, #tpu.memory_space<semaphore_mem>>) src(%dma_wait3A_41 : memref<800xi32, #tpu.memory_space<vmem>>) dst(%dma_wait3A_39 : memref<800xi32, #tpu.memory_space<hbm>>)
    %dma_wait3A_42 = arith.constant 0 : i32
    %dma_wait3A_43 = tpu.memref_slice %arg12[%dma_wait3A_42] : memref<1600xi32, #tpu.memory_space<vmem>> -> memref<800xi32, #tpu.memory_space<vmem>>
    %dma_wait3A_44 = arith.constant 0 : i32
    %dma_wait3A_45 = tpu.memref_slice %arg6[%dma_wait3A_44] : memref<1651712xi32, #tpu.memory_space<hbm>> -> memref<800xi32, #tpu.memory_space<hbm>>
    %dma_wait3A_46 = arith.constant 0 : i32
    %dma_wait3A_47 = tpu.memref_slice %arg6[%dma_wait3A_46] : memref<1651712xi32, #tpu.memory_space<hbm>> -> memref<800xi32, #tpu.memory_space<hbm>>
    %dma_wait3A_48 = arith.constant 0 : i32
    %dma_wait3A_49 = tpu.memref_slice %arg12[%dma_wait3A_48] : memref<1600xi32, #tpu.memory_space<vmem>> -> memref<800xi32, #tpu.memory_space<vmem>>
    tpu.wait_dma2 semaphore(%arg15 : memref<!tpu.dma_semaphore, #tpu.memory_space<semaphore_mem>>) src(%dma_wait3A_49 : memref<800xi32, #tpu.memory_space<vmem>>) dst(%dma_wait3A_47 : memref<800xi32, #tpu.memory_space<hbm>>)
    %scan3A_50 = arith.constant 0 : i32
    %scan3A_51 = arith.constant 0 : i32
    %scan3A_52 = arith.constant 50 : i32
    %scan3A_53 = arith.addi %scan3A_51, %scan3A_52 : i32
    %scan3A_54 = arith.constant 1 : i32
    %scan3A_55 = scf.for %scan3A_93 = %scan3A_51 to %scan3A_53 step %scan3A_54 iter_args(%scan3A_94 = %scan3A_50) -> (i32)  : i32 {
      %mul3A_95 = arith.constant 16 : i32
      %mul3A_96 = arith.muli %scan3A_93, %mul3A_95 : i32
      %add3A_97 = vector.broadcast %mul3A_96 : i32 to vector<16xi32>
      %add3A_98 = arith.addi %add3A_97, %iota3A : vector<16xi32>
      %broadcast_in_dim3A_99 = arith.constant 0 : i32
      %broadcast_in_dim3A_100 = vector.broadcast %broadcast_in_dim3A_99 : i32 to vector<16xi32>
      %mul3A_101 = arith.constant 16 : i32
      %mul3A_102 = arith.muli %scan3A_93, %mul3A_101 : i32
      %swap3A_103 = arith.index_cast %mul3A_102 : i32 to index
      %swap3A_104 = tpu.vector_load %arg11[%swap3A_103] {strides = array<i32>} : memref<1600xi32, #tpu.memory_space<vmem>>, vector<16xi32>,
      tpu.vector_store %arg11[%swap3A_103], %broadcast_in_dim3A_100 {strides = array<i32>} : memref<1600xi32, #tpu.memory_space<vmem>>, vector<16xi32>,
      %add3A_105 = vector.broadcast %arg1 : i32 to vector<16xi32>
      %add3A_106 = arith.addi %add3A_98, %add3A_105 : vector<16xi32>
      %and3A = arith.constant 1023 : i32
      %and3A_107 = vector.broadcast %and3A : i32 to vector<16xi32>
      %and3A_108 = arith.andi %add3A_106, %and3A_107 : vector<16xi32>
      %add3A_109 = arith.constant 50000 : i32
      %add3A_110 = vector.broadcast %add3A_109 : i32 to vector<16xi32>
      %add3A_111 = arith.addi %add3A_110, %and3A_108 : vector<16xi32>
      %mul3A_112 = arith.constant 16 : i32
      %mul3A_113 = arith.muli %scan3A_93, %mul3A_112 : i32
      %swap3A_114 = arith.index_cast %mul3A_113 : i32 to index
      %swap3A_115 = tpu.vector_load %arg12[%swap3A_114] {strides = array<i32>} : memref<1600xi32, #tpu.memory_space<vmem>>, vector<16xi32>,
      tpu.vector_store %arg12[%swap3A_114], %add3A_111 {strides = array<i32>} : memref<1600xi32, #tpu.memory_space<vmem>>, vector<16xi32>,
      %scan3A_116 = arith.constant 0 : i32
      scf.yield %scan3A_116 : i32
    }
    %scan3A_56 = arith.constant 50 : i32
    %add3A_57 = arith.addi %mul3A_4, %scan3A_33 : i32
    %multiple_of3A = tpu.assume_multiple %add3A_57, 8 : i32
    "tpu.region"() ({
      %run_scoped3A = tpu.sem_alloc : memref<!tpu.dma_semaphore, #tpu.memory_space<semaphore_mem>>
      %dma_start3A = arith.constant 0 : i32
      %dma_start3A_93 = tpu.memref_slice %arg11[%dma_start3A] : memref<1600xi32, #tpu.memory_space<vmem>> -> memref<800xi32, #tpu.memory_space<vmem>>
      %dma_start3A_94 = tpu.memref_slice %arg5[%multiple_of3A] : memref<1651712xi32, #tpu.memory_space<hbm>> -> memref<800xi32, #tpu.memory_space<hbm>>
      %dma_start3A_95 = tpu.memref_slice %arg5[%multiple_of3A] : memref<1651712xi32, #tpu.memory_space<hbm>> -> memref<800xi32, #tpu.memory_space<hbm>>
      %dma_start3A_96 = arith.constant 0 : i32
      %dma_start3A_97 = tpu.memref_slice %arg11[%dma_start3A_96] : memref<1600xi32, #tpu.memory_space<vmem>> -> memref<800xi32, #tpu.memory_space<vmem>>
      tpu.enqueue_dma source(%dma_start3A_97 : memref<800xi32, #tpu.memory_space<vmem>>) target(%dma_start3A_95 : memref<800xi32, #tpu.memory_space<hbm>>) target_semaphore(%run_scoped3A : memref<!tpu.dma_semaphore, #tpu.memory_space<semaphore_mem>>)
      %dma_wait3A_98 = arith.constant 0 : i32
      %dma_wait3A_99 = tpu.memref_slice %arg11[%dma_wait3A_98] : memref<1600xi32, #tpu.memory_space<vmem>> -> memref<800xi32, #tpu.memory_space<vmem>>
      %dma_wait3A_100 = tpu.memref_slice %arg5[%multiple_of3A] : memref<1651712xi32, #tpu.memory_space<hbm>> -> memref<800xi32, #tpu.memory_space<hbm>>
      %dma_wait3A_101 = tpu.memref_slice %arg5[%multiple_of3A] : memref<1651712xi32, #tpu.memory_space<hbm>> -> memref<800xi32, #tpu.memory_space<hbm>>
      %dma_wait3A_102 = arith.constant 0 : i32
      %dma_wait3A_103 = tpu.memref_slice %arg11[%dma_wait3A_102] : memref<1600xi32, #tpu.memory_space<vmem>> -> memref<800xi32, #tpu.memory_space<vmem>>
      tpu.wait_dma2 semaphore(%run_scoped3A : memref<!tpu.dma_semaphore, #tpu.memory_space<semaphore_mem>>) src(%dma_wait3A_103 : memref<800xi32, #tpu.memory_space<vmem>>) dst(%dma_wait3A_101 : memref<800xi32, #tpu.memory_space<hbm>>)
      tpu.yield
    }) : () -> ()
    "tpu.region"() ({
      %run_scoped3A = tpu.sem_alloc : memref<!tpu.dma_semaphore, #tpu.memory_space<semaphore_mem>>
      %dma_start3A = arith.constant 0 : i32
      %dma_start3A_93 = tpu.memref_slice %arg12[%dma_start3A] : memref<1600xi32, #tpu.memory_space<vmem>> -> memref<800xi32, #tpu.memory_space<vmem>>
      %dma_start3A_94 = tpu.memref_slice %arg6[%multiple_of3A] : memref<1651712xi32, #tpu.memory_space<hbm>> -> memref<800xi32, #tpu.memory_space<hbm>>
      %dma_start3A_95 = tpu.memref_slice %arg6[%multiple_of3A] : memref<1651712xi32, #tpu.memory_space<hbm>> -> memref<800xi32, #tpu.memory_space<hbm>>
      %dma_start3A_96 = arith.constant 0 : i32
      %dma_start3A_97 = tpu.memref_slice %arg12[%dma_start3A_96] : memref<1600xi32, #tpu.memory_space<vmem>> -> memref<800xi32, #tpu.memory_space<vmem>>
      tpu.enqueue_dma source(%dma_start3A_97 : memref<800xi32, #tpu.memory_space<vmem>>) target(%dma_start3A_95 : memref<800xi32, #tpu.memory_space<hbm>>) target_semaphore(%run_scoped3A : memref<!tpu.dma_semaphore, #tpu.memory_space<semaphore_mem>>)
      %dma_wait3A_98 = arith.constant 0 : i32
      %dma_wait3A_99 = tpu.memref_slice %arg12[%dma_wait3A_98] : memref<1600xi32, #tpu.memory_space<vmem>> -> memref<800xi32, #tpu.memory_space<vmem>>
      %dma_wait3A_100 = tpu.memref_slice %arg6[%multiple_of3A] : memref<1651712xi32, #tpu.memory_space<hbm>> -> memref<800xi32, #tpu.memory_space<hbm>>
      %dma_wait3A_101 = tpu.memref_slice %arg6[%multiple_of3A] : memref<1651712xi32, #tpu.memory_space<hbm>> -> memref<800xi32, #tpu.memory_space<hbm>>
      %dma_wait3A_102 = arith.constant 0 : i32
      %dma_wait3A_103 = tpu.memref_slice %arg12[%dma_wait3A_102] : memref<1600xi32, #tpu.memory_space<vmem>> -> memref<800xi32, #tpu.memory_space<vmem>>
      tpu.wait_dma2 semaphore(%run_scoped3A : memref<!tpu.dma_semaphore, #tpu.memory_space<semaphore_mem>>) src(%dma_wait3A_103 : memref<800xi32, #tpu.memory_space<vmem>>) dst(%dma_wait3A_101 : memref<800xi32, #tpu.memory_space<hbm>>)
      tpu.yield
    }) : () -> ()
    %broadcast_in_dim3A = arith.constant 0 : i32
    %broadcast_in_dim3A_58 = vector.broadcast %broadcast_in_dim3A : i32 to vector<16xi32>
    %add3A_59 = vector.broadcast %scan3A_33 : i32 to vector<16xi32>
    %add3A_60 = arith.addi %broadcast_in_dim3A_58, %add3A_59 : vector<16xi32>
    %swap3A = arith.constant 0 : index
    %swap3A_61 = tpu.vector_load %arg13[%swap3A] {strides = array<i32>} : memref<16xi32, #tpu.memory_space<vmem>>, vector<16xi32>,
    tpu.vector_store %arg13[%swap3A], %add3A_60 {strides = array<i32>} : memref<16xi32, #tpu.memory_space<vmem>>, vector<16xi32>,
    %mul3A_62 = arith.constant 16 : i32
    %mul3A_63 = arith.muli %add3A, %mul3A_62 : i32
    "tpu.region"() ({
      %run_scoped3A = tpu.sem_alloc : memref<!tpu.dma_semaphore, #tpu.memory_space<semaphore_mem>>
      %dma_start3A = tpu.memref_slice %arg7[%mul3A_63] : memref<512xi32, #tpu.memory_space<hbm>> -> memref<16xi32, #tpu.memory_space<hbm>>
      %dma_start3A_93 = tpu.memref_slice %arg7[%mul3A_63] : memref<512xi32, #tpu.memory_space<hbm>> -> memref<16xi32, #tpu.memory_space<hbm>>
      tpu.enqueue_dma source(%arg13 : memref<16xi32, #tpu.memory_space<vmem>>) target(%dma_start3A_93 : memref<16xi32, #tpu.memory_space<hbm>>) target_semaphore(%run_scoped3A : memref<!tpu.dma_semaphore, #tpu.memory_space<semaphore_mem>>)
      %dma_wait3A_94 = tpu.memref_slice %arg7[%mul3A_63] : memref<512xi32, #tpu.memory_space<hbm>> -> memref<16xi32, #tpu.memory_space<hbm>>
      %dma_wait3A_95 = tpu.memref_slice %arg7[%mul3A_63] : memref<512xi32, #tpu.memory_space<hbm>> -> memref<16xi32, #tpu.memory_space<hbm>>
      tpu.wait_dma2 semaphore(%run_scoped3A : memref<!tpu.dma_semaphore, #tpu.memory_space<semaphore_mem>>) src(%arg13 : memref<16xi32, #tpu.memory_space<vmem>>) dst(%dma_wait3A_95 : memref<16xi32, #tpu.memory_space<hbm>>)
      tpu.yield
    }) : () -> ()
    %barrier3A_64 = arith.constant 0 : index
    tpu.barrier barrier_id(%barrier3A_64)
    %add3A_65 = arith.constant 0 : i32
    %add3A_66 = arith.addi %mul3A_12, %add3A_65 : i32
    "tpu.region"() ({
      %run_scoped3A = tpu.sem_alloc : memref<!tpu.dma_semaphore, #tpu.memory_space<semaphore_mem>>
      %dma_start3A = arith.constant 0 : i32
      %dma_start3A_93 = tpu.memref_slice %arg10[%dma_start3A] : memref<800xf32, #tpu.memory_space<vmem>> -> memref<800xf32, #tpu.memory_space<vmem>>
      %dma_start3A_94 = tpu.memref_slice %arg16[%add3A_66] : memref<51200xf32, #tpu.memory_space<vmem_shared>> -> memref<800xf32, #tpu.memory_space<vmem_shared>>
      %dma_start3A_95 = arith.constant 0 : i32
      %dma_start3A_96 = tpu.memref_slice %arg10[%dma_start3A_95] : memref<800xf32, #tpu.memory_space<vmem>> -> memref<800xf32, #tpu.memory_space<vmem>>
      %dma_start3A_97 = tpu.memref_slice %arg16[%add3A_66] : memref<51200xf32, #tpu.memory_space<vmem_shared>> -> memref<800xf32, #tpu.memory_space<vmem_shared>>
      tpu.enqueue_dma source(%dma_start3A_97 : memref<800xf32, #tpu.memory_space<vmem_shared>>) target(%dma_start3A_96 : memref<800xf32, #tpu.memory_space<vmem>>) target_semaphore(%run_scoped3A : memref<!tpu.dma_semaphore, #tpu.memory_space<semaphore_mem>>)
      %dma_wait3A_98 = arith.constant 0 : i32
      %dma_wait3A_99 = tpu.memref_slice %arg10[%dma_wait3A_98] : memref<800xf32, #tpu.memory_space<vmem>> -> memref<800xf32, #tpu.memory_space<vmem>>
      %dma_wait3A_100 = tpu.memref_slice %arg16[%add3A_66] : memref<51200xf32, #tpu.memory_space<vmem_shared>> -> memref<800xf32, #tpu.memory_space<vmem_shared>>
      %dma_wait3A_101 = arith.constant 0 : i32
      %dma_wait3A_102 = tpu.memref_slice %arg10[%dma_wait3A_101] : memref<800xf32, #tpu.memory_space<vmem>> -> memref<800xf32, #tpu.memory_space<vmem>>
      %dma_wait3A_103 = tpu.memref_slice %arg16[%add3A_66] : memref<51200xf32, #tpu.memory_space<vmem_shared>> -> memref<800xf32, #tpu.memory_space<vmem_shared>>
      tpu.wait_dma2 semaphore(%run_scoped3A : memref<!tpu.dma_semaphore, #tpu.memory_space<semaphore_mem>>) src(%dma_wait3A_103 : memref<800xf32, #tpu.memory_space<vmem_shared>>) dst(%dma_wait3A_102 : memref<800xf32, #tpu.memory_space<vmem>>)
      tpu.yield
    }) : () -> ()
    %mul3A_67 = arith.constant 50176 : i32
    %mul3A_68 = arith.muli %arg0, %mul3A_67 : i32
    %add3A_69 = arith.addi %mul3A_68, %mul3A_12 : i32
    %add3A_70 = arith.constant 0 : i32
    %add3A_71 = arith.addi %add3A_69, %add3A_70 : i32
    "tpu.region"() ({
      %run_scoped3A = tpu.sem_alloc : memref<!tpu.dma_semaphore, #tpu.memory_space<semaphore_mem>>
      %dma_start3A = arith.constant 0 : i32
      %dma_start3A_93 = tpu.memref_slice %arg10[%dma_start3A] : memref<800xf32, #tpu.memory_space<vmem>> -> memref<800xf32, #tpu.memory_space<vmem>>
      %dma_start3A_94 = tpu.memref_slice %arg4[%add3A_71] : memref<100352xf32, #tpu.memory_space<hbm>> -> memref<800xf32, #tpu.memory_space<hbm>>
      %dma_start3A_95 = tpu.memref_slice %arg4[%add3A_71] : memref<100352xf32, #tpu.memory_space<hbm>> -> memref<800xf32, #tpu.memory_space<hbm>>
      %dma_start3A_96 = arith.constant 0 : i32
      %dma_start3A_97 = tpu.memref_slice %arg10[%dma_start3A_96] : memref<800xf32, #tpu.memory_space<vmem>> -> memref<800xf32, #tpu.memory_space<vmem>>
      tpu.enqueue_dma source(%dma_start3A_97 : memref<800xf32, #tpu.memory_space<vmem>>) target(%dma_start3A_95 : memref<800xf32, #tpu.memory_space<hbm>>) target_semaphore(%run_scoped3A : memref<!tpu.dma_semaphore, #tpu.memory_space<semaphore_mem>>)
      %dma_wait3A_98 = arith.constant 0 : i32
      %dma_wait3A_99 = tpu.memref_slice %arg10[%dma_wait3A_98] : memref<800xf32, #tpu.memory_space<vmem>> -> memref<800xf32, #tpu.memory_space<vmem>>
      %dma_wait3A_100 = tpu.memref_slice %arg4[%add3A_71] : memref<100352xf32, #tpu.memory_space<hbm>> -> memref<800xf32, #tpu.memory_space<hbm>>
      %dma_wait3A_101 = tpu.memref_slice %arg4[%add3A_71] : memref<100352xf32, #tpu.memory_space<hbm>> -> memref<800xf32, #tpu.memory_space<hbm>>
      %dma_wait3A_102 = arith.constant 0 : i32
      %dma_wait3A_103 = tpu.memref_slice %arg10[%dma_wait3A_102] : memref<800xf32, #tpu.memory_space<vmem>> -> memref<800xf32, #tpu.memory_space<vmem>>
      tpu.wait_dma2 semaphore(%run_scoped3A : memref<!tpu.dma_semaphore, #tpu.memory_space<semaphore_mem>>) src(%dma_wait3A_103 : memref<800xf32, #tpu.memory_space<vmem>>) dst(%dma_wait3A_101 : memref<800xf32, #tpu.memory_space<hbm>>)
      tpu.yield
    }) : () -> ()
    %add3A_72 = arith.constant 800 : i32
    %add3A_73 = arith.addi %mul3A_12, %add3A_72 : i32
    "tpu.region"() ({
      %run_scoped3A = tpu.sem_alloc : memref<!tpu.dma_semaphore, #tpu.memory_space<semaphore_mem>>
      %dma_start3A = arith.constant 0 : i32
      %dma_start3A_93 = tpu.memref_slice %arg10[%dma_start3A] : memref<800xf32, #tpu.memory_space<vmem>> -> memref<800xf32, #tpu.memory_space<vmem>>
      %dma_start3A_94 = tpu.memref_slice %arg16[%add3A_73] : memref<51200xf32, #tpu.memory_space<vmem_shared>> -> memref<800xf32, #tpu.memory_space<vmem_shared>>
      %dma_start3A_95 = arith.constant 0 : i32
      %dma_start3A_96 = tpu.memref_slice %arg10[%dma_start3A_95] : memref<800xf32, #tpu.memory_space<vmem>> -> memref<800xf32, #tpu.memory_space<vmem>>
      %dma_start3A_97 = tpu.memref_slice %arg16[%add3A_73] : memref<51200xf32, #tpu.memory_space<vmem_shared>> -> memref<800xf32, #tpu.memory_space<vmem_shared>>
      tpu.enqueue_dma source(%dma_start3A_97 : memref<800xf32, #tpu.memory_space<vmem_shared>>) target(%dma_start3A_96 : memref<800xf32, #tpu.memory_space<vmem>>) target_semaphore(%run_scoped3A : memref<!tpu.dma_semaphore, #tpu.memory_space<semaphore_mem>>)
      %dma_wait3A_98 = arith.constant 0 : i32
      %dma_wait3A_99 = tpu.memref_slice %arg10[%dma_wait3A_98] : memref<800xf32, #tpu.memory_space<vmem>> -> memref<800xf32, #tpu.memory_space<vmem>>
      %dma_wait3A_100 = tpu.memref_slice %arg16[%add3A_73] : memref<51200xf32, #tpu.memory_space<vmem_shared>> -> memref<800xf32, #tpu.memory_space<vmem_shared>>
      %dma_wait3A_101 = arith.constant 0 : i32
      %dma_wait3A_102 = tpu.memref_slice %arg10[%dma_wait3A_101] : memref<800xf32, #tpu.memory_space<vmem>> -> memref<800xf32, #tpu.memory_space<vmem>>
      %dma_wait3A_103 = tpu.memref_slice %arg16[%add3A_73] : memref<51200xf32, #tpu.memory_space<vmem_shared>> -> memref<800xf32, #tpu.memory_space<vmem_shared>>
      tpu.wait_dma2 semaphore(%run_scoped3A : memref<!tpu.dma_semaphore, #tpu.memory_space<semaphore_mem>>) src(%dma_wait3A_103 : memref<800xf32, #tpu.memory_space<vmem_shared>>) dst(%dma_wait3A_102 : memref<800xf32, #tpu.memory_space<vmem>>)
      tpu.yield
    }) : () -> ()
    %mul3A_74 = arith.constant 50176 : i32
    %mul3A_75 = arith.muli %arg0, %mul3A_74 : i32
    %add3A_76 = arith.addi %mul3A_75, %mul3A_12 : i32
    %add3A_77 = arith.constant 800 : i32
    %add3A_78 = arith.addi %add3A_76, %add3A_77 : i32
    "tpu.region"() ({
      %run_scoped3A = tpu.sem_alloc : memref<!tpu.dma_semaphore, #tpu.memory_space<semaphore_mem>>
      %dma_start3A = arith.constant 0 : i32
      %dma_start3A_93 = tpu.memref_slice %arg10[%dma_start3A] : memref<800xf32, #tpu.memory_space<vmem>> -> memref<800xf32, #tpu.memory_space<vmem>>
      %dma_start3A_94 = tpu.memref_slice %arg4[%add3A_78] : memref<100352xf32, #tpu.memory_space<hbm>> -> memref<800xf32, #tpu.memory_space<hbm>>
      %dma_start3A_95 = tpu.memref_slice %arg4[%add3A_78] : memref<100352xf32, #tpu.memory_space<hbm>> -> memref<800xf32, #tpu.memory_space<hbm>>
      %dma_start3A_96 = arith.constant 0 : i32
      %dma_start3A_97 = tpu.memref_slice %arg10[%dma_start3A_96] : memref<800xf32, #tpu.memory_space<vmem>> -> memref<800xf32, #tpu.memory_space<vmem>>
      tpu.enqueue_dma source(%dma_start3A_97 : memref<800xf32, #tpu.memory_space<vmem>>) target(%dma_start3A_95 : memref<800xf32, #tpu.memory_space<hbm>>) target_semaphore(%run_scoped3A : memref<!tpu.dma_semaphore, #tpu.memory_space<semaphore_mem>>)
      %dma_wait3A_98 = arith.constant 0 : i32
      %dma_wait3A_99 = tpu.memref_slice %arg10[%dma_wait3A_98] : memref<800xf32, #tpu.memory_space<vmem>> -> memref<800xf32, #tpu.memory_space<vmem>>
      %dma_wait3A_100 = tpu.memref_slice %arg4[%add3A_78] : memref<100352xf32, #tpu.memory_space<hbm>> -> memref<800xf32, #tpu.memory_space<hbm>>
      %dma_wait3A_101 = tpu.memref_slice %arg4[%add3A_78] : memref<100352xf32, #tpu.memory_space<hbm>> -> memref<800xf32, #tpu.memory_space<hbm>>
      %dma_wait3A_102 = arith.constant 0 : i32
      %dma_wait3A_103 = tpu.memref_slice %arg10[%dma_wait3A_102] : memref<800xf32, #tpu.memory_space<vmem>> -> memref<800xf32, #tpu.memory_space<vmem>>
      tpu.wait_dma2 semaphore(%run_scoped3A : memref<!tpu.dma_semaphore, #tpu.memory_space<semaphore_mem>>) src(%dma_wait3A_103 : memref<800xf32, #tpu.memory_space<vmem>>) dst(%dma_wait3A_101 : memref<800xf32, #tpu.memory_space<hbm>>)
      tpu.yield
    }) : () -> ()
    %add3A_79 = arith.constant 1600 : i32
    %add3A_80 = arith.addi %mul3A_12, %add3A_79 : i32
    "tpu.region"() ({
      %run_scoped3A = tpu.sem_alloc : memref<!tpu.dma_semaphore, #tpu.memory_space<semaphore_mem>>
      %dma_start3A = arith.constant 0 : i32
      %dma_start3A_93 = tpu.memref_slice %arg10[%dma_start3A] : memref<800xf32, #tpu.memory_space<vmem>> -> memref<800xf32, #tpu.memory_space<vmem>>
      %dma_start3A_94 = tpu.memref_slice %arg16[%add3A_80] : memref<51200xf32, #tpu.memory_space<vmem_shared>> -> memref<800xf32, #tpu.memory_space<vmem_shared>>
      %dma_start3A_95 = arith.constant 0 : i32
      %dma_start3A_96 = tpu.memref_slice %arg10[%dma_start3A_95] : memref<800xf32, #tpu.memory_space<vmem>> -> memref<800xf32, #tpu.memory_space<vmem>>
      %dma_start3A_97 = tpu.memref_slice %arg16[%add3A_80] : memref<51200xf32, #tpu.memory_space<vmem_shared>> -> memref<800xf32, #tpu.memory_space<vmem_shared>>
      tpu.enqueue_dma source(%dma_start3A_97 : memref<800xf32, #tpu.memory_space<vmem_shared>>) target(%dma_start3A_96 : memref<800xf32, #tpu.memory_space<vmem>>) target_semaphore(%run_scoped3A : memref<!tpu.dma_semaphore, #tpu.memory_space<semaphore_mem>>)
      %dma_wait3A_98 = arith.constant 0 : i32
      %dma_wait3A_99 = tpu.memref_slice %arg10[%dma_wait3A_98] : memref<800xf32, #tpu.memory_space<vmem>> -> memref<800xf32, #tpu.memory_space<vmem>>
      %dma_wait3A_100 = tpu.memref_slice %arg16[%add3A_80] : memref<51200xf32, #tpu.memory_space<vmem_shared>> -> memref<800xf32, #tpu.memory_space<vmem_shared>>
      %dma_wait3A_101 = arith.constant 0 : i32
      %dma_wait3A_102 = tpu.memref_slice %arg10[%dma_wait3A_101] : memref<800xf32, #tpu.memory_space<vmem>> -> memref<800xf32, #tpu.memory_space<vmem>>
      %dma_wait3A_103 = tpu.memref_slice %arg16[%add3A_80] : memref<51200xf32, #tpu.memory_space<vmem_shared>> -> memref<800xf32, #tpu.memory_space<vmem_shared>>
      tpu.wait_dma2 semaphore(%run_scoped3A : memref<!tpu.dma_semaphore, #tpu.memory_space<semaphore_mem>>) src(%dma_wait3A_103 : memref<800xf32, #tpu.memory_space<vmem_shared>>) dst(%dma_wait3A_102 : memref<800xf32, #tpu.memory_space<vmem>>)
      tpu.yield
    }) : () -> ()
    %mul3A_81 = arith.constant 50176 : i32
    %mul3A_82 = arith.muli %arg0, %mul3A_81 : i32
    %add3A_83 = arith.addi %mul3A_82, %mul3A_12 : i32
    %add3A_84 = arith.constant 1600 : i32
    %add3A_85 = arith.addi %add3A_83, %add3A_84 : i32
    "tpu.region"() ({
      %run_scoped3A = tpu.sem_alloc : memref<!tpu.dma_semaphore, #tpu.memory_space<semaphore_mem>>
      %dma_start3A = arith.constant 0 : i32
      %dma_start3A_93 = tpu.memref_slice %arg10[%dma_start3A] : memref<800xf32, #tpu.memory_space<vmem>> -> memref<800xf32, #tpu.memory_space<vmem>>
      %dma_start3A_94 = tpu.memref_slice %arg4[%add3A_85] : memref<100352xf32, #tpu.memory_space<hbm>> -> memref<800xf32, #tpu.memory_space<hbm>>
      %dma_start3A_95 = tpu.memref_slice %arg4[%add3A_85] : memref<100352xf32, #tpu.memory_space<hbm>> -> memref<800xf32, #tpu.memory_space<hbm>>
      %dma_start3A_96 = arith.constant 0 : i32
      %dma_start3A_97 = tpu.memref_slice %arg10[%dma_start3A_96] : memref<800xf32, #tpu.memory_space<vmem>> -> memref<800xf32, #tpu.memory_space<vmem>>
      tpu.enqueue_dma source(%dma_start3A_97 : memref<800xf32, #tpu.memory_space<vmem>>) target(%dma_start3A_95 : memref<800xf32, #tpu.memory_space<hbm>>) target_semaphore(%run_scoped3A : memref<!tpu.dma_semaphore, #tpu.memory_space<semaphore_mem>>)
      %dma_wait3A_98 = arith.constant 0 : i32
      %dma_wait3A_99 = tpu.memref_slice %arg10[%dma_wait3A_98] : memref<800xf32, #tpu.memory_space<vmem>> -> memref<800xf32, #tpu.memory_space<vmem>>
      %dma_wait3A_100 = tpu.memref_slice %arg4[%add3A_85] : memref<100352xf32, #tpu.memory_space<hbm>> -> memref<800xf32, #tpu.memory_space<hbm>>
      %dma_wait3A_101 = tpu.memref_slice %arg4[%add3A_85] : memref<100352xf32, #tpu.memory_space<hbm>> -> memref<800xf32, #tpu.memory_space<hbm>>
      %dma_wait3A_102 = arith.constant 0 : i32
      %dma_wait3A_103 = tpu.memref_slice %arg10[%dma_wait3A_102] : memref<800xf32, #tpu.memory_space<vmem>> -> memref<800xf32, #tpu.memory_space<vmem>>
      tpu.wait_dma2 semaphore(%run_scoped3A : memref<!tpu.dma_semaphore, #tpu.memory_space<semaphore_mem>>) src(%dma_wait3A_103 : memref<800xf32, #tpu.memory_space<vmem>>) dst(%dma_wait3A_101 : memref<800xf32, #tpu.memory_space<hbm>>)
      tpu.yield
    }) : () -> ()
    %add3A_86 = arith.constant 2400 : i32
    %add3A_87 = arith.addi %mul3A_12, %add3A_86 : i32
    "tpu.region"() ({
      %run_scoped3A = tpu.sem_alloc : memref<!tpu.dma_semaphore, #tpu.memory_space<semaphore_mem>>
      %dma_start3A = arith.constant 0 : i32
      %dma_start3A_93 = tpu.memref_slice %arg10[%dma_start3A] : memref<800xf32, #tpu.memory_space<vmem>> -> memref<736xf32, #tpu.memory_space<vmem>>
      %dma_start3A_94 = tpu.memref_slice %arg16[%add3A_87] : memref<51200xf32, #tpu.memory_space<vmem_shared>> -> memref<736xf32, #tpu.memory_space<vmem_shared>>
      %dma_start3A_95 = arith.constant 0 : i32
      %dma_start3A_96 = tpu.memref_slice %arg10[%dma_start3A_95] : memref<800xf32, #tpu.memory_space<vmem>> -> memref<736xf32, #tpu.memory_space<vmem>>
      %dma_start3A_97 = tpu.memref_slice %arg16[%add3A_87] : memref<51200xf32, #tpu.memory_space<vmem_shared>> -> memref<736xf32, #tpu.memory_space<vmem_shared>>
      tpu.enqueue_dma source(%dma_start3A_97 : memref<736xf32, #tpu.memory_space<vmem_shared>>) target(%dma_start3A_96 : memref<736xf32, #tpu.memory_space<vmem>>) target_semaphore(%run_scoped3A : memref<!tpu.dma_semaphore, #tpu.memory_space<semaphore_mem>>)
      %dma_wait3A_98 = arith.constant 0 : i32
      %dma_wait3A_99 = tpu.memref_slice %arg10[%dma_wait3A_98] : memref<800xf32, #tpu.memory_space<vmem>> -> memref<736xf32, #tpu.memory_space<vmem>>
      %dma_wait3A_100 = tpu.memref_slice %arg16[%add3A_87] : memref<51200xf32, #tpu.memory_space<vmem_shared>> -> memref<736xf32, #tpu.memory_space<vmem_shared>>
      %dma_wait3A_101 = arith.constant 0 : i32
      %dma_wait3A_102 = tpu.memref_slice %arg10[%dma_wait3A_101] : memref<800xf32, #tpu.memory_space<vmem>> -> memref<736xf32, #tpu.memory_space<vmem>>
      %dma_wait3A_103 = tpu.memref_slice %arg16[%add3A_87] : memref<51200xf32, #tpu.memory_space<vmem_shared>> -> memref<736xf32, #tpu.memory_space<vmem_shared>>
      tpu.wait_dma2 semaphore(%run_scoped3A : memref<!tpu.dma_semaphore, #tpu.memory_space<semaphore_mem>>) src(%dma_wait3A_103 : memref<736xf32, #tpu.memory_space<vmem_shared>>) dst(%dma_wait3A_102 : memref<736xf32, #tpu.memory_space<vmem>>)
      tpu.yield
    }) : () -> ()
    %mul3A_88 = arith.constant 50176 : i32
    %mul3A_89 = arith.muli %arg0, %mul3A_88 : i32
    %add3A_90 = arith.addi %mul3A_89, %mul3A_12 : i32
    %add3A_91 = arith.constant 2400 : i32
    %add3A_92 = arith.addi %add3A_90, %add3A_91 : i32
    "tpu.region"() ({
      %run_scoped3A = tpu.sem_alloc : memref<!tpu.dma_semaphore, #tpu.memory_space<semaphore_mem>>
      %dma_start3A = arith.constant 0 : i32
      %dma_start3A_93 = tpu.memref_slice %arg10[%dma_start3A] : memref<800xf32, #tpu.memory_space<vmem>> -> memref<736xf32, #tpu.memory_space<vmem>>
      %dma_start3A_94 = tpu.memref_slice %arg4[%add3A_92] : memref<100352xf32, #tpu.memory_space<hbm>> -> memref<736xf32, #tpu.memory_space<hbm>>
      %dma_start3A_95 = tpu.memref_slice %arg4[%add3A_92] : memref<100352xf32, #tpu.memory_space<hbm>> -> memref<736xf32, #tpu.memory_space<hbm>>
      %dma_start3A_96 = arith.constant 0 : i32
      %dma_start3A_97 = tpu.memref_slice %arg10[%dma_start3A_96] : memref<800xf32, #tpu.memory_space<vmem>> -> memref<736xf32, #tpu.memory_space<vmem>>
      tpu.enqueue_dma source(%dma_start3A_97 : memref<736xf32, #tpu.memory_space<vmem>>) target(%dma_start3A_95 : memref<736xf32, #tpu.memory_space<hbm>>) target_semaphore(%run_scoped3A : memref<!tpu.dma_semaphore, #tpu.memory_space<semaphore_mem>>)
      %dma_wait3A_98 = arith.constant 0 : i32
      %dma_wait3A_99 = tpu.memref_slice %arg10[%dma_wait3A_98] : memref<800xf32, #tpu.memory_space<vmem>> -> memref<736xf32, #tpu.memory_space<vmem>>
      %dma_wait3A_100 = tpu.memref_slice %arg4[%add3A_92] : memref<100352xf32, #tpu.memory_space<hbm>> -> memref<736xf32, #tpu.memory_space<hbm>>
      %dma_wait3A_101 = tpu.memref_slice %arg4[%add3A_92] : memref<100352xf32, #tpu.memory_space<hbm>> -> memref<736xf32, #tpu.memory_space<hbm>>
      %dma_wait3A_102 = arith.constant 0 : i32
      %dma_wait3A_103 = tpu.memref_slice %arg10[%dma_wait3A_102] : memref<800xf32, #tpu.memory_space<vmem>> -> memref<736xf32, #tpu.memory_space<vmem>>
      tpu.wait_dma2 semaphore(%run_scoped3A : memref<!tpu.dma_semaphore, #tpu.memory_space<semaphore_mem>>) src(%dma_wait3A_103 : memref<736xf32, #tpu.memory_space<vmem>>) dst(%dma_wait3A_101 : memref<736xf32, #tpu.memory_space<hbm>>)
      tpu.yield
    }) : () -> ()
    return
  }
}

#map = affine_map<(d0, d1) -> (0, 0)>
#map1 = affine_map<(d0, d1) -> (0)>
module attributes {stable_mosaic.version = 14 : i64} {
  func.func @_sc_scatter(%arg0: i32, %arg1: i32, %arg2: memref<100000x32xf32, #tpu.memory_space<hbm>>, %arg3: memref<1651712xi32, #tpu.memory_space<hbm>>, %arg4: memref<1651712xi32, #tpu.memory_space<hbm>>, %arg5: memref<512xi32, #tpu.memory_space<hbm>>, %arg6: memref<100000x32xf32, #tpu.memory_space<hbm>>, %arg7: memref<16xi32, #tpu.memory_space<vmem>>, %arg8: memref<400xi32, #tpu.memory_space<vmem>>, %arg9: memref<400xi32, #tpu.memory_space<vmem>>, %arg10: memref<400xi32, #tpu.memory_space<vmem>>, %arg11: memref<400xi32, #tpu.memory_space<vmem>>, %arg12: memref<400x32xf32, #tpu.memory_space<vmem>>, %arg13: memref<400x32xf32, #tpu.memory_space<vmem>>, %arg14: memref<!tpu.dma_semaphore, #tpu.memory_space<semaphore_mem>>, %arg15: memref<!tpu.dma_semaphore, #tpu.memory_space<semaphore_mem>>, %arg16: memref<!tpu.dma_semaphore, #tpu.memory_space<semaphore_mem>>, %arg17: memref<!tpu.dma_semaphore, #tpu.memory_space<semaphore_mem>>, %arg18: memref<!tpu.dma_semaphore, #tpu.memory_space<semaphore_mem>>, %arg19: memref<51024x32xf32, #tpu.memory_space<vmem_shared>>) attributes {dimension_semantics = [#tpu.dimension_semantics<core_parallel>, #tpu.dimension_semantics<subcore_parallel>], iteration_bounds = array<i64: 2, 16>, scalar_prefetch = 0 : i64, scratch_operands = 13 : i64, tpu.core_type = #tpu.core_type<sc_vector_subcore>, window_params = [{transform_indices = #map}, {transform_indices = #map1}, {transform_indices = #map1}, {transform_indices = #map1}, {transform_indices = #map}]} {
    %mul3A = arith.constant 16 : i32
    %mul3A_0 = arith.muli %arg0, %mul3A : i32
    %add3A = arith.addi %mul3A_0, %arg1 : i32
    %mul3A_1 = arith.constant 51600 : i32
    %mul3A_2 = arith.muli %add3A, %mul3A_1 : i32
    %scan3A = arith.constant 0 : i32
    %scan3A_3 = arith.constant 0 : i32
    %scan3A_4 = arith.constant 800 : i32
    %scan3A_5 = arith.addi %scan3A_3, %scan3A_4 : i32
    %scan3A_6 = arith.constant 1 : i32
    %scan3A_7 = scf.for %scan3A_152 = %scan3A_3 to %scan3A_5 step %scan3A_6 iter_args(%scan3A_153 = %scan3A) -> (i32)  : i32 {
      %jit3A_154 = arith.constant 2 : i32
      %div3A_155 = arith.divsi %scan3A_152, %jit3A_154 : i32
      %sign3A_156 = arith.constant 0 : i32
      %sign3A_157 = arith.cmpi sgt, %scan3A_152, %sign3A_156 : i32
      %sign3A_158 = arith.extui %sign3A_157 : i1 to i32
      %sign3A_159 = arith.constant 0 : i32
      %sign3A_160 = arith.cmpi slt, %scan3A_152, %sign3A_159 : i32
      %sign3A_161 = arith.extui %sign3A_160 : i1 to i32
      %sign3A_162 = arith.subi %sign3A_158, %sign3A_161 : i32
      %sign3A_163 = arith.constant 0 : i32
      %sign3A_164 = arith.cmpi sgt, %jit3A_154, %sign3A_163 : i32
      %sign3A_165 = arith.extui %sign3A_164 : i1 to i32
      %sign3A_166 = arith.constant 0 : i32
      %sign3A_167 = arith.cmpi slt, %jit3A_154, %sign3A_166 : i32
      %sign3A_168 = arith.extui %sign3A_167 : i1 to i32
      %sign3A_169 = arith.subi %sign3A_165, %sign3A_168 : i32
      %ne3A_170 = arith.cmpi ne, %sign3A_162, %sign3A_169 : i32
      %rem3A_171 = arith.remsi %scan3A_152, %jit3A_154 : i32
      %ne3A_172 = arith.constant 0 : i32
      %ne3A_173 = arith.cmpi ne, %rem3A_171, %ne3A_172 : i32
      %and3A_174 = arith.andi %ne3A_170, %ne3A_173 : i1
      %sub3A_175 = arith.constant 1 : i32
      %sub3A_176 = arith.subi %div3A_155, %sub3A_175 : i32
      %select_n3A_177 = arith.select %and3A_174, %sub3A_176, %div3A_155 : i32
      %jit3A_178 = arith.constant 2 : i32
      %eq3A = arith.constant 0 : i32
      %eq3A_179 = arith.cmpi eq, %jit3A_178, %eq3A : i32
      %jit3A_180 = arith.constant 1 : i32
      %select_n3A_181 = arith.select %eq3A_179, %jit3A_180, %jit3A_178 : i32
      %rem3A_182 = arith.remsi %scan3A_152, %select_n3A_181 : i32
      %ne3A_183 = arith.constant 0 : i32
      %ne3A_184 = arith.cmpi ne, %rem3A_182, %ne3A_183 : i32
      %lt3A = arith.constant 0 : i32
      %lt3A_185 = arith.cmpi slt, %rem3A_182, %lt3A : i32
      %lt3A_186 = arith.constant 0 : i32
      %lt3A_187 = arith.cmpi slt, %select_n3A_181, %lt3A_186 : i32
      %ne3A_188 = arith.xori %lt3A_185, %lt3A_187 : i1
      %and3A_189 = arith.andi %ne3A_188, %ne3A_184 : i1
      %add3A_190 = arith.addi %rem3A_182, %select_n3A_181 : i32
      %select_n3A_191 = arith.select %and3A_189, %add3A_190, %rem3A_182 : i32
      %mul3A_192 = arith.constant 16 : i32
      %mul3A_193 = arith.muli %select_n3A_191, %mul3A_192 : i32
      %broadcast_in_dim3A = arith.constant 0.000000e+00 : f32
      %broadcast_in_dim3A_194 = vector.broadcast %broadcast_in_dim3A : f32 to vector<16xf32>
      %swap3A = arith.index_cast %select_n3A_177 : i32 to index
      %swap3A_195 = arith.index_cast %mul3A_193 : i32 to index
      %swap3A_196 = tpu.vector_load %arg12[%swap3A, %swap3A_195] {strides = array<i32>} : memref<400x32xf32, #tpu.memory_space<vmem>>, vector<16xf32>,
      tpu.vector_store %arg12[%swap3A, %swap3A_195], %broadcast_in_dim3A_194 {strides = array<i32>} : memref<400x32xf32, #tpu.memory_space<vmem>>, vector<16xf32>,
      %broadcast_in_dim3A_197 = arith.constant 0.000000e+00 : f32
      %broadcast_in_dim3A_198 = vector.broadcast %broadcast_in_dim3A_197 : f32 to vector<16xf32>
      %swap3A_199 = arith.index_cast %select_n3A_177 : i32 to index
      %swap3A_200 = arith.index_cast %mul3A_193 : i32 to index
      %swap3A_201 = tpu.vector_load %arg13[%swap3A_199, %swap3A_200] {strides = array<i32>} : memref<400x32xf32, #tpu.memory_space<vmem>>, vector<16xf32>,
      tpu.vector_store %arg13[%swap3A_199, %swap3A_200], %broadcast_in_dim3A_198 {strides = array<i32>} : memref<400x32xf32, #tpu.memory_space<vmem>>, vector<16xf32>,
      %scan3A_202 = arith.constant 0 : i32
      scf.yield %scan3A_202 : i32
    }
    %scan3A_8 = arith.constant 800 : i32
    %mul3A_9 = arith.constant 3128 : i32
    %mul3A_10 = arith.muli %arg1, %mul3A_9 : i32
    %add3A_11 = arith.constant 0 : i32
    %add3A_12 = arith.addi %mul3A_10, %add3A_11 : i32
    "tpu.region"() ({
      %run_scoped3A = tpu.sem_alloc : memref<!tpu.dma_semaphore, #tpu.memory_space<semaphore_mem>>
      %dma_start3A = arith.constant 0 : i32
      %dma_start3A_152 = arith.constant 0 : i32
      %dma_start3A_153 = tpu.memref_slice %arg12[%dma_start3A, %dma_start3A_152] : memref<400x32xf32, #tpu.memory_space<vmem>> -> memref<400x32xf32, #tpu.memory_space<vmem>>
      %dma_start3A_154 = arith.constant 0 : i32
      %dma_start3A_155 = tpu.memref_slice %arg19[%add3A_12, %dma_start3A_154] : memref<51024x32xf32, #tpu.memory_space<vmem_shared>> -> memref<400x32xf32, #tpu.memory_space<vmem_shared>>
      %dma_start3A_156 = arith.constant 0 : i32
      %dma_start3A_157 = tpu.memref_slice %arg19[%add3A_12, %dma_start3A_156] : memref<51024x32xf32, #tpu.memory_space<vmem_shared>> -> memref<400x32xf32, #tpu.memory_space<vmem_shared>>
      %dma_start3A_158 = arith.constant 0 : i32
      %dma_start3A_159 = arith.constant 0 : i32
      %dma_start3A_160 = tpu.memref_slice %arg12[%dma_start3A_158, %dma_start3A_159] : memref<400x32xf32, #tpu.memory_space<vmem>> -> memref<400x32xf32, #tpu.memory_space<vmem>>
      tpu.enqueue_dma source(%dma_start3A_160 : memref<400x32xf32, #tpu.memory_space<vmem>>) target(%dma_start3A_157 : memref<400x32xf32, #tpu.memory_space<vmem_shared>>) target_semaphore(%run_scoped3A : memref<!tpu.dma_semaphore, #tpu.memory_space<semaphore_mem>>)
      %dma_wait3A = arith.constant 0 : i32
      %dma_wait3A_161 = arith.constant 0 : i32
      %dma_wait3A_162 = tpu.memref_slice %arg12[%dma_wait3A, %dma_wait3A_161] : memref<400x32xf32, #tpu.memory_space<vmem>> -> memref<400x32xf32, #tpu.memory_space<vmem>>
      %dma_wait3A_163 = arith.constant 0 : i32
      %dma_wait3A_164 = tpu.memref_slice %arg19[%add3A_12, %dma_wait3A_163] : memref<51024x32xf32, #tpu.memory_space<vmem_shared>> -> memref<400x32xf32, #tpu.memory_space<vmem_shared>>
      %dma_wait3A_165 = arith.constant 0 : i32
      %dma_wait3A_166 = tpu.memref_slice %arg19[%add3A_12, %dma_wait3A_165] : memref<51024x32xf32, #tpu.memory_space<vmem_shared>> -> memref<400x32xf32, #tpu.memory_space<vmem_shared>>
      %dma_wait3A_167 = arith.constant 0 : i32
      %dma_wait3A_168 = arith.constant 0 : i32
      %dma_wait3A_169 = tpu.memref_slice %arg12[%dma_wait3A_167, %dma_wait3A_168] : memref<400x32xf32, #tpu.memory_space<vmem>> -> memref<400x32xf32, #tpu.memory_space<vmem>>
      tpu.wait_dma2 semaphore(%run_scoped3A : memref<!tpu.dma_semaphore, #tpu.memory_space<semaphore_mem>>) src(%dma_wait3A_169 : memref<400x32xf32, #tpu.memory_space<vmem>>) dst(%dma_wait3A_166 : memref<400x32xf32, #tpu.memory_space<vmem_shared>>)
      tpu.yield
    }) : () -> ()
    %add3A_13 = arith.constant 0 : i32
    %add3A_14 = arith.addi %mul3A_10, %add3A_13 : i32
    %add3A_15 = arith.constant 400 : i32
    %add3A_16 = arith.addi %add3A_14, %add3A_15 : i32
    "tpu.region"() ({
      %run_scoped3A = tpu.sem_alloc : memref<!tpu.dma_semaphore, #tpu.memory_space<semaphore_mem>>
      %dma_start3A = arith.constant 0 : i32
      %dma_start3A_152 = arith.constant 0 : i32
      %dma_start3A_153 = tpu.memref_slice %arg13[%dma_start3A, %dma_start3A_152] : memref<400x32xf32, #tpu.memory_space<vmem>> -> memref<400x32xf32, #tpu.memory_space<vmem>>
      %dma_start3A_154 = arith.constant 0 : i32
      %dma_start3A_155 = tpu.memref_slice %arg19[%add3A_16, %dma_start3A_154] : memref<51024x32xf32, #tpu.memory_space<vmem_shared>> -> memref<400x32xf32, #tpu.memory_space<vmem_shared>>
      %dma_start3A_156 = arith.constant 0 : i32
      %dma_start3A_157 = tpu.memref_slice %arg19[%add3A_16, %dma_start3A_156] : memref<51024x32xf32, #tpu.memory_space<vmem_shared>> -> memref<400x32xf32, #tpu.memory_space<vmem_shared>>
      %dma_start3A_158 = arith.constant 0 : i32
      %dma_start3A_159 = arith.constant 0 : i32
      %dma_start3A_160 = tpu.memref_slice %arg13[%dma_start3A_158, %dma_start3A_159] : memref<400x32xf32, #tpu.memory_space<vmem>> -> memref<400x32xf32, #tpu.memory_space<vmem>>
      tpu.enqueue_dma source(%dma_start3A_160 : memref<400x32xf32, #tpu.memory_space<vmem>>) target(%dma_start3A_157 : memref<400x32xf32, #tpu.memory_space<vmem_shared>>) target_semaphore(%run_scoped3A : memref<!tpu.dma_semaphore, #tpu.memory_space<semaphore_mem>>)
      %dma_wait3A = arith.constant 0 : i32
      %dma_wait3A_161 = arith.constant 0 : i32
      %dma_wait3A_162 = tpu.memref_slice %arg13[%dma_wait3A, %dma_wait3A_161] : memref<400x32xf32, #tpu.memory_space<vmem>> -> memref<400x32xf32, #tpu.memory_space<vmem>>
      %dma_wait3A_163 = arith.constant 0 : i32
      %dma_wait3A_164 = tpu.memref_slice %arg19[%add3A_16, %dma_wait3A_163] : memref<51024x32xf32, #tpu.memory_space<vmem_shared>> -> memref<400x32xf32, #tpu.memory_space<vmem_shared>>
      %dma_wait3A_165 = arith.constant 0 : i32
      %dma_wait3A_166 = tpu.memref_slice %arg19[%add3A_16, %dma_wait3A_165] : memref<51024x32xf32, #tpu.memory_space<vmem_shared>> -> memref<400x32xf32, #tpu.memory_space<vmem_shared>>
      %dma_wait3A_167 = arith.constant 0 : i32
      %dma_wait3A_168 = arith.constant 0 : i32
      %dma_wait3A_169 = tpu.memref_slice %arg13[%dma_wait3A_167, %dma_wait3A_168] : memref<400x32xf32, #tpu.memory_space<vmem>> -> memref<400x32xf32, #tpu.memory_space<vmem>>
      tpu.wait_dma2 semaphore(%run_scoped3A : memref<!tpu.dma_semaphore, #tpu.memory_space<semaphore_mem>>) src(%dma_wait3A_169 : memref<400x32xf32, #tpu.memory_space<vmem>>) dst(%dma_wait3A_166 : memref<400x32xf32, #tpu.memory_space<vmem_shared>>)
      tpu.yield
    }) : () -> ()
    %add3A_17 = arith.constant 800 : i32
    %add3A_18 = arith.addi %mul3A_10, %add3A_17 : i32
    "tpu.region"() ({
      %run_scoped3A = tpu.sem_alloc : memref<!tpu.dma_semaphore, #tpu.memory_space<semaphore_mem>>
      %dma_start3A = arith.constant 0 : i32
      %dma_start3A_152 = arith.constant 0 : i32
      %dma_start3A_153 = tpu.memref_slice %arg12[%dma_start3A, %dma_start3A_152] : memref<400x32xf32, #tpu.memory_space<vmem>> -> memref<400x32xf32, #tpu.memory_space<vmem>>
      %dma_start3A_154 = arith.constant 0 : i32
      %dma_start3A_155 = tpu.memref_slice %arg19[%add3A_18, %dma_start3A_154] : memref<51024x32xf32, #tpu.memory_space<vmem_shared>> -> memref<400x32xf32, #tpu.memory_space<vmem_shared>>
      %dma_start3A_156 = arith.constant 0 : i32
      %dma_start3A_157 = tpu.memref_slice %arg19[%add3A_18, %dma_start3A_156] : memref<51024x32xf32, #tpu.memory_space<vmem_shared>> -> memref<400x32xf32, #tpu.memory_space<vmem_shared>>
      %dma_start3A_158 = arith.constant 0 : i32
      %dma_start3A_159 = arith.constant 0 : i32
      %dma_start3A_160 = tpu.memref_slice %arg12[%dma_start3A_158, %dma_start3A_159] : memref<400x32xf32, #tpu.memory_space<vmem>> -> memref<400x32xf32, #tpu.memory_space<vmem>>
      tpu.enqueue_dma source(%dma_start3A_160 : memref<400x32xf32, #tpu.memory_space<vmem>>) target(%dma_start3A_157 : memref<400x32xf32, #tpu.memory_space<vmem_shared>>) target_semaphore(%run_scoped3A : memref<!tpu.dma_semaphore, #tpu.memory_space<semaphore_mem>>)
      %dma_wait3A = arith.constant 0 : i32
      %dma_wait3A_161 = arith.constant 0 : i32
      %dma_wait3A_162 = tpu.memref_slice %arg12[%dma_wait3A, %dma_wait3A_161] : memref<400x32xf32, #tpu.memory_space<vmem>> -> memref<400x32xf32, #tpu.memory_space<vmem>>
      %dma_wait3A_163 = arith.constant 0 : i32
      %dma_wait3A_164 = tpu.memref_slice %arg19[%add3A_18, %dma_wait3A_163] : memref<51024x32xf32, #tpu.memory_space<vmem_shared>> -> memref<400x32xf32, #tpu.memory_space<vmem_shared>>
      %dma_wait3A_165 = arith.constant 0 : i32
      %dma_wait3A_166 = tpu.memref_slice %arg19[%add3A_18, %dma_wait3A_165] : memref<51024x32xf32, #tpu.memory_space<vmem_shared>> -> memref<400x32xf32, #tpu.memory_space<vmem_shared>>
      %dma_wait3A_167 = arith.constant 0 : i32
      %dma_wait3A_168 = arith.constant 0 : i32
      %dma_wait3A_169 = tpu.memref_slice %arg12[%dma_wait3A_167, %dma_wait3A_168] : memref<400x32xf32, #tpu.memory_space<vmem>> -> memref<400x32xf32, #tpu.memory_space<vmem>>
      tpu.wait_dma2 semaphore(%run_scoped3A : memref<!tpu.dma_semaphore, #tpu.memory_space<semaphore_mem>>) src(%dma_wait3A_169 : memref<400x32xf32, #tpu.memory_space<vmem>>) dst(%dma_wait3A_166 : memref<400x32xf32, #tpu.memory_space<vmem_shared>>)
      tpu.yield
    }) : () -> ()
    %add3A_19 = arith.constant 800 : i32
    %add3A_20 = arith.addi %mul3A_10, %add3A_19 : i32
    %add3A_21 = arith.constant 400 : i32
    %add3A_22 = arith.addi %add3A_20, %add3A_21 : i32
    "tpu.region"() ({
      %run_scoped3A = tpu.sem_alloc : memref<!tpu.dma_semaphore, #tpu.memory_space<semaphore_mem>>
      %dma_start3A = arith.constant 0 : i32
      %dma_start3A_152 = arith.constant 0 : i32
      %dma_start3A_153 = tpu.memref_slice %arg13[%dma_start3A, %dma_start3A_152] : memref<400x32xf32, #tpu.memory_space<vmem>> -> memref<400x32xf32, #tpu.memory_space<vmem>>
      %dma_start3A_154 = arith.constant 0 : i32
      %dma_start3A_155 = tpu.memref_slice %arg19[%add3A_22, %dma_start3A_154] : memref<51024x32xf32, #tpu.memory_space<vmem_shared>> -> memref<400x32xf32, #tpu.memory_space<vmem_shared>>
      %dma_start3A_156 = arith.constant 0 : i32
      %dma_start3A_157 = tpu.memref_slice %arg19[%add3A_22, %dma_start3A_156] : memref<51024x32xf32, #tpu.memory_space<vmem_shared>> -> memref<400x32xf32, #tpu.memory_space<vmem_shared>>
      %dma_start3A_158 = arith.constant 0 : i32
      %dma_start3A_159 = arith.constant 0 : i32
      %dma_start3A_160 = tpu.memref_slice %arg13[%dma_start3A_158, %dma_start3A_159] : memref<400x32xf32, #tpu.memory_space<vmem>> -> memref<400x32xf32, #tpu.memory_space<vmem>>
      tpu.enqueue_dma source(%dma_start3A_160 : memref<400x32xf32, #tpu.memory_space<vmem>>) target(%dma_start3A_157 : memref<400x32xf32, #tpu.memory_space<vmem_shared>>) target_semaphore(%run_scoped3A : memref<!tpu.dma_semaphore, #tpu.memory_space<semaphore_mem>>)
      %dma_wait3A = arith.constant 0 : i32
      %dma_wait3A_161 = arith.constant 0 : i32
      %dma_wait3A_162 = tpu.memref_slice %arg13[%dma_wait3A, %dma_wait3A_161] : memref<400x32xf32, #tpu.memory_space<vmem>> -> memref<400x32xf32, #tpu.memory_space<vmem>>
      %dma_wait3A_163 = arith.constant 0 : i32
      %dma_wait3A_164 = tpu.memref_slice %arg19[%add3A_22, %dma_wait3A_163] : memref<51024x32xf32, #tpu.memory_space<vmem_shared>> -> memref<400x32xf32, #tpu.memory_space<vmem_shared>>
      %dma_wait3A_165 = arith.constant 0 : i32
      %dma_wait3A_166 = tpu.memref_slice %arg19[%add3A_22, %dma_wait3A_165] : memref<51024x32xf32, #tpu.memory_space<vmem_shared>> -> memref<400x32xf32, #tpu.memory_space<vmem_shared>>
      %dma_wait3A_167 = arith.constant 0 : i32
      %dma_wait3A_168 = arith.constant 0 : i32
      %dma_wait3A_169 = tpu.memref_slice %arg13[%dma_wait3A_167, %dma_wait3A_168] : memref<400x32xf32, #tpu.memory_space<vmem>> -> memref<400x32xf32, #tpu.memory_space<vmem>>
      tpu.wait_dma2 semaphore(%run_scoped3A : memref<!tpu.dma_semaphore, #tpu.memory_space<semaphore_mem>>) src(%dma_wait3A_169 : memref<400x32xf32, #tpu.memory_space<vmem>>) dst(%dma_wait3A_166 : memref<400x32xf32, #tpu.memory_space<vmem_shared>>)
      tpu.yield
    }) : () -> ()
    %add3A_23 = arith.constant 1600 : i32
    %add3A_24 = arith.addi %mul3A_10, %add3A_23 : i32
    "tpu.region"() ({
      %run_scoped3A = tpu.sem_alloc : memref<!tpu.dma_semaphore, #tpu.memory_space<semaphore_mem>>
      %dma_start3A = arith.constant 0 : i32
      %dma_start3A_152 = arith.constant 0 : i32
      %dma_start3A_153 = tpu.memref_slice %arg12[%dma_start3A, %dma_start3A_152] : memref<400x32xf32, #tpu.memory_space<vmem>> -> memref<400x32xf32, #tpu.memory_space<vmem>>
      %dma_start3A_154 = arith.constant 0 : i32
      %dma_start3A_155 = tpu.memref_slice %arg19[%add3A_24, %dma_start3A_154] : memref<51024x32xf32, #tpu.memory_space<vmem_shared>> -> memref<400x32xf32, #tpu.memory_space<vmem_shared>>
      %dma_start3A_156 = arith.constant 0 : i32
      %dma_start3A_157 = tpu.memref_slice %arg19[%add3A_24, %dma_start3A_156] : memref<51024x32xf32, #tpu.memory_space<vmem_shared>> -> memref<400x32xf32, #tpu.memory_space<vmem_shared>>
      %dma_start3A_158 = arith.constant 0 : i32
      %dma_start3A_159 = arith.constant 0 : i32
      %dma_start3A_160 = tpu.memref_slice %arg12[%dma_start3A_158, %dma_start3A_159] : memref<400x32xf32, #tpu.memory_space<vmem>> -> memref<400x32xf32, #tpu.memory_space<vmem>>
      tpu.enqueue_dma source(%dma_start3A_160 : memref<400x32xf32, #tpu.memory_space<vmem>>) target(%dma_start3A_157 : memref<400x32xf32, #tpu.memory_space<vmem_shared>>) target_semaphore(%run_scoped3A : memref<!tpu.dma_semaphore, #tpu.memory_space<semaphore_mem>>)
      %dma_wait3A = arith.constant 0 : i32
      %dma_wait3A_161 = arith.constant 0 : i32
      %dma_wait3A_162 = tpu.memref_slice %arg12[%dma_wait3A, %dma_wait3A_161] : memref<400x32xf32, #tpu.memory_space<vmem>> -> memref<400x32xf32, #tpu.memory_space<vmem>>
      %dma_wait3A_163 = arith.constant 0 : i32
      %dma_wait3A_164 = tpu.memref_slice %arg19[%add3A_24, %dma_wait3A_163] : memref<51024x32xf32, #tpu.memory_space<vmem_shared>> -> memref<400x32xf32, #tpu.memory_space<vmem_shared>>
      %dma_wait3A_165 = arith.constant 0 : i32
      %dma_wait3A_166 = tpu.memref_slice %arg19[%add3A_24, %dma_wait3A_165] : memref<51024x32xf32, #tpu.memory_space<vmem_shared>> -> memref<400x32xf32, #tpu.memory_space<vmem_shared>>
      %dma_wait3A_167 = arith.constant 0 : i32
      %dma_wait3A_168 = arith.constant 0 : i32
      %dma_wait3A_169 = tpu.memref_slice %arg12[%dma_wait3A_167, %dma_wait3A_168] : memref<400x32xf32, #tpu.memory_space<vmem>> -> memref<400x32xf32, #tpu.memory_space<vmem>>
      tpu.wait_dma2 semaphore(%run_scoped3A : memref<!tpu.dma_semaphore, #tpu.memory_space<semaphore_mem>>) src(%dma_wait3A_169 : memref<400x32xf32, #tpu.memory_space<vmem>>) dst(%dma_wait3A_166 : memref<400x32xf32, #tpu.memory_space<vmem_shared>>)
      tpu.yield
    }) : () -> ()
    %add3A_25 = arith.constant 1600 : i32
    %add3A_26 = arith.addi %mul3A_10, %add3A_25 : i32
    %add3A_27 = arith.constant 400 : i32
    %add3A_28 = arith.addi %add3A_26, %add3A_27 : i32
    "tpu.region"() ({
      %run_scoped3A = tpu.sem_alloc : memref<!tpu.dma_semaphore, #tpu.memory_space<semaphore_mem>>
      %dma_start3A = arith.constant 0 : i32
      %dma_start3A_152 = arith.constant 0 : i32
      %dma_start3A_153 = tpu.memref_slice %arg13[%dma_start3A, %dma_start3A_152] : memref<400x32xf32, #tpu.memory_space<vmem>> -> memref<400x32xf32, #tpu.memory_space<vmem>>
      %dma_start3A_154 = arith.constant 0 : i32
      %dma_start3A_155 = tpu.memref_slice %arg19[%add3A_28, %dma_start3A_154] : memref<51024x32xf32, #tpu.memory_space<vmem_shared>> -> memref<400x32xf32, #tpu.memory_space<vmem_shared>>
      %dma_start3A_156 = arith.constant 0 : i32
      %dma_start3A_157 = tpu.memref_slice %arg19[%add3A_28, %dma_start3A_156] : memref<51024x32xf32, #tpu.memory_space<vmem_shared>> -> memref<400x32xf32, #tpu.memory_space<vmem_shared>>
      %dma_start3A_158 = arith.constant 0 : i32
      %dma_start3A_159 = arith.constant 0 : i32
      %dma_start3A_160 = tpu.memref_slice %arg13[%dma_start3A_158, %dma_start3A_159] : memref<400x32xf32, #tpu.memory_space<vmem>> -> memref<400x32xf32, #tpu.memory_space<vmem>>
      tpu.enqueue_dma source(%dma_start3A_160 : memref<400x32xf32, #tpu.memory_space<vmem>>) target(%dma_start3A_157 : memref<400x32xf32, #tpu.memory_space<vmem_shared>>) target_semaphore(%run_scoped3A : memref<!tpu.dma_semaphore, #tpu.memory_space<semaphore_mem>>)
      %dma_wait3A = arith.constant 0 : i32
      %dma_wait3A_161 = arith.constant 0 : i32
      %dma_wait3A_162 = tpu.memref_slice %arg13[%dma_wait3A, %dma_wait3A_161] : memref<400x32xf32, #tpu.memory_space<vmem>> -> memref<400x32xf32, #tpu.memory_space<vmem>>
      %dma_wait3A_163 = arith.constant 0 : i32
      %dma_wait3A_164 = tpu.memref_slice %arg19[%add3A_28, %dma_wait3A_163] : memref<51024x32xf32, #tpu.memory_space<vmem_shared>> -> memref<400x32xf32, #tpu.memory_space<vmem_shared>>
      %dma_wait3A_165 = arith.constant 0 : i32
      %dma_wait3A_166 = tpu.memref_slice %arg19[%add3A_28, %dma_wait3A_165] : memref<51024x32xf32, #tpu.memory_space<vmem_shared>> -> memref<400x32xf32, #tpu.memory_space<vmem_shared>>
      %dma_wait3A_167 = arith.constant 0 : i32
      %dma_wait3A_168 = arith.constant 0 : i32
      %dma_wait3A_169 = tpu.memref_slice %arg13[%dma_wait3A_167, %dma_wait3A_168] : memref<400x32xf32, #tpu.memory_space<vmem>> -> memref<400x32xf32, #tpu.memory_space<vmem>>
      tpu.wait_dma2 semaphore(%run_scoped3A : memref<!tpu.dma_semaphore, #tpu.memory_space<semaphore_mem>>) src(%dma_wait3A_169 : memref<400x32xf32, #tpu.memory_space<vmem>>) dst(%dma_wait3A_166 : memref<400x32xf32, #tpu.memory_space<vmem_shared>>)
      tpu.yield
    }) : () -> ()
    %add3A_29 = arith.constant 2400 : i32
    %add3A_30 = arith.addi %mul3A_10, %add3A_29 : i32
    "tpu.region"() ({
      %run_scoped3A = tpu.sem_alloc : memref<!tpu.dma_semaphore, #tpu.memory_space<semaphore_mem>>
      %dma_start3A = arith.constant 0 : i32
      %dma_start3A_152 = arith.constant 0 : i32
      %dma_start3A_153 = tpu.memref_slice %arg12[%dma_start3A, %dma_start3A_152] : memref<400x32xf32, #tpu.memory_space<vmem>> -> memref<400x32xf32, #tpu.memory_space<vmem>>
      %dma_start3A_154 = arith.constant 0 : i32
      %dma_start3A_155 = tpu.memref_slice %arg19[%add3A_30, %dma_start3A_154] : memref<51024x32xf32, #tpu.memory_space<vmem_shared>> -> memref<400x32xf32, #tpu.memory_space<vmem_shared>>
      %dma_start3A_156 = arith.constant 0 : i32
      %dma_start3A_157 = tpu.memref_slice %arg19[%add3A_30, %dma_start3A_156] : memref<51024x32xf32, #tpu.memory_space<vmem_shared>> -> memref<400x32xf32, #tpu.memory_space<vmem_shared>>
      %dma_start3A_158 = arith.constant 0 : i32
      %dma_start3A_159 = arith.constant 0 : i32
      %dma_start3A_160 = tpu.memref_slice %arg12[%dma_start3A_158, %dma_start3A_159] : memref<400x32xf32, #tpu.memory_space<vmem>> -> memref<400x32xf32, #tpu.memory_space<vmem>>
      tpu.enqueue_dma source(%dma_start3A_160 : memref<400x32xf32, #tpu.memory_space<vmem>>) target(%dma_start3A_157 : memref<400x32xf32, #tpu.memory_space<vmem_shared>>) target_semaphore(%run_scoped3A : memref<!tpu.dma_semaphore, #tpu.memory_space<semaphore_mem>>)
      %dma_wait3A = arith.constant 0 : i32
      %dma_wait3A_161 = arith.constant 0 : i32
      %dma_wait3A_162 = tpu.memref_slice %arg12[%dma_wait3A, %dma_wait3A_161] : memref<400x32xf32, #tpu.memory_space<vmem>> -> memref<400x32xf32, #tpu.memory_space<vmem>>
      %dma_wait3A_163 = arith.constant 0 : i32
      %dma_wait3A_164 = tpu.memref_slice %arg19[%add3A_30, %dma_wait3A_163] : memref<51024x32xf32, #tpu.memory_space<vmem_shared>> -> memref<400x32xf32, #tpu.memory_space<vmem_shared>>
      %dma_wait3A_165 = arith.constant 0 : i32
      %dma_wait3A_166 = tpu.memref_slice %arg19[%add3A_30, %dma_wait3A_165] : memref<51024x32xf32, #tpu.memory_space<vmem_shared>> -> memref<400x32xf32, #tpu.memory_space<vmem_shared>>
      %dma_wait3A_167 = arith.constant 0 : i32
      %dma_wait3A_168 = arith.constant 0 : i32
      %dma_wait3A_169 = tpu.memref_slice %arg12[%dma_wait3A_167, %dma_wait3A_168] : memref<400x32xf32, #tpu.memory_space<vmem>> -> memref<400x32xf32, #tpu.memory_space<vmem>>
      tpu.wait_dma2 semaphore(%run_scoped3A : memref<!tpu.dma_semaphore, #tpu.memory_space<semaphore_mem>>) src(%dma_wait3A_169 : memref<400x32xf32, #tpu.memory_space<vmem>>) dst(%dma_wait3A_166 : memref<400x32xf32, #tpu.memory_space<vmem_shared>>)
      tpu.yield
    }) : () -> ()
    %add3A_31 = arith.constant 2400 : i32
    %add3A_32 = arith.addi %mul3A_10, %add3A_31 : i32
    %add3A_33 = arith.constant 400 : i32
    %add3A_34 = arith.addi %add3A_32, %add3A_33 : i32
    "tpu.region"() ({
      %run_scoped3A = tpu.sem_alloc : memref<!tpu.dma_semaphore, #tpu.memory_space<semaphore_mem>>
      %dma_start3A = arith.constant 0 : i32
      %dma_start3A_152 = arith.constant 0 : i32
      %dma_start3A_153 = tpu.memref_slice %arg13[%dma_start3A, %dma_start3A_152] : memref<400x32xf32, #tpu.memory_space<vmem>> -> memref<328x32xf32, #tpu.memory_space<vmem>>
      %dma_start3A_154 = arith.constant 0 : i32
      %dma_start3A_155 = tpu.memref_slice %arg19[%add3A_34, %dma_start3A_154] : memref<51024x32xf32, #tpu.memory_space<vmem_shared>> -> memref<328x32xf32, #tpu.memory_space<vmem_shared>>
      %dma_start3A_156 = arith.constant 0 : i32
      %dma_start3A_157 = tpu.memref_slice %arg19[%add3A_34, %dma_start3A_156] : memref<51024x32xf32, #tpu.memory_space<vmem_shared>> -> memref<328x32xf32, #tpu.memory_space<vmem_shared>>
      %dma_start3A_158 = arith.constant 0 : i32
      %dma_start3A_159 = arith.constant 0 : i32
      %dma_start3A_160 = tpu.memref_slice %arg13[%dma_start3A_158, %dma_start3A_159] : memref<400x32xf32, #tpu.memory_space<vmem>> -> memref<328x32xf32, #tpu.memory_space<vmem>>
      tpu.enqueue_dma source(%dma_start3A_160 : memref<328x32xf32, #tpu.memory_space<vmem>>) target(%dma_start3A_157 : memref<328x32xf32, #tpu.memory_space<vmem_shared>>) target_semaphore(%run_scoped3A : memref<!tpu.dma_semaphore, #tpu.memory_space<semaphore_mem>>)
      %dma_wait3A = arith.constant 0 : i32
      %dma_wait3A_161 = arith.constant 0 : i32
      %dma_wait3A_162 = tpu.memref_slice %arg13[%dma_wait3A, %dma_wait3A_161] : memref<400x32xf32, #tpu.memory_space<vmem>> -> memref<328x32xf32, #tpu.memory_space<vmem>>
      %dma_wait3A_163 = arith.constant 0 : i32
      %dma_wait3A_164 = tpu.memref_slice %arg19[%add3A_34, %dma_wait3A_163] : memref<51024x32xf32, #tpu.memory_space<vmem_shared>> -> memref<328x32xf32, #tpu.memory_space<vmem_shared>>
      %dma_wait3A_165 = arith.constant 0 : i32
      %dma_wait3A_166 = tpu.memref_slice %arg19[%add3A_34, %dma_wait3A_165] : memref<51024x32xf32, #tpu.memory_space<vmem_shared>> -> memref<328x32xf32, #tpu.memory_space<vmem_shared>>
      %dma_wait3A_167 = arith.constant 0 : i32
      %dma_wait3A_168 = arith.constant 0 : i32
      %dma_wait3A_169 = tpu.memref_slice %arg13[%dma_wait3A_167, %dma_wait3A_168] : memref<400x32xf32, #tpu.memory_space<vmem>> -> memref<328x32xf32, #tpu.memory_space<vmem>>
      tpu.wait_dma2 semaphore(%run_scoped3A : memref<!tpu.dma_semaphore, #tpu.memory_space<semaphore_mem>>) src(%dma_wait3A_169 : memref<328x32xf32, #tpu.memory_space<vmem>>) dst(%dma_wait3A_166 : memref<328x32xf32, #tpu.memory_space<vmem_shared>>)
      tpu.yield
    }) : () -> ()
    %barrier3A = arith.constant 0 : index
    tpu.barrier barrier_id(%barrier3A)
    %mul3A_35 = arith.constant 16 : i32
    %mul3A_36 = arith.muli %add3A, %mul3A_35 : i32
    "tpu.region"() ({
      %run_scoped3A = tpu.sem_alloc : memref<!tpu.dma_semaphore, #tpu.memory_space<semaphore_mem>>
      %dma_start3A = tpu.memref_slice %arg5[%mul3A_36] : memref<512xi32, #tpu.memory_space<hbm>> -> memref<16xi32, #tpu.memory_space<hbm>>
      %dma_start3A_152 = tpu.memref_slice %arg5[%mul3A_36] : memref<512xi32, #tpu.memory_space<hbm>> -> memref<16xi32, #tpu.memory_space<hbm>>
      tpu.enqueue_dma source(%dma_start3A_152 : memref<16xi32, #tpu.memory_space<hbm>>) target(%arg7 : memref<16xi32, #tpu.memory_space<vmem>>) target_semaphore(%run_scoped3A : memref<!tpu.dma_semaphore, #tpu.memory_space<semaphore_mem>>)
      %dma_wait3A = tpu.memref_slice %arg5[%mul3A_36] : memref<512xi32, #tpu.memory_space<hbm>> -> memref<16xi32, #tpu.memory_space<hbm>>
      %dma_wait3A_153 = tpu.memref_slice %arg5[%mul3A_36] : memref<512xi32, #tpu.memory_space<hbm>> -> memref<16xi32, #tpu.memory_space<hbm>>
      tpu.wait_dma2 semaphore(%run_scoped3A : memref<!tpu.dma_semaphore, #tpu.memory_space<semaphore_mem>>) src(%dma_wait3A_153 : memref<16xi32, #tpu.memory_space<hbm>>) dst(%arg7 : memref<16xi32, #tpu.memory_space<vmem>>)
      tpu.yield
    }) : () -> ()
    %get3A = arith.constant 0 : index
    %get3A_37 = tpu.vector_load %arg7[%get3A] {strides = array<i32>} : memref<16xi32, #tpu.memory_space<vmem>>, vector<16xi32>,
    %reduce_max3A = arith.constant true
    %reduce_max3A_38 = vector.broadcast %reduce_max3A : i1 to vector<16xi1>
    %reduce_max3A_39 = arith.constant -2147483648 : i32
    %reduce_max3A_40 = vector.broadcast %reduce_max3A_39 : i32 to vector<16xi32>
    %reduce_max3A_41 = arith.xori %get3A_37, %reduce_max3A_40 : vector<16xi32>
    %reduce_max3A_42 = tpu.scan <max>, %reduce_max3A_41 masked %reduce_max3A_38 : vector<16xi32>, vector<16xi1> -> vector<16xi32>
    %reduce_max3A_43 = arith.xori %reduce_max3A_42, %reduce_max3A_40 : vector<16xi32>
    %reduce_max3A_44 = vector.extract %reduce_max3A_43[15] : i32 from vector<16xi32>
    %add3A_45 = arith.constant 400 : i32
    %add3A_46 = arith.addi %reduce_max3A_44, %add3A_45 : i32
    %sub3A = arith.constant 1 : i32
    %sub3A_47 = arith.subi %add3A_46, %sub3A : i32
    %jit3A = arith.constant 400 : i32
    %div3A = arith.divsi %sub3A_47, %jit3A : i32
    %sign3A = arith.constant 0 : i32
    %sign3A_48 = arith.cmpi sgt, %sub3A_47, %sign3A : i32
    %sign3A_49 = arith.extui %sign3A_48 : i1 to i32
    %sign3A_50 = arith.constant 0 : i32
    %sign3A_51 = arith.cmpi slt, %sub3A_47, %sign3A_50 : i32
    %sign3A_52 = arith.extui %sign3A_51 : i1 to i32
    %sign3A_53 = arith.subi %sign3A_49, %sign3A_52 : i32
    %sign3A_54 = arith.constant 0 : i32
    %sign3A_55 = arith.cmpi sgt, %jit3A, %sign3A_54 : i32
    %sign3A_56 = arith.extui %sign3A_55 : i1 to i32
    %sign3A_57 = arith.constant 0 : i32
    %sign3A_58 = arith.cmpi slt, %jit3A, %sign3A_57 : i32
    %sign3A_59 = arith.extui %sign3A_58 : i1 to i32
    %sign3A_60 = arith.subi %sign3A_56, %sign3A_59 : i32
    %ne3A = arith.cmpi ne, %sign3A_53, %sign3A_60 : i32
    %rem3A = arith.remsi %sub3A_47, %jit3A : i32
    %ne3A_61 = arith.constant 0 : i32
    %ne3A_62 = arith.cmpi ne, %rem3A, %ne3A_61 : i32
    %and3A = arith.andi %ne3A, %ne3A_62 : i1
    %sub3A_63 = arith.constant 1 : i32
    %sub3A_64 = arith.subi %div3A, %sub3A_63 : i32
    %select_n3A = arith.select %and3A, %sub3A_64, %div3A : i32
    %add3A_65 = arith.constant 1 : i32
    %add3A_66 = arith.addi %select_n3A, %add3A_65 : i32
    %jit3A_67 = arith.constant 2 : i32
    %div3A_68 = arith.divsi %add3A_66, %jit3A_67 : i32
    %sign3A_69 = arith.constant 0 : i32
    %sign3A_70 = arith.cmpi sgt, %add3A_66, %sign3A_69 : i32
    %sign3A_71 = arith.extui %sign3A_70 : i1 to i32
    %sign3A_72 = arith.constant 0 : i32
    %sign3A_73 = arith.cmpi slt, %add3A_66, %sign3A_72 : i32
    %sign3A_74 = arith.extui %sign3A_73 : i1 to i32
    %sign3A_75 = arith.subi %sign3A_71, %sign3A_74 : i32
    %sign3A_76 = arith.constant 0 : i32
    %sign3A_77 = arith.cmpi sgt, %jit3A_67, %sign3A_76 : i32
    %sign3A_78 = arith.extui %sign3A_77 : i1 to i32
    %sign3A_79 = arith.constant 0 : i32
    %sign3A_80 = arith.cmpi slt, %jit3A_67, %sign3A_79 : i32
    %sign3A_81 = arith.extui %sign3A_80 : i1 to i32
    %sign3A_82 = arith.subi %sign3A_78, %sign3A_81 : i32
    %ne3A_83 = arith.cmpi ne, %sign3A_75, %sign3A_82 : i32
    %rem3A_84 = arith.remsi %add3A_66, %jit3A_67 : i32
    %ne3A_85 = arith.constant 0 : i32
    %ne3A_86 = arith.cmpi ne, %rem3A_84, %ne3A_85 : i32
    %and3A_87 = arith.andi %ne3A_83, %ne3A_86 : i1
    %sub3A_88 = arith.constant 1 : i32
    %sub3A_89 = arith.subi %div3A_68, %sub3A_88 : i32
    %select_n3A_90 = arith.select %and3A_87, %sub3A_89, %div3A_68 : i32
    %while3A = arith.constant 0 : i32
    %while3A_91 = arith.constant 0 : i32
    %while3A_92 = arith.subi %select_n3A_90, %while3A : i32
    %while3A_93 = arith.addi %while3A, %while3A_92 : i32
    %while3A_94 = arith.constant 1 : i32
    %while3A_95 = arith.divsi %while3A_92, %while3A_94 : i32
    %while3A_96 = arith.muli %while3A_95, %while3A_94 : i32
    %while3A_97 = arith.addi %while3A, %while3A_96 : i32
    %while3A_98 = arith.constant 1 : i32
    %while3A_99 = scf.for %while3A_152 = %while3A to %while3A_97 step %while3A_98 iter_args(%while3A_153 = %while3A_91) -> (i32)  : i32 {
      %mul3A_154 = arith.constant 2 : i32
      %mul3A_155 = arith.muli %mul3A_154, %while3A_152 : i32
      %add3A_156 = arith.constant 1 : i32
      %add3A_157 = arith.addi %mul3A_155, %add3A_156 : i32
      %lt3A = arith.cmpi slt, %add3A_157, %select_n3A : i32
      %gt3A = arith.constant 0 : i32
      %gt3A_158 = arith.cmpi sgt, %while3A_152, %gt3A : i32
      %convert_element_type3A_159 = arith.extui %gt3A_158 : i1 to i32
      %cond3A_160 = arith.constant 0 : i32
      %cond3A_161 = arith.cmpi ne, %convert_element_type3A_159, %cond3A_160 : i32
      scf.if %cond3A_161 {
        %dma_wait3A_212 = arith.constant 0 : i32
        %dma_wait3A_213 = arith.constant 0 : i32
        %dma_wait3A_214 = tpu.memref_slice %arg19[%dma_wait3A_212, %dma_wait3A_213] : memref<51024x32xf32, #tpu.memory_space<vmem_shared>> -> memref<51024x32xf32, #tpu.memory_space<vmem_shared>>
        tpu.wait_indirect_dma semaphore(%arg17 : memref<!tpu.dma_semaphore, #tpu.memory_space<semaphore_mem>>) src(%arg12 : memref<400x32xf32, #tpu.memory_space<vmem>>) dst(%dma_wait3A_214 : memref<51024x32xf32, #tpu.memory_space<vmem_shared>>)
      } else {
      }
      %gt3A_162 = arith.constant 0 : i32
      %gt3A_163 = arith.cmpi sgt, %while3A_152, %gt3A_162 : i32
      %and3A_164 = arith.andi %gt3A_163, %lt3A : i1
      %convert_element_type3A_165 = arith.extui %and3A_164 : i1 to i32
      %cond3A_166 = arith.constant 0 : i32
      %cond3A_167 = arith.cmpi ne, %convert_element_type3A_165, %cond3A_166 : i32
      scf.if %cond3A_167 {
        %dma_wait3A_212 = arith.constant 0 : i32
        %dma_wait3A_213 = arith.constant 0 : i32
        %dma_wait3A_214 = tpu.memref_slice %arg19[%dma_wait3A_212, %dma_wait3A_213] : memref<51024x32xf32, #tpu.memory_space<vmem_shared>> -> memref<51024x32xf32, #tpu.memory_space<vmem_shared>>
        tpu.wait_indirect_dma semaphore(%arg18 : memref<!tpu.dma_semaphore, #tpu.memory_space<semaphore_mem>>) src(%arg13 : memref<400x32xf32, #tpu.memory_space<vmem>>) dst(%dma_wait3A_214 : memref<51024x32xf32, #tpu.memory_space<vmem_shared>>)
      } else {
      }
      %mul3A_168 = arith.constant 2 : i32
      %mul3A_169 = arith.muli %mul3A_168, %while3A_152 : i32
      %mul3A_170 = arith.constant 400 : i32
      %mul3A_171 = arith.muli %mul3A_169, %mul3A_170 : i32
      %add3A_172 = arith.addi %mul3A_2, %mul3A_171 : i32
      %multiple_of3A = tpu.assume_multiple %add3A_172, 8 : i32
      %mul3A_173 = arith.constant 2 : i32
      %mul3A_174 = arith.muli %mul3A_173, %while3A_152 : i32
      %add3A_175 = arith.constant 1 : i32
      %add3A_176 = arith.addi %mul3A_174, %add3A_175 : i32
      %mul3A_177 = arith.constant 400 : i32
      %mul3A_178 = arith.muli %add3A_176, %mul3A_177 : i32
      %add3A_179 = arith.addi %mul3A_2, %mul3A_178 : i32
      %multiple_of3A_180 = tpu.assume_multiple %add3A_179, 8 : i32
      %dma_start3A = tpu.memref_slice %arg3[%multiple_of3A] : memref<1651712xi32, #tpu.memory_space<hbm>> -> memref<400xi32, #tpu.memory_space<hbm>>
      %dma_start3A_181 = tpu.memref_slice %arg3[%multiple_of3A] : memref<1651712xi32, #tpu.memory_space<hbm>> -> memref<400xi32, #tpu.memory_space<hbm>>
      tpu.enqueue_dma source(%dma_start3A_181 : memref<400xi32, #tpu.memory_space<hbm>>) target(%arg8 : memref<400xi32, #tpu.memory_space<vmem>>) target_semaphore(%arg14 : memref<!tpu.dma_semaphore, #tpu.memory_space<semaphore_mem>>)
      %dma_start3A_182 = tpu.memref_slice %arg4[%multiple_of3A] : memref<1651712xi32, #tpu.memory_space<hbm>> -> memref<400xi32, #tpu.memory_space<hbm>>
      %dma_start3A_183 = tpu.memref_slice %arg4[%multiple_of3A] : memref<1651712xi32, #tpu.memory_space<hbm>> -> memref<400xi32, #tpu.memory_space<hbm>>
      tpu.enqueue_dma source(%dma_start3A_183 : memref<400xi32, #tpu.memory_space<hbm>>) target(%arg10 : memref<400xi32, #tpu.memory_space<vmem>>) target_semaphore(%arg14 : memref<!tpu.dma_semaphore, #tpu.memory_space<semaphore_mem>>)
      %convert_element_type3A_184 = arith.extui %lt3A : i1 to i32
      %cond3A_185 = arith.constant 0 : i32
      %cond3A_186 = arith.cmpi ne, %convert_element_type3A_184, %cond3A_185 : i32
      scf.if %cond3A_186 {
        %dma_start3A_212 = tpu.memref_slice %arg3[%multiple_of3A_180] : memref<1651712xi32, #tpu.memory_space<hbm>> -> memref<400xi32, #tpu.memory_space<hbm>>
        %dma_start3A_213 = tpu.memref_slice %arg3[%multiple_of3A_180] : memref<1651712xi32, #tpu.memory_space<hbm>> -> memref<400xi32, #tpu.memory_space<hbm>>
        tpu.enqueue_dma source(%dma_start3A_213 : memref<400xi32, #tpu.memory_space<hbm>>) target(%arg9 : memref<400xi32, #tpu.memory_space<vmem>>) target_semaphore(%arg14 : memref<!tpu.dma_semaphore, #tpu.memory_space<semaphore_mem>>)
        %dma_start3A_214 = tpu.memref_slice %arg4[%multiple_of3A_180] : memref<1651712xi32, #tpu.memory_space<hbm>> -> memref<400xi32, #tpu.memory_space<hbm>>
        %dma_start3A_215 = tpu.memref_slice %arg4[%multiple_of3A_180] : memref<1651712xi32, #tpu.memory_space<hbm>> -> memref<400xi32, #tpu.memory_space<hbm>>
        tpu.enqueue_dma source(%dma_start3A_215 : memref<400xi32, #tpu.memory_space<hbm>>) target(%arg11 : memref<400xi32, #tpu.memory_space<vmem>>) target_semaphore(%arg14 : memref<!tpu.dma_semaphore, #tpu.memory_space<semaphore_mem>>)
      } else {
      }
      %dma_wait3A = tpu.memref_slice %arg3[%multiple_of3A] : memref<1651712xi32, #tpu.memory_space<hbm>> -> memref<400xi32, #tpu.memory_space<hbm>>
      %dma_wait3A_187 = tpu.memref_slice %arg3[%multiple_of3A] : memref<1651712xi32, #tpu.memory_space<hbm>> -> memref<400xi32, #tpu.memory_space<hbm>>
      tpu.wait_dma2 semaphore(%arg14 : memref<!tpu.dma_semaphore, #tpu.memory_space<semaphore_mem>>) src(%dma_wait3A_187 : memref<400xi32, #tpu.memory_space<hbm>>) dst(%arg8 : memref<400xi32, #tpu.memory_space<vmem>>)
      %dma_wait3A_188 = tpu.memref_slice %arg4[%multiple_of3A] : memref<1651712xi32, #tpu.memory_space<hbm>> -> memref<400xi32, #tpu.memory_space<hbm>>
      %dma_wait3A_189 = tpu.memref_slice %arg4[%multiple_of3A] : memref<1651712xi32, #tpu.memory_space<hbm>> -> memref<400xi32, #tpu.memory_space<hbm>>
      tpu.wait_dma2 semaphore(%arg14 : memref<!tpu.dma_semaphore, #tpu.memory_space<semaphore_mem>>) src(%dma_wait3A_189 : memref<400xi32, #tpu.memory_space<hbm>>) dst(%arg10 : memref<400xi32, #tpu.memory_space<vmem>>)
      %convert_element_type3A_190 = arith.extui %lt3A : i1 to i32
      %cond3A_191 = arith.constant 0 : i32
      %cond3A_192 = arith.cmpi ne, %convert_element_type3A_190, %cond3A_191 : i32
      scf.if %cond3A_192 {
        %dma_wait3A_212 = tpu.memref_slice %arg3[%multiple_of3A_180] : memref<1651712xi32, #tpu.memory_space<hbm>> -> memref<400xi32, #tpu.memory_space<hbm>>
        %dma_wait3A_213 = tpu.memref_slice %arg3[%multiple_of3A_180] : memref<1651712xi32, #tpu.memory_space<hbm>> -> memref<400xi32, #tpu.memory_space<hbm>>
        tpu.wait_dma2 semaphore(%arg14 : memref<!tpu.dma_semaphore, #tpu.memory_space<semaphore_mem>>) src(%dma_wait3A_213 : memref<400xi32, #tpu.memory_space<hbm>>) dst(%arg9 : memref<400xi32, #tpu.memory_space<vmem>>)
        %dma_wait3A_214 = tpu.memref_slice %arg4[%multiple_of3A_180] : memref<1651712xi32, #tpu.memory_space<hbm>> -> memref<400xi32, #tpu.memory_space<hbm>>
        %dma_wait3A_215 = tpu.memref_slice %arg4[%multiple_of3A_180] : memref<1651712xi32, #tpu.memory_space<hbm>> -> memref<400xi32, #tpu.memory_space<hbm>>
        tpu.wait_dma2 semaphore(%arg14 : memref<!tpu.dma_semaphore, #tpu.memory_space<semaphore_mem>>) src(%dma_wait3A_215 : memref<400xi32, #tpu.memory_space<hbm>>) dst(%arg11 : memref<400xi32, #tpu.memory_space<vmem>>)
      } else {
      }
      %dma_start3A_193 = arith.constant 0 : i32
      %dma_start3A_194 = arith.constant 0 : i32
      %dma_start3A_195 = tpu.memref_slice %arg2[%dma_start3A_193, %dma_start3A_194] : memref<100000x32xf32, #tpu.memory_space<hbm>> -> memref<100000x32xf32, #tpu.memory_space<hbm>>
      tpu.enqueue_indirect_dma source(%dma_start3A_195 : memref<100000x32xf32, #tpu.memory_space<hbm>>) target(%arg12 : memref<400x32xf32, #tpu.memory_space<vmem>>) offsets(%arg8 : memref<400xi32, #tpu.memory_space<vmem>>) semaphore(%arg15 : memref<!tpu.dma_semaphore, #tpu.memory_space<semaphore_mem>>)
      %convert_element_type3A_196 = arith.extui %lt3A : i1 to i32
      %cond3A_197 = arith.constant 0 : i32
      %cond3A_198 = arith.cmpi ne, %convert_element_type3A_196, %cond3A_197 : i32
      scf.if %cond3A_198 {
        %dma_start3A_212 = arith.constant 0 : i32
        %dma_start3A_213 = arith.constant 0 : i32
        %dma_start3A_214 = tpu.memref_slice %arg2[%dma_start3A_212, %dma_start3A_213] : memref<100000x32xf32, #tpu.memory_space<hbm>> -> memref<100000x32xf32, #tpu.memory_space<hbm>>
        tpu.enqueue_indirect_dma source(%dma_start3A_214 : memref<100000x32xf32, #tpu.memory_space<hbm>>) target(%arg13 : memref<400x32xf32, #tpu.memory_space<vmem>>) offsets(%arg9 : memref<400xi32, #tpu.memory_space<vmem>>) semaphore(%arg16 : memref<!tpu.dma_semaphore, #tpu.memory_space<semaphore_mem>>)
      } else {
      }
      %dma_wait3A_199 = arith.constant 0 : i32
      %dma_wait3A_200 = arith.constant 0 : i32
      %dma_wait3A_201 = tpu.memref_slice %arg2[%dma_wait3A_199, %dma_wait3A_200] : memref<100000x32xf32, #tpu.memory_space<hbm>> -> memref<100000x32xf32, #tpu.memory_space<hbm>>
      tpu.wait_indirect_dma semaphore(%arg15 : memref<!tpu.dma_semaphore, #tpu.memory_space<semaphore_mem>>) src(%dma_wait3A_201 : memref<100000x32xf32, #tpu.memory_space<hbm>>) dst(%arg12 : memref<400x32xf32, #tpu.memory_space<vmem>>)
      %convert_element_type3A_202 = arith.extui %lt3A : i1 to i32
      %cond3A_203 = arith.constant 0 : i32
      %cond3A_204 = arith.cmpi ne, %convert_element_type3A_202, %cond3A_203 : i32
      scf.if %cond3A_204 {
        %dma_wait3A_212 = arith.constant 0 : i32
        %dma_wait3A_213 = arith.constant 0 : i32
        %dma_wait3A_214 = tpu.memref_slice %arg2[%dma_wait3A_212, %dma_wait3A_213] : memref<100000x32xf32, #tpu.memory_space<hbm>> -> memref<100000x32xf32, #tpu.memory_space<hbm>>
        tpu.wait_indirect_dma semaphore(%arg16 : memref<!tpu.dma_semaphore, #tpu.memory_space<semaphore_mem>>) src(%dma_wait3A_214 : memref<100000x32xf32, #tpu.memory_space<hbm>>) dst(%arg13 : memref<400x32xf32, #tpu.memory_space<vmem>>)
      } else {
      }
      %dma_start3A_205 = arith.constant 0 : i32
      %dma_start3A_206 = arith.constant 0 : i32
      %dma_start3A_207 = tpu.memref_slice %arg19[%dma_start3A_205, %dma_start3A_206] : memref<51024x32xf32, #tpu.memory_space<vmem_shared>> -> memref<51024x32xf32, #tpu.memory_space<vmem_shared>>
      tpu.enqueue_indirect_dma source(%arg12 : memref<400x32xf32, #tpu.memory_space<vmem>>) target(%dma_start3A_207 : memref<51024x32xf32, #tpu.memory_space<vmem_shared>>) offsets(%arg10 : memref<400xi32, #tpu.memory_space<vmem>>) semaphore(%arg17 : memref<!tpu.dma_semaphore, #tpu.memory_space<semaphore_mem>>) {add = true}
      %convert_element_type3A_208 = arith.extui %lt3A : i1 to i32
      %cond3A_209 = arith.constant 0 : i32
      %cond3A_210 = arith.cmpi ne, %convert_element_type3A_208, %cond3A_209 : i32
      scf.if %cond3A_210 {
        %dma_start3A_212 = arith.constant 0 : i32
        %dma_start3A_213 = arith.constant 0 : i32
        %dma_start3A_214 = tpu.memref_slice %arg19[%dma_start3A_212, %dma_start3A_213] : memref<51024x32xf32, #tpu.memory_space<vmem_shared>> -> memref<51024x32xf32, #tpu.memory_space<vmem_shared>>
        tpu.enqueue_indirect_dma source(%arg13 : memref<400x32xf32, #tpu.memory_space<vmem>>) target(%dma_start3A_214 : memref<51024x32xf32, #tpu.memory_space<vmem_shared>>) offsets(%arg11 : memref<400xi32, #tpu.memory_space<vmem>>) semaphore(%arg18 : memref<!tpu.dma_semaphore, #tpu.memory_space<semaphore_mem>>) {add = true}
      } else {
      }
      %while3A_211 = arith.constant 0 : i32
      scf.yield %while3A_211 : i32
    }
    %while3A_100 = arith.constant 1 : i32
    %while3A_101 = scf.for %while3A_152 = %while3A_97 to %while3A_93 step %while3A_100 iter_args(%while3A_153 = %while3A_99) -> (i32)  : i32 {
      %mul3A_154 = arith.constant 2 : i32
      %mul3A_155 = arith.muli %mul3A_154, %while3A_152 : i32
      %add3A_156 = arith.constant 1 : i32
      %add3A_157 = arith.addi %mul3A_155, %add3A_156 : i32
      %lt3A = arith.cmpi slt, %add3A_157, %select_n3A : i32
      %gt3A = arith.constant 0 : i32
      %gt3A_158 = arith.cmpi sgt, %while3A_152, %gt3A : i32
      %convert_element_type3A_159 = arith.extui %gt3A_158 : i1 to i32
      %cond3A_160 = arith.constant 0 : i32
      %cond3A_161 = arith.cmpi ne, %convert_element_type3A_159, %cond3A_160 : i32
      scf.if %cond3A_161 {
        %dma_wait3A_212 = arith.constant 0 : i32
        %dma_wait3A_213 = arith.constant 0 : i32
        %dma_wait3A_214 = tpu.memref_slice %arg19[%dma_wait3A_212, %dma_wait3A_213] : memref<51024x32xf32, #tpu.memory_space<vmem_shared>> -> memref<51024x32xf32, #tpu.memory_space<vmem_shared>>
        tpu.wait_indirect_dma semaphore(%arg17 : memref<!tpu.dma_semaphore, #tpu.memory_space<semaphore_mem>>) src(%arg12 : memref<400x32xf32, #tpu.memory_space<vmem>>) dst(%dma_wait3A_214 : memref<51024x32xf32, #tpu.memory_space<vmem_shared>>)
      } else {
      }
      %gt3A_162 = arith.constant 0 : i32
      %gt3A_163 = arith.cmpi sgt, %while3A_152, %gt3A_162 : i32
      %and3A_164 = arith.andi %gt3A_163, %lt3A : i1
      %convert_element_type3A_165 = arith.extui %and3A_164 : i1 to i32
      %cond3A_166 = arith.constant 0 : i32
      %cond3A_167 = arith.cmpi ne, %convert_element_type3A_165, %cond3A_166 : i32
      scf.if %cond3A_167 {
        %dma_wait3A_212 = arith.constant 0 : i32
        %dma_wait3A_213 = arith.constant 0 : i32
        %dma_wait3A_214 = tpu.memref_slice %arg19[%dma_wait3A_212, %dma_wait3A_213] : memref<51024x32xf32, #tpu.memory_space<vmem_shared>> -> memref<51024x32xf32, #tpu.memory_space<vmem_shared>>
        tpu.wait_indirect_dma semaphore(%arg18 : memref<!tpu.dma_semaphore, #tpu.memory_space<semaphore_mem>>) src(%arg13 : memref<400x32xf32, #tpu.memory_space<vmem>>) dst(%dma_wait3A_214 : memref<51024x32xf32, #tpu.memory_space<vmem_shared>>)
      } else {
      }
      %mul3A_168 = arith.constant 2 : i32
      %mul3A_169 = arith.muli %mul3A_168, %while3A_152 : i32
      %mul3A_170 = arith.constant 400 : i32
      %mul3A_171 = arith.muli %mul3A_169, %mul3A_170 : i32
      %add3A_172 = arith.addi %mul3A_2, %mul3A_171 : i32
      %multiple_of3A = tpu.assume_multiple %add3A_172, 8 : i32
      %mul3A_173 = arith.constant 2 : i32
      %mul3A_174 = arith.muli %mul3A_173, %while3A_152 : i32
      %add3A_175 = arith.constant 1 : i32
      %add3A_176 = arith.addi %mul3A_174, %add3A_175 : i32
      %mul3A_177 = arith.constant 400 : i32
      %mul3A_178 = arith.muli %add3A_176, %mul3A_177 : i32
      %add3A_179 = arith.addi %mul3A_2, %mul3A_178 : i32
      %multiple_of3A_180 = tpu.assume_multiple %add3A_179, 8 : i32
      %dma_start3A = tpu.memref_slice %arg3[%multiple_of3A] : memref<1651712xi32, #tpu.memory_space<hbm>> -> memref<400xi32, #tpu.memory_space<hbm>>
      %dma_start3A_181 = tpu.memref_slice %arg3[%multiple_of3A] : memref<1651712xi32, #tpu.memory_space<hbm>> -> memref<400xi32, #tpu.memory_space<hbm>>
      tpu.enqueue_dma source(%dma_start3A_181 : memref<400xi32, #tpu.memory_space<hbm>>) target(%arg8 : memref<400xi32, #tpu.memory_space<vmem>>) target_semaphore(%arg14 : memref<!tpu.dma_semaphore, #tpu.memory_space<semaphore_mem>>)
      %dma_start3A_182 = tpu.memref_slice %arg4[%multiple_of3A] : memref<1651712xi32, #tpu.memory_space<hbm>> -> memref<400xi32, #tpu.memory_space<hbm>>
      %dma_start3A_183 = tpu.memref_slice %arg4[%multiple_of3A] : memref<1651712xi32, #tpu.memory_space<hbm>> -> memref<400xi32, #tpu.memory_space<hbm>>
      tpu.enqueue_dma source(%dma_start3A_183 : memref<400xi32, #tpu.memory_space<hbm>>) target(%arg10 : memref<400xi32, #tpu.memory_space<vmem>>) target_semaphore(%arg14 : memref<!tpu.dma_semaphore, #tpu.memory_space<semaphore_mem>>)
      %convert_element_type3A_184 = arith.extui %lt3A : i1 to i32
      %cond3A_185 = arith.constant 0 : i32
      %cond3A_186 = arith.cmpi ne, %convert_element_type3A_184, %cond3A_185 : i32
      scf.if %cond3A_186 {
        %dma_start3A_212 = tpu.memref_slice %arg3[%multiple_of3A_180] : memref<1651712xi32, #tpu.memory_space<hbm>> -> memref<400xi32, #tpu.memory_space<hbm>>
        %dma_start3A_213 = tpu.memref_slice %arg3[%multiple_of3A_180] : memref<1651712xi32, #tpu.memory_space<hbm>> -> memref<400xi32, #tpu.memory_space<hbm>>
        tpu.enqueue_dma source(%dma_start3A_213 : memref<400xi32, #tpu.memory_space<hbm>>) target(%arg9 : memref<400xi32, #tpu.memory_space<vmem>>) target_semaphore(%arg14 : memref<!tpu.dma_semaphore, #tpu.memory_space<semaphore_mem>>)
        %dma_start3A_214 = tpu.memref_slice %arg4[%multiple_of3A_180] : memref<1651712xi32, #tpu.memory_space<hbm>> -> memref<400xi32, #tpu.memory_space<hbm>>
        %dma_start3A_215 = tpu.memref_slice %arg4[%multiple_of3A_180] : memref<1651712xi32, #tpu.memory_space<hbm>> -> memref<400xi32, #tpu.memory_space<hbm>>
        tpu.enqueue_dma source(%dma_start3A_215 : memref<400xi32, #tpu.memory_space<hbm>>) target(%arg11 : memref<400xi32, #tpu.memory_space<vmem>>) target_semaphore(%arg14 : memref<!tpu.dma_semaphore, #tpu.memory_space<semaphore_mem>>)
      } else {
      }
      %dma_wait3A = tpu.memref_slice %arg3[%multiple_of3A] : memref<1651712xi32, #tpu.memory_space<hbm>> -> memref<400xi32, #tpu.memory_space<hbm>>
      %dma_wait3A_187 = tpu.memref_slice %arg3[%multiple_of3A] : memref<1651712xi32, #tpu.memory_space<hbm>> -> memref<400xi32, #tpu.memory_space<hbm>>
      tpu.wait_dma2 semaphore(%arg14 : memref<!tpu.dma_semaphore, #tpu.memory_space<semaphore_mem>>) src(%dma_wait3A_187 : memref<400xi32, #tpu.memory_space<hbm>>) dst(%arg8 : memref<400xi32, #tpu.memory_space<vmem>>)
      %dma_wait3A_188 = tpu.memref_slice %arg4[%multiple_of3A] : memref<1651712xi32, #tpu.memory_space<hbm>> -> memref<400xi32, #tpu.memory_space<hbm>>
      %dma_wait3A_189 = tpu.memref_slice %arg4[%multiple_of3A] : memref<1651712xi32, #tpu.memory_space<hbm>> -> memref<400xi32, #tpu.memory_space<hbm>>
      tpu.wait_dma2 semaphore(%arg14 : memref<!tpu.dma_semaphore, #tpu.memory_space<semaphore_mem>>) src(%dma_wait3A_189 : memref<400xi32, #tpu.memory_space<hbm>>) dst(%arg10 : memref<400xi32, #tpu.memory_space<vmem>>)
      %convert_element_type3A_190 = arith.extui %lt3A : i1 to i32
      %cond3A_191 = arith.constant 0 : i32
      %cond3A_192 = arith.cmpi ne, %convert_element_type3A_190, %cond3A_191 : i32
      scf.if %cond3A_192 {
        %dma_wait3A_212 = tpu.memref_slice %arg3[%multiple_of3A_180] : memref<1651712xi32, #tpu.memory_space<hbm>> -> memref<400xi32, #tpu.memory_space<hbm>>
        %dma_wait3A_213 = tpu.memref_slice %arg3[%multiple_of3A_180] : memref<1651712xi32, #tpu.memory_space<hbm>> -> memref<400xi32, #tpu.memory_space<hbm>>
        tpu.wait_dma2 semaphore(%arg14 : memref<!tpu.dma_semaphore, #tpu.memory_space<semaphore_mem>>) src(%dma_wait3A_213 : memref<400xi32, #tpu.memory_space<hbm>>) dst(%arg9 : memref<400xi32, #tpu.memory_space<vmem>>)
        %dma_wait3A_214 = tpu.memref_slice %arg4[%multiple_of3A_180] : memref<1651712xi32, #tpu.memory_space<hbm>> -> memref<400xi32, #tpu.memory_space<hbm>>
        %dma_wait3A_215 = tpu.memref_slice %arg4[%multiple_of3A_180] : memref<1651712xi32, #tpu.memory_space<hbm>> -> memref<400xi32, #tpu.memory_space<hbm>>
        tpu.wait_dma2 semaphore(%arg14 : memref<!tpu.dma_semaphore, #tpu.memory_space<semaphore_mem>>) src(%dma_wait3A_215 : memref<400xi32, #tpu.memory_space<hbm>>) dst(%arg11 : memref<400xi32, #tpu.memory_space<vmem>>)
      } else {
      }
      %dma_start3A_193 = arith.constant 0 : i32
      %dma_start3A_194 = arith.constant 0 : i32
      %dma_start3A_195 = tpu.memref_slice %arg2[%dma_start3A_193, %dma_start3A_194] : memref<100000x32xf32, #tpu.memory_space<hbm>> -> memref<100000x32xf32, #tpu.memory_space<hbm>>
      tpu.enqueue_indirect_dma source(%dma_start3A_195 : memref<100000x32xf32, #tpu.memory_space<hbm>>) target(%arg12 : memref<400x32xf32, #tpu.memory_space<vmem>>) offsets(%arg8 : memref<400xi32, #tpu.memory_space<vmem>>) semaphore(%arg15 : memref<!tpu.dma_semaphore, #tpu.memory_space<semaphore_mem>>)
      %convert_element_type3A_196 = arith.extui %lt3A : i1 to i32
      %cond3A_197 = arith.constant 0 : i32
      %cond3A_198 = arith.cmpi ne, %convert_element_type3A_196, %cond3A_197 : i32
      scf.if %cond3A_198 {
        %dma_start3A_212 = arith.constant 0 : i32
        %dma_start3A_213 = arith.constant 0 : i32
        %dma_start3A_214 = tpu.memref_slice %arg2[%dma_start3A_212, %dma_start3A_213] : memref<100000x32xf32, #tpu.memory_space<hbm>> -> memref<100000x32xf32, #tpu.memory_space<hbm>>
        tpu.enqueue_indirect_dma source(%dma_start3A_214 : memref<100000x32xf32, #tpu.memory_space<hbm>>) target(%arg13 : memref<400x32xf32, #tpu.memory_space<vmem>>) offsets(%arg9 : memref<400xi32, #tpu.memory_space<vmem>>) semaphore(%arg16 : memref<!tpu.dma_semaphore, #tpu.memory_space<semaphore_mem>>)
      } else {
      }
      %dma_wait3A_199 = arith.constant 0 : i32
      %dma_wait3A_200 = arith.constant 0 : i32
      %dma_wait3A_201 = tpu.memref_slice %arg2[%dma_wait3A_199, %dma_wait3A_200] : memref<100000x32xf32, #tpu.memory_space<hbm>> -> memref<100000x32xf32, #tpu.memory_space<hbm>>
      tpu.wait_indirect_dma semaphore(%arg15 : memref<!tpu.dma_semaphore, #tpu.memory_space<semaphore_mem>>) src(%dma_wait3A_201 : memref<100000x32xf32, #tpu.memory_space<hbm>>) dst(%arg12 : memref<400x32xf32, #tpu.memory_space<vmem>>)
      %convert_element_type3A_202 = arith.extui %lt3A : i1 to i32
      %cond3A_203 = arith.constant 0 : i32
      %cond3A_204 = arith.cmpi ne, %convert_element_type3A_202, %cond3A_203 : i32
      scf.if %cond3A_204 {
        %dma_wait3A_212 = arith.constant 0 : i32
        %dma_wait3A_213 = arith.constant 0 : i32
        %dma_wait3A_214 = tpu.memref_slice %arg2[%dma_wait3A_212, %dma_wait3A_213] : memref<100000x32xf32, #tpu.memory_space<hbm>> -> memref<100000x32xf32, #tpu.memory_space<hbm>>
        tpu.wait_indirect_dma semaphore(%arg16 : memref<!tpu.dma_semaphore, #tpu.memory_space<semaphore_mem>>) src(%dma_wait3A_214 : memref<100000x32xf32, #tpu.memory_space<hbm>>) dst(%arg13 : memref<400x32xf32, #tpu.memory_space<vmem>>)
      } else {
      }
      %dma_start3A_205 = arith.constant 0 : i32
      %dma_start3A_206 = arith.constant 0 : i32
      %dma_start3A_207 = tpu.memref_slice %arg19[%dma_start3A_205, %dma_start3A_206] : memref<51024x32xf32, #tpu.memory_space<vmem_shared>> -> memref<51024x32xf32, #tpu.memory_space<vmem_shared>>
      tpu.enqueue_indirect_dma source(%arg12 : memref<400x32xf32, #tpu.memory_space<vmem>>) target(%dma_start3A_207 : memref<51024x32xf32, #tpu.memory_space<vmem_shared>>) offsets(%arg10 : memref<400xi32, #tpu.memory_space<vmem>>) semaphore(%arg17 : memref<!tpu.dma_semaphore, #tpu.memory_space<semaphore_mem>>) {add = true}
      %convert_element_type3A_208 = arith.extui %lt3A : i1 to i32
      %cond3A_209 = arith.constant 0 : i32
      %cond3A_210 = arith.cmpi ne, %convert_element_type3A_208, %cond3A_209 : i32
      scf.if %cond3A_210 {
        %dma_start3A_212 = arith.constant 0 : i32
        %dma_start3A_213 = arith.constant 0 : i32
        %dma_start3A_214 = tpu.memref_slice %arg19[%dma_start3A_212, %dma_start3A_213] : memref<51024x32xf32, #tpu.memory_space<vmem_shared>> -> memref<51024x32xf32, #tpu.memory_space<vmem_shared>>
        tpu.enqueue_indirect_dma source(%arg13 : memref<400x32xf32, #tpu.memory_space<vmem>>) target(%dma_start3A_214 : memref<51024x32xf32, #tpu.memory_space<vmem_shared>>) offsets(%arg11 : memref<400xi32, #tpu.memory_space<vmem>>) semaphore(%arg18 : memref<!tpu.dma_semaphore, #tpu.memory_space<semaphore_mem>>) {add = true}
      } else {
      }
      %while3A_211 = arith.constant 0 : i32
      scf.yield %while3A_211 : i32
    }
    %ge3A = arith.constant 1 : i32
    %ge3A_102 = arith.cmpi sge, %select_n3A, %ge3A : i32
    %convert_element_type3A = arith.extui %ge3A_102 : i1 to i32
    %cond3A = arith.constant 0 : i32
    %cond3A_103 = arith.cmpi ne, %convert_element_type3A, %cond3A : i32
    scf.if %cond3A_103 {
      %dma_wait3A = arith.constant 0 : i32
      %dma_wait3A_152 = arith.constant 0 : i32
      %dma_wait3A_153 = tpu.memref_slice %arg19[%dma_wait3A, %dma_wait3A_152] : memref<51024x32xf32, #tpu.memory_space<vmem_shared>> -> memref<51024x32xf32, #tpu.memory_space<vmem_shared>>
      tpu.wait_indirect_dma semaphore(%arg17 : memref<!tpu.dma_semaphore, #tpu.memory_space<semaphore_mem>>) src(%arg12 : memref<400x32xf32, #tpu.memory_space<vmem>>) dst(%dma_wait3A_153 : memref<51024x32xf32, #tpu.memory_space<vmem_shared>>)
    } else {
    }
    %ge3A_104 = arith.constant 2 : i32
    %ge3A_105 = arith.cmpi sge, %select_n3A, %ge3A_104 : i32
    %convert_element_type3A_106 = arith.extui %ge3A_105 : i1 to i32
    %cond3A_107 = arith.constant 0 : i32
    %cond3A_108 = arith.cmpi ne, %convert_element_type3A_106, %cond3A_107 : i32
    scf.if %cond3A_108 {
      %dma_wait3A = arith.constant 0 : i32
      %dma_wait3A_152 = arith.constant 0 : i32
      %dma_wait3A_153 = tpu.memref_slice %arg19[%dma_wait3A, %dma_wait3A_152] : memref<51024x32xf32, #tpu.memory_space<vmem_shared>> -> memref<51024x32xf32, #tpu.memory_space<vmem_shared>>
      tpu.wait_indirect_dma semaphore(%arg18 : memref<!tpu.dma_semaphore, #tpu.memory_space<semaphore_mem>>) src(%arg13 : memref<400x32xf32, #tpu.memory_space<vmem>>) dst(%dma_wait3A_153 : memref<51024x32xf32, #tpu.memory_space<vmem_shared>>)
    } else {
    }
    %barrier3A_109 = arith.constant 0 : index
    tpu.barrier barrier_id(%barrier3A_109)
    %sub3A_110 = arith.constant 125 : i32
    %sub3A_111 = arith.subi %sub3A_110, %arg1 : i32
    %add3A_112 = arith.constant 16 : i32
    %add3A_113 = arith.addi %sub3A_111, %add3A_112 : i32
    %sub3A_114 = arith.constant 1 : i32
    %sub3A_115 = arith.subi %add3A_113, %sub3A_114 : i32
    %jit3A_116 = arith.constant 16 : i32
    %div3A_117 = arith.divsi %sub3A_115, %jit3A_116 : i32
    %sign3A_118 = arith.constant 0 : i32
    %sign3A_119 = arith.cmpi sgt, %sub3A_115, %sign3A_118 : i32
    %sign3A_120 = arith.extui %sign3A_119 : i1 to i32
    %sign3A_121 = arith.constant 0 : i32
    %sign3A_122 = arith.cmpi slt, %sub3A_115, %sign3A_121 : i32
    %sign3A_123 = arith.extui %sign3A_122 : i1 to i32
    %sign3A_124 = arith.subi %sign3A_120, %sign3A_123 : i32
    %sign3A_125 = arith.constant 0 : i32
    %sign3A_126 = arith.cmpi sgt, %jit3A_116, %sign3A_125 : i32
    %sign3A_127 = arith.extui %sign3A_126 : i1 to i32
    %sign3A_128 = arith.constant 0 : i32
    %sign3A_129 = arith.cmpi slt, %jit3A_116, %sign3A_128 : i32
    %sign3A_130 = arith.extui %sign3A_129 : i1 to i32
    %sign3A_131 = arith.subi %sign3A_127, %sign3A_130 : i32
    %ne3A_132 = arith.cmpi ne, %sign3A_124, %sign3A_131 : i32
    %rem3A_133 = arith.remsi %sub3A_115, %jit3A_116 : i32
    %ne3A_134 = arith.constant 0 : i32
    %ne3A_135 = arith.cmpi ne, %rem3A_133, %ne3A_134 : i32
    %and3A_136 = arith.andi %ne3A_132, %ne3A_135 : i1
    %sub3A_137 = arith.constant 1 : i32
    %sub3A_138 = arith.subi %div3A_117, %sub3A_137 : i32
    %select_n3A_139 = arith.select %and3A_136, %sub3A_138, %div3A_117 : i32
    %while3A_140 = arith.constant 0 : i32
    %while3A_141 = arith.constant 0 : i32
    %while3A_142 = arith.subi %select_n3A_139, %while3A_140 : i32
    %while3A_143 = arith.addi %while3A_140, %while3A_142 : i32
    %while3A_144 = arith.constant 1 : i32
    %while3A_145 = arith.divsi %while3A_142, %while3A_144 : i32
    %while3A_146 = arith.muli %while3A_145, %while3A_144 : i32
    %while3A_147 = arith.addi %while3A_140, %while3A_146 : i32
    %while3A_148 = arith.constant 1 : i32
    %while3A_149 = scf.for %while3A_152 = %while3A_140 to %while3A_147 step %while3A_148 iter_args(%while3A_153 = %while3A_141) -> (i32)  : i32 {
      %mul3A_154 = arith.constant 16 : i32
      %mul3A_155 = arith.muli %while3A_152, %mul3A_154 : i32
      %add3A_156 = arith.addi %arg1, %mul3A_155 : i32
      %mul3A_157 = arith.constant 400 : i32
      %mul3A_158 = arith.muli %add3A_156, %mul3A_157 : i32
      "tpu.region"() ({
        %run_scoped3A = tpu.sem_alloc : memref<!tpu.dma_semaphore, #tpu.memory_space<semaphore_mem>>
        %dma_start3A = arith.constant 0 : i32
        %dma_start3A_163 = arith.constant 0 : i32
        %dma_start3A_164 = tpu.memref_slice %arg12[%dma_start3A, %dma_start3A_163] : memref<400x32xf32, #tpu.memory_space<vmem>> -> memref<400x32xf32, #tpu.memory_space<vmem>>
        %dma_start3A_165 = arith.constant 0 : i32
        %dma_start3A_166 = tpu.memref_slice %arg19[%mul3A_158, %dma_start3A_165] : memref<51024x32xf32, #tpu.memory_space<vmem_shared>> -> memref<400x32xf32, #tpu.memory_space<vmem_shared>>
        %dma_start3A_167 = arith.constant 0 : i32
        %dma_start3A_168 = arith.constant 0 : i32
        %dma_start3A_169 = tpu.memref_slice %arg12[%dma_start3A_167, %dma_start3A_168] : memref<400x32xf32, #tpu.memory_space<vmem>> -> memref<400x32xf32, #tpu.memory_space<vmem>>
        %dma_start3A_170 = arith.constant 0 : i32
        %dma_start3A_171 = tpu.memref_slice %arg19[%mul3A_158, %dma_start3A_170] : memref<51024x32xf32, #tpu.memory_space<vmem_shared>> -> memref<400x32xf32, #tpu.memory_space<vmem_shared>>
        tpu.enqueue_dma source(%dma_start3A_171 : memref<400x32xf32, #tpu.memory_space<vmem_shared>>) target(%dma_start3A_169 : memref<400x32xf32, #tpu.memory_space<vmem>>) target_semaphore(%run_scoped3A : memref<!tpu.dma_semaphore, #tpu.memory_space<semaphore_mem>>)
        %dma_wait3A = arith.constant 0 : i32
        %dma_wait3A_172 = arith.constant 0 : i32
        %dma_wait3A_173 = tpu.memref_slice %arg12[%dma_wait3A, %dma_wait3A_172] : memref<400x32xf32, #tpu.memory_space<vmem>> -> memref<400x32xf32, #tpu.memory_space<vmem>>
        %dma_wait3A_174 = arith.constant 0 : i32
        %dma_wait3A_175 = tpu.memref_slice %arg19[%mul3A_158, %dma_wait3A_174] : memref<51024x32xf32, #tpu.memory_space<vmem_shared>> -> memref<400x32xf32, #tpu.memory_space<vmem_shared>>
        %dma_wait3A_176 = arith.constant 0 : i32
        %dma_wait3A_177 = arith.constant 0 : i32
        %dma_wait3A_178 = tpu.memref_slice %arg12[%dma_wait3A_176, %dma_wait3A_177] : memref<400x32xf32, #tpu.memory_space<vmem>> -> memref<400x32xf32, #tpu.memory_space<vmem>>
        %dma_wait3A_179 = arith.constant 0 : i32
        %dma_wait3A_180 = tpu.memref_slice %arg19[%mul3A_158, %dma_wait3A_179] : memref<51024x32xf32, #tpu.memory_space<vmem_shared>> -> memref<400x32xf32, #tpu.memory_space<vmem_shared>>
        tpu.wait_dma2 semaphore(%run_scoped3A : memref<!tpu.dma_semaphore, #tpu.memory_space<semaphore_mem>>) src(%dma_wait3A_180 : memref<400x32xf32, #tpu.memory_space<vmem_shared>>) dst(%dma_wait3A_178 : memref<400x32xf32, #tpu.memory_space<vmem>>)
        tpu.yield
      }) : () -> ()
      %mul3A_159 = arith.constant 50000 : i32
      %mul3A_160 = arith.muli %arg0, %mul3A_159 : i32
      %add3A_161 = arith.addi %mul3A_160, %mul3A_158 : i32
      "tpu.region"() ({
        %run_scoped3A = tpu.sem_alloc : memref<!tpu.dma_semaphore, #tpu.memory_space<semaphore_mem>>
        %dma_start3A = arith.constant 0 : i32
        %dma_start3A_163 = arith.constant 0 : i32
        %dma_start3A_164 = tpu.memref_slice %arg12[%dma_start3A, %dma_start3A_163] : memref<400x32xf32, #tpu.memory_space<vmem>> -> memref<400x32xf32, #tpu.memory_space<vmem>>
        %dma_start3A_165 = arith.constant 0 : i32
        %dma_start3A_166 = tpu.memref_slice %arg6[%add3A_161, %dma_start3A_165] : memref<100000x32xf32, #tpu.memory_space<hbm>> -> memref<400x32xf32, #tpu.memory_space<hbm>>
        %dma_start3A_167 = arith.constant 0 : i32
        %dma_start3A_168 = tpu.memref_slice %arg6[%add3A_161, %dma_start3A_167] : memref<100000x32xf32, #tpu.memory_space<hbm>> -> memref<400x32xf32, #tpu.memory_space<hbm>>
        %dma_start3A_169 = arith.constant 0 : i32
        %dma_start3A_170 = arith.constant 0 : i32
        %dma_start3A_171 = tpu.memref_slice %arg12[%dma_start3A_169, %dma_start3A_170] : memref<400x32xf32, #tpu.memory_space<vmem>> -> memref<400x32xf32, #tpu.memory_space<vmem>>
        tpu.enqueue_dma source(%dma_start3A_171 : memref<400x32xf32, #tpu.memory_space<vmem>>) target(%dma_start3A_168 : memref<400x32xf32, #tpu.memory_space<hbm>>) target_semaphore(%run_scoped3A : memref<!tpu.dma_semaphore, #tpu.memory_space<semaphore_mem>>)
        %dma_wait3A = arith.constant 0 : i32
        %dma_wait3A_172 = arith.constant 0 : i32
        %dma_wait3A_173 = tpu.memref_slice %arg12[%dma_wait3A, %dma_wait3A_172] : memref<400x32xf32, #tpu.memory_space<vmem>> -> memref<400x32xf32, #tpu.memory_space<vmem>>
        %dma_wait3A_174 = arith.constant 0 : i32
        %dma_wait3A_175 = tpu.memref_slice %arg6[%add3A_161, %dma_wait3A_174] : memref<100000x32xf32, #tpu.memory_space<hbm>> -> memref<400x32xf32, #tpu.memory_space<hbm>>
        %dma_wait3A_176 = arith.constant 0 : i32
        %dma_wait3A_177 = tpu.memref_slice %arg6[%add3A_161, %dma_wait3A_176] : memref<100000x32xf32, #tpu.memory_space<hbm>> -> memref<400x32xf32, #tpu.memory_space<hbm>>
        %dma_wait3A_178 = arith.constant 0 : i32
        %dma_wait3A_179 = arith.constant 0 : i32
        %dma_wait3A_180 = tpu.memref_slice %arg12[%dma_wait3A_178, %dma_wait3A_179] : memref<400x32xf32, #tpu.memory_space<vmem>> -> memref<400x32xf32, #tpu.memory_space<vmem>>
        tpu.wait_dma2 semaphore(%run_scoped3A : memref<!tpu.dma_semaphore, #tpu.memory_space<semaphore_mem>>) src(%dma_wait3A_180 : memref<400x32xf32, #tpu.memory_space<vmem>>) dst(%dma_wait3A_177 : memref<400x32xf32, #tpu.memory_space<hbm>>)
        tpu.yield
      }) : () -> ()
      %while3A_162 = arith.constant 0 : i32
      scf.yield %while3A_162 : i32
    }
    %while3A_150 = arith.constant 1 : i32
    %while3A_151 = scf.for %while3A_152 = %while3A_147 to %while3A_143 step %while3A_150 iter_args(%while3A_153 = %while3A_149) -> (i32)  : i32 {
      %mul3A_154 = arith.constant 16 : i32
      %mul3A_155 = arith.muli %while3A_152, %mul3A_154 : i32
      %add3A_156 = arith.addi %arg1, %mul3A_155 : i32
      %mul3A_157 = arith.constant 400 : i32
      %mul3A_158 = arith.muli %add3A_156, %mul3A_157 : i32
      "tpu.region"() ({
        %run_scoped3A = tpu.sem_alloc : memref<!tpu.dma_semaphore, #tpu.memory_space<semaphore_mem>>
        %dma_start3A = arith.constant 0 : i32
        %dma_start3A_163 = arith.constant 0 : i32
        %dma_start3A_164 = tpu.memref_slice %arg12[%dma_start3A, %dma_start3A_163] : memref<400x32xf32, #tpu.memory_space<vmem>> -> memref<400x32xf32, #tpu.memory_space<vmem>>
        %dma_start3A_165 = arith.constant 0 : i32
        %dma_start3A_166 = tpu.memref_slice %arg19[%mul3A_158, %dma_start3A_165] : memref<51024x32xf32, #tpu.memory_space<vmem_shared>> -> memref<400x32xf32, #tpu.memory_space<vmem_shared>>
        %dma_start3A_167 = arith.constant 0 : i32
        %dma_start3A_168 = arith.constant 0 : i32
        %dma_start3A_169 = tpu.memref_slice %arg12[%dma_start3A_167, %dma_start3A_168] : memref<400x32xf32, #tpu.memory_space<vmem>> -> memref<400x32xf32, #tpu.memory_space<vmem>>
        %dma_start3A_170 = arith.constant 0 : i32
        %dma_start3A_171 = tpu.memref_slice %arg19[%mul3A_158, %dma_start3A_170] : memref<51024x32xf32, #tpu.memory_space<vmem_shared>> -> memref<400x32xf32, #tpu.memory_space<vmem_shared>>
        tpu.enqueue_dma source(%dma_start3A_171 : memref<400x32xf32, #tpu.memory_space<vmem_shared>>) target(%dma_start3A_169 : memref<400x32xf32, #tpu.memory_space<vmem>>) target_semaphore(%run_scoped3A : memref<!tpu.dma_semaphore, #tpu.memory_space<semaphore_mem>>)
        %dma_wait3A = arith.constant 0 : i32
        %dma_wait3A_172 = arith.constant 0 : i32
        %dma_wait3A_173 = tpu.memref_slice %arg12[%dma_wait3A, %dma_wait3A_172] : memref<400x32xf32, #tpu.memory_space<vmem>> -> memref<400x32xf32, #tpu.memory_space<vmem>>
        %dma_wait3A_174 = arith.constant 0 : i32
        %dma_wait3A_175 = tpu.memref_slice %arg19[%mul3A_158, %dma_wait3A_174] : memref<51024x32xf32, #tpu.memory_space<vmem_shared>> -> memref<400x32xf32, #tpu.memory_space<vmem_shared>>
        %dma_wait3A_176 = arith.constant 0 : i32
        %dma_wait3A_177 = arith.constant 0 : i32
        %dma_wait3A_178 = tpu.memref_slice %arg12[%dma_wait3A_176, %dma_wait3A_177] : memref<400x32xf32, #tpu.memory_space<vmem>> -> memref<400x32xf32, #tpu.memory_space<vmem>>
        %dma_wait3A_179 = arith.constant 0 : i32
        %dma_wait3A_180 = tpu.memref_slice %arg19[%mul3A_158, %dma_wait3A_179] : memref<51024x32xf32, #tpu.memory_space<vmem_shared>> -> memref<400x32xf32, #tpu.memory_space<vmem_shared>>
        tpu.wait_dma2 semaphore(%run_scoped3A : memref<!tpu.dma_semaphore, #tpu.memory_space<semaphore_mem>>) src(%dma_wait3A_180 : memref<400x32xf32, #tpu.memory_space<vmem_shared>>) dst(%dma_wait3A_178 : memref<400x32xf32, #tpu.memory_space<vmem>>)
        tpu.yield
      }) : () -> ()
      %mul3A_159 = arith.constant 50000 : i32
      %mul3A_160 = arith.muli %arg0, %mul3A_159 : i32
      %add3A_161 = arith.addi %mul3A_160, %mul3A_158 : i32
      "tpu.region"() ({
        %run_scoped3A = tpu.sem_alloc : memref<!tpu.dma_semaphore, #tpu.memory_space<semaphore_mem>>
        %dma_start3A = arith.constant 0 : i32
        %dma_start3A_163 = arith.constant 0 : i32
        %dma_start3A_164 = tpu.memref_slice %arg12[%dma_start3A, %dma_start3A_163] : memref<400x32xf32, #tpu.memory_space<vmem>> -> memref<400x32xf32, #tpu.memory_space<vmem>>
        %dma_start3A_165 = arith.constant 0 : i32
        %dma_start3A_166 = tpu.memref_slice %arg6[%add3A_161, %dma_start3A_165] : memref<100000x32xf32, #tpu.memory_space<hbm>> -> memref<400x32xf32, #tpu.memory_space<hbm>>
        %dma_start3A_167 = arith.constant 0 : i32
        %dma_start3A_168 = tpu.memref_slice %arg6[%add3A_161, %dma_start3A_167] : memref<100000x32xf32, #tpu.memory_space<hbm>> -> memref<400x32xf32, #tpu.memory_space<hbm>>
        %dma_start3A_169 = arith.constant 0 : i32
        %dma_start3A_170 = arith.constant 0 : i32
        %dma_start3A_171 = tpu.memref_slice %arg12[%dma_start3A_169, %dma_start3A_170] : memref<400x32xf32, #tpu.memory_space<vmem>> -> memref<400x32xf32, #tpu.memory_space<vmem>>
        tpu.enqueue_dma source(%dma_start3A_171 : memref<400x32xf32, #tpu.memory_space<vmem>>) target(%dma_start3A_168 : memref<400x32xf32, #tpu.memory_space<hbm>>) target_semaphore(%run_scoped3A : memref<!tpu.dma_semaphore, #tpu.memory_space<semaphore_mem>>)
        %dma_wait3A = arith.constant 0 : i32
        %dma_wait3A_172 = arith.constant 0 : i32
        %dma_wait3A_173 = tpu.memref_slice %arg12[%dma_wait3A, %dma_wait3A_172] : memref<400x32xf32, #tpu.memory_space<vmem>> -> memref<400x32xf32, #tpu.memory_space<vmem>>
        %dma_wait3A_174 = arith.constant 0 : i32
        %dma_wait3A_175 = tpu.memref_slice %arg6[%add3A_161, %dma_wait3A_174] : memref<100000x32xf32, #tpu.memory_space<hbm>> -> memref<400x32xf32, #tpu.memory_space<hbm>>
        %dma_wait3A_176 = arith.constant 0 : i32
        %dma_wait3A_177 = tpu.memref_slice %arg6[%add3A_161, %dma_wait3A_176] : memref<100000x32xf32, #tpu.memory_space<hbm>> -> memref<400x32xf32, #tpu.memory_space<hbm>>
        %dma_wait3A_178 = arith.constant 0 : i32
        %dma_wait3A_179 = arith.constant 0 : i32
        %dma_wait3A_180 = tpu.memref_slice %arg12[%dma_wait3A_178, %dma_wait3A_179] : memref<400x32xf32, #tpu.memory_space<vmem>> -> memref<400x32xf32, #tpu.memory_space<vmem>>
        tpu.wait_dma2 semaphore(%run_scoped3A : memref<!tpu.dma_semaphore, #tpu.memory_space<semaphore_mem>>) src(%dma_wait3A_180 : memref<400x32xf32, #tpu.memory_space<vmem>>) dst(%dma_wait3A_177 : memref<400x32xf32, #tpu.memory_space<hbm>>)
        tpu.yield
      }) : () -> ()
      %while3A_162 = arith.constant 0 : i32
      scf.yield %while3A_162 : i32
    }
    return
  }
}

#map = affine_map<(d0, d1) -> (0, 0)>
#map1 = affine_map<(d0, d1) -> (0)>
module attributes {stable_mosaic.version = 14 : i64} {
  func.func @_sc_scatter(%arg0: i32, %arg1: i32, %arg2: memref<100000x32xf32, #tpu.memory_space<hbm>>, %arg3: memref<1651712xi32, #tpu.memory_space<hbm>>, %arg4: memref<1651712xi32, #tpu.memory_space<hbm>>, %arg5: memref<512xi32, #tpu.memory_space<hbm>>, %arg6: memref<100000x32xf32, #tpu.memory_space<hbm>>, %arg7: memref<16xi32, #tpu.memory_space<vmem>>, %arg8: memref<400xi32, #tpu.memory_space<vmem>>, %arg9: memref<400xi32, #tpu.memory_space<vmem>>, %arg10: memref<400xi32, #tpu.memory_space<vmem>>, %arg11: memref<400xi32, #tpu.memory_space<vmem>>, %arg12: memref<400x32xf32, #tpu.memory_space<vmem>>, %arg13: memref<400x32xf32, #tpu.memory_space<vmem>>, %arg14: memref<!tpu.dma_semaphore, #tpu.memory_space<semaphore_mem>>, %arg15: memref<!tpu.dma_semaphore, #tpu.memory_space<semaphore_mem>>, %arg16: memref<!tpu.dma_semaphore, #tpu.memory_space<semaphore_mem>>, %arg17: memref<!tpu.dma_semaphore, #tpu.memory_space<semaphore_mem>>, %arg18: memref<!tpu.dma_semaphore, #tpu.memory_space<semaphore_mem>>, %arg19: memref<51024x32xf32, #tpu.memory_space<vmem_shared>>) attributes {dimension_semantics = [#tpu.dimension_semantics<core_parallel>, #tpu.dimension_semantics<subcore_parallel>], iteration_bounds = array<i64: 2, 16>, scalar_prefetch = 0 : i64, scratch_operands = 13 : i64, tpu.core_type = #tpu.core_type<sc_vector_subcore>, window_params = [{transform_indices = #map}, {transform_indices = #map1}, {transform_indices = #map1}, {transform_indices = #map1}, {transform_indices = #map}]} {
    %mul3A = arith.constant 16 : i32
    %mul3A_0 = arith.muli %arg0, %mul3A : i32
    %add3A = arith.addi %mul3A_0, %arg1 : i32
    %mul3A_1 = arith.constant 51600 : i32
    %mul3A_2 = arith.muli %add3A, %mul3A_1 : i32
    %scan3A = arith.constant 0 : i32
    %scan3A_3 = arith.constant 0 : i32
    %scan3A_4 = arith.constant 800 : i32
    %scan3A_5 = arith.addi %scan3A_3, %scan3A_4 : i32
    %scan3A_6 = arith.constant 1 : i32
    %scan3A_7 = scf.for %scan3A_152 = %scan3A_3 to %scan3A_5 step %scan3A_6 iter_args(%scan3A_153 = %scan3A) -> (i32)  : i32 {
      %jit3A_154 = arith.constant 2 : i32
      %div3A_155 = arith.divsi %scan3A_152, %jit3A_154 : i32
      %sign3A_156 = arith.constant 0 : i32
      %sign3A_157 = arith.cmpi sgt, %scan3A_152, %sign3A_156 : i32
      %sign3A_158 = arith.extui %sign3A_157 : i1 to i32
      %sign3A_159 = arith.constant 0 : i32
      %sign3A_160 = arith.cmpi slt, %scan3A_152, %sign3A_159 : i32
      %sign3A_161 = arith.extui %sign3A_160 : i1 to i32
      %sign3A_162 = arith.subi %sign3A_158, %sign3A_161 : i32
      %sign3A_163 = arith.constant 0 : i32
      %sign3A_164 = arith.cmpi sgt, %jit3A_154, %sign3A_163 : i32
      %sign3A_165 = arith.extui %sign3A_164 : i1 to i32
      %sign3A_166 = arith.constant 0 : i32
      %sign3A_167 = arith.cmpi slt, %jit3A_154, %sign3A_166 : i32
      %sign3A_168 = arith.extui %sign3A_167 : i1 to i32
      %sign3A_169 = arith.subi %sign3A_165, %sign3A_168 : i32
      %ne3A_170 = arith.cmpi ne, %sign3A_162, %sign3A_169 : i32
      %rem3A_171 = arith.remsi %scan3A_152, %jit3A_154 : i32
      %ne3A_172 = arith.constant 0 : i32
      %ne3A_173 = arith.cmpi ne, %rem3A_171, %ne3A_172 : i32
      %and3A_174 = arith.andi %ne3A_170, %ne3A_173 : i1
      %sub3A_175 = arith.constant 1 : i32
      %sub3A_176 = arith.subi %div3A_155, %sub3A_175 : i32
      %select_n3A_177 = arith.select %and3A_174, %sub3A_176, %div3A_155 : i32
      %jit3A_178 = arith.constant 2 : i32
      %eq3A = arith.constant 0 : i32
      %eq3A_179 = arith.cmpi eq, %jit3A_178, %eq3A : i32
      %jit3A_180 = arith.constant 1 : i32
      %select_n3A_181 = arith.select %eq3A_179, %jit3A_180, %jit3A_178 : i32
      %rem3A_182 = arith.remsi %scan3A_152, %select_n3A_181 : i32
      %ne3A_183 = arith.constant 0 : i32
      %ne3A_184 = arith.cmpi ne, %rem3A_182, %ne3A_183 : i32
      %lt3A = arith.constant 0 : i32
      %lt3A_185 = arith.cmpi slt, %rem3A_182, %lt3A : i32
      %lt3A_186 = arith.constant 0 : i32
      %lt3A_187 = arith.cmpi slt, %select_n3A_181, %lt3A_186 : i32
      %ne3A_188 = arith.xori %lt3A_185, %lt3A_187 : i1
      %and3A_189 = arith.andi %ne3A_188, %ne3A_184 : i1
      %add3A_190 = arith.addi %rem3A_182, %select_n3A_181 : i32
      %select_n3A_191 = arith.select %and3A_189, %add3A_190, %rem3A_182 : i32
      %mul3A_192 = arith.constant 16 : i32
      %mul3A_193 = arith.muli %select_n3A_191, %mul3A_192 : i32
      %broadcast_in_dim3A = arith.constant 0.000000e+00 : f32
      %broadcast_in_dim3A_194 = vector.broadcast %broadcast_in_dim3A : f32 to vector<16xf32>
      %swap3A = arith.index_cast %select_n3A_177 : i32 to index
      %swap3A_195 = arith.index_cast %mul3A_193 : i32 to index
      %swap3A_196 = tpu.vector_load %arg12[%swap3A, %swap3A_195] {strides = array<i32>} : memref<400x32xf32, #tpu.memory_space<vmem>>, vector<16xf32>,
      tpu.vector_store %arg12[%swap3A, %swap3A_195], %broadcast_in_dim3A_194 {strides = array<i32>} : memref<400x32xf32, #tpu.memory_space<vmem>>, vector<16xf32>,
      %broadcast_in_dim3A_197 = arith.constant 0.000000e+00 : f32
      %broadcast_in_dim3A_198 = vector.broadcast %broadcast_in_dim3A_197 : f32 to vector<16xf32>
      %swap3A_199 = arith.index_cast %select_n3A_177 : i32 to index
      %swap3A_200 = arith.index_cast %mul3A_193 : i32 to index
      %swap3A_201 = tpu.vector_load %arg13[%swap3A_199, %swap3A_200] {strides = array<i32>} : memref<400x32xf32, #tpu.memory_space<vmem>>, vector<16xf32>,
      tpu.vector_store %arg13[%swap3A_199, %swap3A_200], %broadcast_in_dim3A_198 {strides = array<i32>} : memref<400x32xf32, #tpu.memory_space<vmem>>, vector<16xf32>,
      %scan3A_202 = arith.constant 0 : i32
      scf.yield %scan3A_202 : i32
    }
    %scan3A_8 = arith.constant 800 : i32
    %mul3A_9 = arith.constant 3128 : i32
    %mul3A_10 = arith.muli %arg1, %mul3A_9 : i32
    %add3A_11 = arith.constant 0 : i32
    %add3A_12 = arith.addi %mul3A_10, %add3A_11 : i32
    "tpu.region"() ({
      %run_scoped3A = tpu.sem_alloc : memref<!tpu.dma_semaphore, #tpu.memory_space<semaphore_mem>>
      %dma_start3A = arith.constant 0 : i32
      %dma_start3A_152 = arith.constant 0 : i32
      %dma_start3A_153 = tpu.memref_slice %arg12[%dma_start3A, %dma_start3A_152] : memref<400x32xf32, #tpu.memory_space<vmem>> -> memref<400x32xf32, #tpu.memory_space<vmem>>
      %dma_start3A_154 = arith.constant 0 : i32
      %dma_start3A_155 = tpu.memref_slice %arg19[%add3A_12, %dma_start3A_154] : memref<51024x32xf32, #tpu.memory_space<vmem_shared>> -> memref<400x32xf32, #tpu.memory_space<vmem_shared>>
      %dma_start3A_156 = arith.constant 0 : i32
      %dma_start3A_157 = tpu.memref_slice %arg19[%add3A_12, %dma_start3A_156] : memref<51024x32xf32, #tpu.memory_space<vmem_shared>> -> memref<400x32xf32, #tpu.memory_space<vmem_shared>>
      %dma_start3A_158 = arith.constant 0 : i32
      %dma_start3A_159 = arith.constant 0 : i32
      %dma_start3A_160 = tpu.memref_slice %arg12[%dma_start3A_158, %dma_start3A_159] : memref<400x32xf32, #tpu.memory_space<vmem>> -> memref<400x32xf32, #tpu.memory_space<vmem>>
      tpu.enqueue_dma source(%dma_start3A_160 : memref<400x32xf32, #tpu.memory_space<vmem>>) target(%dma_start3A_157 : memref<400x32xf32, #tpu.memory_space<vmem_shared>>) target_semaphore(%run_scoped3A : memref<!tpu.dma_semaphore, #tpu.memory_space<semaphore_mem>>)
      %dma_wait3A = arith.constant 0 : i32
      %dma_wait3A_161 = arith.constant 0 : i32
      %dma_wait3A_162 = tpu.memref_slice %arg12[%dma_wait3A, %dma_wait3A_161] : memref<400x32xf32, #tpu.memory_space<vmem>> -> memref<400x32xf32, #tpu.memory_space<vmem>>
      %dma_wait3A_163 = arith.constant 0 : i32
      %dma_wait3A_164 = tpu.memref_slice %arg19[%add3A_12, %dma_wait3A_163] : memref<51024x32xf32, #tpu.memory_space<vmem_shared>> -> memref<400x32xf32, #tpu.memory_space<vmem_shared>>
      %dma_wait3A_165 = arith.constant 0 : i32
      %dma_wait3A_166 = tpu.memref_slice %arg19[%add3A_12, %dma_wait3A_165] : memref<51024x32xf32, #tpu.memory_space<vmem_shared>> -> memref<400x32xf32, #tpu.memory_space<vmem_shared>>
      %dma_wait3A_167 = arith.constant 0 : i32
      %dma_wait3A_168 = arith.constant 0 : i32
      %dma_wait3A_169 = tpu.memref_slice %arg12[%dma_wait3A_167, %dma_wait3A_168] : memref<400x32xf32, #tpu.memory_space<vmem>> -> memref<400x32xf32, #tpu.memory_space<vmem>>
      tpu.wait_dma2 semaphore(%run_scoped3A : memref<!tpu.dma_semaphore, #tpu.memory_space<semaphore_mem>>) src(%dma_wait3A_169 : memref<400x32xf32, #tpu.memory_space<vmem>>) dst(%dma_wait3A_166 : memref<400x32xf32, #tpu.memory_space<vmem_shared>>)
      tpu.yield
    }) : () -> ()
    %add3A_13 = arith.constant 0 : i32
    %add3A_14 = arith.addi %mul3A_10, %add3A_13 : i32
    %add3A_15 = arith.constant 400 : i32
    %add3A_16 = arith.addi %add3A_14, %add3A_15 : i32
    "tpu.region"() ({
      %run_scoped3A = tpu.sem_alloc : memref<!tpu.dma_semaphore, #tpu.memory_space<semaphore_mem>>
      %dma_start3A = arith.constant 0 : i32
      %dma_start3A_152 = arith.constant 0 : i32
      %dma_start3A_153 = tpu.memref_slice %arg13[%dma_start3A, %dma_start3A_152] : memref<400x32xf32, #tpu.memory_space<vmem>> -> memref<400x32xf32, #tpu.memory_space<vmem>>
      %dma_start3A_154 = arith.constant 0 : i32
      %dma_start3A_155 = tpu.memref_slice %arg19[%add3A_16, %dma_start3A_154] : memref<51024x32xf32, #tpu.memory_space<vmem_shared>> -> memref<400x32xf32, #tpu.memory_space<vmem_shared>>
      %dma_start3A_156 = arith.constant 0 : i32
      %dma_start3A_157 = tpu.memref_slice %arg19[%add3A_16, %dma_start3A_156] : memref<51024x32xf32, #tpu.memory_space<vmem_shared>> -> memref<400x32xf32, #tpu.memory_space<vmem_shared>>
      %dma_start3A_158 = arith.constant 0 : i32
      %dma_start3A_159 = arith.constant 0 : i32
      %dma_start3A_160 = tpu.memref_slice %arg13[%dma_start3A_158, %dma_start3A_159] : memref<400x32xf32, #tpu.memory_space<vmem>> -> memref<400x32xf32, #tpu.memory_space<vmem>>
      tpu.enqueue_dma source(%dma_start3A_160 : memref<400x32xf32, #tpu.memory_space<vmem>>) target(%dma_start3A_157 : memref<400x32xf32, #tpu.memory_space<vmem_shared>>) target_semaphore(%run_scoped3A : memref<!tpu.dma_semaphore, #tpu.memory_space<semaphore_mem>>)
      %dma_wait3A = arith.constant 0 : i32
      %dma_wait3A_161 = arith.constant 0 : i32
      %dma_wait3A_162 = tpu.memref_slice %arg13[%dma_wait3A, %dma_wait3A_161] : memref<400x32xf32, #tpu.memory_space<vmem>> -> memref<400x32xf32, #tpu.memory_space<vmem>>
      %dma_wait3A_163 = arith.constant 0 : i32
      %dma_wait3A_164 = tpu.memref_slice %arg19[%add3A_16, %dma_wait3A_163] : memref<51024x32xf32, #tpu.memory_space<vmem_shared>> -> memref<400x32xf32, #tpu.memory_space<vmem_shared>>
      %dma_wait3A_165 = arith.constant 0 : i32
      %dma_wait3A_166 = tpu.memref_slice %arg19[%add3A_16, %dma_wait3A_165] : memref<51024x32xf32, #tpu.memory_space<vmem_shared>> -> memref<400x32xf32, #tpu.memory_space<vmem_shared>>
      %dma_wait3A_167 = arith.constant 0 : i32
      %dma_wait3A_168 = arith.constant 0 : i32
      %dma_wait3A_169 = tpu.memref_slice %arg13[%dma_wait3A_167, %dma_wait3A_168] : memref<400x32xf32, #tpu.memory_space<vmem>> -> memref<400x32xf32, #tpu.memory_space<vmem>>
      tpu.wait_dma2 semaphore(%run_scoped3A : memref<!tpu.dma_semaphore, #tpu.memory_space<semaphore_mem>>) src(%dma_wait3A_169 : memref<400x32xf32, #tpu.memory_space<vmem>>) dst(%dma_wait3A_166 : memref<400x32xf32, #tpu.memory_space<vmem_shared>>)
      tpu.yield
    }) : () -> ()
    %add3A_17 = arith.constant 800 : i32
    %add3A_18 = arith.addi %mul3A_10, %add3A_17 : i32
    "tpu.region"() ({
      %run_scoped3A = tpu.sem_alloc : memref<!tpu.dma_semaphore, #tpu.memory_space<semaphore_mem>>
      %dma_start3A = arith.constant 0 : i32
      %dma_start3A_152 = arith.constant 0 : i32
      %dma_start3A_153 = tpu.memref_slice %arg12[%dma_start3A, %dma_start3A_152] : memref<400x32xf32, #tpu.memory_space<vmem>> -> memref<400x32xf32, #tpu.memory_space<vmem>>
      %dma_start3A_154 = arith.constant 0 : i32
      %dma_start3A_155 = tpu.memref_slice %arg19[%add3A_18, %dma_start3A_154] : memref<51024x32xf32, #tpu.memory_space<vmem_shared>> -> memref<400x32xf32, #tpu.memory_space<vmem_shared>>
      %dma_start3A_156 = arith.constant 0 : i32
      %dma_start3A_157 = tpu.memref_slice %arg19[%add3A_18, %dma_start3A_156] : memref<51024x32xf32, #tpu.memory_space<vmem_shared>> -> memref<400x32xf32, #tpu.memory_space<vmem_shared>>
      %dma_start3A_158 = arith.constant 0 : i32
      %dma_start3A_159 = arith.constant 0 : i32
      %dma_start3A_160 = tpu.memref_slice %arg12[%dma_start3A_158, %dma_start3A_159] : memref<400x32xf32, #tpu.memory_space<vmem>> -> memref<400x32xf32, #tpu.memory_space<vmem>>
      tpu.enqueue_dma source(%dma_start3A_160 : memref<400x32xf32, #tpu.memory_space<vmem>>) target(%dma_start3A_157 : memref<400x32xf32, #tpu.memory_space<vmem_shared>>) target_semaphore(%run_scoped3A : memref<!tpu.dma_semaphore, #tpu.memory_space<semaphore_mem>>)
      %dma_wait3A = arith.constant 0 : i32
      %dma_wait3A_161 = arith.constant 0 : i32
      %dma_wait3A_162 = tpu.memref_slice %arg12[%dma_wait3A, %dma_wait3A_161] : memref<400x32xf32, #tpu.memory_space<vmem>> -> memref<400x32xf32, #tpu.memory_space<vmem>>
      %dma_wait3A_163 = arith.constant 0 : i32
      %dma_wait3A_164 = tpu.memref_slice %arg19[%add3A_18, %dma_wait3A_163] : memref<51024x32xf32, #tpu.memory_space<vmem_shared>> -> memref<400x32xf32, #tpu.memory_space<vmem_shared>>
      %dma_wait3A_165 = arith.constant 0 : i32
      %dma_wait3A_166 = tpu.memref_slice %arg19[%add3A_18, %dma_wait3A_165] : memref<51024x32xf32, #tpu.memory_space<vmem_shared>> -> memref<400x32xf32, #tpu.memory_space<vmem_shared>>
      %dma_wait3A_167 = arith.constant 0 : i32
      %dma_wait3A_168 = arith.constant 0 : i32
      %dma_wait3A_169 = tpu.memref_slice %arg12[%dma_wait3A_167, %dma_wait3A_168] : memref<400x32xf32, #tpu.memory_space<vmem>> -> memref<400x32xf32, #tpu.memory_space<vmem>>
      tpu.wait_dma2 semaphore(%run_scoped3A : memref<!tpu.dma_semaphore, #tpu.memory_space<semaphore_mem>>) src(%dma_wait3A_169 : memref<400x32xf32, #tpu.memory_space<vmem>>) dst(%dma_wait3A_166 : memref<400x32xf32, #tpu.memory_space<vmem_shared>>)
      tpu.yield
    }) : () -> ()
    %add3A_19 = arith.constant 800 : i32
    %add3A_20 = arith.addi %mul3A_10, %add3A_19 : i32
    %add3A_21 = arith.constant 400 : i32
    %add3A_22 = arith.addi %add3A_20, %add3A_21 : i32
    "tpu.region"() ({
      %run_scoped3A = tpu.sem_alloc : memref<!tpu.dma_semaphore, #tpu.memory_space<semaphore_mem>>
      %dma_start3A = arith.constant 0 : i32
      %dma_start3A_152 = arith.constant 0 : i32
      %dma_start3A_153 = tpu.memref_slice %arg13[%dma_start3A, %dma_start3A_152] : memref<400x32xf32, #tpu.memory_space<vmem>> -> memref<400x32xf32, #tpu.memory_space<vmem>>
      %dma_start3A_154 = arith.constant 0 : i32
      %dma_start3A_155 = tpu.memref_slice %arg19[%add3A_22, %dma_start3A_154] : memref<51024x32xf32, #tpu.memory_space<vmem_shared>> -> memref<400x32xf32, #tpu.memory_space<vmem_shared>>
      %dma_start3A_156 = arith.constant 0 : i32
      %dma_start3A_157 = tpu.memref_slice %arg19[%add3A_22, %dma_start3A_156] : memref<51024x32xf32, #tpu.memory_space<vmem_shared>> -> memref<400x32xf32, #tpu.memory_space<vmem_shared>>
      %dma_start3A_158 = arith.constant 0 : i32
      %dma_start3A_159 = arith.constant 0 : i32
      %dma_start3A_160 = tpu.memref_slice %arg13[%dma_start3A_158, %dma_start3A_159] : memref<400x32xf32, #tpu.memory_space<vmem>> -> memref<400x32xf32, #tpu.memory_space<vmem>>
      tpu.enqueue_dma source(%dma_start3A_160 : memref<400x32xf32, #tpu.memory_space<vmem>>) target(%dma_start3A_157 : memref<400x32xf32, #tpu.memory_space<vmem_shared>>) target_semaphore(%run_scoped3A : memref<!tpu.dma_semaphore, #tpu.memory_space<semaphore_mem>>)
      %dma_wait3A = arith.constant 0 : i32
      %dma_wait3A_161 = arith.constant 0 : i32
      %dma_wait3A_162 = tpu.memref_slice %arg13[%dma_wait3A, %dma_wait3A_161] : memref<400x32xf32, #tpu.memory_space<vmem>> -> memref<400x32xf32, #tpu.memory_space<vmem>>
      %dma_wait3A_163 = arith.constant 0 : i32
      %dma_wait3A_164 = tpu.memref_slice %arg19[%add3A_22, %dma_wait3A_163] : memref<51024x32xf32, #tpu.memory_space<vmem_shared>> -> memref<400x32xf32, #tpu.memory_space<vmem_shared>>
      %dma_wait3A_165 = arith.constant 0 : i32
      %dma_wait3A_166 = tpu.memref_slice %arg19[%add3A_22, %dma_wait3A_165] : memref<51024x32xf32, #tpu.memory_space<vmem_shared>> -> memref<400x32xf32, #tpu.memory_space<vmem_shared>>
      %dma_wait3A_167 = arith.constant 0 : i32
      %dma_wait3A_168 = arith.constant 0 : i32
      %dma_wait3A_169 = tpu.memref_slice %arg13[%dma_wait3A_167, %dma_wait3A_168] : memref<400x32xf32, #tpu.memory_space<vmem>> -> memref<400x32xf32, #tpu.memory_space<vmem>>
      tpu.wait_dma2 semaphore(%run_scoped3A : memref<!tpu.dma_semaphore, #tpu.memory_space<semaphore_mem>>) src(%dma_wait3A_169 : memref<400x32xf32, #tpu.memory_space<vmem>>) dst(%dma_wait3A_166 : memref<400x32xf32, #tpu.memory_space<vmem_shared>>)
      tpu.yield
    }) : () -> ()
    %add3A_23 = arith.constant 1600 : i32
    %add3A_24 = arith.addi %mul3A_10, %add3A_23 : i32
    "tpu.region"() ({
      %run_scoped3A = tpu.sem_alloc : memref<!tpu.dma_semaphore, #tpu.memory_space<semaphore_mem>>
      %dma_start3A = arith.constant 0 : i32
      %dma_start3A_152 = arith.constant 0 : i32
      %dma_start3A_153 = tpu.memref_slice %arg12[%dma_start3A, %dma_start3A_152] : memref<400x32xf32, #tpu.memory_space<vmem>> -> memref<400x32xf32, #tpu.memory_space<vmem>>
      %dma_start3A_154 = arith.constant 0 : i32
      %dma_start3A_155 = tpu.memref_slice %arg19[%add3A_24, %dma_start3A_154] : memref<51024x32xf32, #tpu.memory_space<vmem_shared>> -> memref<400x32xf32, #tpu.memory_space<vmem_shared>>
      %dma_start3A_156 = arith.constant 0 : i32
      %dma_start3A_157 = tpu.memref_slice %arg19[%add3A_24, %dma_start3A_156] : memref<51024x32xf32, #tpu.memory_space<vmem_shared>> -> memref<400x32xf32, #tpu.memory_space<vmem_shared>>
      %dma_start3A_158 = arith.constant 0 : i32
      %dma_start3A_159 = arith.constant 0 : i32
      %dma_start3A_160 = tpu.memref_slice %arg12[%dma_start3A_158, %dma_start3A_159] : memref<400x32xf32, #tpu.memory_space<vmem>> -> memref<400x32xf32, #tpu.memory_space<vmem>>
      tpu.enqueue_dma source(%dma_start3A_160 : memref<400x32xf32, #tpu.memory_space<vmem>>) target(%dma_start3A_157 : memref<400x32xf32, #tpu.memory_space<vmem_shared>>) target_semaphore(%run_scoped3A : memref<!tpu.dma_semaphore, #tpu.memory_space<semaphore_mem>>)
      %dma_wait3A = arith.constant 0 : i32
      %dma_wait3A_161 = arith.constant 0 : i32
      %dma_wait3A_162 = tpu.memref_slice %arg12[%dma_wait3A, %dma_wait3A_161] : memref<400x32xf32, #tpu.memory_space<vmem>> -> memref<400x32xf32, #tpu.memory_space<vmem>>
      %dma_wait3A_163 = arith.constant 0 : i32
      %dma_wait3A_164 = tpu.memref_slice %arg19[%add3A_24, %dma_wait3A_163] : memref<51024x32xf32, #tpu.memory_space<vmem_shared>> -> memref<400x32xf32, #tpu.memory_space<vmem_shared>>
      %dma_wait3A_165 = arith.constant 0 : i32
      %dma_wait3A_166 = tpu.memref_slice %arg19[%add3A_24, %dma_wait3A_165] : memref<51024x32xf32, #tpu.memory_space<vmem_shared>> -> memref<400x32xf32, #tpu.memory_space<vmem_shared>>
      %dma_wait3A_167 = arith.constant 0 : i32
      %dma_wait3A_168 = arith.constant 0 : i32
      %dma_wait3A_169 = tpu.memref_slice %arg12[%dma_wait3A_167, %dma_wait3A_168] : memref<400x32xf32, #tpu.memory_space<vmem>> -> memref<400x32xf32, #tpu.memory_space<vmem>>
      tpu.wait_dma2 semaphore(%run_scoped3A : memref<!tpu.dma_semaphore, #tpu.memory_space<semaphore_mem>>) src(%dma_wait3A_169 : memref<400x32xf32, #tpu.memory_space<vmem>>) dst(%dma_wait3A_166 : memref<400x32xf32, #tpu.memory_space<vmem_shared>>)
      tpu.yield
    }) : () -> ()
    %add3A_25 = arith.constant 1600 : i32
    %add3A_26 = arith.addi %mul3A_10, %add3A_25 : i32
    %add3A_27 = arith.constant 400 : i32
    %add3A_28 = arith.addi %add3A_26, %add3A_27 : i32
    "tpu.region"() ({
      %run_scoped3A = tpu.sem_alloc : memref<!tpu.dma_semaphore, #tpu.memory_space<semaphore_mem>>
      %dma_start3A = arith.constant 0 : i32
      %dma_start3A_152 = arith.constant 0 : i32
      %dma_start3A_153 = tpu.memref_slice %arg13[%dma_start3A, %dma_start3A_152] : memref<400x32xf32, #tpu.memory_space<vmem>> -> memref<400x32xf32, #tpu.memory_space<vmem>>
      %dma_start3A_154 = arith.constant 0 : i32
      %dma_start3A_155 = tpu.memref_slice %arg19[%add3A_28, %dma_start3A_154] : memref<51024x32xf32, #tpu.memory_space<vmem_shared>> -> memref<400x32xf32, #tpu.memory_space<vmem_shared>>
      %dma_start3A_156 = arith.constant 0 : i32
      %dma_start3A_157 = tpu.memref_slice %arg19[%add3A_28, %dma_start3A_156] : memref<51024x32xf32, #tpu.memory_space<vmem_shared>> -> memref<400x32xf32, #tpu.memory_space<vmem_shared>>
      %dma_start3A_158 = arith.constant 0 : i32
      %dma_start3A_159 = arith.constant 0 : i32
      %dma_start3A_160 = tpu.memref_slice %arg13[%dma_start3A_158, %dma_start3A_159] : memref<400x32xf32, #tpu.memory_space<vmem>> -> memref<400x32xf32, #tpu.memory_space<vmem>>
      tpu.enqueue_dma source(%dma_start3A_160 : memref<400x32xf32, #tpu.memory_space<vmem>>) target(%dma_start3A_157 : memref<400x32xf32, #tpu.memory_space<vmem_shared>>) target_semaphore(%run_scoped3A : memref<!tpu.dma_semaphore, #tpu.memory_space<semaphore_mem>>)
      %dma_wait3A = arith.constant 0 : i32
      %dma_wait3A_161 = arith.constant 0 : i32
      %dma_wait3A_162 = tpu.memref_slice %arg13[%dma_wait3A, %dma_wait3A_161] : memref<400x32xf32, #tpu.memory_space<vmem>> -> memref<400x32xf32, #tpu.memory_space<vmem>>
      %dma_wait3A_163 = arith.constant 0 : i32
      %dma_wait3A_164 = tpu.memref_slice %arg19[%add3A_28, %dma_wait3A_163] : memref<51024x32xf32, #tpu.memory_space<vmem_shared>> -> memref<400x32xf32, #tpu.memory_space<vmem_shared>>
      %dma_wait3A_165 = arith.constant 0 : i32
      %dma_wait3A_166 = tpu.memref_slice %arg19[%add3A_28, %dma_wait3A_165] : memref<51024x32xf32, #tpu.memory_space<vmem_shared>> -> memref<400x32xf32, #tpu.memory_space<vmem_shared>>
      %dma_wait3A_167 = arith.constant 0 : i32
      %dma_wait3A_168 = arith.constant 0 : i32
      %dma_wait3A_169 = tpu.memref_slice %arg13[%dma_wait3A_167, %dma_wait3A_168] : memref<400x32xf32, #tpu.memory_space<vmem>> -> memref<400x32xf32, #tpu.memory_space<vmem>>
      tpu.wait_dma2 semaphore(%run_scoped3A : memref<!tpu.dma_semaphore, #tpu.memory_space<semaphore_mem>>) src(%dma_wait3A_169 : memref<400x32xf32, #tpu.memory_space<vmem>>) dst(%dma_wait3A_166 : memref<400x32xf32, #tpu.memory_space<vmem_shared>>)
      tpu.yield
    }) : () -> ()
    %add3A_29 = arith.constant 2400 : i32
    %add3A_30 = arith.addi %mul3A_10, %add3A_29 : i32
    "tpu.region"() ({
      %run_scoped3A = tpu.sem_alloc : memref<!tpu.dma_semaphore, #tpu.memory_space<semaphore_mem>>
      %dma_start3A = arith.constant 0 : i32
      %dma_start3A_152 = arith.constant 0 : i32
      %dma_start3A_153 = tpu.memref_slice %arg12[%dma_start3A, %dma_start3A_152] : memref<400x32xf32, #tpu.memory_space<vmem>> -> memref<400x32xf32, #tpu.memory_space<vmem>>
      %dma_start3A_154 = arith.constant 0 : i32
      %dma_start3A_155 = tpu.memref_slice %arg19[%add3A_30, %dma_start3A_154] : memref<51024x32xf32, #tpu.memory_space<vmem_shared>> -> memref<400x32xf32, #tpu.memory_space<vmem_shared>>
      %dma_start3A_156 = arith.constant 0 : i32
      %dma_start3A_157 = tpu.memref_slice %arg19[%add3A_30, %dma_start3A_156] : memref<51024x32xf32, #tpu.memory_space<vmem_shared>> -> memref<400x32xf32, #tpu.memory_space<vmem_shared>>
      %dma_start3A_158 = arith.constant 0 : i32
      %dma_start3A_159 = arith.constant 0 : i32
      %dma_start3A_160 = tpu.memref_slice %arg12[%dma_start3A_158, %dma_start3A_159] : memref<400x32xf32, #tpu.memory_space<vmem>> -> memref<400x32xf32, #tpu.memory_space<vmem>>
      tpu.enqueue_dma source(%dma_start3A_160 : memref<400x32xf32, #tpu.memory_space<vmem>>) target(%dma_start3A_157 : memref<400x32xf32, #tpu.memory_space<vmem_shared>>) target_semaphore(%run_scoped3A : memref<!tpu.dma_semaphore, #tpu.memory_space<semaphore_mem>>)
      %dma_wait3A = arith.constant 0 : i32
      %dma_wait3A_161 = arith.constant 0 : i32
      %dma_wait3A_162 = tpu.memref_slice %arg12[%dma_wait3A, %dma_wait3A_161] : memref<400x32xf32, #tpu.memory_space<vmem>> -> memref<400x32xf32, #tpu.memory_space<vmem>>
      %dma_wait3A_163 = arith.constant 0 : i32
      %dma_wait3A_164 = tpu.memref_slice %arg19[%add3A_30, %dma_wait3A_163] : memref<51024x32xf32, #tpu.memory_space<vmem_shared>> -> memref<400x32xf32, #tpu.memory_space<vmem_shared>>
      %dma_wait3A_165 = arith.constant 0 : i32
      %dma_wait3A_166 = tpu.memref_slice %arg19[%add3A_30, %dma_wait3A_165] : memref<51024x32xf32, #tpu.memory_space<vmem_shared>> -> memref<400x32xf32, #tpu.memory_space<vmem_shared>>
      %dma_wait3A_167 = arith.constant 0 : i32
      %dma_wait3A_168 = arith.constant 0 : i32
      %dma_wait3A_169 = tpu.memref_slice %arg12[%dma_wait3A_167, %dma_wait3A_168] : memref<400x32xf32, #tpu.memory_space<vmem>> -> memref<400x32xf32, #tpu.memory_space<vmem>>
      tpu.wait_dma2 semaphore(%run_scoped3A : memref<!tpu.dma_semaphore, #tpu.memory_space<semaphore_mem>>) src(%dma_wait3A_169 : memref<400x32xf32, #tpu.memory_space<vmem>>) dst(%dma_wait3A_166 : memref<400x32xf32, #tpu.memory_space<vmem_shared>>)
      tpu.yield
    }) : () -> ()
    %add3A_31 = arith.constant 2400 : i32
    %add3A_32 = arith.addi %mul3A_10, %add3A_31 : i32
    %add3A_33 = arith.constant 400 : i32
    %add3A_34 = arith.addi %add3A_32, %add3A_33 : i32
    "tpu.region"() ({
      %run_scoped3A = tpu.sem_alloc : memref<!tpu.dma_semaphore, #tpu.memory_space<semaphore_mem>>
      %dma_start3A = arith.constant 0 : i32
      %dma_start3A_152 = arith.constant 0 : i32
      %dma_start3A_153 = tpu.memref_slice %arg13[%dma_start3A, %dma_start3A_152] : memref<400x32xf32, #tpu.memory_space<vmem>> -> memref<328x32xf32, #tpu.memory_space<vmem>>
      %dma_start3A_154 = arith.constant 0 : i32
      %dma_start3A_155 = tpu.memref_slice %arg19[%add3A_34, %dma_start3A_154] : memref<51024x32xf32, #tpu.memory_space<vmem_shared>> -> memref<328x32xf32, #tpu.memory_space<vmem_shared>>
      %dma_start3A_156 = arith.constant 0 : i32
      %dma_start3A_157 = tpu.memref_slice %arg19[%add3A_34, %dma_start3A_156] : memref<51024x32xf32, #tpu.memory_space<vmem_shared>> -> memref<328x32xf32, #tpu.memory_space<vmem_shared>>
      %dma_start3A_158 = arith.constant 0 : i32
      %dma_start3A_159 = arith.constant 0 : i32
      %dma_start3A_160 = tpu.memref_slice %arg13[%dma_start3A_158, %dma_start3A_159] : memref<400x32xf32, #tpu.memory_space<vmem>> -> memref<328x32xf32, #tpu.memory_space<vmem>>
      tpu.enqueue_dma source(%dma_start3A_160 : memref<328x32xf32, #tpu.memory_space<vmem>>) target(%dma_start3A_157 : memref<328x32xf32, #tpu.memory_space<vmem_shared>>) target_semaphore(%run_scoped3A : memref<!tpu.dma_semaphore, #tpu.memory_space<semaphore_mem>>)
      %dma_wait3A = arith.constant 0 : i32
      %dma_wait3A_161 = arith.constant 0 : i32
      %dma_wait3A_162 = tpu.memref_slice %arg13[%dma_wait3A, %dma_wait3A_161] : memref<400x32xf32, #tpu.memory_space<vmem>> -> memref<328x32xf32, #tpu.memory_space<vmem>>
      %dma_wait3A_163 = arith.constant 0 : i32
      %dma_wait3A_164 = tpu.memref_slice %arg19[%add3A_34, %dma_wait3A_163] : memref<51024x32xf32, #tpu.memory_space<vmem_shared>> -> memref<328x32xf32, #tpu.memory_space<vmem_shared>>
      %dma_wait3A_165 = arith.constant 0 : i32
      %dma_wait3A_166 = tpu.memref_slice %arg19[%add3A_34, %dma_wait3A_165] : memref<51024x32xf32, #tpu.memory_space<vmem_shared>> -> memref<328x32xf32, #tpu.memory_space<vmem_shared>>
      %dma_wait3A_167 = arith.constant 0 : i32
      %dma_wait3A_168 = arith.constant 0 : i32
      %dma_wait3A_169 = tpu.memref_slice %arg13[%dma_wait3A_167, %dma_wait3A_168] : memref<400x32xf32, #tpu.memory_space<vmem>> -> memref<328x32xf32, #tpu.memory_space<vmem>>
      tpu.wait_dma2 semaphore(%run_scoped3A : memref<!tpu.dma_semaphore, #tpu.memory_space<semaphore_mem>>) src(%dma_wait3A_169 : memref<328x32xf32, #tpu.memory_space<vmem>>) dst(%dma_wait3A_166 : memref<328x32xf32, #tpu.memory_space<vmem_shared>>)
      tpu.yield
    }) : () -> ()
    %barrier3A = arith.constant 0 : index
    tpu.barrier barrier_id(%barrier3A)
    %mul3A_35 = arith.constant 16 : i32
    %mul3A_36 = arith.muli %add3A, %mul3A_35 : i32
    "tpu.region"() ({
      %run_scoped3A = tpu.sem_alloc : memref<!tpu.dma_semaphore, #tpu.memory_space<semaphore_mem>>
      %dma_start3A = tpu.memref_slice %arg5[%mul3A_36] : memref<512xi32, #tpu.memory_space<hbm>> -> memref<16xi32, #tpu.memory_space<hbm>>
      %dma_start3A_152 = tpu.memref_slice %arg5[%mul3A_36] : memref<512xi32, #tpu.memory_space<hbm>> -> memref<16xi32, #tpu.memory_space<hbm>>
      tpu.enqueue_dma source(%dma_start3A_152 : memref<16xi32, #tpu.memory_space<hbm>>) target(%arg7 : memref<16xi32, #tpu.memory_space<vmem>>) target_semaphore(%run_scoped3A : memref<!tpu.dma_semaphore, #tpu.memory_space<semaphore_mem>>)
      %dma_wait3A = tpu.memref_slice %arg5[%mul3A_36] : memref<512xi32, #tpu.memory_space<hbm>> -> memref<16xi32, #tpu.memory_space<hbm>>
      %dma_wait3A_153 = tpu.memref_slice %arg5[%mul3A_36] : memref<512xi32, #tpu.memory_space<hbm>> -> memref<16xi32, #tpu.memory_space<hbm>>
      tpu.wait_dma2 semaphore(%run_scoped3A : memref<!tpu.dma_semaphore, #tpu.memory_space<semaphore_mem>>) src(%dma_wait3A_153 : memref<16xi32, #tpu.memory_space<hbm>>) dst(%arg7 : memref<16xi32, #tpu.memory_space<vmem>>)
      tpu.yield
    }) : () -> ()
    %get3A = arith.constant 0 : index
    %get3A_37 = tpu.vector_load %arg7[%get3A] {strides = array<i32>} : memref<16xi32, #tpu.memory_space<vmem>>, vector<16xi32>,
    %reduce_max3A = arith.constant true
    %reduce_max3A_38 = vector.broadcast %reduce_max3A : i1 to vector<16xi1>
    %reduce_max3A_39 = arith.constant -2147483648 : i32
    %reduce_max3A_40 = vector.broadcast %reduce_max3A_39 : i32 to vector<16xi32>
    %reduce_max3A_41 = arith.xori %get3A_37, %reduce_max3A_40 : vector<16xi32>
    %reduce_max3A_42 = tpu.scan <max>, %reduce_max3A_41 masked %reduce_max3A_38 : vector<16xi32>, vector<16xi1> -> vector<16xi32>
    %reduce_max3A_43 = arith.xori %reduce_max3A_42, %reduce_max3A_40 : vector<16xi32>
    %reduce_max3A_44 = vector.extract %reduce_max3A_43[15] : i32 from vector<16xi32>
    %add3A_45 = arith.constant 400 : i32
    %add3A_46 = arith.addi %reduce_max3A_44, %add3A_45 : i32
    %sub3A = arith.constant 1 : i32
    %sub3A_47 = arith.subi %add3A_46, %sub3A : i32
    %jit3A = arith.constant 400 : i32
    %div3A = arith.divsi %sub3A_47, %jit3A : i32
    %sign3A = arith.constant 0 : i32
    %sign3A_48 = arith.cmpi sgt, %sub3A_47, %sign3A : i32
    %sign3A_49 = arith.extui %sign3A_48 : i1 to i32
    %sign3A_50 = arith.constant 0 : i32
    %sign3A_51 = arith.cmpi slt, %sub3A_47, %sign3A_50 : i32
    %sign3A_52 = arith.extui %sign3A_51 : i1 to i32
    %sign3A_53 = arith.subi %sign3A_49, %sign3A_52 : i32
    %sign3A_54 = arith.constant 0 : i32
    %sign3A_55 = arith.cmpi sgt, %jit3A, %sign3A_54 : i32
    %sign3A_56 = arith.extui %sign3A_55 : i1 to i32
    %sign3A_57 = arith.constant 0 : i32
    %sign3A_58 = arith.cmpi slt, %jit3A, %sign3A_57 : i32
    %sign3A_59 = arith.extui %sign3A_58 : i1 to i32
    %sign3A_60 = arith.subi %sign3A_56, %sign3A_59 : i32
    %ne3A = arith.cmpi ne, %sign3A_53, %sign3A_60 : i32
    %rem3A = arith.remsi %sub3A_47, %jit3A : i32
    %ne3A_61 = arith.constant 0 : i32
    %ne3A_62 = arith.cmpi ne, %rem3A, %ne3A_61 : i32
    %and3A = arith.andi %ne3A, %ne3A_62 : i1
    %sub3A_63 = arith.constant 1 : i32
    %sub3A_64 = arith.subi %div3A, %sub3A_63 : i32
    %select_n3A = arith.select %and3A, %sub3A_64, %div3A : i32
    %add3A_65 = arith.constant 1 : i32
    %add3A_66 = arith.addi %select_n3A, %add3A_65 : i32
    %jit3A_67 = arith.constant 2 : i32
    %div3A_68 = arith.divsi %add3A_66, %jit3A_67 : i32
    %sign3A_69 = arith.constant 0 : i32
    %sign3A_70 = arith.cmpi sgt, %add3A_66, %sign3A_69 : i32
    %sign3A_71 = arith.extui %sign3A_70 : i1 to i32
    %sign3A_72 = arith.constant 0 : i32
    %sign3A_73 = arith.cmpi slt, %add3A_66, %sign3A_72 : i32
    %sign3A_74 = arith.extui %sign3A_73 : i1 to i32
    %sign3A_75 = arith.subi %sign3A_71, %sign3A_74 : i32
    %sign3A_76 = arith.constant 0 : i32
    %sign3A_77 = arith.cmpi sgt, %jit3A_67, %sign3A_76 : i32
    %sign3A_78 = arith.extui %sign3A_77 : i1 to i32
    %sign3A_79 = arith.constant 0 : i32
    %sign3A_80 = arith.cmpi slt, %jit3A_67, %sign3A_79 : i32
    %sign3A_81 = arith.extui %sign3A_80 : i1 to i32
    %sign3A_82 = arith.subi %sign3A_78, %sign3A_81 : i32
    %ne3A_83 = arith.cmpi ne, %sign3A_75, %sign3A_82 : i32
    %rem3A_84 = arith.remsi %add3A_66, %jit3A_67 : i32
    %ne3A_85 = arith.constant 0 : i32
    %ne3A_86 = arith.cmpi ne, %rem3A_84, %ne3A_85 : i32
    %and3A_87 = arith.andi %ne3A_83, %ne3A_86 : i1
    %sub3A_88 = arith.constant 1 : i32
    %sub3A_89 = arith.subi %div3A_68, %sub3A_88 : i32
    %select_n3A_90 = arith.select %and3A_87, %sub3A_89, %div3A_68 : i32
    %while3A = arith.constant 0 : i32
    %while3A_91 = arith.constant 0 : i32
    %while3A_92 = arith.subi %select_n3A_90, %while3A : i32
    %while3A_93 = arith.addi %while3A, %while3A_92 : i32
    %while3A_94 = arith.constant 1 : i32
    %while3A_95 = arith.divsi %while3A_92, %while3A_94 : i32
    %while3A_96 = arith.muli %while3A_95, %while3A_94 : i32
    %while3A_97 = arith.addi %while3A, %while3A_96 : i32
    %while3A_98 = arith.constant 1 : i32
    %while3A_99 = scf.for %while3A_152 = %while3A to %while3A_97 step %while3A_98 iter_args(%while3A_153 = %while3A_91) -> (i32)  : i32 {
      %mul3A_154 = arith.constant 2 : i32
      %mul3A_155 = arith.muli %mul3A_154, %while3A_152 : i32
      %add3A_156 = arith.constant 1 : i32
      %add3A_157 = arith.addi %mul3A_155, %add3A_156 : i32
      %lt3A = arith.cmpi slt, %add3A_157, %select_n3A : i32
      %gt3A = arith.constant 0 : i32
      %gt3A_158 = arith.cmpi sgt, %while3A_152, %gt3A : i32
      %convert_element_type3A_159 = arith.extui %gt3A_158 : i1 to i32
      %cond3A_160 = arith.constant 0 : i32
      %cond3A_161 = arith.cmpi ne, %convert_element_type3A_159, %cond3A_160 : i32
      scf.if %cond3A_161 {
        %dma_wait3A_212 = arith.constant 0 : i32
        %dma_wait3A_213 = arith.constant 0 : i32
        %dma_wait3A_214 = tpu.memref_slice %arg19[%dma_wait3A_212, %dma_wait3A_213] : memref<51024x32xf32, #tpu.memory_space<vmem_shared>> -> memref<51024x32xf32, #tpu.memory_space<vmem_shared>>
        tpu.wait_indirect_dma semaphore(%arg17 : memref<!tpu.dma_semaphore, #tpu.memory_space<semaphore_mem>>) src(%arg12 : memref<400x32xf32, #tpu.memory_space<vmem>>) dst(%dma_wait3A_214 : memref<51024x32xf32, #tpu.memory_space<vmem_shared>>)
      } else {
      }
      %gt3A_162 = arith.constant 0 : i32
      %gt3A_163 = arith.cmpi sgt, %while3A_152, %gt3A_162 : i32
      %and3A_164 = arith.andi %gt3A_163, %lt3A : i1
      %convert_element_type3A_165 = arith.extui %and3A_164 : i1 to i32
      %cond3A_166 = arith.constant 0 : i32
      %cond3A_167 = arith.cmpi ne, %convert_element_type3A_165, %cond3A_166 : i32
      scf.if %cond3A_167 {
        %dma_wait3A_212 = arith.constant 0 : i32
        %dma_wait3A_213 = arith.constant 0 : i32
        %dma_wait3A_214 = tpu.memref_slice %arg19[%dma_wait3A_212, %dma_wait3A_213] : memref<51024x32xf32, #tpu.memory_space<vmem_shared>> -> memref<51024x32xf32, #tpu.memory_space<vmem_shared>>
        tpu.wait_indirect_dma semaphore(%arg18 : memref<!tpu.dma_semaphore, #tpu.memory_space<semaphore_mem>>) src(%arg13 : memref<400x32xf32, #tpu.memory_space<vmem>>) dst(%dma_wait3A_214 : memref<51024x32xf32, #tpu.memory_space<vmem_shared>>)
      } else {
      }
      %mul3A_168 = arith.constant 2 : i32
      %mul3A_169 = arith.muli %mul3A_168, %while3A_152 : i32
      %mul3A_170 = arith.constant 400 : i32
      %mul3A_171 = arith.muli %mul3A_169, %mul3A_170 : i32
      %add3A_172 = arith.addi %mul3A_2, %mul3A_171 : i32
      %multiple_of3A = tpu.assume_multiple %add3A_172, 8 : i32
      %mul3A_173 = arith.constant 2 : i32
      %mul3A_174 = arith.muli %mul3A_173, %while3A_152 : i32
      %add3A_175 = arith.constant 1 : i32
      %add3A_176 = arith.addi %mul3A_174, %add3A_175 : i32
      %mul3A_177 = arith.constant 400 : i32
      %mul3A_178 = arith.muli %add3A_176, %mul3A_177 : i32
      %add3A_179 = arith.addi %mul3A_2, %mul3A_178 : i32
      %multiple_of3A_180 = tpu.assume_multiple %add3A_179, 8 : i32
      %dma_start3A = tpu.memref_slice %arg3[%multiple_of3A] : memref<1651712xi32, #tpu.memory_space<hbm>> -> memref<400xi32, #tpu.memory_space<hbm>>
      %dma_start3A_181 = tpu.memref_slice %arg3[%multiple_of3A] : memref<1651712xi32, #tpu.memory_space<hbm>> -> memref<400xi32, #tpu.memory_space<hbm>>
      tpu.enqueue_dma source(%dma_start3A_181 : memref<400xi32, #tpu.memory_space<hbm>>) target(%arg8 : memref<400xi32, #tpu.memory_space<vmem>>) target_semaphore(%arg14 : memref<!tpu.dma_semaphore, #tpu.memory_space<semaphore_mem>>)
      %dma_start3A_182 = tpu.memref_slice %arg4[%multiple_of3A] : memref<1651712xi32, #tpu.memory_space<hbm>> -> memref<400xi32, #tpu.memory_space<hbm>>
      %dma_start3A_183 = tpu.memref_slice %arg4[%multiple_of3A] : memref<1651712xi32, #tpu.memory_space<hbm>> -> memref<400xi32, #tpu.memory_space<hbm>>
      tpu.enqueue_dma source(%dma_start3A_183 : memref<400xi32, #tpu.memory_space<hbm>>) target(%arg10 : memref<400xi32, #tpu.memory_space<vmem>>) target_semaphore(%arg14 : memref<!tpu.dma_semaphore, #tpu.memory_space<semaphore_mem>>)
      %convert_element_type3A_184 = arith.extui %lt3A : i1 to i32
      %cond3A_185 = arith.constant 0 : i32
      %cond3A_186 = arith.cmpi ne, %convert_element_type3A_184, %cond3A_185 : i32
      scf.if %cond3A_186 {
        %dma_start3A_212 = tpu.memref_slice %arg3[%multiple_of3A_180] : memref<1651712xi32, #tpu.memory_space<hbm>> -> memref<400xi32, #tpu.memory_space<hbm>>
        %dma_start3A_213 = tpu.memref_slice %arg3[%multiple_of3A_180] : memref<1651712xi32, #tpu.memory_space<hbm>> -> memref<400xi32, #tpu.memory_space<hbm>>
        tpu.enqueue_dma source(%dma_start3A_213 : memref<400xi32, #tpu.memory_space<hbm>>) target(%arg9 : memref<400xi32, #tpu.memory_space<vmem>>) target_semaphore(%arg14 : memref<!tpu.dma_semaphore, #tpu.memory_space<semaphore_mem>>)
        %dma_start3A_214 = tpu.memref_slice %arg4[%multiple_of3A_180] : memref<1651712xi32, #tpu.memory_space<hbm>> -> memref<400xi32, #tpu.memory_space<hbm>>
        %dma_start3A_215 = tpu.memref_slice %arg4[%multiple_of3A_180] : memref<1651712xi32, #tpu.memory_space<hbm>> -> memref<400xi32, #tpu.memory_space<hbm>>
        tpu.enqueue_dma source(%dma_start3A_215 : memref<400xi32, #tpu.memory_space<hbm>>) target(%arg11 : memref<400xi32, #tpu.memory_space<vmem>>) target_semaphore(%arg14 : memref<!tpu.dma_semaphore, #tpu.memory_space<semaphore_mem>>)
      } else {
      }
      %dma_wait3A = tpu.memref_slice %arg3[%multiple_of3A] : memref<1651712xi32, #tpu.memory_space<hbm>> -> memref<400xi32, #tpu.memory_space<hbm>>
      %dma_wait3A_187 = tpu.memref_slice %arg3[%multiple_of3A] : memref<1651712xi32, #tpu.memory_space<hbm>> -> memref<400xi32, #tpu.memory_space<hbm>>
      tpu.wait_dma2 semaphore(%arg14 : memref<!tpu.dma_semaphore, #tpu.memory_space<semaphore_mem>>) src(%dma_wait3A_187 : memref<400xi32, #tpu.memory_space<hbm>>) dst(%arg8 : memref<400xi32, #tpu.memory_space<vmem>>)
      %dma_wait3A_188 = tpu.memref_slice %arg4[%multiple_of3A] : memref<1651712xi32, #tpu.memory_space<hbm>> -> memref<400xi32, #tpu.memory_space<hbm>>
      %dma_wait3A_189 = tpu.memref_slice %arg4[%multiple_of3A] : memref<1651712xi32, #tpu.memory_space<hbm>> -> memref<400xi32, #tpu.memory_space<hbm>>
      tpu.wait_dma2 semaphore(%arg14 : memref<!tpu.dma_semaphore, #tpu.memory_space<semaphore_mem>>) src(%dma_wait3A_189 : memref<400xi32, #tpu.memory_space<hbm>>) dst(%arg10 : memref<400xi32, #tpu.memory_space<vmem>>)
      %convert_element_type3A_190 = arith.extui %lt3A : i1 to i32
      %cond3A_191 = arith.constant 0 : i32
      %cond3A_192 = arith.cmpi ne, %convert_element_type3A_190, %cond3A_191 : i32
      scf.if %cond3A_192 {
        %dma_wait3A_212 = tpu.memref_slice %arg3[%multiple_of3A_180] : memref<1651712xi32, #tpu.memory_space<hbm>> -> memref<400xi32, #tpu.memory_space<hbm>>
        %dma_wait3A_213 = tpu.memref_slice %arg3[%multiple_of3A_180] : memref<1651712xi32, #tpu.memory_space<hbm>> -> memref<400xi32, #tpu.memory_space<hbm>>
        tpu.wait_dma2 semaphore(%arg14 : memref<!tpu.dma_semaphore, #tpu.memory_space<semaphore_mem>>) src(%dma_wait3A_213 : memref<400xi32, #tpu.memory_space<hbm>>) dst(%arg9 : memref<400xi32, #tpu.memory_space<vmem>>)
        %dma_wait3A_214 = tpu.memref_slice %arg4[%multiple_of3A_180] : memref<1651712xi32, #tpu.memory_space<hbm>> -> memref<400xi32, #tpu.memory_space<hbm>>
        %dma_wait3A_215 = tpu.memref_slice %arg4[%multiple_of3A_180] : memref<1651712xi32, #tpu.memory_space<hbm>> -> memref<400xi32, #tpu.memory_space<hbm>>
        tpu.wait_dma2 semaphore(%arg14 : memref<!tpu.dma_semaphore, #tpu.memory_space<semaphore_mem>>) src(%dma_wait3A_215 : memref<400xi32, #tpu.memory_space<hbm>>) dst(%arg11 : memref<400xi32, #tpu.memory_space<vmem>>)
      } else {
      }
      %dma_start3A_193 = arith.constant 0 : i32
      %dma_start3A_194 = arith.constant 0 : i32
      %dma_start3A_195 = tpu.memref_slice %arg2[%dma_start3A_193, %dma_start3A_194] : memref<100000x32xf32, #tpu.memory_space<hbm>> -> memref<100000x32xf32, #tpu.memory_space<hbm>>
      tpu.enqueue_indirect_dma source(%dma_start3A_195 : memref<100000x32xf32, #tpu.memory_space<hbm>>) target(%arg12 : memref<400x32xf32, #tpu.memory_space<vmem>>) offsets(%arg8 : memref<400xi32, #tpu.memory_space<vmem>>) semaphore(%arg15 : memref<!tpu.dma_semaphore, #tpu.memory_space<semaphore_mem>>)
      %convert_element_type3A_196 = arith.extui %lt3A : i1 to i32
      %cond3A_197 = arith.constant 0 : i32
      %cond3A_198 = arith.cmpi ne, %convert_element_type3A_196, %cond3A_197 : i32
      scf.if %cond3A_198 {
        %dma_start3A_212 = arith.constant 0 : i32
        %dma_start3A_213 = arith.constant 0 : i32
        %dma_start3A_214 = tpu.memref_slice %arg2[%dma_start3A_212, %dma_start3A_213] : memref<100000x32xf32, #tpu.memory_space<hbm>> -> memref<100000x32xf32, #tpu.memory_space<hbm>>
        tpu.enqueue_indirect_dma source(%dma_start3A_214 : memref<100000x32xf32, #tpu.memory_space<hbm>>) target(%arg13 : memref<400x32xf32, #tpu.memory_space<vmem>>) offsets(%arg9 : memref<400xi32, #tpu.memory_space<vmem>>) semaphore(%arg16 : memref<!tpu.dma_semaphore, #tpu.memory_space<semaphore_mem>>)
      } else {
      }
      %dma_wait3A_199 = arith.constant 0 : i32
      %dma_wait3A_200 = arith.constant 0 : i32
      %dma_wait3A_201 = tpu.memref_slice %arg2[%dma_wait3A_199, %dma_wait3A_200] : memref<100000x32xf32, #tpu.memory_space<hbm>> -> memref<100000x32xf32, #tpu.memory_space<hbm>>
      tpu.wait_indirect_dma semaphore(%arg15 : memref<!tpu.dma_semaphore, #tpu.memory_space<semaphore_mem>>) src(%dma_wait3A_201 : memref<100000x32xf32, #tpu.memory_space<hbm>>) dst(%arg12 : memref<400x32xf32, #tpu.memory_space<vmem>>)
      %convert_element_type3A_202 = arith.extui %lt3A : i1 to i32
      %cond3A_203 = arith.constant 0 : i32
      %cond3A_204 = arith.cmpi ne, %convert_element_type3A_202, %cond3A_203 : i32
      scf.if %cond3A_204 {
        %dma_wait3A_212 = arith.constant 0 : i32
        %dma_wait3A_213 = arith.constant 0 : i32
        %dma_wait3A_214 = tpu.memref_slice %arg2[%dma_wait3A_212, %dma_wait3A_213] : memref<100000x32xf32, #tpu.memory_space<hbm>> -> memref<100000x32xf32, #tpu.memory_space<hbm>>
        tpu.wait_indirect_dma semaphore(%arg16 : memref<!tpu.dma_semaphore, #tpu.memory_space<semaphore_mem>>) src(%dma_wait3A_214 : memref<100000x32xf32, #tpu.memory_space<hbm>>) dst(%arg13 : memref<400x32xf32, #tpu.memory_space<vmem>>)
      } else {
      }
      %dma_start3A_205 = arith.constant 0 : i32
      %dma_start3A_206 = arith.constant 0 : i32
      %dma_start3A_207 = tpu.memref_slice %arg19[%dma_start3A_205, %dma_start3A_206] : memref<51024x32xf32, #tpu.memory_space<vmem_shared>> -> memref<51024x32xf32, #tpu.memory_space<vmem_shared>>
      tpu.enqueue_indirect_dma source(%arg12 : memref<400x32xf32, #tpu.memory_space<vmem>>) target(%dma_start3A_207 : memref<51024x32xf32, #tpu.memory_space<vmem_shared>>) offsets(%arg10 : memref<400xi32, #tpu.memory_space<vmem>>) semaphore(%arg17 : memref<!tpu.dma_semaphore, #tpu.memory_space<semaphore_mem>>) {add = true}
      %convert_element_type3A_208 = arith.extui %lt3A : i1 to i32
      %cond3A_209 = arith.constant 0 : i32
      %cond3A_210 = arith.cmpi ne, %convert_element_type3A_208, %cond3A_209 : i32
      scf.if %cond3A_210 {
        %dma_start3A_212 = arith.constant 0 : i32
        %dma_start3A_213 = arith.constant 0 : i32
        %dma_start3A_214 = tpu.memref_slice %arg19[%dma_start3A_212, %dma_start3A_213] : memref<51024x32xf32, #tpu.memory_space<vmem_shared>> -> memref<51024x32xf32, #tpu.memory_space<vmem_shared>>
        tpu.enqueue_indirect_dma source(%arg13 : memref<400x32xf32, #tpu.memory_space<vmem>>) target(%dma_start3A_214 : memref<51024x32xf32, #tpu.memory_space<vmem_shared>>) offsets(%arg11 : memref<400xi32, #tpu.memory_space<vmem>>) semaphore(%arg18 : memref<!tpu.dma_semaphore, #tpu.memory_space<semaphore_mem>>) {add = true}
      } else {
      }
      %while3A_211 = arith.constant 0 : i32
      scf.yield %while3A_211 : i32
    }
    %while3A_100 = arith.constant 1 : i32
    %while3A_101 = scf.for %while3A_152 = %while3A_97 to %while3A_93 step %while3A_100 iter_args(%while3A_153 = %while3A_99) -> (i32)  : i32 {
      %mul3A_154 = arith.constant 2 : i32
      %mul3A_155 = arith.muli %mul3A_154, %while3A_152 : i32
      %add3A_156 = arith.constant 1 : i32
      %add3A_157 = arith.addi %mul3A_155, %add3A_156 : i32
      %lt3A = arith.cmpi slt, %add3A_157, %select_n3A : i32
      %gt3A = arith.constant 0 : i32
      %gt3A_158 = arith.cmpi sgt, %while3A_152, %gt3A : i32
      %convert_element_type3A_159 = arith.extui %gt3A_158 : i1 to i32
      %cond3A_160 = arith.constant 0 : i32
      %cond3A_161 = arith.cmpi ne, %convert_element_type3A_159, %cond3A_160 : i32
      scf.if %cond3A_161 {
        %dma_wait3A_212 = arith.constant 0 : i32
        %dma_wait3A_213 = arith.constant 0 : i32
        %dma_wait3A_214 = tpu.memref_slice %arg19[%dma_wait3A_212, %dma_wait3A_213] : memref<51024x32xf32, #tpu.memory_space<vmem_shared>> -> memref<51024x32xf32, #tpu.memory_space<vmem_shared>>
        tpu.wait_indirect_dma semaphore(%arg17 : memref<!tpu.dma_semaphore, #tpu.memory_space<semaphore_mem>>) src(%arg12 : memref<400x32xf32, #tpu.memory_space<vmem>>) dst(%dma_wait3A_214 : memref<51024x32xf32, #tpu.memory_space<vmem_shared>>)
      } else {
      }
      %gt3A_162 = arith.constant 0 : i32
      %gt3A_163 = arith.cmpi sgt, %while3A_152, %gt3A_162 : i32
      %and3A_164 = arith.andi %gt3A_163, %lt3A : i1
      %convert_element_type3A_165 = arith.extui %and3A_164 : i1 to i32
      %cond3A_166 = arith.constant 0 : i32
      %cond3A_167 = arith.cmpi ne, %convert_element_type3A_165, %cond3A_166 : i32
      scf.if %cond3A_167 {
        %dma_wait3A_212 = arith.constant 0 : i32
        %dma_wait3A_213 = arith.constant 0 : i32
        %dma_wait3A_214 = tpu.memref_slice %arg19[%dma_wait3A_212, %dma_wait3A_213] : memref<51024x32xf32, #tpu.memory_space<vmem_shared>> -> memref<51024x32xf32, #tpu.memory_space<vmem_shared>>
        tpu.wait_indirect_dma semaphore(%arg18 : memref<!tpu.dma_semaphore, #tpu.memory_space<semaphore_mem>>) src(%arg13 : memref<400x32xf32, #tpu.memory_space<vmem>>) dst(%dma_wait3A_214 : memref<51024x32xf32, #tpu.memory_space<vmem_shared>>)
      } else {
      }
      %mul3A_168 = arith.constant 2 : i32
      %mul3A_169 = arith.muli %mul3A_168, %while3A_152 : i32
      %mul3A_170 = arith.constant 400 : i32
      %mul3A_171 = arith.muli %mul3A_169, %mul3A_170 : i32
      %add3A_172 = arith.addi %mul3A_2, %mul3A_171 : i32
      %multiple_of3A = tpu.assume_multiple %add3A_172, 8 : i32
      %mul3A_173 = arith.constant 2 : i32
      %mul3A_174 = arith.muli %mul3A_173, %while3A_152 : i32
      %add3A_175 = arith.constant 1 : i32
      %add3A_176 = arith.addi %mul3A_174, %add3A_175 : i32
      %mul3A_177 = arith.constant 400 : i32
      %mul3A_178 = arith.muli %add3A_176, %mul3A_177 : i32
      %add3A_179 = arith.addi %mul3A_2, %mul3A_178 : i32
      %multiple_of3A_180 = tpu.assume_multiple %add3A_179, 8 : i32
      %dma_start3A = tpu.memref_slice %arg3[%multiple_of3A] : memref<1651712xi32, #tpu.memory_space<hbm>> -> memref<400xi32, #tpu.memory_space<hbm>>
      %dma_start3A_181 = tpu.memref_slice %arg3[%multiple_of3A] : memref<1651712xi32, #tpu.memory_space<hbm>> -> memref<400xi32, #tpu.memory_space<hbm>>
      tpu.enqueue_dma source(%dma_start3A_181 : memref<400xi32, #tpu.memory_space<hbm>>) target(%arg8 : memref<400xi32, #tpu.memory_space<vmem>>) target_semaphore(%arg14 : memref<!tpu.dma_semaphore, #tpu.memory_space<semaphore_mem>>)
      %dma_start3A_182 = tpu.memref_slice %arg4[%multiple_of3A] : memref<1651712xi32, #tpu.memory_space<hbm>> -> memref<400xi32, #tpu.memory_space<hbm>>
      %dma_start3A_183 = tpu.memref_slice %arg4[%multiple_of3A] : memref<1651712xi32, #tpu.memory_space<hbm>> -> memref<400xi32, #tpu.memory_space<hbm>>
      tpu.enqueue_dma source(%dma_start3A_183 : memref<400xi32, #tpu.memory_space<hbm>>) target(%arg10 : memref<400xi32, #tpu.memory_space<vmem>>) target_semaphore(%arg14 : memref<!tpu.dma_semaphore, #tpu.memory_space<semaphore_mem>>)
      %convert_element_type3A_184 = arith.extui %lt3A : i1 to i32
      %cond3A_185 = arith.constant 0 : i32
      %cond3A_186 = arith.cmpi ne, %convert_element_type3A_184, %cond3A_185 : i32
      scf.if %cond3A_186 {
        %dma_start3A_212 = tpu.memref_slice %arg3[%multiple_of3A_180] : memref<1651712xi32, #tpu.memory_space<hbm>> -> memref<400xi32, #tpu.memory_space<hbm>>
        %dma_start3A_213 = tpu.memref_slice %arg3[%multiple_of3A_180] : memref<1651712xi32, #tpu.memory_space<hbm>> -> memref<400xi32, #tpu.memory_space<hbm>>
        tpu.enqueue_dma source(%dma_start3A_213 : memref<400xi32, #tpu.memory_space<hbm>>) target(%arg9 : memref<400xi32, #tpu.memory_space<vmem>>) target_semaphore(%arg14 : memref<!tpu.dma_semaphore, #tpu.memory_space<semaphore_mem>>)
        %dma_start3A_214 = tpu.memref_slice %arg4[%multiple_of3A_180] : memref<1651712xi32, #tpu.memory_space<hbm>> -> memref<400xi32, #tpu.memory_space<hbm>>
        %dma_start3A_215 = tpu.memref_slice %arg4[%multiple_of3A_180] : memref<1651712xi32, #tpu.memory_space<hbm>> -> memref<400xi32, #tpu.memory_space<hbm>>
        tpu.enqueue_dma source(%dma_start3A_215 : memref<400xi32, #tpu.memory_space<hbm>>) target(%arg11 : memref<400xi32, #tpu.memory_space<vmem>>) target_semaphore(%arg14 : memref<!tpu.dma_semaphore, #tpu.memory_space<semaphore_mem>>)
      } else {
      }
      %dma_wait3A = tpu.memref_slice %arg3[%multiple_of3A] : memref<1651712xi32, #tpu.memory_space<hbm>> -> memref<400xi32, #tpu.memory_space<hbm>>
      %dma_wait3A_187 = tpu.memref_slice %arg3[%multiple_of3A] : memref<1651712xi32, #tpu.memory_space<hbm>> -> memref<400xi32, #tpu.memory_space<hbm>>
      tpu.wait_dma2 semaphore(%arg14 : memref<!tpu.dma_semaphore, #tpu.memory_space<semaphore_mem>>) src(%dma_wait3A_187 : memref<400xi32, #tpu.memory_space<hbm>>) dst(%arg8 : memref<400xi32, #tpu.memory_space<vmem>>)
      %dma_wait3A_188 = tpu.memref_slice %arg4[%multiple_of3A] : memref<1651712xi32, #tpu.memory_space<hbm>> -> memref<400xi32, #tpu.memory_space<hbm>>
      %dma_wait3A_189 = tpu.memref_slice %arg4[%multiple_of3A] : memref<1651712xi32, #tpu.memory_space<hbm>> -> memref<400xi32, #tpu.memory_space<hbm>>
      tpu.wait_dma2 semaphore(%arg14 : memref<!tpu.dma_semaphore, #tpu.memory_space<semaphore_mem>>) src(%dma_wait3A_189 : memref<400xi32, #tpu.memory_space<hbm>>) dst(%arg10 : memref<400xi32, #tpu.memory_space<vmem>>)
      %convert_element_type3A_190 = arith.extui %lt3A : i1 to i32
      %cond3A_191 = arith.constant 0 : i32
      %cond3A_192 = arith.cmpi ne, %convert_element_type3A_190, %cond3A_191 : i32
      scf.if %cond3A_192 {
        %dma_wait3A_212 = tpu.memref_slice %arg3[%multiple_of3A_180] : memref<1651712xi32, #tpu.memory_space<hbm>> -> memref<400xi32, #tpu.memory_space<hbm>>
        %dma_wait3A_213 = tpu.memref_slice %arg3[%multiple_of3A_180] : memref<1651712xi32, #tpu.memory_space<hbm>> -> memref<400xi32, #tpu.memory_space<hbm>>
        tpu.wait_dma2 semaphore(%arg14 : memref<!tpu.dma_semaphore, #tpu.memory_space<semaphore_mem>>) src(%dma_wait3A_213 : memref<400xi32, #tpu.memory_space<hbm>>) dst(%arg9 : memref<400xi32, #tpu.memory_space<vmem>>)
        %dma_wait3A_214 = tpu.memref_slice %arg4[%multiple_of3A_180] : memref<1651712xi32, #tpu.memory_space<hbm>> -> memref<400xi32, #tpu.memory_space<hbm>>
        %dma_wait3A_215 = tpu.memref_slice %arg4[%multiple_of3A_180] : memref<1651712xi32, #tpu.memory_space<hbm>> -> memref<400xi32, #tpu.memory_space<hbm>>
        tpu.wait_dma2 semaphore(%arg14 : memref<!tpu.dma_semaphore, #tpu.memory_space<semaphore_mem>>) src(%dma_wait3A_215 : memref<400xi32, #tpu.memory_space<hbm>>) dst(%arg11 : memref<400xi32, #tpu.memory_space<vmem>>)
      } else {
      }
      %dma_start3A_193 = arith.constant 0 : i32
      %dma_start3A_194 = arith.constant 0 : i32
      %dma_start3A_195 = tpu.memref_slice %arg2[%dma_start3A_193, %dma_start3A_194] : memref<100000x32xf32, #tpu.memory_space<hbm>> -> memref<100000x32xf32, #tpu.memory_space<hbm>>
      tpu.enqueue_indirect_dma source(%dma_start3A_195 : memref<100000x32xf32, #tpu.memory_space<hbm>>) target(%arg12 : memref<400x32xf32, #tpu.memory_space<vmem>>) offsets(%arg8 : memref<400xi32, #tpu.memory_space<vmem>>) semaphore(%arg15 : memref<!tpu.dma_semaphore, #tpu.memory_space<semaphore_mem>>)
      %convert_element_type3A_196 = arith.extui %lt3A : i1 to i32
      %cond3A_197 = arith.constant 0 : i32
      %cond3A_198 = arith.cmpi ne, %convert_element_type3A_196, %cond3A_197 : i32
      scf.if %cond3A_198 {
        %dma_start3A_212 = arith.constant 0 : i32
        %dma_start3A_213 = arith.constant 0 : i32
        %dma_start3A_214 = tpu.memref_slice %arg2[%dma_start3A_212, %dma_start3A_213] : memref<100000x32xf32, #tpu.memory_space<hbm>> -> memref<100000x32xf32, #tpu.memory_space<hbm>>
        tpu.enqueue_indirect_dma source(%dma_start3A_214 : memref<100000x32xf32, #tpu.memory_space<hbm>>) target(%arg13 : memref<400x32xf32, #tpu.memory_space<vmem>>) offsets(%arg9 : memref<400xi32, #tpu.memory_space<vmem>>) semaphore(%arg16 : memref<!tpu.dma_semaphore, #tpu.memory_space<semaphore_mem>>)
      } else {
      }
      %dma_wait3A_199 = arith.constant 0 : i32
      %dma_wait3A_200 = arith.constant 0 : i32
      %dma_wait3A_201 = tpu.memref_slice %arg2[%dma_wait3A_199, %dma_wait3A_200] : memref<100000x32xf32, #tpu.memory_space<hbm>> -> memref<100000x32xf32, #tpu.memory_space<hbm>>
      tpu.wait_indirect_dma semaphore(%arg15 : memref<!tpu.dma_semaphore, #tpu.memory_space<semaphore_mem>>) src(%dma_wait3A_201 : memref<100000x32xf32, #tpu.memory_space<hbm>>) dst(%arg12 : memref<400x32xf32, #tpu.memory_space<vmem>>)
      %convert_element_type3A_202 = arith.extui %lt3A : i1 to i32
      %cond3A_203 = arith.constant 0 : i32
      %cond3A_204 = arith.cmpi ne, %convert_element_type3A_202, %cond3A_203 : i32
      scf.if %cond3A_204 {
        %dma_wait3A_212 = arith.constant 0 : i32
        %dma_wait3A_213 = arith.constant 0 : i32
        %dma_wait3A_214 = tpu.memref_slice %arg2[%dma_wait3A_212, %dma_wait3A_213] : memref<100000x32xf32, #tpu.memory_space<hbm>> -> memref<100000x32xf32, #tpu.memory_space<hbm>>
        tpu.wait_indirect_dma semaphore(%arg16 : memref<!tpu.dma_semaphore, #tpu.memory_space<semaphore_mem>>) src(%dma_wait3A_214 : memref<100000x32xf32, #tpu.memory_space<hbm>>) dst(%arg13 : memref<400x32xf32, #tpu.memory_space<vmem>>)
      } else {
      }
      %dma_start3A_205 = arith.constant 0 : i32
      %dma_start3A_206 = arith.constant 0 : i32
      %dma_start3A_207 = tpu.memref_slice %arg19[%dma_start3A_205, %dma_start3A_206] : memref<51024x32xf32, #tpu.memory_space<vmem_shared>> -> memref<51024x32xf32, #tpu.memory_space<vmem_shared>>
      tpu.enqueue_indirect_dma source(%arg12 : memref<400x32xf32, #tpu.memory_space<vmem>>) target(%dma_start3A_207 : memref<51024x32xf32, #tpu.memory_space<vmem_shared>>) offsets(%arg10 : memref<400xi32, #tpu.memory_space<vmem>>) semaphore(%arg17 : memref<!tpu.dma_semaphore, #tpu.memory_space<semaphore_mem>>) {add = true}
      %convert_element_type3A_208 = arith.extui %lt3A : i1 to i32
      %cond3A_209 = arith.constant 0 : i32
      %cond3A_210 = arith.cmpi ne, %convert_element_type3A_208, %cond3A_209 : i32
      scf.if %cond3A_210 {
        %dma_start3A_212 = arith.constant 0 : i32
        %dma_start3A_213 = arith.constant 0 : i32
        %dma_start3A_214 = tpu.memref_slice %arg19[%dma_start3A_212, %dma_start3A_213] : memref<51024x32xf32, #tpu.memory_space<vmem_shared>> -> memref<51024x32xf32, #tpu.memory_space<vmem_shared>>
        tpu.enqueue_indirect_dma source(%arg13 : memref<400x32xf32, #tpu.memory_space<vmem>>) target(%dma_start3A_214 : memref<51024x32xf32, #tpu.memory_space<vmem_shared>>) offsets(%arg11 : memref<400xi32, #tpu.memory_space<vmem>>) semaphore(%arg18 : memref<!tpu.dma_semaphore, #tpu.memory_space<semaphore_mem>>) {add = true}
      } else {
      }
      %while3A_211 = arith.constant 0 : i32
      scf.yield %while3A_211 : i32
    }
    %ge3A = arith.constant 1 : i32
    %ge3A_102 = arith.cmpi sge, %select_n3A, %ge3A : i32
    %convert_element_type3A = arith.extui %ge3A_102 : i1 to i32
    %cond3A = arith.constant 0 : i32
    %cond3A_103 = arith.cmpi ne, %convert_element_type3A, %cond3A : i32
    scf.if %cond3A_103 {
      %dma_wait3A = arith.constant 0 : i32
      %dma_wait3A_152 = arith.constant 0 : i32
      %dma_wait3A_153 = tpu.memref_slice %arg19[%dma_wait3A, %dma_wait3A_152] : memref<51024x32xf32, #tpu.memory_space<vmem_shared>> -> memref<51024x32xf32, #tpu.memory_space<vmem_shared>>
      tpu.wait_indirect_dma semaphore(%arg17 : memref<!tpu.dma_semaphore, #tpu.memory_space<semaphore_mem>>) src(%arg12 : memref<400x32xf32, #tpu.memory_space<vmem>>) dst(%dma_wait3A_153 : memref<51024x32xf32, #tpu.memory_space<vmem_shared>>)
    } else {
    }
    %ge3A_104 = arith.constant 2 : i32
    %ge3A_105 = arith.cmpi sge, %select_n3A, %ge3A_104 : i32
    %convert_element_type3A_106 = arith.extui %ge3A_105 : i1 to i32
    %cond3A_107 = arith.constant 0 : i32
    %cond3A_108 = arith.cmpi ne, %convert_element_type3A_106, %cond3A_107 : i32
    scf.if %cond3A_108 {
      %dma_wait3A = arith.constant 0 : i32
      %dma_wait3A_152 = arith.constant 0 : i32
      %dma_wait3A_153 = tpu.memref_slice %arg19[%dma_wait3A, %dma_wait3A_152] : memref<51024x32xf32, #tpu.memory_space<vmem_shared>> -> memref<51024x32xf32, #tpu.memory_space<vmem_shared>>
      tpu.wait_indirect_dma semaphore(%arg18 : memref<!tpu.dma_semaphore, #tpu.memory_space<semaphore_mem>>) src(%arg13 : memref<400x32xf32, #tpu.memory_space<vmem>>) dst(%dma_wait3A_153 : memref<51024x32xf32, #tpu.memory_space<vmem_shared>>)
    } else {
    }
    %barrier3A_109 = arith.constant 0 : index
    tpu.barrier barrier_id(%barrier3A_109)
    %sub3A_110 = arith.constant 125 : i32
    %sub3A_111 = arith.subi %sub3A_110, %arg1 : i32
    %add3A_112 = arith.constant 16 : i32
    %add3A_113 = arith.addi %sub3A_111, %add3A_112 : i32
    %sub3A_114 = arith.constant 1 : i32
    %sub3A_115 = arith.subi %add3A_113, %sub3A_114 : i32
    %jit3A_116 = arith.constant 16 : i32
    %div3A_117 = arith.divsi %sub3A_115, %jit3A_116 : i32
    %sign3A_118 = arith.constant 0 : i32
    %sign3A_119 = arith.cmpi sgt, %sub3A_115, %sign3A_118 : i32
    %sign3A_120 = arith.extui %sign3A_119 : i1 to i32
    %sign3A_121 = arith.constant 0 : i32
    %sign3A_122 = arith.cmpi slt, %sub3A_115, %sign3A_121 : i32
    %sign3A_123 = arith.extui %sign3A_122 : i1 to i32
    %sign3A_124 = arith.subi %sign3A_120, %sign3A_123 : i32
    %sign3A_125 = arith.constant 0 : i32
    %sign3A_126 = arith.cmpi sgt, %jit3A_116, %sign3A_125 : i32
    %sign3A_127 = arith.extui %sign3A_126 : i1 to i32
    %sign3A_128 = arith.constant 0 : i32
    %sign3A_129 = arith.cmpi slt, %jit3A_116, %sign3A_128 : i32
    %sign3A_130 = arith.extui %sign3A_129 : i1 to i32
    %sign3A_131 = arith.subi %sign3A_127, %sign3A_130 : i32
    %ne3A_132 = arith.cmpi ne, %sign3A_124, %sign3A_131 : i32
    %rem3A_133 = arith.remsi %sub3A_115, %jit3A_116 : i32
    %ne3A_134 = arith.constant 0 : i32
    %ne3A_135 = arith.cmpi ne, %rem3A_133, %ne3A_134 : i32
    %and3A_136 = arith.andi %ne3A_132, %ne3A_135 : i1
    %sub3A_137 = arith.constant 1 : i32
    %sub3A_138 = arith.subi %div3A_117, %sub3A_137 : i32
    %select_n3A_139 = arith.select %and3A_136, %sub3A_138, %div3A_117 : i32
    %while3A_140 = arith.constant 0 : i32
    %while3A_141 = arith.constant 0 : i32
    %while3A_142 = arith.subi %select_n3A_139, %while3A_140 : i32
    %while3A_143 = arith.addi %while3A_140, %while3A_142 : i32
    %while3A_144 = arith.constant 1 : i32
    %while3A_145 = arith.divsi %while3A_142, %while3A_144 : i32
    %while3A_146 = arith.muli %while3A_145, %while3A_144 : i32
    %while3A_147 = arith.addi %while3A_140, %while3A_146 : i32
    %while3A_148 = arith.constant 1 : i32
    %while3A_149 = scf.for %while3A_152 = %while3A_140 to %while3A_147 step %while3A_148 iter_args(%while3A_153 = %while3A_141) -> (i32)  : i32 {
      %mul3A_154 = arith.constant 16 : i32
      %mul3A_155 = arith.muli %while3A_152, %mul3A_154 : i32
      %add3A_156 = arith.addi %arg1, %mul3A_155 : i32
      %mul3A_157 = arith.constant 400 : i32
      %mul3A_158 = arith.muli %add3A_156, %mul3A_157 : i32
      "tpu.region"() ({
        %run_scoped3A = tpu.sem_alloc : memref<!tpu.dma_semaphore, #tpu.memory_space<semaphore_mem>>
        %dma_start3A = arith.constant 0 : i32
        %dma_start3A_163 = arith.constant 0 : i32
        %dma_start3A_164 = tpu.memref_slice %arg12[%dma_start3A, %dma_start3A_163] : memref<400x32xf32, #tpu.memory_space<vmem>> -> memref<400x32xf32, #tpu.memory_space<vmem>>
        %dma_start3A_165 = arith.constant 0 : i32
        %dma_start3A_166 = tpu.memref_slice %arg19[%mul3A_158, %dma_start3A_165] : memref<51024x32xf32, #tpu.memory_space<vmem_shared>> -> memref<400x32xf32, #tpu.memory_space<vmem_shared>>
        %dma_start3A_167 = arith.constant 0 : i32
        %dma_start3A_168 = arith.constant 0 : i32
        %dma_start3A_169 = tpu.memref_slice %arg12[%dma_start3A_167, %dma_start3A_168] : memref<400x32xf32, #tpu.memory_space<vmem>> -> memref<400x32xf32, #tpu.memory_space<vmem>>
        %dma_start3A_170 = arith.constant 0 : i32
        %dma_start3A_171 = tpu.memref_slice %arg19[%mul3A_158, %dma_start3A_170] : memref<51024x32xf32, #tpu.memory_space<vmem_shared>> -> memref<400x32xf32, #tpu.memory_space<vmem_shared>>
        tpu.enqueue_dma source(%dma_start3A_171 : memref<400x32xf32, #tpu.memory_space<vmem_shared>>) target(%dma_start3A_169 : memref<400x32xf32, #tpu.memory_space<vmem>>) target_semaphore(%run_scoped3A : memref<!tpu.dma_semaphore, #tpu.memory_space<semaphore_mem>>)
        %dma_wait3A = arith.constant 0 : i32
        %dma_wait3A_172 = arith.constant 0 : i32
        %dma_wait3A_173 = tpu.memref_slice %arg12[%dma_wait3A, %dma_wait3A_172] : memref<400x32xf32, #tpu.memory_space<vmem>> -> memref<400x32xf32, #tpu.memory_space<vmem>>
        %dma_wait3A_174 = arith.constant 0 : i32
        %dma_wait3A_175 = tpu.memref_slice %arg19[%mul3A_158, %dma_wait3A_174] : memref<51024x32xf32, #tpu.memory_space<vmem_shared>> -> memref<400x32xf32, #tpu.memory_space<vmem_shared>>
        %dma_wait3A_176 = arith.constant 0 : i32
        %dma_wait3A_177 = arith.constant 0 : i32
        %dma_wait3A_178 = tpu.memref_slice %arg12[%dma_wait3A_176, %dma_wait3A_177] : memref<400x32xf32, #tpu.memory_space<vmem>> -> memref<400x32xf32, #tpu.memory_space<vmem>>
        %dma_wait3A_179 = arith.constant 0 : i32
        %dma_wait3A_180 = tpu.memref_slice %arg19[%mul3A_158, %dma_wait3A_179] : memref<51024x32xf32, #tpu.memory_space<vmem_shared>> -> memref<400x32xf32, #tpu.memory_space<vmem_shared>>
        tpu.wait_dma2 semaphore(%run_scoped3A : memref<!tpu.dma_semaphore, #tpu.memory_space<semaphore_mem>>) src(%dma_wait3A_180 : memref<400x32xf32, #tpu.memory_space<vmem_shared>>) dst(%dma_wait3A_178 : memref<400x32xf32, #tpu.memory_space<vmem>>)
        tpu.yield
      }) : () -> ()
      %mul3A_159 = arith.constant 50000 : i32
      %mul3A_160 = arith.muli %arg0, %mul3A_159 : i32
      %add3A_161 = arith.addi %mul3A_160, %mul3A_158 : i32
      "tpu.region"() ({
        %run_scoped3A = tpu.sem_alloc : memref<!tpu.dma_semaphore, #tpu.memory_space<semaphore_mem>>
        %dma_start3A = arith.constant 0 : i32
        %dma_start3A_163 = arith.constant 0 : i32
        %dma_start3A_164 = tpu.memref_slice %arg12[%dma_start3A, %dma_start3A_163] : memref<400x32xf32, #tpu.memory_space<vmem>> -> memref<400x32xf32, #tpu.memory_space<vmem>>
        %dma_start3A_165 = arith.constant 0 : i32
        %dma_start3A_166 = tpu.memref_slice %arg6[%add3A_161, %dma_start3A_165] : memref<100000x32xf32, #tpu.memory_space<hbm>> -> memref<400x32xf32, #tpu.memory_space<hbm>>
        %dma_start3A_167 = arith.constant 0 : i32
        %dma_start3A_168 = tpu.memref_slice %arg6[%add3A_161, %dma_start3A_167] : memref<100000x32xf32, #tpu.memory_space<hbm>> -> memref<400x32xf32, #tpu.memory_space<hbm>>
        %dma_start3A_169 = arith.constant 0 : i32
        %dma_start3A_170 = arith.constant 0 : i32
        %dma_start3A_171 = tpu.memref_slice %arg12[%dma_start3A_169, %dma_start3A_170] : memref<400x32xf32, #tpu.memory_space<vmem>> -> memref<400x32xf32, #tpu.memory_space<vmem>>
        tpu.enqueue_dma source(%dma_start3A_171 : memref<400x32xf32, #tpu.memory_space<vmem>>) target(%dma_start3A_168 : memref<400x32xf32, #tpu.memory_space<hbm>>) target_semaphore(%run_scoped3A : memref<!tpu.dma_semaphore, #tpu.memory_space<semaphore_mem>>)
        %dma_wait3A = arith.constant 0 : i32
        %dma_wait3A_172 = arith.constant 0 : i32
        %dma_wait3A_173 = tpu.memref_slice %arg12[%dma_wait3A, %dma_wait3A_172] : memref<400x32xf32, #tpu.memory_space<vmem>> -> memref<400x32xf32, #tpu.memory_space<vmem>>
        %dma_wait3A_174 = arith.constant 0 : i32
        %dma_wait3A_175 = tpu.memref_slice %arg6[%add3A_161, %dma_wait3A_174] : memref<100000x32xf32, #tpu.memory_space<hbm>> -> memref<400x32xf32, #tpu.memory_space<hbm>>
        %dma_wait3A_176 = arith.constant 0 : i32
        %dma_wait3A_177 = tpu.memref_slice %arg6[%add3A_161, %dma_wait3A_176] : memref<100000x32xf32, #tpu.memory_space<hbm>> -> memref<400x32xf32, #tpu.memory_space<hbm>>
        %dma_wait3A_178 = arith.constant 0 : i32
        %dma_wait3A_179 = arith.constant 0 : i32
        %dma_wait3A_180 = tpu.memref_slice %arg12[%dma_wait3A_178, %dma_wait3A_179] : memref<400x32xf32, #tpu.memory_space<vmem>> -> memref<400x32xf32, #tpu.memory_space<vmem>>
        tpu.wait_dma2 semaphore(%run_scoped3A : memref<!tpu.dma_semaphore, #tpu.memory_space<semaphore_mem>>) src(%dma_wait3A_180 : memref<400x32xf32, #tpu.memory_space<vmem>>) dst(%dma_wait3A_177 : memref<400x32xf32, #tpu.memory_space<hbm>>)
        tpu.yield
      }) : () -> ()
      %while3A_162 = arith.constant 0 : i32
      scf.yield %while3A_162 : i32
    }
    %while3A_150 = arith.constant 1 : i32
    %while3A_151 = scf.for %while3A_152 = %while3A_147 to %while3A_143 step %while3A_150 iter_args(%while3A_153 = %while3A_149) -> (i32)  : i32 {
      %mul3A_154 = arith.constant 16 : i32
      %mul3A_155 = arith.muli %while3A_152, %mul3A_154 : i32
      %add3A_156 = arith.addi %arg1, %mul3A_155 : i32
      %mul3A_157 = arith.constant 400 : i32
      %mul3A_158 = arith.muli %add3A_156, %mul3A_157 : i32
      "tpu.region"() ({
        %run_scoped3A = tpu.sem_alloc : memref<!tpu.dma_semaphore, #tpu.memory_space<semaphore_mem>>
        %dma_start3A = arith.constant 0 : i32
        %dma_start3A_163 = arith.constant 0 : i32
        %dma_start3A_164 = tpu.memref_slice %arg12[%dma_start3A, %dma_start3A_163] : memref<400x32xf32, #tpu.memory_space<vmem>> -> memref<400x32xf32, #tpu.memory_space<vmem>>
        %dma_start3A_165 = arith.constant 0 : i32
        %dma_start3A_166 = tpu.memref_slice %arg19[%mul3A_158, %dma_start3A_165] : memref<51024x32xf32, #tpu.memory_space<vmem_shared>> -> memref<400x32xf32, #tpu.memory_space<vmem_shared>>
        %dma_start3A_167 = arith.constant 0 : i32
        %dma_start3A_168 = arith.constant 0 : i32
        %dma_start3A_169 = tpu.memref_slice %arg12[%dma_start3A_167, %dma_start3A_168] : memref<400x32xf32, #tpu.memory_space<vmem>> -> memref<400x32xf32, #tpu.memory_space<vmem>>
        %dma_start3A_170 = arith.constant 0 : i32
        %dma_start3A_171 = tpu.memref_slice %arg19[%mul3A_158, %dma_start3A_170] : memref<51024x32xf32, #tpu.memory_space<vmem_shared>> -> memref<400x32xf32, #tpu.memory_space<vmem_shared>>
        tpu.enqueue_dma source(%dma_start3A_171 : memref<400x32xf32, #tpu.memory_space<vmem_shared>>) target(%dma_start3A_169 : memref<400x32xf32, #tpu.memory_space<vmem>>) target_semaphore(%run_scoped3A : memref<!tpu.dma_semaphore, #tpu.memory_space<semaphore_mem>>)
        %dma_wait3A = arith.constant 0 : i32
        %dma_wait3A_172 = arith.constant 0 : i32
        %dma_wait3A_173 = tpu.memref_slice %arg12[%dma_wait3A, %dma_wait3A_172] : memref<400x32xf32, #tpu.memory_space<vmem>> -> memref<400x32xf32, #tpu.memory_space<vmem>>
        %dma_wait3A_174 = arith.constant 0 : i32
        %dma_wait3A_175 = tpu.memref_slice %arg19[%mul3A_158, %dma_wait3A_174] : memref<51024x32xf32, #tpu.memory_space<vmem_shared>> -> memref<400x32xf32, #tpu.memory_space<vmem_shared>>
        %dma_wait3A_176 = arith.constant 0 : i32
        %dma_wait3A_177 = arith.constant 0 : i32
        %dma_wait3A_178 = tpu.memref_slice %arg12[%dma_wait3A_176, %dma_wait3A_177] : memref<400x32xf32, #tpu.memory_space<vmem>> -> memref<400x32xf32, #tpu.memory_space<vmem>>
        %dma_wait3A_179 = arith.constant 0 : i32
        %dma_wait3A_180 = tpu.memref_slice %arg19[%mul3A_158, %dma_wait3A_179] : memref<51024x32xf32, #tpu.memory_space<vmem_shared>> -> memref<400x32xf32, #tpu.memory_space<vmem_shared>>
        tpu.wait_dma2 semaphore(%run_scoped3A : memref<!tpu.dma_semaphore, #tpu.memory_space<semaphore_mem>>) src(%dma_wait3A_180 : memref<400x32xf32, #tpu.memory_space<vmem_shared>>) dst(%dma_wait3A_178 : memref<400x32xf32, #tpu.memory_space<vmem>>)
        tpu.yield
      }) : () -> ()
      %mul3A_159 = arith.constant 50000 : i32
      %mul3A_160 = arith.muli %arg0, %mul3A_159 : i32
      %add3A_161 = arith.addi %mul3A_160, %mul3A_158 : i32
      "tpu.region"() ({
        %run_scoped3A = tpu.sem_alloc : memref<!tpu.dma_semaphore, #tpu.memory_space<semaphore_mem>>
        %dma_start3A = arith.constant 0 : i32
        %dma_start3A_163 = arith.constant 0 : i32
        %dma_start3A_164 = tpu.memref_slice %arg12[%dma_start3A, %dma_start3A_163] : memref<400x32xf32, #tpu.memory_space<vmem>> -> memref<400x32xf32, #tpu.memory_space<vmem>>
        %dma_start3A_165 = arith.constant 0 : i32
        %dma_start3A_166 = tpu.memref_slice %arg6[%add3A_161, %dma_start3A_165] : memref<100000x32xf32, #tpu.memory_space<hbm>> -> memref<400x32xf32, #tpu.memory_space<hbm>>
        %dma_start3A_167 = arith.constant 0 : i32
        %dma_start3A_168 = tpu.memref_slice %arg6[%add3A_161, %dma_start3A_167] : memref<100000x32xf32, #tpu.memory_space<hbm>> -> memref<400x32xf32, #tpu.memory_space<hbm>>
        %dma_start3A_169 = arith.constant 0 : i32
        %dma_start3A_170 = arith.constant 0 : i32
        %dma_start3A_171 = tpu.memref_slice %arg12[%dma_start3A_169, %dma_start3A_170] : memref<400x32xf32, #tpu.memory_space<vmem>> -> memref<400x32xf32, #tpu.memory_space<vmem>>
        tpu.enqueue_dma source(%dma_start3A_171 : memref<400x32xf32, #tpu.memory_space<vmem>>) target(%dma_start3A_168 : memref<400x32xf32, #tpu.memory_space<hbm>>) target_semaphore(%run_scoped3A : memref<!tpu.dma_semaphore, #tpu.memory_space<semaphore_mem>>)
        %dma_wait3A = arith.constant 0 : i32
        %dma_wait3A_172 = arith.constant 0 : i32
        %dma_wait3A_173 = tpu.memref_slice %arg12[%dma_wait3A, %dma_wait3A_172] : memref<400x32xf32, #tpu.memory_space<vmem>> -> memref<400x32xf32, #tpu.memory_space<vmem>>
        %dma_wait3A_174 = arith.constant 0 : i32
        %dma_wait3A_175 = tpu.memref_slice %arg6[%add3A_161, %dma_wait3A_174] : memref<100000x32xf32, #tpu.memory_space<hbm>> -> memref<400x32xf32, #tpu.memory_space<hbm>>
        %dma_wait3A_176 = arith.constant 0 : i32
        %dma_wait3A_177 = tpu.memref_slice %arg6[%add3A_161, %dma_wait3A_176] : memref<100000x32xf32, #tpu.memory_space<hbm>> -> memref<400x32xf32, #tpu.memory_space<hbm>>
        %dma_wait3A_178 = arith.constant 0 : i32
        %dma_wait3A_179 = arith.constant 0 : i32
        %dma_wait3A_180 = tpu.memref_slice %arg12[%dma_wait3A_178, %dma_wait3A_179] : memref<400x32xf32, #tpu.memory_space<vmem>> -> memref<400x32xf32, #tpu.memory_space<vmem>>
        tpu.wait_dma2 semaphore(%run_scoped3A : memref<!tpu.dma_semaphore, #tpu.memory_space<semaphore_mem>>) src(%dma_wait3A_180 : memref<400x32xf32, #tpu.memory_space<vmem>>) dst(%dma_wait3A_177 : memref<400x32xf32, #tpu.memory_space<hbm>>)
        tpu.yield
      }) : () -> ()
      %while3A_162 = arith.constant 0 : i32
      scf.yield %while3A_162 : i32
    }
    return
  }
}

module attributes {stable_mosaic.version = 14 : i64} {
  func.func @_tc1_body(%arg0: i32, %arg1: memref<5000x6xf32, #tpu.memory_space<vmem>>, %arg2: memref<5000x1xf32, #tpu.memory_space<vmem>>, %arg3: memref<6x32xf32, #tpu.memory_space<vmem>>, %arg4: memref<5000x32xf32, #tpu.memory_space<vmem>>) attributes {dimension_semantics = [#tpu.dimension_semantics<arbitrary>], iteration_bounds = array<i64: 20>, scalar_prefetch = 0 : i64, scratch_operands = 0 : i64, tpu.core_type = #tpu.core_type<tc>, window_params = [{transform_indices = @transform_0, window_bounds = array<i64: 5000, 6>}, {transform_indices = @transform_1, window_bounds = array<i64: 5000, 1>}, {pipeline_mode = #tpu.pipeline_mode<synchronous>, transform_indices = @transform_2, window_bounds = array<i64: 6, 32>}, {transform_indices = @transform_3, window_bounds = array<i64: 5000, 32>}]} {
    %get3A = arith.constant 0 : index
    %get3A_0 = arith.constant 0 : index
    %get3A_1 = vector.load %arg2[%get3A, %get3A_0] : memref<5000x1xf32, #tpu.memory_space<vmem>>, vector<5000x1xf32>
    %add3A = arith.constant 1.000000e+00 : f32
    %add3A_2 = vector.broadcast %add3A : f32 to vector<5000x1xf32>
    %add3A_3 = arith.addf %get3A_1, %add3A_2 : vector<5000x1xf32>
    %rsqrt3A = math.rsqrt %add3A_3 : vector<5000x1xf32>
    %get3A_4 = arith.constant 0 : index
    %get3A_5 = arith.constant 0 : index
    %get3A_6 = vector.load %arg1[%get3A_4, %get3A_5] : memref<5000x6xf32, #tpu.memory_space<vmem>>, vector<5000x6xf32>
    %get3A_7 = arith.constant 0 : index
    %get3A_8 = arith.constant 0 : index
    %get3A_9 = vector.load %arg3[%get3A_7, %get3A_8] : memref<6x32xf32, #tpu.memory_space<vmem>>, vector<6x32xf32>
    %dot_general3A = arith.constant dense<0.000000e+00> : vector<5000x32xf32>
    %dot_general3A_10 = tpu.matmul %get3A_6, %get3A_9, %dot_general3A {dimension_numbers = #tpu.dot_dimension_numbers<[1], [0], [0], [1], [0, 0, 1, 1], [], []>, transpose_lhs_hint = false} : vector<5000x6xf32>, vector<6x32xf32>, vector<5000x32xf32> -> vector<5000x32xf32>
    %mul3A = vector.broadcast %rsqrt3A : vector<5000x1xf32> to vector<5000x32xf32>
    %mul3A_11 = arith.mulf %dot_general3A_10, %mul3A : vector<5000x32xf32>
    %swap3A = arith.constant 0 : index
    %swap3A_12 = arith.constant 0 : index
    %swap3A_13 = vector.load %arg4[%swap3A, %swap3A_12] : memref<5000x32xf32, #tpu.memory_space<vmem>>, vector<5000x32xf32>
    tpu.vector_store %arg4[%swap3A, %swap3A_12], %mul3A_11 {strides = array<i32>} : memref<5000x32xf32, #tpu.memory_space<vmem>>, vector<5000x32xf32>,
    return
  }
  func.func @transform_0(%arg0: i32) -> (i32, i32) {
    %c0_i32 = arith.constant 0 : i32
    %c0_i32_0 = arith.constant 0 : i32
    return %arg0, %c0_i32 : i32, i32
  }
  func.func @transform_1(%arg0: i32) -> (i32, i32) {
    %c0_i32 = arith.constant 0 : i32
    %c0_i32_0 = arith.constant 0 : i32
    return %arg0, %c0_i32 : i32, i32
  }
  func.func @transform_2(%arg0: i32) -> (i32, i32) {
    %c0_i32 = arith.constant 0 : i32
    %c0_i32_0 = arith.constant 0 : i32
    %c0_i32_1 = arith.constant 0 : i32
    return %c0_i32, %c0_i32_0 : i32, i32
  }
  func.func @transform_3(%arg0: i32) -> (i32, i32) {
    %c0_i32 = arith.constant 0 : i32
    %c0_i32_0 = arith.constant 0 : i32
    return %arg0, %c0_i32 : i32, i32
  }
}

module attributes {stable_mosaic.version = 14 : i64} {
  func.func @_tcs_body(%arg0: i32, %arg1: memref<5000x32xf32, #tpu.memory_space<vmem>>, %arg2: memref<5000x32xf32, #tpu.memory_space<vmem>>, %arg3: memref<5000x1xf32, #tpu.memory_space<vmem>>, %arg4: memref<1x32xf32, #tpu.memory_space<vmem>>, %arg5: memref<32x32xf32, #tpu.memory_space<vmem>>, %arg6: memref<5000x32xf32, #tpu.memory_space<vmem>>) attributes {dimension_semantics = [#tpu.dimension_semantics<arbitrary>], iteration_bounds = array<i64: 20>, scalar_prefetch = 0 : i64, scratch_operands = 0 : i64, tpu.core_type = #tpu.core_type<tc>, window_params = [{transform_indices = @transform_0, window_bounds = array<i64: 5000, 32>}, {transform_indices = @transform_1, window_bounds = array<i64: 5000, 32>}, {transform_indices = @transform_2, window_bounds = array<i64: 5000, 1>}, {pipeline_mode = #tpu.pipeline_mode<synchronous>, transform_indices = @transform_3, window_bounds = array<i64: 1, 32>}, {pipeline_mode = #tpu.pipeline_mode<synchronous>, transform_indices = @transform_4, window_bounds = array<i64: 32, 32>}, {transform_indices = @transform_5, window_bounds = array<i64: 5000, 32>}]} {
    %get3A = arith.constant 0 : index
    %get3A_0 = arith.constant 0 : index
    %get3A_1 = vector.load %arg3[%get3A, %get3A_0] : memref<5000x1xf32, #tpu.memory_space<vmem>>, vector<5000x1xf32>
    %add3A = arith.constant 1.000000e+00 : f32
    %add3A_2 = vector.broadcast %add3A : f32 to vector<5000x1xf32>
    %add3A_3 = arith.addf %get3A_1, %add3A_2 : vector<5000x1xf32>
    %rsqrt3A = math.rsqrt %add3A_3 : vector<5000x1xf32>
    %get3A_4 = arith.constant 0 : index
    %get3A_5 = arith.constant 0 : index
    %get3A_6 = vector.load %arg1[%get3A_4, %get3A_5] : memref<5000x32xf32, #tpu.memory_space<vmem>>, vector<5000x32xf32>
    %get3A_7 = arith.constant 0 : index
    %get3A_8 = arith.constant 0 : index
    %get3A_9 = vector.load %arg2[%get3A_7, %get3A_8] : memref<5000x32xf32, #tpu.memory_space<vmem>>, vector<5000x32xf32>
    %add3A_10 = arith.addf %get3A_6, %get3A_9 : vector<5000x32xf32>
    %mul3A = vector.broadcast %rsqrt3A : vector<5000x1xf32> to vector<5000x32xf32>
    %mul3A_11 = arith.mulf %mul3A, %add3A_10 : vector<5000x32xf32>
    %get3A_12 = arith.constant 0 : index
    %get3A_13 = arith.constant 0 : index
    %get3A_14 = vector.load %arg4[%get3A_12, %get3A_13] : memref<1x32xf32, #tpu.memory_space<vmem>>, vector<1x32xf32>
    %add3A_15 = vector.broadcast %get3A_14 : vector<1x32xf32> to vector<5000x32xf32>
    %add3A_16 = arith.addf %mul3A_11, %add3A_15 : vector<5000x32xf32>
    %tanh3A = math.tanh %add3A_16 : vector<5000x32xf32>
    %get3A_17 = arith.constant 0 : index
    %get3A_18 = arith.constant 0 : index
    %get3A_19 = vector.load %arg5[%get3A_17, %get3A_18] : memref<32x32xf32, #tpu.memory_space<vmem>>, vector<32x32xf32>
    %dot_general3A = arith.constant dense<0.000000e+00> : vector<5000x32xf32>
    %dot_general3A_20 = tpu.matmul %tanh3A, %get3A_19, %dot_general3A {dimension_numbers = #tpu.dot_dimension_numbers<[1], [0], [0], [1], [0, 0, 1, 1], [], []>, transpose_lhs_hint = false} : vector<5000x32xf32>, vector<32x32xf32>, vector<5000x32xf32> -> vector<5000x32xf32>
    %mul3A_21 = vector.broadcast %rsqrt3A : vector<5000x1xf32> to vector<5000x32xf32>
    %mul3A_22 = arith.mulf %dot_general3A_20, %mul3A_21 : vector<5000x32xf32>
    %swap3A = arith.constant 0 : index
    %swap3A_23 = arith.constant 0 : index
    %swap3A_24 = vector.load %arg6[%swap3A, %swap3A_23] : memref<5000x32xf32, #tpu.memory_space<vmem>>, vector<5000x32xf32>
    tpu.vector_store %arg6[%swap3A, %swap3A_23], %mul3A_22 {strides = array<i32>} : memref<5000x32xf32, #tpu.memory_space<vmem>>, vector<5000x32xf32>,
    return
  }
  func.func @transform_0(%arg0: i32) -> (i32, i32) {
    %c0_i32 = arith.constant 0 : i32
    %c0_i32_0 = arith.constant 0 : i32
    return %arg0, %c0_i32 : i32, i32
  }
  func.func @transform_1(%arg0: i32) -> (i32, i32) {
    %c0_i32 = arith.constant 0 : i32
    %c0_i32_0 = arith.constant 0 : i32
    return %arg0, %c0_i32 : i32, i32
  }
  func.func @transform_2(%arg0: i32) -> (i32, i32) {
    %c0_i32 = arith.constant 0 : i32
    %c0_i32_0 = arith.constant 0 : i32
    return %arg0, %c0_i32 : i32, i32
  }
  func.func @transform_3(%arg0: i32) -> (i32, i32) {
    %c0_i32 = arith.constant 0 : i32
    %c0_i32_0 = arith.constant 0 : i32
    %c0_i32_1 = arith.constant 0 : i32
    return %c0_i32, %c0_i32_0 : i32, i32
  }
  func.func @transform_4(%arg0: i32) -> (i32, i32) {
    %c0_i32 = arith.constant 0 : i32
    %c0_i32_0 = arith.constant 0 : i32
    %c0_i32_1 = arith.constant 0 : i32
    return %c0_i32, %c0_i32_0 : i32, i32
  }
  func.func @transform_5(%arg0: i32) -> (i32, i32) {
    %c0_i32 = arith.constant 0 : i32
    %c0_i32_0 = arith.constant 0 : i32
    return %arg0, %c0_i32 : i32, i32
  }
}

module attributes {stable_mosaic.version = 14 : i64} {
  func.func @_tc4_body(%arg0: i32, %arg1: memref<5000x32xf32, #tpu.memory_space<vmem>>, %arg2: memref<5000x32xf32, #tpu.memory_space<vmem>>, %arg3: memref<5000x1xf32, #tpu.memory_space<vmem>>, %arg4: memref<1x32xf32, #tpu.memory_space<vmem>>, %arg5: memref<5000x1xi32, #tpu.memory_space<vmem>>, %arg6: memref<32x6xf32, #tpu.memory_space<vmem>>, %arg7: memref<1x6xf32, #tpu.memory_space<vmem>>, %arg8: memref<64x6xf32, #tpu.memory_space<vmem>>, %arg9: memref<64x32xf32, #tpu.memory_space<vmem>>, %arg10: memref<64x1xf32, #tpu.memory_space<vmem>>) attributes {dimension_semantics = [#tpu.dimension_semantics<arbitrary>], iteration_bounds = array<i64: 20>, scalar_prefetch = 0 : i64, scratch_operands = 2 : i64, tpu.core_type = #tpu.core_type<tc>, window_params = [{transform_indices = @transform_0, window_bounds = array<i64: 5000, 32>}, {transform_indices = @transform_1, window_bounds = array<i64: 5000, 32>}, {transform_indices = @transform_2, window_bounds = array<i64: 5000, 1>}, {pipeline_mode = #tpu.pipeline_mode<synchronous>, transform_indices = @transform_3, window_bounds = array<i64: 1, 32>}, {transform_indices = @transform_4, window_bounds = array<i64: 5000, 1>}, {pipeline_mode = #tpu.pipeline_mode<synchronous>, transform_indices = @transform_5, window_bounds = array<i64: 32, 6>}, {pipeline_mode = #tpu.pipeline_mode<synchronous>, transform_indices = @transform_6, window_bounds = array<i64: 1, 6>}, {pipeline_mode = #tpu.pipeline_mode<synchronous>, transform_indices = @transform_7, window_bounds = array<i64: 64, 6>}]} {
    %eq3A = arith.constant 0 : i32
    %eq3A_0 = arith.cmpi eq, %arg0, %eq3A : i32
    %convert_element_type3A = arith.extui %eq3A_0 : i1 to i32
    %cond3A = arith.constant 0 : i32
    %cond3A_1 = arith.cmpi ne, %convert_element_type3A, %cond3A : i32
    scf.if %cond3A_1 {
      %broadcast_in_dim3A = arith.constant 0.000000e+00 : f32
      %broadcast_in_dim3A_46 = vector.broadcast %broadcast_in_dim3A : f32 to vector<64x32xf32>
      %swap3A_47 = arith.constant 0 : index
      %swap3A_48 = arith.constant 0 : index
      %swap3A_49 = vector.load %arg9[%swap3A_47, %swap3A_48] : memref<64x32xf32, #tpu.memory_space<vmem>>, vector<64x32xf32>
      tpu.vector_store %arg9[%swap3A_47, %swap3A_48], %broadcast_in_dim3A_46 {strides = array<i32>} : memref<64x32xf32, #tpu.memory_space<vmem>>, vector<64x32xf32>,
      %broadcast_in_dim3A_50 = arith.constant 0.000000e+00 : f32
      %broadcast_in_dim3A_51 = vector.broadcast %broadcast_in_dim3A_50 : f32 to vector<64x1xf32>
      %swap3A_52 = arith.constant 0 : index
      %swap3A_53 = arith.constant 0 : index
      %swap3A_54 = vector.load %arg10[%swap3A_52, %swap3A_53] : memref<64x1xf32, #tpu.memory_space<vmem>>, vector<64x1xf32>
      tpu.vector_store %arg10[%swap3A_52, %swap3A_53], %broadcast_in_dim3A_51 {strides = array<i32>} : memref<64x1xf32, #tpu.memory_space<vmem>>, vector<64x1xf32>,
    } else {
    }
    %get3A = arith.constant 0 : index
    %get3A_2 = arith.constant 0 : index
    %get3A_3 = vector.load %arg3[%get3A, %get3A_2] : memref<5000x1xf32, #tpu.memory_space<vmem>>, vector<5000x1xf32>
    %add3A = arith.constant 1.000000e+00 : f32
    %add3A_4 = vector.broadcast %add3A : f32 to vector<5000x1xf32>
    %add3A_5 = arith.addf %get3A_3, %add3A_4 : vector<5000x1xf32>
    %rsqrt3A = math.rsqrt %add3A_5 : vector<5000x1xf32>
    %get3A_6 = arith.constant 0 : index
    %get3A_7 = arith.constant 0 : index
    %get3A_8 = vector.load %arg1[%get3A_6, %get3A_7] : memref<5000x32xf32, #tpu.memory_space<vmem>>, vector<5000x32xf32>
    %get3A_9 = arith.constant 0 : index
    %get3A_10 = arith.constant 0 : index
    %get3A_11 = vector.load %arg2[%get3A_9, %get3A_10] : memref<5000x32xf32, #tpu.memory_space<vmem>>, vector<5000x32xf32>
    %add3A_12 = arith.addf %get3A_8, %get3A_11 : vector<5000x32xf32>
    %mul3A = vector.broadcast %rsqrt3A : vector<5000x1xf32> to vector<5000x32xf32>
    %mul3A_13 = arith.mulf %mul3A, %add3A_12 : vector<5000x32xf32>
    %get3A_14 = arith.constant 0 : index
    %get3A_15 = arith.constant 0 : index
    %get3A_16 = vector.load %arg4[%get3A_14, %get3A_15] : memref<1x32xf32, #tpu.memory_space<vmem>>, vector<1x32xf32>
    %add3A_17 = vector.broadcast %get3A_16 : vector<1x32xf32> to vector<5000x32xf32>
    %add3A_18 = arith.addf %mul3A_13, %add3A_17 : vector<5000x32xf32>
    %tanh3A = math.tanh %add3A_18 : vector<5000x32xf32>
    %iota3A = tpu.iota {dimensions = array<i32: 1>} : vector<5000x64xi32>
    %get3A_19 = arith.constant 0 : index
    %get3A_20 = arith.constant 0 : index
    %get3A_21 = vector.load %arg5[%get3A_19, %get3A_20] : memref<5000x1xi32, #tpu.memory_space<vmem>>, vector<5000x1xi32>
    %eq3A_22 = vector.broadcast %get3A_21 : vector<5000x1xi32> to vector<5000x64xi32>
    %eq3A_23 = arith.cmpi eq, %iota3A, %eq3A_22 : vector<5000x64xi32>
    %convert_element_type3A_24 = arith.extui %eq3A_23 : vector<5000x64xi1> to vector<5000x64xi32>
    %convert_element_type3A_25 = arith.sitofp %convert_element_type3A_24 : vector<5000x64xi32> to vector<5000x64xf32>
    %get3A_26 = arith.constant 0 : index
    %get3A_27 = arith.constant 0 : index
    %get3A_28 = vector.load %arg9[%get3A_26, %get3A_27] : memref<64x32xf32, #tpu.memory_space<vmem>>, vector<64x32xf32>
    %dot_general3A = arith.constant dense<0.000000e+00> : vector<64x32xf32>
    %dot_general3A_29 = tpu.matmul %convert_element_type3A_25, %tanh3A, %dot_general3A {dimension_numbers = #tpu.dot_dimension_numbers<[0], [0], [1], [1], [0, 1, 1, 1], [], []>, transpose_lhs_hint = false} : vector<5000x64xf32>, vector<5000x32xf32>, vector<64x32xf32> -> vector<64x32xf32>
    %add3A_30 = arith.addf %get3A_28, %dot_general3A_29 : vector<64x32xf32>
    %swap3A = arith.constant 0 : index
    %swap3A_31 = arith.constant 0 : index
    %swap3A_32 = vector.load %arg9[%swap3A, %swap3A_31] : memref<64x32xf32, #tpu.memory_space<vmem>>, vector<64x32xf32>
    tpu.vector_store %arg9[%swap3A, %swap3A_31], %add3A_30 {strides = array<i32>} : memref<64x32xf32, #tpu.memory_space<vmem>>, vector<64x32xf32>,
    %get3A_33 = arith.constant 0 : index
    %get3A_34 = arith.constant 0 : index
    %get3A_35 = vector.load %arg10[%get3A_33, %get3A_34] : memref<64x1xf32, #tpu.memory_space<vmem>>, vector<64x1xf32>
    %reduce_sum3A = arith.constant dense<0.000000e+00> : vector<64xf32>
    %reduce_sum3A_36 = vector.multi_reduction <add>, %convert_element_type3A_25, %reduce_sum3A [0] : vector<5000x64xf32> to vector<64xf32>
    %reshape3A = vector.shape_cast %reduce_sum3A_36 : vector<64xf32> to vector<64x1xf32>
    %add3A_37 = arith.addf %get3A_35, %reshape3A : vector<64x1xf32>
    %swap3A_38 = arith.constant 0 : index
    %swap3A_39 = arith.constant 0 : index
    %swap3A_40 = vector.load %arg10[%swap3A_38, %swap3A_39] : memref<64x1xf32, #tpu.memory_space<vmem>>, vector<64x1xf32>
    tpu.vector_store %arg10[%swap3A_38, %swap3A_39], %add3A_37 {strides = array<i32>} : memref<64x1xf32, #tpu.memory_space<vmem>>, vector<64x1xf32>,
    %eq3A_41 = arith.constant 19 : i32
    %eq3A_42 = arith.cmpi eq, %arg0, %eq3A_41 : i32
    %convert_element_type3A_43 = arith.extui %eq3A_42 : i1 to i32
    %cond3A_44 = arith.constant 0 : i32
    %cond3A_45 = arith.cmpi ne, %convert_element_type3A_43, %cond3A_44 : i32
    scf.if %cond3A_45 {
      %get3A_46 = arith.constant 0 : index
      %get3A_47 = arith.constant 0 : index
      %get3A_48 = vector.load %arg9[%get3A_46, %get3A_47] : memref<64x32xf32, #tpu.memory_space<vmem>>, vector<64x32xf32>
      %get3A_49 = arith.constant 0 : index
      %get3A_50 = arith.constant 0 : index
      %get3A_51 = vector.load %arg10[%get3A_49, %get3A_50] : memref<64x1xf32, #tpu.memory_space<vmem>>, vector<64x1xf32>
      %max3A = arith.constant 1.000000e+00 : f32
      %max3A_52 = vector.broadcast %max3A : f32 to vector<64x1xf32>
      %max3A_53 = arith.maximumf %get3A_51, %max3A_52 : vector<64x1xf32>
      %div3A = vector.broadcast %max3A_53 : vector<64x1xf32> to vector<64x32xf32>
      %div3A_54 = arith.divf %get3A_48, %div3A : vector<64x32xf32>
      %get3A_55 = arith.constant 0 : index
      %get3A_56 = arith.constant 0 : index
      %get3A_57 = vector.load %arg6[%get3A_55, %get3A_56] : memref<32x6xf32, #tpu.memory_space<vmem>>, vector<32x6xf32>
      %dot_general3A_58 = arith.constant dense<0.000000e+00> : vector<64x6xf32>
      %dot_general3A_59 = tpu.matmul %div3A_54, %get3A_57, %dot_general3A_58 {dimension_numbers = #tpu.dot_dimension_numbers<[1], [0], [0], [1], [0, 0, 1, 1], [], []>, transpose_lhs_hint = false} : vector<64x32xf32>, vector<32x6xf32>, vector<64x6xf32> -> vector<64x6xf32>
      %get3A_60 = arith.constant 0 : index
      %get3A_61 = arith.constant 0 : index
      %get3A_62 = vector.load %arg7[%get3A_60, %get3A_61] : memref<1x6xf32, #tpu.memory_space<vmem>>, vector<1x6xf32>
      %add3A_63 = vector.broadcast %get3A_62 : vector<1x6xf32> to vector<64x6xf32>
      %add3A_64 = arith.addf %dot_general3A_59, %add3A_63 : vector<64x6xf32>
      %swap3A_65 = arith.constant 0 : index
      %swap3A_66 = arith.constant 0 : index
      %swap3A_67 = vector.load %arg8[%swap3A_65, %swap3A_66] : memref<64x6xf32, #tpu.memory_space<vmem>>, vector<64x6xf32>
      tpu.vector_store %arg8[%swap3A_65, %swap3A_66], %add3A_64 {strides = array<i32>} : memref<64x6xf32, #tpu.memory_space<vmem>>, vector<64x6xf32>,
    } else {
    }
    return
  }
  func.func @transform_0(%arg0: i32) -> (i32, i32) {
    %c0_i32 = arith.constant 0 : i32
    %c0_i32_0 = arith.constant 0 : i32
    return %arg0, %c0_i32 : i32, i32
  }
  func.func @transform_1(%arg0: i32) -> (i32, i32) {
    %c0_i32 = arith.constant 0 : i32
    %c0_i32_0 = arith.constant 0 : i32
    return %arg0, %c0_i32 : i32, i32
  }
  func.func @transform_2(%arg0: i32) -> (i32, i32) {
    %c0_i32 = arith.constant 0 : i32
    %c0_i32_0 = arith.constant 0 : i32
    return %arg0, %c0_i32 : i32, i32
  }
  func.func @transform_3(%arg0: i32) -> (i32, i32) {
    %c0_i32 = arith.constant 0 : i32
    %c0_i32_0 = arith.constant 0 : i32
    %c0_i32_1 = arith.constant 0 : i32
    return %c0_i32, %c0_i32_0 : i32, i32
  }
  func.func @transform_4(%arg0: i32) -> (i32, i32) {
    %c0_i32 = arith.constant 0 : i32
    %c0_i32_0 = arith.constant 0 : i32
    return %arg0, %c0_i32 : i32, i32
  }
  func.func @transform_5(%arg0: i32) -> (i32, i32) {
    %c0_i32 = arith.constant 0 : i32
    %c0_i32_0 = arith.constant 0 : i32
    %c0_i32_1 = arith.constant 0 : i32
    return %c0_i32, %c0_i32_0 : i32, i32
  }
  func.func @transform_6(%arg0: i32) -> (i32, i32) {
    %c0_i32 = arith.constant 0 : i32
    %c0_i32_0 = arith.constant 0 : i32
    %c0_i32_1 = arith.constant 0 : i32
    return %c0_i32, %c0_i32_0 : i32, i32
  }
  func.func @transform_7(%arg0: i32) -> (i32, i32) {
    %c0_i32 = arith.constant 0 : i32
    %c0_i32_0 = arith.constant 0 : i32
    %c0_i32_1 = arith.constant 0 : i32
    return %c0_i32, %c0_i32_0 : i32, i32
  }
}

</mosaic_0001>

<sc_bundles>
// kernel: kernel.10.cloned.1.call-start
scs
__scs_entry_jumppad:
0x0: {  	(pc) =	sbr.rel $0x88, $3  }
0x1: {  	(tag) =	ssettag $0x0;
	lr =	simm.s32 $0x1  }
0x2: {  	[smem:$0x3F96] =	sst lr;
	_ =	strace $0xD0000000  }
0x3: {  	_ = 	snop  }
0x4: {  	_ = 	snop  }
0x5: {  	_ = 	snop  }
0x6: {  	_ = 	snop  }
0x7: {  	_ = 	snop  }
__scs_overlays_trampoline_lowered:
0x8: {  	[smem:$0x3FA5] =	sst s0  }
0x9: {  	[smem:$0x3FA6] =	sst s1  }
0xa: {  	[smem:$0x3FA7] =	sst s2  }
0xb: {  	[smem:$0x3FA8] =	sst s3  }
0xc: {  	[smem:$0x3FA9] =	sst s4  }
0xd: {  	[smem:$0x3FAA] =	sst s5  }
0xe: {  	[smem:$0x3FAB] =	sst s6  }
0xf: {  	[smem:$0x3FAC] =	sst s7  }
0x10: {  	[smem:$0x3FAD] =	sst s8  }
0x11: {  	[smem:$0x3FAE] =	sst s9;
	s0 =	simm.s32 @!p0 $0x0  }
0x12: {  	s1 =	sld [smem:$0x3F94];
	s0 =	simm.s32 @p0 $0x1  }
0x13: {  	[smem:$0x3FAF] =	sst s0;
	s0 =	simm.s32 @!p1 $0x0  }
0x14: {  	s2 =	sld [smem:$0x3F93];
	s0 =	simm.s32 @p1 $0x1  }
0x15: {  	[smem:$0x3FB0] =	sst s0;
	s0 =	simm.s32 @!p2 $0x0  }
0x16: {  	s3 =	sld [smem:$0x3FDB];
	s0 =	simm.s32 @p2 $0x1  }
0x17: {  	s4 =	simm.s32 $0x1BF5;
	[smem:$0x3FB2] =	sst s0  }
0x18: {  	s0 =	sld [smem:$0x3F95];
	_ =	swait.ge [sflag:s4], $0x0  }
0x19: {  	s7 =	sld [smem:$0x3F96]  }
0x1a: {  	s8 =	sadd.s32 $0xFFFFE003, lr  }
0x1b: {  	s9 =	sadd.s32 $0xFFFFFEF7, lr;
	s5 =	simm.s32 $0xFFFFFFFF;
	p2 =	slt.u32 s8, $0xFFFFF086  }
0x1c: {  	p1 =	slt.u32 s9, $0xF7A;
	s5 =	simm.s32 @!p2 $0x0  }
0x1d: {  	s5 =	simm.s32 @p1 $0x1;
	p0 =	seq.s32 s7, s2  }
0x1e: {  	s7 =	smul.u32 @!p0 $0xF7A, s2;
	p2 =	seq.s32 @!p0 s5, $0x0  }
0x1f: {  	s9 =	smul.u32 $0xF7A, s1;
	s8 =	simm.s32 @!p0 $0x1BF5;
	p2 =	por !p2, p0  }
0x20: {  	[sflag:s8] =	ssyncset.s32 @!p0 $0xFFFFF086;
	s6 =	sadd.s32 @!p0 s3, s7;
	s7 =	simm.s32 @!p0 $0x108  }
0x21: {  	s3 =	sadd.s32 s3, s9;
	s6 =	sadd.s32 @!p0 $0x88, s6;
	s7 =	simm.s32 @p2 $0x1082  }
0x22: {  	[simem:s7], [sflag:s8] =	dma.local @!p0 [hbm:s6], $0xF7A  }
0x23: {  	s9 =	sor.u32 $0xD0000000, s2;
	s6 =	simm.s32 $0x108;
	_ =	swait.ge @!p0 [sflag:s8], $0x0  }
0x24: {  	s3 =	sadd.s32 $0x88, s3;
	s6 =	simm.s32 @!p1 $0x1082;
	[sflag:s4] =	ssyncset.s32 $0xFFFFF086  }
0x25: {  	[simem:s6], [sflag:s4] =	dma.local [hbm:s3], $0xF7A  }
0x26: {  	[smem:$0x3F96] =	sst s1;
	(tag) =	ssettag s2;
	_ =	strace s9  }
0x27: {  	s1 =	sld [smem:$0x3FA6]  }
0x28: {  	s2 =	sld [smem:$0x3FA7]  }
0x29: {  	s4 =	sld [smem:$0x3FA9]  }
0x2a: {  	p0 =	seq.s32 s5, $0x0;
	s5 =	sld [smem:$0x3FAA]  }
0x2b: {  	s6 =	sld [smem:$0x3FAB]  }
0x2c: {  	s7 =	sld [smem:$0x3FAC]  }
0x2d: {  	s3 =	simm.s32 $0x108;
	s8 =	sld [smem:$0x3FAD]  }
0x2e: {  	s3 =	simm.s32 @!p0 $0x1082;
	s9 =	sld [smem:$0x3FAE]  }
0x2f: {  	lr =	sadd.s32 s0, s3;
	s0 =	sld [smem:$0x3FA5]  }
0x30: {  	s3 =	sld [smem:$0x3FA8]  }
0x31: {  	[smem:$0x3FB1] =	sst s10  }
0x32: {  	s10 =	sld [smem:$0x3FAF];
	_ =	sdelay $0x3  }
0x33: {  	p0 =	seq.s32 s10, $0x1;
	s10 =	sld [smem:$0x3FB1];
	_ =	sdelay $0x3  }
0x34: {  	[smem:$0x3FB1] =	sst s10  }
0x35: {  	s10 =	sld [smem:$0x3FB0];
	_ =	sdelay $0x3  }
0x36: {  	p1 =	seq.s32 s10, $0x1;
	s10 =	sld [smem:$0x3FB1];
	_ =	sdelay $0x3  }
0x37: {  	[smem:$0x3FB1] =	sst s10  }
0x38: {  	s10 =	sld [smem:$0x3FB2]  }
0x39: {  	_ = 	snop;
	(pc) =	sbr.ind lr, $3  }
0x3a: {  	_ = 	snop  }
0x3b: {  	_ = 	snop  }
0x3c: {  	p2 =	seq.s32 s10, $0x1;
	s10 =	sld [smem:$0x3FB1]  }
0x3d: {  	_ =	shalt  }
0x3e: {  	_ =	shalt  }
0x3f: {  	_ =	shalt  }
0x40: {  	_ =	shalt  }
0x41: {  	_ =	shalt  }
0x42: {  	_ =	shalt  }
0x43: {  	_ =	shalt  }
0x44: {  	_ =	shalt  }
0x45: {  	_ =	shalt  }
0x46: {  	_ =	shalt  }
0x47: {  	_ =	shalt  }
0x48: {  	_ =	shalt  }
0x49: {  	_ =	shalt  }
0x4a: {  	_ =	shalt  }
0x4b: {  	_ =	shalt  }
0x4c: {  	_ =	shalt  }
0x4d: {  	_ =	shalt  }
0x4e: {  	_ =	shalt  }
0x4f: {  	_ =	shalt  }
0x50: {  	_ =	shalt  }
0x51: {  	_ =	shalt  }
0x52: {  	_ =	shalt  }
0x53: {  	_ =	shalt  }
0x54: {  	_ =	shalt  }
0x55: {  	_ =	shalt  }
0x56: {  	_ =	shalt  }
0x57: {  	_ =	shalt  }
0x58: {  	_ =	shalt  }
0x59: {  	_ =	shalt  }
0x5a: {  	_ =	shalt  }
0x5b: {  	_ =	shalt  }
0x5c: {  	_ =	shalt  }
0x5d: {  	_ =	shalt  }
0x5e: {  	_ =	shalt  }
0x5f: {  	_ =	shalt  }
0x60: {  	_ =	shalt  }
0x61: {  	_ =	shalt  }
0x62: {  	_ =	shalt  }
0x63: {  	_ =	shalt  }
0x64: {  	_ =	shalt  }
0x65: {  	_ =	shalt  }
0x66: {  	_ =	shalt  }
0x67: {  	_ =	shalt  }
0x68: {  	_ =	shalt  }
0x69: {  	_ =	shalt  }
0x6a: {  	_ =	shalt  }
0x6b: {  	_ =	shalt  }
0x6c: {  	_ =	shalt  }
0x6d: {  	_ =	shalt  }
0x6e: {  	_ =	shalt  }
0x6f: {  	_ =	shalt  }
0x70: {  	_ =	shalt  }
0x71: {  	_ =	shalt  }
0x72: {  	_ =	shalt  }
0x73: {  	_ =	shalt  }
0x74: {  	_ =	shalt  }
0x75: {  	_ =	shalt  }
0x76: {  	_ =	shalt  }
0x77: {  	_ =	shalt  }
0x78: {  	_ =	shalt  }
0x79: {  	_ =	shalt  }
0x7a: {  	_ =	shalt  }
0x7b: {  	_ =	shalt  }
0x7c: {  	_ =	shalt  }
0x7d: {  	_ =	shalt  }
0x7e: {  	_ =	shalt  }
0x7f: {  	_ =	shalt  }
0x80: {  	_ =	shalt  }
0x81: {  	_ =	shalt  }
0x82: {  	_ =	shalt  }
0x83: {  	_ =	shalt  }
0x84: {  	_ =	shalt  }
0x85: {  	_ =	shalt  }
0x86: {  	_ =	shalt  }
0x87: {  	_ =	shalt  }
.Lfunc_end0:
.L_simem_size_0:
called_computation_lowered:
.L_overlay_start_0:
0x88: {  	s2 =	sld [smem:$0x3FD9]  }
0x89: {  	s3 =	sld [smem:$0x3FFE];
	_ =	sdelay $0x1  }
0x8a: {  	s1 =	srdreg.scid  }
0x8b: {  	s0 =	sand.u32 $0x1, s1  }
0x8c: {  	s17 =	sshll.u32 s0, $0xA;
	s2 =	sadd.s32 s3, s2  }
0x8d: {  	s2 =	sadd.s32 s2, s17  }
0x8e: {  	[smem:$0x3FBD] =	sst s2  }
0x8f: {  	_ = 	snop  }
0x90: {  	s2 =	sld [smem:$0x3FD0];
	(tm) =	ssettm $0x1  }
0x91: {  	s18 =	sld [smem:$0x3FFB];
	_ =	sdelay $0x3  }
0x92: {  	_ =	strace s18  }
0x93: {  	s3 =	sld [smem:$0x3FFC];
	_ =	sdelay $0x3  }
0x94: {  	_ =	strace s3  }
0x95: {  	s3 =	sld [smem:$0x3FFD];
	_ =	sdelay $0x3  }
0x96: {  	_ =	strace s3  }
0x97: {  	_ =	strace $0x8FFFFFFF  }
0x98: {  	s19 =	sld [smem:$0x3FDB];
	_ =	sdelay $0x1  }
0x99: {  	s4 =	simm.s32 $_scs_section_size  }
0x9a: {  	s5 =	simm.s32 $_size__tile_overlayer_lowered;
	s6 =	simm.s32 $_tile_overlayer_lowered  }
0x9b: {  	s22 =	simm.s32 $0x1BFF;
	s21 =	sshll.u32 s6, $0x1;
	s3 =	sadd.s32 s4, s19  }
0x9c: {  	s7 =	simm.s32 $0x0;
	s20 =	sshll.u32 s5, $0x1;
	s5 =	sadd.s32 s21, s3  }
0x9d: {  	[timem:s7], [sflag:s22] =	dma.local [hbm:s5], s20  }
0x9e: {  	_ =	swait.ge [sflag:s22], s20  }
0x9f: {  	s4 =	ssub.s32 $0x0, s20;
	[sflag:s22] =	ssyncset.done $0x0  }
0xa0: {  	[sflag:s22] =	ssyncadd.s32 s4;
	_ =	sdelay $0x1  }
0xa1: {  	s23 =	simm.s32 $0x1B8B  }
0xa2: {  	_ =	swait.ge [sflag:s23], $0x1  }
0xa3: {  	[sflag:s23] =	ssyncset.done $0x0  }
0xa4: {  	s25 =	simm.s32 $0x1B8E;
	s24 =	sld [smem:$0x3FFE];
	[sflag:s23] =	ssyncadd.s32 $0xFFFFFFFF  }
0xa5: {  	s26 =	simm.s32 $execute0_lowered;
	[smem:$0x3FD2] =	sst s25  }
0xa6: {  	s5 =	sshll.u32 s26, $0x1;
	_ =	strace $0x80000046;
	[dreg:$0x1] =	wrdreg $0xFFFFFFFF  }
0xa7: {  	s28 =	simm.s32 $_size_execute0_lowered;
	s3 =	sadd.s32 s3, s5;
	[dreg:$0x0] =	wrdreg $0x0  }
0xa8: {  	s5 =	sshll.u32 s28, $0x1;
	[dreg:$0x2] =	wrdreg s3  }
0xa9: {  	[dreg:$0x3] =	wrdreg s5  }
0xaa: {  	[dreg:$0x4] =	wrdreg $0xC0  }
0xab: {  	_ =	task [dreg:s7], $0x5FFFF  }
0xac: {  	[dreg:$0x1] =	wrdreg $0xFFFFFFFF  }
0xad: {  	[dreg:$0x0] =	wrdreg $0x60  }
0xae: {  	[dreg:$0x2] =	wrdreg s24  }
0xaf: {  	[dreg:$0x3] =	wrdreg s2  }
0xb0: {  	[dreg:$0x4] =	wrdreg $0x18000  }
0xb1: {  	[dreg:$0x5] =	wrdreg $0x9  }
0xb2: {  	_ =	task.clear_ibuf [dreg:s7], $0x6FFFF;
	_ =	strace $0x90000046  }
0xb3: {  	s29 =	simm.s32 $0x9;
	_ =	strace $0x80000048  }
0xb4: {  	_ =	swait.ge [sflag:s29], $0x1  }
0xb5: {  	[sflag:s29] =	ssyncadd.s32 $0xFFFFFFFF  }
0xb6: {  	_ =	strace $0x90000048  }
0xb7: {  	_ =	sfence  }
0xb8: {  	s30 =	sld [smem:$0x0];
	_ =	sdelay $0x2  }
0xb9: {  	s31 =	sshll.u32 s1, $0xD;
	s1 =	sshrl.u32 s1, $0x2  }
0xba: {  	s3 =	sand.u32 $0x4000, s31;
	s1 =	sadd.s32 s1, s30  }
0xbb: {  	s0 =	sor.u32 s3, s0;
	s1 =	sshll.u32 s1, $0x11  }
0xbc: {  	s0 =	sor.u32 s1, s0  }
0xbd: {  	s0 =	sadd.s32 $0x8F2B, s0  }
0xbe: {  	[sflag:s0] =	ssyncadd.remote.s32 $0x1  }
0xbf: {  	_ =	sfence.sel $0xFFFF  }
0xc0: {  	[dreg:$0x0] =	wrdreg $0xFFFFFFFF;
	(pc) =	sbr.abs _section_cstart, $3  }
0xc1: {  	[dreg:$0x1] =	wrdreg $0xFFFFFFFF  }
0xc2: {  	_ =	task.clear_ibuf [dreg:s7], $0x2FFFF;
	_ =	strace $0x9FFFFFFF  }
0xc3: {  	(tm) =	ssettm $0x7FFFFFFF  }
tec
execute0_lowered:
.L_overlay_start_1:
0x0: {  	(tag) =	ssettag $0x1  }
0x1: {  	s1 =	rddreg [dreg:$0x0]  }
0x2: {  	s13 =	rddreg [dreg:$0x1];
	s3 =	srdreg.scid  }
0x3: {  	s0 =	stileid.u32;
	s2 =	rddreg [dreg:$0x2]  }
0x4: {  	s19 =	simm.s32 $0x700;
	s20 =	simm.s32 $0x3;
	s21 =	simm.s32 $0x380  }
0x5: {  	s29 =	simm.s32 $0x0;
	s31 =	simm.s32 $0x0;
	s8 =	sand.u32 $0x1, s3  }
0x6: {  	s9 =	smul.u32 $0xC40, s0;
	s3 =	simm.s32 $0x0;
	s4 =	sadd.s32 $0x33000, s1  }
0x7: {  	s7 =	sadd.s32 $0x99800, s1;
	s5 =	smul.u32 $0xC400, s8;
	[smem:$0x7FF] =	sst s3  }
0x8: {  	s10 =	ssub.s32 $0x2, s8;
	s24 =	sshll.u32 s8, $0x4;
	s23 =	smul.u32 $0xFFFF3CB0, s8  }
0x9: {  	_ =	strace $0x80000047;
	s11 =	sshrl.u32 s10, $0x1;
	s25 =	sor.u32 s0, s24  }
0xa: {  	s8 =	sadd.s32 s9, s2;
	s24 =	simm.s32 $0x1100;
	s6 =	sadd.s32 s9, s5  }
0xb: {  	s5 =	sadd.s32 $0x2200, s1;
	s22 =	ssub.s32 s10, s11;
	s9 =	smul.u32 $0xC990, s25  }
0xc: {  	s10 =	sadd.s32 $0x320, s8;
	s15 =	sshll.u32 s25, $0x1;
	s11 =	sadd.s32 $0x640, s8  }
0xd: {  	s12 =	sadd.s32 $0x960, s8;
	v0 =	vmov s23;
	s23 =	simm.s32 $0xA80;
	s6 =	sshrl.u32 s6, $0x3  }
0xe: {  	s25 =	simm.s32 $0x320;
	s13 =	sadd.s32 s13, s15;
	s14 =	sadd.s32 s6, s1  }
0xf: {  	s18 =	smax.u32 s22, $0x1;
	[dreg:$0x4] =	wrdreg s13;
	s26 =	sadd.s32 $0x63E00, s14  }
0x10: {  	s22 =	simm.s32 $0x1;
	s28 =	sadd.s32 $0x63E64, s14;
	[dreg:$0x5] =	wrdreg s26  }
0x11: {  	v2 =	vimm.f32 $0.0e+00;
	v3 =	vimm.f32 $1.000000000e+00;
	s6 =	sadd.s32 $0x67000, s1;
	s30 =	sadd.s32 $0x63EC8, s14;
	[dreg:$0x6] =	wrdreg s28  }
0x12: {  	v4 =	vimm.s32 $0x0;
	v5 =	vlaneseq.u32;
	v1 =	vmov s0;
	s17 =	sadd.s32 $0x63F2C, s14;
	[dreg:$0x7] =	wrdreg s30;
	s26 =	simm.s32 $0x2  }
.LBB2_1:
0x13: {  	s1 =	simm.s32 $0x40;
	s13 =	simm.s32 $0x0  }
.LBB2_2:
0x14: {  	p0 =	sne.s32 s1, $0xC40;
	[tilespmem:s13+$0x700] =	vst v2;
	s13 =	smov.u32 s1;
	s1 =	sadd.s32 $0x40, s1  }
.Ltmp0:
0x15: {  	(pc) =	sbr.rel @p0 .LBB2_2-.Ltmp0, $2  }
0x16: {  	_ =	sdelay $0x2  }
0x17: {  	s13 =	sshra.s32 s13, $0x2  }
0x18: {  	[tilespmem:s13+$0x700] =	vst v2  }
0x19: {  	[spmem:s8] =	stream.linear.scatter [tilespmem:s19], [sflag:$0x3], $0x320, $0x38;
	[tilespmem:$0x2480] =	vst v63  }
0x1a: {  	_ =	swait.ge [sflag:s20], $0x320  }
0x1b: {  	[sflag:s20] =	ssyncset.done $0x0  }
0x1c: {  	[sflag:s20] =	ssyncadd.s32 $0xFFFFFCE0  }
0x1d: {  	[spmem:s10] =	stream.linear.scatter [tilespmem:s19], [sflag:$0x3], $0x320, $0x38;
	[tilespmem:$0x2480] =	vst v63  }
0x1e: {  	_ =	swait.ge [sflag:s20], $0x320  }
0x1f: {  	[sflag:s20] =	ssyncset.done $0x0  }
0x20: {  	[sflag:s20] =	ssyncadd.s32 $0xFFFFFCE0  }
0x21: {  	[spmem:s11] =	stream.linear.scatter [tilespmem:s19], [sflag:$0x3], $0x320, $0x38;
	[tilespmem:$0x2480] =	vst v63  }
0x22: {  	_ =	swait.ge [sflag:s20], $0x320  }
0x23: {  	[sflag:s20] =	ssyncset.done $0x0  }
0x24: {  	[sflag:s20] =	ssyncadd.s32 $0xFFFFFCE0  }
0x25: {  	[spmem:s12] =	stream.linear.scatter [tilespmem:s19], [sflag:$0x3], $0x2E0, $0x38;
	[tilespmem:$0x2480] =	vst v63  }
0x26: {  	_ =	swait.ge [sflag:s20], $0x2E0  }
0x27: {  	[sflag:s20] =	ssyncset.done $0x0  }
0x28: {  	s1 =	simm.s32 $0x40;
	s13 =	simm.s32 $0x0;
	[sflag:s20] =	ssyncadd.s32 $0xFFFFFD20  }
.LBB2_4:
0x29: {  	p0 =	sne.s32 s1, $0xC40;
	[tilespmem:s13+$0x700] =	vst v3;
	s13 =	smov.u32 s1;
	s1 =	sadd.s32 $0x40, s1  }
.Ltmp1:
0x2a: {  	(pc) =	sbr.rel @p0 .LBB2_4-.Ltmp1, $2  }
0x2b: {  	_ =	sdelay $0x2  }
0x2c: {  	s13 =	sshra.s32 s13, $0x2  }
0x2d: {  	[tilespmem:s13+$0x700] =	vst v3  }
0x2e: {  	s30 =	simm.s32 $0x0;
	s1 =	simm.s32 $0x0;
	[bflag:$0x0] =	sbarrier.arrive $0xFFFF  }
.LBB2_6:
0x2f: {  	s13 =	sshll.u32 s1, $0x4  }
0x30: {  	s13 =	sor.u32 s0, s13  }
0x31: {  	s13 =	smul.u32 $0x64, s13;
	_ =	sdelay $0x1  }
0x32: {  	s14 =	sadd.s32 s4, s13  }
0x33: {  	[tilespmem:s3], [sflag:$0x1] =	stream.linear.gather [hbm4b:s14+s3], $0x320, $0x38;
	[tilespmem:$0x2480] =	vst v63  }
0x34: {  	p0 =	seq.s32 s1, $0x0;
	s13 =	sadd.s32 s5, s13  }
0x35: {  	[tilespmem:s21], [sflag:$0x1] =	stream.linear.gather [hbm4b:s13+s3], $0x320, $0x38;
	[tilespmem:$0x2480] =	vst v63  }
0x36: {  	s13 =	simm.s32 @!p0 $0x2  }
0x37: {  	_ =	swait.ge @!p0 [sflag:s13], $0x320  }
0x38: {  	[sflag:s13] =	ssyncset.done @!p0 $0x0  }
0x39: {  	[sflag:s13] =	ssyncadd.s32 @!p0 $0xFFFFFCE0  }
0x3a: {  	_ =	swait.ge @!p0 [sflag:s13], $0x320  }
0x3b: {  	[sflag:s13] =	ssyncset.done @!p0 $0x0  }
0x3c: {  	[sflag:s13] =	ssyncadd.s32 @!p0 $0xFFFFFCE0  }
0x3d: {  	_ =	swait.ge [sflag:s22], $0x320  }
0x3e: {  	[sflag:s22] =	ssyncset.done $0x0  }
0x3f: {  	[sflag:s22] =	ssyncadd.s32 $0xFFFFFCE0  }
0x40: {  	_ =	swait.ge [sflag:s22], $0x320  }
0x41: {  	[sflag:s22] =	ssyncset.done $0x0  }
0x42: {  	s15 =	simm.s32 $0x0;
	[sflag:s22] =	ssyncadd.s32 $0xFFFFFCE0  }
0x43: {  	v6 =	vld [tilespmem:s15+$0x0];
	_ =	sdelay $0x4  }
0x44: {  	v7 =	vadd.s32 v0, v6  }
0x45: {  	vm0 =	vlt.u32 v7, $0xC350  }
0x46: {  	v8 =	vsel vm0, $0x1, v4  }
0x47: {  	(xrf0) =	vadd.scan.msk.s32 $0xffff, v8;
	_ =	sdelay $0x5  }
0x48: {  	v8, _, _ =	vpop (xrf0)  }
0x49: {  	v9 =	vxor.u32 $0x80000000, v8  }
0x4a: {  	(xrf0) =	vmax.scan.msk.u32 $0xffff, v9;
	v9 =	vsel vm0, $0xFFFFFFFF, v4  }
0x4b: {  	v6 =	vand.u32 $0x3FF, v6;
	v9 =	vadd.s32 s31, v9  }
0x4c: {  	v6 =	vadd.s32 $0xC350, v6;
	v8 =	vadd.s32 v8, v9;
	v9 =	vld [tilespmem:s15+$0x380]  }
0x4d: {  	v6 =	vsel vm0, v7, v6;
	_ =	sdelay $0x2  }
0x4e: {  	[tilespmem:s15+$0x0] =	vst v6;
	v6, _, _ =	vpop (xrf0)  }
0x4f: {  	[tilespmem:v8+s23+$0x0] =	vst.idx.msk vm0, v9;
	(v2sf) =	vpush v6, $0xF  }
0x50: {  	s28 =	simm.s32 $0x10;
	[tilespmem:v8+s24+$0x0] =	vst.idx.msk vm0, v7  }
0x51: {  	v7 =	vld [tilespmem:s28+$0x0];
	_ =	sdelay $0x4  }
0x52: {  	v6 =	vadd.s32 v0, v7  }
0x53: {  	vm0 =	vlt.u32 v6, $0xC350  }
0x54: {  	v8 =	vsel vm0, $0x1, v4  }
0x55: {  	(xrf0) =	vadd.scan.msk.s32 $0xffff, v8  }
0x56: {  	v7 =	vand.u32 $0x3FF, v7  }
0x57: {  	v7 =	vadd.s32 $0xC350, v7  }
0x58: {  	v8 =	vsel vm0, v6, v7;
	_ =	sdelay $0x1  }
0x59: {  	s16 =	spop (v2sf)  }
0x5a: {  	s13 =	simm.s32 $0x80;
	v7 =	vsel vm0, $0xFFFFFFFF, v4;
	[tilespmem:s28+$0x0] =	vst v8;
	v8, _, _ =	vpop (xrf0);
	s14 =	sadd.s32 $0x0, s16  }
.LBB2_7:
0x5b: {  	p0 =	sne.s32 s13, $0xC40  }
0x5c: {  	v9 =	vxor.u32 $0x80000000, v8;
	s14 =	sadd.s32 $0x80000000, s14;
	s15 =	smov.u32 s13;
	s13 =	sadd.s32 $0x40, s13  }
0x5d: {  	v7 =	vadd.s32 s14, v7;
	(xrf0) =	vmax.scan.msk.u32 $0xffff, v9  }
0x5e: {  	v9 =	vld [tilespmem:s28+$0x380];
	v7 =	vadd.s32 v8, v7;
	_ =	sdelay $0x4  }
0x5f: {  	[tilespmem:v7+s23+$0x0] =	vst.idx.msk vm0, v9;
	v8, _, _ =	vpop (xrf0)  }
0x60: {  	[tilespmem:v7+s24+$0x0] =	vst.idx.msk vm0, v6;
	(v2sf) =	vpush v8, $0xF  }
0x61: {  	s28 =	sshra.s32 s15, $0x2  }
0x62: {  	v7 =	vld [tilespmem:s28+$0x0];
	_ =	sdelay $0x4  }
0x63: {  	v6 =	vadd.s32 v0, v7;
	v7 =	vand.u32 $0x3FF, v7  }
0x64: {  	vm0 =	vlt.u32 v6, $0xC350;
	v8 =	vadd.s32 $0xC350, v7  }
0x65: {  	v7 =	vsel vm0, $0xFFFFFFFF, v4;
	v9 =	vsel vm0, $0x1, v4;
	v8 =	vsel vm0, v6, v8  }
0x66: {  	[tilespmem:s28+$0x0] =	vst v8;
	(xrf0) =	vadd.scan.msk.s32 $0xffff, v9;
	_ =	sdelay $0x1  }
.Ltmp2:
0x67: {  	(pc) =	sbr.rel @p0 .LBB2_7-.Ltmp2, $3  }
0x68: {  	_ =	sdelay $0x1  }
0x69: {  	s15 =	spop (v2sf)  }
0x6a: {  	v8, _, _ =	vpop (xrf0);
	s14 =	sadd.s32 s15, s14  }
0x6b: {  	v9 =	vxor.u32 $0x80000000, v8  }
0x6c: {  	(xrf0) =	vmax.scan.msk.u32 $0xffff, v9;
	_ =	sdelay $0x5  }
0x6d: {  	v9, _, _ =	vpop (xrf0)  }
0x6e: {  	(v2sf) =	vpush v9, $0xF;
	_ =	sdelay $0xe  }
0x6f: {  	s13 =	sadd.s32 $0x80000000, s14;
	s15 =	spop (v2sf)  }
0x70: {  	s14 =	sadd.s32 s15, s13  }
0x71: {  	s14 =	sadd.s32 $0x80000000, s14  }
0x72: {  	s15 =	sadd.s32 $0x7, s14  }
0x73: {  	s16 =	sand.u32 $0x7, s15  }
0x74: {  	v7 =	vadd.s32 s13, v7;
	p1 =	slt.s32 s15, $0x1;
	p0 =	sne.s32 s16, $0x0;
	s16 =	sshra.s32 s15, $0x1F  }
0x75: {  	v62 =	vld [tilespmem:s28+$0x380];
	v7 =	vadd.s32 v8, v7;
	s13 =	sshrl.u32 s16, $0x1D;
	p0 =	por !p1, !p0  }
0x76: {  	s13 =	sadd.s32 s13, s15;
	p0 =	por !p0, !p0;
	s15 =	simm.s32 $0x1  }
0x77: {  	s13 =	sshrl.u32 s13, $0x3;
	s15 =	simm.s32 @!p0 $0x0  }
0x78: {  	s13 =	ssub.s32 s13, s15  }
0x79: {  	v63 =	vadd.s32 s14, v5;
	s13 =	sshll.u32 s13, $0x3  }
0x7a: {  	[tilespmem:v7+s23+$0x0] =	vst.idx.msk vm0, v62;
	vm1 =	vlt.s32 v63, s13  }
0x7b: {  	[tilespmem:v7+s24+$0x0] =	vst.idx.msk vm0, v6  }
0x7c: {  	[spmem:s2] =	stream.indirect.scatter.add.f32 [tilespmem:s19], [sflag:$0x3], $0x1, s3, s25, $0xb8;
	[tilespmem:$0x2480] =	vst v63  }
0x7d: {  	_ =	swait.ge [sflag:s20], $0x320  }
0x7e: {  	s1 =	sadd.s32 $0x1, s1;
	[sflag:s20] =	ssyncset.done $0x0;
	v6 =	vadd.s32 v1, v63  }
0x7f: {  	[sflag:s20] =	ssyncadd.s32 $0xFFFFFCE0;
	v6 =	vand.u32 $0x3FF, v6;
	s16 =	sadd.s32 s9, s30;
	p0 =	sne.s32 s1, $0x7D  }
.Ltmp3:
0x80: {  	v6 =	vadd.s32 $0xC350, v6;
	s14 =	sshrl.u32 s16, $0x3;
	[tilespmem:v63+s23+$0x0] =	vst.idx.msk vm1, v4;
	(pc) =	sbr.rel @p0 .LBB2_6-.Ltmp3, $4  }
0x81: {  	s28 =	sadd.s32 s6, s14;
	[tilespmem:v63+s24+$0x0] =	vst.idx.msk vm1, v6  }
0x82: {  	[hbm4b:s28+s3] =	stream.linear.scatter [tilespmem:s23], [sflag:$0x2], $0x320, $0x38;
	[tilespmem:$0x2480] =	vst v63  }
0x83: {  	s14 =	sadd.s32 s7, s14;
	s30 =	sadd.s32 s30, s13  }
0x84: {  	[hbm4b:s14+s3] =	stream.linear.scatter [tilespmem:s24], [sflag:$0x2], $0x320, $0x38;
	[tilespmem:$0x2480] =	vst v63  }
0x85: {  	_ =	swait.ge [sflag:s26], $0x320  }
0x86: {  	[sflag:s26] =	ssyncset.done $0x0  }
0x87: {  	[sflag:s26] =	ssyncadd.s32 $0xFFFFFCE0  }
0x88: {  	s1 =	sadd.s32 $0x0, s0;
	_ =	swait.ge [sflag:s26], $0x320  }
0x89: {  	v6 =	vadd.s32 s1, v5;
	[sflag:s26] =	ssyncset.done $0x0  }
0x8a: {  	s1 =	simm.s32 $0xA80;
	v6 =	vand.u32 $0x3FF, v6;
	[sflag:s26] =	ssyncadd.s32 $0xFFFFFCE0  }
0x8b: {  	s13 =	simm.s32 $0x1100;
	v6 =	vadd.s32 $0xC350, v6;
	[tilespmem:s1+$0x0] =	vst v4  }
0x8c: {  	s28 =	simm.s32 $0x10;
	[tilespmem:s13+$0x0] =	vst v6  }
.LBB2_10:
0x8d: {  	p0 =	sne.s32 s28, $0x310  }
.Ltmp4:
0x8e: {  	s14 =	sadd.s32 s0, s28;
	s28 =	sadd.s32 $0x10, s28;
	(pc) =	sbr.rel @p0 .LBB2_10-.Ltmp4, $4  }
0x8f: {  	v6 =	vadd.s32 s14, v5  }
0x90: {  	s1 =	sadd.s32 $0x10, s1;
	v6 =	vand.u32 $0x3FF, v6  }
0x91: {  	s13 =	sadd.s32 $0x10, s13;
	[tilespmem:s1+$0x0] =	vst v4;
	v6 =	vadd.s32 $0xC350, v6  }
0x92: {  	[tilespmem:s13+$0x0] =	vst v6  }
0x93: {  	s1 =	sadd.s32 s9, s30  }
0x94: {  	s1 =	sshrl.u32 s1, $0x3  }
0x95: {  	s13 =	sadd.s32 s6, s1  }
0x96: {  	[hbm4b:s13+s3] =	stream.linear.scatter [tilespmem:s23], [sflag:$0x3], $0x320, $0x38;
	[tilespmem:$0x2480] =	vst v63  }
0x97: {  	_ =	swait.ge [sflag:s20], $0x320  }
0x98: {  	[sflag:s20] =	ssyncset.done $0x0  }
0x99: {  	s1 =	sadd.s32 s7, s1;
	[sflag:s20] =	ssyncadd.s32 $0xFFFFFCE0  }
0x9a: {  	[hbm4b:s1+s3] =	stream.linear.scatter [tilespmem:s24], [sflag:$0x3], $0x320, $0x38;
	[tilespmem:$0x2480] =	vst v63  }
0x9b: {  	_ =	swait.ge [sflag:s20], $0x320  }
0x9c: {  	[sflag:s20] =	ssyncset.done $0x0  }
0x9d: {  	v6 =	vmov s30;
	[sflag:s20] =	ssyncadd.s32 $0xFFFFFCE0  }
0x9e: {  	s15 =	simm.s32 $0x1780;
	s14 =	rddreg [dreg:$0x4];
	[tilespmem:$0x1780] =	vst v6  }
0x9f: {  	[hbm4b:s14+s3] =	stream.linear.scatter [tilespmem:s15], [sflag:$0x3], $0x10, $0x38;
	[tilespmem:$0x2480] =	vst v63  }
0xa0: {  	_ =	swait.ge [sflag:s20], $0x10  }
0xa1: {  	[sflag:s20] =	ssyncset.done $0x0  }
0xa2: {  	[sflag:s20] =	ssyncadd.s32 $0xFFFFFFF0  }
0xa3: {  	[bflag:$0x0] =	sbarrier.arrive $0xFFFF  }
0xa4: {  	[tilespmem:s19], [sflag:$0x3] =	stream.linear.gather [spmem:s8], $0x320, $0x38;
	[tilespmem:$0x2480] =	vst v63  }
0xa5: {  	_ =	swait.ge [sflag:s20], $0x320  }
0xa6: {  	[sflag:s20] =	ssyncset.done $0x0  }
0xa7: {  	s16 =	rddreg [dreg:$0x5];
	[sflag:s20] =	ssyncadd.s32 $0xFFFFFCE0  }
0xa8: {  	[hbm4b:s16+s3] =	stream.linear.scatter [tilespmem:s19], [sflag:$0x3], $0x320, $0x38;
	[tilespmem:$0x2480] =	vst v63  }
0xa9: {  	_ =	swait.ge [sflag:s20], $0x320  }
0xaa: {  	[sflag:s20] =	ssyncset.done $0x0  }
0xab: {  	[sflag:s20] =	ssyncadd.s32 $0xFFFFFCE0  }
0xac: {  	[tilespmem:s19], [sflag:$0x3] =	stream.linear.gather [spmem:s10], $0x320, $0x38;
	[tilespmem:$0x2480] =	vst v63  }
0xad: {  	_ =	swait.ge [sflag:s20], $0x320  }
0xae: {  	[sflag:s20] =	ssyncset.done $0x0  }
0xaf: {  	s28 =	rddreg [dreg:$0x6];
	[sflag:s20] =	ssyncadd.s32 $0xFFFFFCE0  }
0xb0: {  	[hbm4b:s28+s3] =	stream.linear.scatter [tilespmem:s19], [sflag:$0x3], $0x320, $0x38;
	[tilespmem:$0x2480] =	vst v63  }
0xb1: {  	_ =	swait.ge [sflag:s20], $0x320  }
0xb2: {  	[sflag:s20] =	ssyncset.done $0x0  }
0xb3: {  	[sflag:s20] =	ssyncadd.s32 $0xFFFFFCE0  }
0xb4: {  	[tilespmem:s19], [sflag:$0x3] =	stream.linear.gather [spmem:s11], $0x320, $0x38;
	[tilespmem:$0x2480] =	vst v63  }
0xb5: {  	_ =	swait.ge [sflag:s20], $0x320  }
0xb6: {  	[sflag:s20] =	ssyncset.done $0x0  }
0xb7: {  	s30 =	rddreg [dreg:$0x7];
	[sflag:s20] =	ssyncadd.s32 $0xFFFFFCE0  }
0xb8: {  	[hbm4b:s30+s3] =	stream.linear.scatter [tilespmem:s19], [sflag:$0x3], $0x320, $0x38;
	[tilespmem:$0x2480] =	vst v63  }
0xb9: {  	_ =	swait.ge [sflag:s20], $0x320  }
0xba: {  	[sflag:s20] =	ssyncset.done $0x0  }
0xbb: {  	[sflag:s20] =	ssyncadd.s32 $0xFFFFFCE0  }
0xbc: {  	[tilespmem:s19], [sflag:$0x3] =	stream.linear.gather [spmem:s12], $0x2E0, $0x38;
	[tilespmem:$0x2480] =	vst v63  }
0xbd: {  	s29 =	sadd.s32 $0x1, s29;
	_ =	swait.ge [sflag:s20], $0x2E0  }
0xbe: {  	p0 =	sne.s32 s29, s18;
	[sflag:s20] =	ssyncset.done $0x0  }
.Ltmp5:
0xbf: {  	[sflag:s20] =	ssyncadd.s32 $0xFFFFFD20;
	(pc) =	sbr.rel @p0 .LBB2_1-.Ltmp5, $4  }
0xc0: {  	[hbm4b:s17+s3] =	stream.linear.scatter [tilespmem:s19], [sflag:$0x3], $0x2E0, $0x38;
	[tilespmem:$0x2480] =	vst v63  }
0xc1: {  	_ =	swait.ge [sflag:s20], $0x2E0  }
0xc2: {  	[sflag:s20] =	ssyncset.done $0x0  }
0xc3: {  	[sflag:s20] =	ssyncadd.s32 $0xFFFFFD20  }
0xc4: {  	_ =	sfence.sel $0x180000  }
0xc5: {  	[bflag:$0x0] =	sbarrier.arrive $0xFFFF  }
0xc6: {  	_ =	strace $0x90000047  }
0xc7: {  	[bflag:$0x2] =	sbarrier.arrive $0xFFFF  }
0xc8: {  	p0 =	sne.s32 s0, $0x0;
	s0 =	rddreg [dreg:$0x3]  }
0xc9: {  	s0 =	sadd.s32 @!p0 $0x100000, s0  }
0xca: {  	[sflag:s0] =	ssyncadd.tile.s32 @!p0 $0x1;
	_ =	shalt  }
.Lfunc_end2:
_tile_overlayer_lowered:
.L_overlay_start_2:
0xcb: {  	(tag) =	ssettag $0x2  }
0xcc: {  	s0 =	rddreg [dreg:$0x0];
	s2 =	stileid.u32  }
0xcd: {  	s1 =	rddreg [dreg:$0x1];
	p0 =	sne.s32 s2, $0x0  }
0xce: {  	s3 =	rddreg [dreg:$0x2];
	[bflag:$0x3] =	sbarrier.arrive $0xFFFF;
	s2 =	simm.s32 @!p0 $0x1C03  }
0xcf: {  	[timem:s3], [sflag:s2] =	dma.local @!p0 [hbm:s0], s1  }
0xd0: {  	s0 =	simm.s32 @!p0 $0x3  }
0xd1: {  	_ =	swait.ge @!p0 [sflag:s0], s1  }
0xd2: {  	s1 =	ssub.s32 @!p0 $0x0, s1;
	[sflag:s0] =	ssyncset.done @!p0 $0x0  }
0xd3: {  	[sflag:s0] =	ssyncadd.s32 @!p0 s1  }
0xd4: {  	[bflag:$0x3] =	sbarrier.arrive $0xFFFF  }
0xd5: {  	_ =	shalt  }

// kernel: kernel.13.cloned.1.call-start
scs
__scs_entry_jumppad:
0x0: {  	(pc) =	sbr.rel $0x88, $3  }
0x1: {  	(tag) =	ssettag $0x0;
	lr =	simm.s32 $0x1  }
0x2: {  	[smem:$0x3F96] =	sst lr;
	_ =	strace $0xD0000000  }
0x3: {  	_ = 	snop  }
0x4: {  	_ = 	snop  }
0x5: {  	_ = 	snop  }
0x6: {  	_ = 	snop  }
0x7: {  	_ = 	snop  }
__scs_overlays_trampoline_lowered:
0x8: {  	[smem:$0x3FA5] =	sst s0  }
0x9: {  	[smem:$0x3FA6] =	sst s1  }
0xa: {  	[smem:$0x3FA7] =	sst s2  }
0xb: {  	[smem:$0x3FA8] =	sst s3  }
0xc: {  	[smem:$0x3FA9] =	sst s4  }
0xd: {  	[smem:$0x3FAA] =	sst s5  }
0xe: {  	[smem:$0x3FAB] =	sst s6  }
0xf: {  	[smem:$0x3FAC] =	sst s7  }
0x10: {  	[smem:$0x3FAD] =	sst s8  }
0x11: {  	[smem:$0x3FAE] =	sst s9;
	s0 =	simm.s32 @!p0 $0x0  }
0x12: {  	s1 =	sld [smem:$0x3F94];
	s0 =	simm.s32 @p0 $0x1  }
0x13: {  	[smem:$0x3FAF] =	sst s0;
	s0 =	simm.s32 @!p1 $0x0  }
0x14: {  	s2 =	sld [smem:$0x3F93];
	s0 =	simm.s32 @p1 $0x1  }
0x15: {  	[smem:$0x3FB0] =	sst s0;
	s0 =	simm.s32 @!p2 $0x0  }
0x16: {  	s3 =	sld [smem:$0x3FDB];
	s0 =	simm.s32 @p2 $0x1  }
0x17: {  	s4 =	simm.s32 $0x1BF5;
	[smem:$0x3FB2] =	sst s0  }
0x18: {  	s0 =	sld [smem:$0x3F95];
	_ =	swait.ge [sflag:s4], $0x0  }
0x19: {  	s7 =	sld [smem:$0x3F96]  }
0x1a: {  	s8 =	sadd.s32 $0xFFFFE003, lr  }
0x1b: {  	s9 =	sadd.s32 $0xFFFFFEF7, lr;
	s5 =	simm.s32 $0xFFFFFFFF;
	p2 =	slt.u32 s8, $0xFFFFF086  }
0x1c: {  	p1 =	slt.u32 s9, $0xF7A;
	s5 =	simm.s32 @!p2 $0x0  }
0x1d: {  	s5 =	simm.s32 @p1 $0x1;
	p0 =	seq.s32 s7, s2  }
0x1e: {  	s7 =	smul.u32 @!p0 $0xF7A, s2;
	p2 =	seq.s32 @!p0 s5, $0x0  }
0x1f: {  	s9 =	smul.u32 $0xF7A, s1;
	s8 =	simm.s32 @!p0 $0x1BF5;
	p2 =	por !p2, p0  }
0x20: {  	[sflag:s8] =	ssyncset.s32 @!p0 $0xFFFFF086;
	s6 =	sadd.s32 @!p0 s3, s7;
	s7 =	simm.s32 @!p0 $0x108  }
0x21: {  	s3 =	sadd.s32 s3, s9;
	s6 =	sadd.s32 @!p0 $0x88, s6;
	s7 =	simm.s32 @p2 $0x1082  }
0x22: {  	[simem:s7], [sflag:s8] =	dma.local @!p0 [hbm:s6], $0xF7A  }
0x23: {  	s9 =	sor.u32 $0xD0000000, s2;
	s6 =	simm.s32 $0x108;
	_ =	swait.ge @!p0 [sflag:s8], $0x0  }
0x24: {  	s3 =	sadd.s32 $0x88, s3;
	s6 =	simm.s32 @!p1 $0x1082;
	[sflag:s4] =	ssyncset.s32 $0xFFFFF086  }
0x25: {  	[simem:s6], [sflag:s4] =	dma.local [hbm:s3], $0xF7A  }
0x26: {  	[smem:$0x3F96] =	sst s1;
	(tag) =	ssettag s2;
	_ =	strace s9  }
0x27: {  	s1 =	sld [smem:$0x3FA6]  }
0x28: {  	s2 =	sld [smem:$0x3FA7]  }
0x29: {  	s4 =	sld [smem:$0x3FA9]  }
0x2a: {  	p0 =	seq.s32 s5, $0x0;
	s5 =	sld [smem:$0x3FAA]  }
0x2b: {  	s6 =	sld [smem:$0x3FAB]  }
0x2c: {  	s7 =	sld [smem:$0x3FAC]  }
0x2d: {  	s3 =	simm.s32 $0x108;
	s8 =	sld [smem:$0x3FAD]  }
0x2e: {  	s3 =	simm.s32 @!p0 $0x1082;
	s9 =	sld [smem:$0x3FAE]  }
0x2f: {  	lr =	sadd.s32 s0, s3;
	s0 =	sld [smem:$0x3FA5]  }
0x30: {  	s3 =	sld [smem:$0x3FA8]  }
0x31: {  	[smem:$0x3FB1] =	sst s10  }
0x32: {  	s10 =	sld [smem:$0x3FAF];
	_ =	sdelay $0x3  }
0x33: {  	p0 =	seq.s32 s10, $0x1;
	s10 =	sld [smem:$0x3FB1];
	_ =	sdelay $0x3  }
0x34: {  	[smem:$0x3FB1] =	sst s10  }
0x35: {  	s10 =	sld [smem:$0x3FB0];
	_ =	sdelay $0x3  }
0x36: {  	p1 =	seq.s32 s10, $0x1;
	s10 =	sld [smem:$0x3FB1];
	_ =	sdelay $0x3  }
0x37: {  	[smem:$0x3FB1] =	sst s10  }
0x38: {  	s10 =	sld [smem:$0x3FB2]  }
0x39: {  	_ = 	snop;
	(pc) =	sbr.ind lr, $3  }
0x3a: {  	_ = 	snop  }
0x3b: {  	_ = 	snop  }
0x3c: {  	p2 =	seq.s32 s10, $0x1;
	s10 =	sld [smem:$0x3FB1]  }
0x3d: {  	_ =	shalt  }
0x3e: {  	_ =	shalt  }
0x3f: {  	_ =	shalt  }
0x40: {  	_ =	shalt  }
0x41: {  	_ =	shalt  }
0x42: {  	_ =	shalt  }
0x43: {  	_ =	shalt  }
0x44: {  	_ =	shalt  }
0x45: {  	_ =	shalt  }
0x46: {  	_ =	shalt  }
0x47: {  	_ =	shalt  }
0x48: {  	_ =	shalt  }
0x49: {  	_ =	shalt  }
0x4a: {  	_ =	shalt  }
0x4b: {  	_ =	shalt  }
0x4c: {  	_ =	shalt  }
0x4d: {  	_ =	shalt  }
0x4e: {  	_ =	shalt  }
0x4f: {  	_ =	shalt  }
0x50: {  	_ =	shalt  }
0x51: {  	_ =	shalt  }
0x52: {  	_ =	shalt  }
0x53: {  	_ =	shalt  }
0x54: {  	_ =	shalt  }
0x55: {  	_ =	shalt  }
0x56: {  	_ =	shalt  }
0x57: {  	_ =	shalt  }
0x58: {  	_ =	shalt  }
0x59: {  	_ =	shalt  }
0x5a: {  	_ =	shalt  }
0x5b: {  	_ =	shalt  }
0x5c: {  	_ =	shalt  }
0x5d: {  	_ =	shalt  }
0x5e: {  	_ =	shalt  }
0x5f: {  	_ =	shalt  }
0x60: {  	_ =	shalt  }
0x61: {  	_ =	shalt  }
0x62: {  	_ =	shalt  }
0x63: {  	_ =	shalt  }
0x64: {  	_ =	shalt  }
0x65: {  	_ =	shalt  }
0x66: {  	_ =	shalt  }
0x67: {  	_ =	shalt  }
0x68: {  	_ =	shalt  }
0x69: {  	_ =	shalt  }
0x6a: {  	_ =	shalt  }
0x6b: {  	_ =	shalt  }
0x6c: {  	_ =	shalt  }
0x6d: {  	_ =	shalt  }
0x6e: {  	_ =	shalt  }
0x6f: {  	_ =	shalt  }
0x70: {  	_ =	shalt  }
0x71: {  	_ =	shalt  }
0x72: {  	_ =	shalt  }
0x73: {  	_ =	shalt  }
0x74: {  	_ =	shalt  }
0x75: {  	_ =	shalt  }
0x76: {  	_ =	shalt  }
0x77: {  	_ =	shalt  }
0x78: {  	_ =	shalt  }
0x79: {  	_ =	shalt  }
0x7a: {  	_ =	shalt  }
0x7b: {  	_ =	shalt  }
0x7c: {  	_ =	shalt  }
0x7d: {  	_ =	shalt  }
0x7e: {  	_ =	shalt  }
0x7f: {  	_ =	shalt  }
0x80: {  	_ =	shalt  }
0x81: {  	_ =	shalt  }
0x82: {  	_ =	shalt  }
0x83: {  	_ =	shalt  }
0x84: {  	_ =	shalt  }
0x85: {  	_ =	shalt  }
0x86: {  	_ =	shalt  }
0x87: {  	_ =	shalt  }
.Lfunc_end0:
.L_simem_size_0:
called_computation.1_lowered:
.L_overlay_start_0:
0x88: {  	s2 =	sld [smem:$0x3FD9]  }
0x89: {  	s3 =	sld [smem:$0x3FFE];
	_ =	sdelay $0x1  }
0x8a: {  	s1 =	srdreg.scid  }
0x8b: {  	s0 =	sand.u32 $0x1, s1  }
0x8c: {  	s17 =	sshll.u32 s0, $0xA;
	s2 =	sadd.s32 s3, s2  }
0x8d: {  	s2 =	sadd.s32 s2, s17  }
0x8e: {  	[smem:$0x3FBD] =	sst s2  }
0x8f: {  	_ = 	snop  }
0x90: {  	s2 =	sld [smem:$0x3FD0];
	(tm) =	ssettm $0x1  }
0x91: {  	s18 =	sld [smem:$0x3FFB];
	_ =	sdelay $0x3  }
0x92: {  	_ =	strace s18  }
0x93: {  	s3 =	sld [smem:$0x3FFC];
	_ =	sdelay $0x3  }
0x94: {  	_ =	strace s3  }
0x95: {  	s3 =	sld [smem:$0x3FFD];
	_ =	sdelay $0x3  }
0x96: {  	_ =	strace s3  }
0x97: {  	_ =	strace $0x8FFFFFFF  }
0x98: {  	s19 =	sld [smem:$0x3FDB];
	_ =	sdelay $0x1  }
0x99: {  	s4 =	simm.s32 $_scs_section_size  }
0x9a: {  	s5 =	simm.s32 $_size__tile_overlayer_lowered;
	s6 =	simm.s32 $_tile_overlayer_lowered  }
0x9b: {  	s22 =	simm.s32 $0x1BFF;
	s21 =	sshll.u32 s6, $0x1;
	s3 =	sadd.s32 s4, s19  }
0x9c: {  	s7 =	simm.s32 $0x0;
	s20 =	sshll.u32 s5, $0x1;
	s5 =	sadd.s32 s21, s3  }
0x9d: {  	[timem:s7], [sflag:s22] =	dma.local [hbm:s5], s20  }
0x9e: {  	_ =	swait.ge [sflag:s22], s20  }
0x9f: {  	s4 =	ssub.s32 $0x0, s20;
	[sflag:s22] =	ssyncset.done $0x0  }
0xa0: {  	[sflag:s22] =	ssyncadd.s32 s4;
	_ =	sdelay $0x1  }
0xa1: {  	s23 =	simm.s32 $0x1B8B  }
0xa2: {  	_ =	swait.ge [sflag:s23], $0x1  }
0xa3: {  	[sflag:s23] =	ssyncset.done $0x0  }
0xa4: {  	s25 =	simm.s32 $0x1B8E;
	s24 =	sld [smem:$0x3FFE];
	[sflag:s23] =	ssyncadd.s32 $0xFFFFFFFF  }
0xa5: {  	s26 =	simm.s32 $execute0_lowered;
	[smem:$0x3FD2] =	sst s25  }
0xa6: {  	s5 =	sshll.u32 s26, $0x1;
	_ =	strace $0x80000049;
	[dreg:$0x1] =	wrdreg $0xFFFFFFFF  }
0xa7: {  	s28 =	simm.s32 $_size_execute0_lowered;
	s3 =	sadd.s32 s3, s5;
	[dreg:$0x0] =	wrdreg $0x0  }
0xa8: {  	s5 =	sshll.u32 s28, $0x1;
	[dreg:$0x2] =	wrdreg s3  }
0xa9: {  	[dreg:$0x3] =	wrdreg s5  }
0xaa: {  	[dreg:$0x4] =	wrdreg $0xC0  }
0xab: {  	_ =	task [dreg:s7], $0x5FFFF  }
0xac: {  	[dreg:$0x1] =	wrdreg $0xFFFFFFFF  }
0xad: {  	[dreg:$0x0] =	wrdreg $0x60  }
0xae: {  	[dreg:$0x2] =	wrdreg s24  }
0xaf: {  	[dreg:$0x3] =	wrdreg s2  }
0xb0: {  	[dreg:$0x4] =	wrdreg $0x6A500  }
0xb1: {  	[dreg:$0x5] =	wrdreg $0x9  }
0xb2: {  	_ =	task.clear_ibuf [dreg:s7], $0x6FFFF;
	_ =	strace $0x90000049  }
0xb3: {  	s29 =	simm.s32 $0x9;
	_ =	strace $0x8000004B  }
0xb4: {  	_ =	swait.ge [sflag:s29], $0x1  }
0xb5: {  	[sflag:s29] =	ssyncadd.s32 $0xFFFFFFFF  }
0xb6: {  	_ =	strace $0x9000004B  }
0xb7: {  	_ =	sfence  }
0xb8: {  	s30 =	sld [smem:$0x0];
	_ =	sdelay $0x2  }
0xb9: {  	s31 =	sshll.u32 s1, $0xD;
	s1 =	sshrl.u32 s1, $0x2  }
0xba: {  	s3 =	sand.u32 $0x4000, s31;
	s1 =	sadd.s32 s1, s30  }
0xbb: {  	s0 =	sor.u32 s3, s0;
	s1 =	sshll.u32 s1, $0x11  }
0xbc: {  	s0 =	sor.u32 s1, s0  }
0xbd: {  	s0 =	sadd.s32 $0x8F2B, s0  }
0xbe: {  	[sflag:s0] =	ssyncadd.remote.s32 $0x1  }
0xbf: {  	_ =	sfence.sel $0xFFFF  }
0xc0: {  	[dreg:$0x0] =	wrdreg $0xFFFFFFFF;
	(pc) =	sbr.abs _section_cstart, $3  }
0xc1: {  	[dreg:$0x1] =	wrdreg $0xFFFFFFFF  }
0xc2: {  	_ =	task.clear_ibuf [dreg:s7], $0x2FFFF;
	_ =	strace $0x9FFFFFFF  }
0xc3: {  	(tm) =	ssettm $0x7FFFFFFF  }
tec
execute0_lowered:
.L_overlay_start_1:
0x0: {  	(tag) =	ssettag $0x1  }
0x1: {  	s0 =	rddreg [dreg:$0x0]  }
0x2: {  	s15 =	rddreg [dreg:$0x1]  }
0x3: {  	s2 =	rddreg [dreg:$0x2];
	s3 =	simm.s32 $0x0;
	s1 =	stileid.u32  }
0x4: {  	s6 =	srdreg.scid;
	s30 =	simm.s32 $0x10;
	s22 =	simm.s32 $0x6  }
0x5: {  	s31 =	simm.s32 $0x330;
	s23 =	simm.s32 $0x3850;
	s7 =	smul.u32 $0x61C00, s1  }
0x6: {  	[smem:$0x7FF] =	sst s3;
	s4 =	sadd.s32 $0x2200, s0;
	s20 =	smul.u32 $0xC990, s1  }
0x7: {  	s5 =	sadd.s32 $0x67000, s0;
	s14 =	sand.u32 $0x1, s6;
	s26 =	smul.u32 $0x640, s1  }
0x8: {  	s6 =	sadd.s32 $0x99800, s0;
	s16 =	sshll.u32 s1, $0x1;
	s21 =	smul.u32 $0xC800, s1  }
0x9: {  	s28 =	ssub.s32 $0x8C, s1;
	_ =	strace $0x8000004A;
	s8 =	smul.u32 $0x30D40, s14  }
0xa: {  	s9 =	ssub.s32 $0x2, s14;
	s18 =	smul.u32 $0xC9900, s14;
	[dreg:$0x4] =	wrdreg s30  }
0xb: {  	s19 =	sshll.u32 s14, $0x5;
	[dreg:$0x5] =	wrdreg s31;
	s7 =	sshrl.u32 s7, $0x2  }
0xc: {  	s10 =	sshrl.u32 s9, $0x1;
	s16 =	sor.u32 s16, s19;
	s29 =	sshrl.u32 s21, $0x2  }
0xd: {  	s21 =	simm.s32 $0x650;
	s7 =	sadd.s32 s7, s2;
	s0 =	sadd.s32 s8, s0  }
0xe: {  	s17 =	ssub.s32 s9, s10;
	s15 =	sadd.s32 s15, s16;
	s16 =	sshrl.u32 s28, $0x4  }
0xf: {  	s18 =	sadd.s32 s20, s18;
	s20 =	sadd.s32 s29, s2;
	s24 =	sadd.s32 $0x3200, s7  }
0x10: {  	s25 =	sadd.s32 $0x6400, s7;
	s10 =	sadd.s32 $0x9600, s7;
	s11 =	sadd.s32 $0xC800, s7  }
0x11: {  	s12 =	sadd.s32 $0xFA00, s7;
	s13 =	sadd.s32 $0x12C00, s7;
	s14 =	sadd.s32 $0x15E00, s7  }
0x12: {  	s17 =	smax.u32 s17, $0x1;
	s0 =	sadd.s32 s26, s0;
	[dreg:$0x6] =	wrdreg s24  }
0x13: {  	v0 =	vimm.f32 $0.0e+00;
	[dreg:$0x7] =	wrdreg s25;
	s19 =	sadd.s32 $0xCC000, s0;
	s24 =	simm.s32 $0x0  }
.LBB2_1:
0x14: {  	s0 =	simm.s32 $0x40;
	s25 =	simm.s32 $0x0  }
.LBB2_2:
0x15: {  	p0 =	sne.s32 s0, $0xC7C0;
	[tilespmem:s25+$0x650] =	vst v0;
	s26 =	smov.u32 s0;
	s0 =	sadd.s32 $0x40, s0  }
.Ltmp0:
0x16: {  	[tilespmem:s25+$0x3850] =	vst v0;
	(pc) =	sbr.rel @p0 .LBB2_2-.Ltmp0, $2  }
0x17: {  	_ =	sdelay $0x2  }
0x18: {  	s25 =	sshra.s32 s26, $0x2  }
0x19: {  	[tilespmem:s25+$0x650] =	vst v0  }
0x1a: {  	[tilespmem:s25+$0x3850] =	vst v0  }
0x1b: {  	[spmem:s7] =	stream.linear.scatter [tilespmem:s21], [sflag:$0x6], $0x3200, $0x38;
	[tilespmem:$0x1F8F0] =	vst v63  }
0x1c: {  	_ =	swait.ge [sflag:s22], $0x3200  }
0x1d: {  	[sflag:s22] =	ssyncset.done $0x0  }
0x1e: {  	s0 =	rddreg [dreg:$0x6];
	[sflag:s22] =	ssyncadd.s32 $0xFFFFCE00  }
0x1f: {  	[spmem:s0] =	stream.linear.scatter [tilespmem:s23], [sflag:$0x6], $0x3200, $0x38;
	[tilespmem:$0x1F8F0] =	vst v63  }
0x20: {  	_ =	swait.ge [sflag:s22], $0x3200  }
0x21: {  	[sflag:s22] =	ssyncset.done $0x0  }
0x22: {  	s9 =	rddreg [dreg:$0x7];
	[sflag:s22] =	ssyncadd.s32 $0xFFFFCE00  }
0x23: {  	[spmem:s9] =	stream.linear.scatter [tilespmem:s21], [sflag:$0x6], $0x3200, $0x38;
	[tilespmem:$0x1F8F0] =	vst v63  }
0x24: {  	_ =	swait.ge [sflag:s22], $0x3200  }
0x25: {  	[sflag:s22] =	ssyncset.done $0x0  }
0x26: {  	[sflag:s22] =	ssyncadd.s32 $0xFFFFCE00  }
0x27: {  	[spmem:s10] =	stream.linear.scatter [tilespmem:s23], [sflag:$0x6], $0x3200, $0x38;
	[tilespmem:$0x1F8F0] =	vst v63  }
0x28: {  	_ =	swait.ge [sflag:s22], $0x3200  }
0x29: {  	[sflag:s22] =	ssyncset.done $0x0  }
0x2a: {  	[sflag:s22] =	ssyncadd.s32 $0xFFFFCE00  }
0x2b: {  	[spmem:s11] =	stream.linear.scatter [tilespmem:s21], [sflag:$0x6], $0x3200, $0x38;
	[tilespmem:$0x1F8F0] =	vst v63  }
0x2c: {  	_ =	swait.ge [sflag:s22], $0x3200  }
0x2d: {  	[sflag:s22] =	ssyncset.done $0x0  }
0x2e: {  	[sflag:s22] =	ssyncadd.s32 $0xFFFFCE00  }
0x2f: {  	[spmem:s12] =	stream.linear.scatter [tilespmem:s23], [sflag:$0x6], $0x3200, $0x38;
	[tilespmem:$0x1F8F0] =	vst v63  }
0x30: {  	_ =	swait.ge [sflag:s22], $0x3200  }
0x31: {  	[sflag:s22] =	ssyncset.done $0x0  }
0x32: {  	[sflag:s22] =	ssyncadd.s32 $0xFFFFCE00  }
0x33: {  	[spmem:s13] =	stream.linear.scatter [tilespmem:s21], [sflag:$0x6], $0x3200, $0x38;
	[tilespmem:$0x1F8F0] =	vst v63  }
0x34: {  	_ =	swait.ge [sflag:s22], $0x3200  }
0x35: {  	[sflag:s22] =	ssyncset.done $0x0  }
0x36: {  	[sflag:s22] =	ssyncadd.s32 $0xFFFFCE00  }
0x37: {  	[spmem:s14] =	stream.linear.scatter [tilespmem:s23], [sflag:$0x6], $0x2900, $0x38;
	[tilespmem:$0x1F8F0] =	vst v63  }
0x38: {  	_ =	swait.ge [sflag:s22], $0x2900  }
0x39: {  	[sflag:s22] =	ssyncset.done $0x0  }
0x3a: {  	[sflag:s22] =	ssyncadd.s32 $0xFFFFD700  }
0x3b: {  	[bflag:$0x0] =	sbarrier.arrive $0xFFFF  }
0x3c: {  	[tilespmem:s3], [sflag:$0x6] =	stream.linear.gather [hbm4b:s15+s3], $0x10, $0x38;
	[tilespmem:$0x1F8F0] =	vst v63  }
0x3d: {  	_ =	swait.ge [sflag:s22], $0x10  }
0x3e: {  	[sflag:s22] =	ssyncset.done $0x0  }
0x3f: {  	[sflag:s22] =	ssyncadd.s32 $0xFFFFFFF0  }
0x40: {  	v1 =	vld [tilespmem:$0x0];
	_ =	sdelay $0x4  }
0x41: {  	v1 =	vxor.u32 $0x80000000, v1  }
0x42: {  	(xrf0) =	vmax.scan.msk.u32 $0xffff, v1;
	_ =	sdelay $0x5  }
0x43: {  	v1, _, _ =	vpop (xrf0)  }
0x44: {  	(v2sf) =	vpush v1, $0xF;
	_ =	sdelay $0xe  }
0x45: {  	s25 =	spop (v2sf)  }
0x46: {  	s29 =	sadd.s32 $0x8000018F, s25  }
0x47: {  	s26 =	smulhi.u32 $0x51EB851F, s29;
	s28 =	sshra.s32 s29, $0x1F  }
0x48: {  	s28 =	smul.u32 $0x51EB851F, s28;
	_ =	sdelay $0x1  }
0x49: {  	s26 =	sadd.s32 s28, s26  }
0x4a: {  	s28 =	sshrl.u32 s26, $0x1F;
	s26 =	sshra.s32 s26, $0x7  }
0x4b: {  	s26 =	sadd.s32 s28, s26  }
0x4c: {  	s28 =	smul.u32 $0xFFFFFE70, s26  }
0x4d: {  	s0 =	ssub.s32 $0x7FFFFE71, s25  }
0x4e: {  	p0 =	slt.s32 s29, $0x1;
	p1 =	sne.s32 s28, s0  }
0x4f: {  	p0 =	por !p0, !p1  }
0x50: {  	s0 =	simm.s32 $0x1;
	p0 =	por !p0, !p0  }
0x51: {  	s0 =	simm.s32 @!p0 $0x0  }
0x52: {  	s25 =	ssub.s32 s26, s0  }
0x53: {  	s0 =	sadd.s32 $0x1, s25  }
0x54: {  	s30 =	sand.u32 $0x1, s0  }
0x55: {  	p5 =	slt.s32 s25, $0x0;
	p6 =	seq.s32 s30, $0x1  }
0x56: {  	s31 =	sshrl.u32 s0, $0x1F;
	p0 =	por !p5, !p6  }
0x57: {  	s26 =	simm.s32 $0x1;
	s0 =	sadd.s32 s31, s0;
	p0 =	por !p0, !p0  }
0x58: {  	s0 =	sshra.s32 s0, $0x1;
	s26 =	simm.s32 @!p0 $0x0  }
0x59: {  	s0 =	ssub.s32 s0, s26  }
0x5a: {  	p0 =	slt.s32 s0, $0x1  }
.Ltmp1:
0x5b: {  	_ = 	snop;
	(pc) =	sbr.rel @p0 .LBB2_9-.Ltmp1, $2  }
0x5c: {  	_ =	sdelay $0x2  }
0x5d: {  	s26 =	simm.s32 $0x1  }
0x5e: {  	s28 =	sadd.s32 $0xFFFFFFFF, s0  }
0x5f: {  	p0 =	sne.s32 s28, $0x0  }
.Ltmp2:
0x60: {  	_ = 	snop;
	(pc) =	sbr.rel @!p0 .LBB2_5-.Ltmp2, $2  }
0x61: {  	_ =	sdelay $0x2  }
0x62: {  	p3 =	seq.s32 s26, $0x1;
	p1 =	por $0x0, $0x0  }
0x63: {  	s0 =	simm.s32 @!p3 $0x4  }
0x64: {  	p0 =	sge.s32 @!p3 s26, s25;
	_ =	swait.ge @!p3 [sflag:s0], $0x3200  }
0x65: {  	p1 =	por p0, p3;
	[sflag:s0] =	ssyncset.done @!p3 $0x0  }
0x66: {  	s29 =	simm.s32 @!p1 $0x5;
	[sflag:s0] =	ssyncadd.s32 @!p3 $0xFFFFCE00  }
0x67: {  	s9 =	sshrl.u32 s18, $0x3;
	_ =	swait.ge @!p1 [sflag:s29], $0x3200  }
0x68: {  	s31 =	sadd.s32 s5, s9;
	p0 =	slt.s32 s26, s25;
	[sflag:s29] =	ssyncset.done @!p1 $0x0  }
0x69: {  	s1 =	sadd.s32 @p0 $0x190, s18;
	s30 =	rddreg [dreg:$0x4];
	[sflag:s29] =	ssyncadd.s32 @!p1 $0xFFFFCE00  }
0x6a: {  	[tilespmem:s30], [sflag:$0x1] =	stream.linear.gather [hbm4b:s31+s3], $0x190, $0x38;
	[tilespmem:$0x1F8F0] =	vst v63  }
0x6b: {  	s0 =	sadd.s32 s6, s9;
	s1 =	sshrl.u32 @p0 s1, $0x3;
	s29 =	rddreg [dreg:$0x5]  }
0x6c: {  	[tilespmem:s29], [sflag:$0x1] =	stream.linear.gather [hbm4b:s0+s3], $0x190, $0x38;
	[tilespmem:$0x1F8F0] =	vst v63  }
0x6d: {  	s30 =	sadd.s32 @p0 s5, s1;
	s0 =	simm.s32 @p0 $0x0;
	s29 =	simm.s32 @p0 $0x1A0  }
0x6e: {  	[tilespmem:s29], [sflag:$0x1] =	stream.linear.gather @p0 [hbm4b:s30+s0], $0x190, $0x38;
	[tilespmem:$0x1F8F0] =	vst v63  }
0x6f: {  	s1 =	sadd.s32 @p0 s6, s1;
	s31 =	simm.s32 @p0 $0x1;
	s30 =	simm.s32 @p0 $0x4C0  }
0x70: {  	[tilespmem:s30], [sflag:$0x1] =	stream.linear.gather @p0 [hbm4b:s1+s0], $0x190, $0x38;
	[tilespmem:$0x1F8F0] =	vst v63  }
0x71: {  	_ =	swait.ge @p0 [sflag:s31], $0x190  }
0x72: {  	[sflag:s31] =	ssyncset.done @p0 $0x0  }
0x73: {  	[sflag:s31] =	ssyncadd.s32 @p0 $0xFFFFFE70  }
0x74: {  	_ =	swait.ge @p0 [sflag:s31], $0x190  }
0x75: {  	[sflag:s31] =	ssyncset.done @p0 $0x0  }
0x76: {  	[sflag:s31] =	ssyncadd.s32 @p0 $0xFFFFFE70  }
0x77: {  	_ =	swait.ge @p0 [sflag:s31], $0x190  }
0x78: {  	[sflag:s31] =	ssyncset.done @p0 $0x0  }
0x79: {  	[sflag:s31] =	ssyncadd.s32 @p0 $0xFFFFFE70  }
0x7a: {  	_ =	swait.ge @p0 [sflag:s31], $0x190  }
0x7b: {  	s8 =	simm.s32 @p0 $0x10;
	[sflag:s31] =	ssyncset.done @p0 $0x0  }
0x7c: {  	s0 =	simm.s32 @p0 $0x650;
	s1 =	simm.s32 @p0 $0x190;
	[sflag:s31] =	ssyncadd.s32 @p0 $0xFFFFFE70  }
0x7d: {  	[tilespmem:s0], [sflag:$0x2] =	stream.indirect.gather @p0 [hbm4b:s4+s1], $0x20, s8, s1, $0xb8;
	[tilespmem:$0x1F8F0] =	vst v63  }
0x7e: {  	s31 =	simm.s32 @p0 $0x2;
	s8 =	simm.s32 @p0 $0x3850  }
0x7f: {  	[tilespmem:s8], [sflag:$0x3] =	stream.indirect.gather @p0 [hbm4b:s4+s1], $0x20, s29, s1, $0xb8;
	[tilespmem:$0x1F8F0] =	vst v63  }
0x80: {  	_ =	swait.ge @p0 [sflag:s31], $0x3200  }
0x81: {  	[sflag:s31] =	ssyncset.done @p0 $0x0  }
0x82: {  	s29 =	simm.s32 @p0 $0x3;
	[sflag:s31] =	ssyncadd.s32 @p0 $0xFFFFCE00  }
0x83: {  	_ =	swait.ge @p0 [sflag:s29], $0x3200  }
0x84: {  	[sflag:s29] =	ssyncset.done @p0 $0x0  }
0x85: {  	s31 =	simm.s32 @p0 $0x330;
	[sflag:s29] =	ssyncadd.s32 @p0 $0xFFFFCE00  }
0x86: {  	[spmem:s2] =	stream.indirect.scatter.add.f32 @p0 [tilespmem:s0], [sflag:$0x4], $0x20, s31, s1, $0xb8;
	[tilespmem:$0x1F8F0] =	vst v63  }
0x87: {  	s0 =	simm.s32 @!p0 $0x1  }
0x88: {  	[spmem:s2] =	stream.indirect.scatter.add.f32 @p0 [tilespmem:s8], [sflag:$0x5], $0x20, s30, s1, $0xb8;
	[tilespmem:$0x1F8F0] =	vst v63  }
0x89: {  	s29 =	sadd.s32 $0xFFFFFFFF, s28;
	_ =	swait.ge @!p0 [sflag:s0], $0x190  }
0x8a: {  	s26 =	sadd.s32 $0x2, s26;
	p2 =	sne.s32 s29, $0x0;
	[sflag:s0] =	ssyncset.done @!p0 $0x0  }
.Ltmp3:
0x8b: {  	p3 =	seq.s32 s26, $0x1;
	[sflag:s0] =	ssyncadd.s32 @!p0 $0xFFFFFE70;
	(pc) =	sbr.rel @!p2 .LBB2_8-.Ltmp3, $4  }
0x8c: {  	p1 =	por $0x1, $0x1;
	s28 =	sadd.s32 $0x320, s18;
	_ =	swait.ge @!p0 [sflag:s0], $0x190  }
0x8d: {  	s31 =	simm.s32 @!p0 $0x190;
	s30 =	simm.s32 @!p0 $0x650;
	[sflag:s0] =	ssyncset.done @!p0 $0x0  }
0x8e: {  	s1 =	simm.s32 @!p0 $0x10;
	[sflag:s0] =	ssyncadd.s32 @!p0 $0xFFFFFE70;
	s0 =	simm.s32 @!p0 $0x2  }
0x8f: {  	[tilespmem:s30], [sflag:$0x2] =	stream.indirect.gather @!p0 [hbm4b:s4+s31], $0x20, s1, s31, $0xb8;
	[tilespmem:$0x1F8F0] =	vst v63  }
.LBB2_7:
0x90: {  	_ =	swait.ge @!p0 [sflag:s0], $0x3200  }
0x91: {  	[sflag:s0] =	ssyncset.done @!p0 $0x0  }
0x92: {  	s1 =	simm.s32 @!p3 $0x4;
	s8 =	simm.s32 @!p0 $0x330;
	[sflag:s0] =	ssyncadd.s32 @!p0 $0xFFFFCE00  }
0x93: {  	[spmem:s2] =	stream.indirect.scatter.add.f32 @!p0 [tilespmem:s30], [sflag:$0x4], $0x20, s8, s31, $0xb8;
	[tilespmem:$0x1F8F0] =	vst v63  }
0x94: {  	p4 =	sge.s32 @!p3 s26, s25;
	_ =	swait.ge @!p3 [sflag:s1], $0x3200  }
0x95: {  	p4 =	por p4, p3;
	[sflag:s1] =	ssyncset.done @!p3 $0x0  }
0x96: {  	s0 =	simm.s32 @!p4 $0x5;
	[sflag:s1] =	ssyncadd.s32 @!p3 $0xFFFFCE00  }
0x97: {  	s9 =	sshrl.u32 s28, $0x3;
	_ =	swait.ge @!p4 [sflag:s0], $0x3200  }
0x98: {  	s8 =	sadd.s32 s5, s9;
	p0 =	slt.s32 s26, s25;
	[sflag:s0] =	ssyncset.done @!p4 $0x0  }
0x99: {  	s31 =	sadd.s32 @p0 $0x190, s28;
	s30 =	rddreg [dreg:$0x4];
	[sflag:s0] =	ssyncadd.s32 @!p4 $0xFFFFCE00  }
0x9a: {  	[tilespmem:s30], [sflag:$0x1] =	stream.linear.gather [hbm4b:s8+s3], $0x190, $0x38;
	[tilespmem:$0x1F8F0] =	vst v63  }
0x9b: {  	s1 =	sadd.s32 s6, s9;
	s9 =	rddreg [dreg:$0x5];
	s8 =	sshrl.u32 @p0 s31, $0x3  }
0x9c: {  	[tilespmem:s9], [sflag:$0x1] =	stream.linear.gather [hbm4b:s1+s3], $0x190, $0x38;
	[tilespmem:$0x1F8F0] =	vst v63  }
0x9d: {  	s30 =	simm.s32 @p0 $0x0;
	s31 =	simm.s32 @p0 $0x1A0;
	s0 =	sadd.s32 @p0 s5, s8  }
0x9e: {  	[tilespmem:s31], [sflag:$0x1] =	stream.linear.gather @p0 [hbm4b:s0+s30], $0x190, $0x38;
	[tilespmem:$0x1F8F0] =	vst v63  }
0x9f: {  	s1 =	sadd.s32 @p0 s6, s8;
	s8 =	simm.s32 @p0 $0x4C0;
	s0 =	simm.s32 @p0 $0x1  }
0xa0: {  	[tilespmem:s8], [sflag:$0x1] =	stream.linear.gather @p0 [hbm4b:s1+s30], $0x190, $0x38;
	[tilespmem:$0x1F8F0] =	vst v63  }
0xa1: {  	_ =	swait.ge @p0 [sflag:s0], $0x190  }
0xa2: {  	[sflag:s0] =	ssyncset.done @p0 $0x0  }
0xa3: {  	[sflag:s0] =	ssyncadd.s32 @p0 $0xFFFFFE70  }
0xa4: {  	_ =	swait.ge @p0 [sflag:s0], $0x190  }
0xa5: {  	[sflag:s0] =	ssyncset.done @p0 $0x0  }
0xa6: {  	[sflag:s0] =	ssyncadd.s32 @p0 $0xFFFFFE70  }
0xa7: {  	_ =	swait.ge @p0 [sflag:s0], $0x190  }
0xa8: {  	[sflag:s0] =	ssyncset.done @p0 $0x0  }
0xa9: {  	[sflag:s0] =	ssyncadd.s32 @p0 $0xFFFFFE70  }
0xaa: {  	_ =	swait.ge @p0 [sflag:s0], $0x190  }
0xab: {  	s9 =	simm.s32 @p0 $0x10;
	[sflag:s0] =	ssyncset.done @p0 $0x0  }
0xac: {  	s1 =	simm.s32 @p0 $0x650;
	s30 =	simm.s32 @p0 $0x190;
	[sflag:s0] =	ssyncadd.s32 @p0 $0xFFFFFE70  }
0xad: {  	[tilespmem:s1], [sflag:$0x2] =	stream.indirect.gather @p0 [hbm4b:s4+s30], $0x20, s9, s30, $0xb8;
	[tilespmem:$0x1F8F0] =	vst v63  }
0xae: {  	s0 =	simm.s32 @p0 $0x3850;
	s9 =	simm.s32 @p0 $0x2  }
0xaf: {  	[tilespmem:s0], [sflag:$0x3] =	stream.indirect.gather @p0 [hbm4b:s4+s30], $0x20, s31, s30, $0xb8;
	[tilespmem:$0x1F8F0] =	vst v63  }
0xb0: {  	_ =	swait.ge @p0 [sflag:s9], $0x3200  }
0xb1: {  	[sflag:s9] =	ssyncset.done @p0 $0x0  }
0xb2: {  	s31 =	simm.s32 @p0 $0x3;
	[sflag:s9] =	ssyncadd.s32 @p0 $0xFFFFCE00  }
0xb3: {  	_ =	swait.ge @p0 [sflag:s31], $0x3200  }
0xb4: {  	[sflag:s31] =	ssyncset.done @p0 $0x0  }
0xb5: {  	s9 =	simm.s32 @p0 $0x330;
	[sflag:s31] =	ssyncadd.s32 @p0 $0xFFFFCE00  }
0xb6: {  	[spmem:s2] =	stream.indirect.scatter.add.f32 @p0 [tilespmem:s1], [sflag:$0x4], $0x20, s9, s30, $0xb8;
	[tilespmem:$0x1F8F0] =	vst v63  }
0xb7: {  	s1 =	simm.s32 @!p0 $0x1  }
0xb8: {  	[spmem:s2] =	stream.indirect.scatter.add.f32 @p0 [tilespmem:s0], [sflag:$0x5], $0x20, s8, s30, $0xb8;
	[tilespmem:$0x1F8F0] =	vst v63  }
0xb9: {  	s29 =	sadd.s32 $0xFFFFFFFF, s29;
	_ =	swait.ge @!p0 [sflag:s1], $0x190  }
0xba: {  	p2 =	sne.s32 s29, $0x0;
	[sflag:s1] =	ssyncset.done @!p0 $0x0  }
.Ltmp4:
0xbb: {  	s26 =	sadd.s32 $0x2, s26;
	[sflag:s1] =	ssyncadd.s32 @!p0 $0xFFFFFE70;
	(pc) =	sbr.rel @p2 .LBB2_7-.Ltmp4, $4  }
0xbc: {  	s28 =	sadd.s32 $0x320, s28;
	p3 =	seq.s32 s26, $0x1;
	_ =	swait.ge @!p0 [sflag:s1], $0x190  }
0xbd: {  	s31 =	simm.s32 @!p0 $0x190;
	s30 =	simm.s32 @!p0 $0x650;
	[sflag:s1] =	ssyncset.done @!p0 $0x0  }
0xbe: {  	s8 =	simm.s32 @!p0 $0x10;
	s0 =	simm.s32 @!p0 $0x2;
	[sflag:s1] =	ssyncadd.s32 @!p0 $0xFFFFFE70  }
0xbf: {  	[tilespmem:s30], [sflag:$0x2] =	stream.indirect.gather @!p0 [hbm4b:s4+s31], $0x20, s8, s31, $0xb8;
	[tilespmem:$0x1F8F0] =	vst v63  }
.LBB2_8:
0xc0: {  	p0 =	por p0, !p1  }
0xc1: {  	_ =	swait.ge @!p0 [sflag:s0], $0x3200  }
0xc2: {  	[sflag:s0] =	ssyncset.done @!p0 $0x0  }
0xc3: {  	s1 =	simm.s32 @!p3 $0x4;
	s8 =	simm.s32 @!p0 $0x330;
	[sflag:s0] =	ssyncadd.s32 @!p0 $0xFFFFCE00  }
0xc4: {  	[spmem:s2] =	stream.indirect.scatter.add.f32 @!p0 [tilespmem:s30], [sflag:$0x4], $0x20, s8, s31, $0xb8;
	[tilespmem:$0x1F8F0] =	vst v63  }
0xc5: {  	p0 =	sge.s32 @!p3 s26, s25;
	_ =	swait.ge @!p3 [sflag:s1], $0x3200  }
0xc6: {  	p1 =	por p0, p3;
	[sflag:s1] =	ssyncset.done @!p3 $0x0  }
0xc7: {  	s0 =	simm.s32 @!p1 $0x5;
	[sflag:s1] =	ssyncadd.s32 @!p3 $0xFFFFCE00  }
0xc8: {  	s29 =	sshrl.u32 s28, $0x3;
	_ =	swait.ge @!p1 [sflag:s0], $0x3200  }
0xc9: {  	s9 =	sadd.s32 s5, s29;
	p0 =	slt.s32 s26, s25;
	[sflag:s0] =	ssyncset.done @!p1 $0x0  }
0xca: {  	s26 =	sadd.s32 @p0 $0x190, s28;
	s30 =	rddreg [dreg:$0x4];
	[sflag:s0] =	ssyncadd.s32 @!p1 $0xFFFFCE00  }
0xcb: {  	[tilespmem:s30], [sflag:$0x1] =	stream.linear.gather [hbm4b:s9+s3], $0x190, $0x38;
	[tilespmem:$0x1F8F0] =	vst v63  }
0xcc: {  	s1 =	sadd.s32 s6, s29;
	s8 =	sshrl.u32 @p0 s26, $0x3;
	s31 =	rddreg [dreg:$0x5]  }
0xcd: {  	[tilespmem:s31], [sflag:$0x1] =	stream.linear.gather [hbm4b:s1+s3], $0x190, $0x38;
	[tilespmem:$0x1F8F0] =	vst v63  }
0xce: {  	s0 =	simm.s32 @p0 $0x0;
	s9 =	sadd.s32 @p0 s5, s8;
	s1 =	simm.s32 @p0 $0x1A0  }
0xcf: {  	[tilespmem:s1], [sflag:$0x1] =	stream.linear.gather @p0 [hbm4b:s9+s0], $0x190, $0x38;
	[tilespmem:$0x1F8F0] =	vst v63  }
0xd0: {  	s26 =	simm.s32 @p0 $0x1;
	s8 =	sadd.s32 @p0 s6, s8;
	s9 =	simm.s32 @p0 $0x4C0  }
0xd1: {  	[tilespmem:s9], [sflag:$0x1] =	stream.linear.gather @p0 [hbm4b:s8+s0], $0x190, $0x38;
	[tilespmem:$0x1F8F0] =	vst v63  }
0xd2: {  	_ =	swait.ge @p0 [sflag:s26], $0x190  }
0xd3: {  	[sflag:s26] =	ssyncset.done @p0 $0x0  }
0xd4: {  	[sflag:s26] =	ssyncadd.s32 @p0 $0xFFFFFE70  }
0xd5: {  	_ =	swait.ge @p0 [sflag:s26], $0x190  }
0xd6: {  	[sflag:s26] =	ssyncset.done @p0 $0x0  }
0xd7: {  	[sflag:s26] =	ssyncadd.s32 @p0 $0xFFFFFE70  }
0xd8: {  	_ =	swait.ge @p0 [sflag:s26], $0x190  }
0xd9: {  	[sflag:s26] =	ssyncset.done @p0 $0x0  }
0xda: {  	[sflag:s26] =	ssyncadd.s32 @p0 $0xFFFFFE70  }
0xdb: {  	_ =	swait.ge @p0 [sflag:s26], $0x190  }
0xdc: {  	s28 =	simm.s32 @p0 $0x10;
	[sflag:s26] =	ssyncset.done @p0 $0x0  }
0xdd: {  	s0 =	simm.s32 @p0 $0x650;
	s8 =	simm.s32 @p0 $0x190;
	[sflag:s26] =	ssyncadd.s32 @p0 $0xFFFFFE70  }
0xde: {  	[tilespmem:s0], [sflag:$0x2] =	stream.indirect.gather @p0 [hbm4b:s4+s8], $0x20, s28, s8, $0xb8;
	[tilespmem:$0x1F8F0] =	vst v63  }
0xdf: {  	s26 =	simm.s32 @p0 $0x3850;
	s28 =	simm.s32 @p0 $0x2  }
0xe0: {  	[tilespmem:s26], [sflag:$0x3] =	stream.indirect.gather @p0 [hbm4b:s4+s8], $0x20, s1, s8, $0xb8;
	[tilespmem:$0x1F8F0] =	vst v63  }
0xe1: {  	_ =	swait.ge @p0 [sflag:s28], $0x3200  }
0xe2: {  	[sflag:s28] =	ssyncset.done @p0 $0x0  }
0xe3: {  	s1 =	simm.s32 @p0 $0x3;
	[sflag:s28] =	ssyncadd.s32 @p0 $0xFFFFCE00  }
0xe4: {  	_ =	swait.ge @p0 [sflag:s1], $0x3200  }
0xe5: {  	[sflag:s1] =	ssyncset.done @p0 $0x0  }
0xe6: {  	s28 =	simm.s32 @p0 $0x330;
	[sflag:s1] =	ssyncadd.s32 @p0 $0xFFFFCE00  }
0xe7: {  	[spmem:s2] =	stream.indirect.scatter.add.f32 @p0 [tilespmem:s0], [sflag:$0x4], $0x20, s28, s8, $0xb8;
	[tilespmem:$0x1F8F0] =	vst v63  }
0xe8: {  	s0 =	simm.s32 @!p0 $0x1  }
0xe9: {  	[spmem:s2] =	stream.indirect.scatter.add.f32 @p0 [tilespmem:s26], [sflag:$0x5], $0x20, s9, s8, $0xb8;
	[tilespmem:$0x1F8F0] =	vst v63  }
0xea: {  	_ =	swait.ge @!p0 [sflag:s0], $0x190  }
0xeb: {  	[sflag:s0] =	ssyncset.done @!p0 $0x0  }
0xec: {  	[sflag:s0] =	ssyncadd.s32 @!p0 $0xFFFFFE70  }
0xed: {  	_ =	swait.ge @!p0 [sflag:s0], $0x190  }
0xee: {  	s1 =	simm.s32 @!p0 $0x650;
	s8 =	simm.s32 @!p0 $0x190;
	[sflag:s0] =	ssyncset.done @!p0 $0x0  }
0xef: {  	s9 =	simm.s32 @!p0 $0x10;
	[sflag:s0] =	ssyncadd.s32 @!p0 $0xFFFFFE70;
	s0 =	simm.s32 @!p0 $0x2  }
0xf0: {  	[tilespmem:s1], [sflag:$0x2] =	stream.indirect.gather @!p0 [hbm4b:s4+s8], $0x20, s9, s8, $0xb8;
	[tilespmem:$0x1F8F0] =	vst v63  }
0xf1: {  	_ =	swait.ge @!p0 [sflag:s0], $0x3200  }
0xf2: {  	[sflag:s0] =	ssyncset.done @!p0 $0x0  }
0xf3: {  	s9 =	simm.s32 @!p0 $0x330;
	[sflag:s0] =	ssyncadd.s32 @!p0 $0xFFFFCE00  }
0xf4: {  	[spmem:s2] =	stream.indirect.scatter.add.f32 @!p0 [tilespmem:s1], [sflag:$0x4], $0x20, s9, s8, $0xb8;
	[tilespmem:$0x1F8F0] =	vst v63  }
.LBB2_9:
0xf5: {  	p0 =	slt.s32 s25, $0x1  }
0xf6: {  	s0 =	simm.s32 @!p0 $0x4  }
0xf7: {  	p1 =	seq.s32 @!p0 s25, $0x1;
	_ =	swait.ge @!p0 [sflag:s0], $0x3200  }
0xf8: {  	p1 =	por p1, p0;
	[sflag:s0] =	ssyncset.done @!p0 $0x0  }
0xf9: {  	[sflag:s0] =	ssyncadd.s32 @!p0 $0xFFFFCE00;
	s0 =	simm.s32 @!p1 $0x5  }
0xfa: {  	_ =	swait.ge @!p1 [sflag:s0], $0x3200  }
0xfb: {  	[sflag:s0] =	ssyncset.done @!p1 $0x0  }
0xfc: {  	[sflag:s0] =	ssyncadd.s32 @!p1 $0xFFFFCE00  }
0xfd: {  	[bflag:$0x0] =	sbarrier.arrive $0xFFFF  }
0xfe: {  	[tilespmem:s21], [sflag:$0x6] =	stream.linear.gather [spmem:s20], $0x3200, $0x38;
	[tilespmem:$0x1F8F0] =	vst v63  }
0xff: {  	p0 =	sne.s32 s16, $0x1;
	_ =	swait.ge [sflag:s22], $0x3200  }
.Ltmp5:
0x100: {  	[sflag:s22] =	ssyncset.done $0x0;
	(pc) =	sbr.rel @!p0 .LBB2_11-.Ltmp5, $4  }
0x101: {  	[sflag:s22] =	ssyncadd.s32 $0xFFFFCE00  }
0x102: {  	[hbm4b:s19+s3] =	stream.linear.scatter [tilespmem:s21], [sflag:$0x6], $0x3200, $0x38;
	[tilespmem:$0x1F8F0] =	vst v63  }
0x103: {  	s26 =	smov.u32 s20;
	_ =	swait.ge [sflag:s22], $0x3200  }
0x104: {  	s25 =	smov.u32 s19;
	s0 =	sadd.s32 $0xFFFFFFFF, s16;
	[sflag:s22] =	ssyncset.done $0x0  }
.LBB2_10:
0x105: {  	[sflag:s22] =	ssyncadd.s32 $0xFFFFCE00;
	s25 =	sadd.s32 $0x6400, s25;
	s26 =	sadd.s32 $0x32000, s26  }
0x106: {  	[tilespmem:s21], [sflag:$0x6] =	stream.linear.gather [spmem:s26], $0x3200, $0x38;
	[tilespmem:$0x1F8F0] =	vst v63  }
0x107: {  	p0 =	sne.s32 s0, $0x1;
	s0 =	sadd.s32 $0xFFFFFFFF, s0;
	_ =	swait.ge [sflag:s22], $0x3200  }
.Ltmp6:
0x108: {  	[sflag:s22] =	ssyncset.done $0x0;
	(pc) =	sbr.rel @p0 .LBB2_10-.Ltmp6, $4  }
0x109: {  	[sflag:s22] =	ssyncadd.s32 $0xFFFFCE00  }
0x10a: {  	[hbm4b:s25+s3] =	stream.linear.scatter [tilespmem:s21], [sflag:$0x6], $0x3200, $0x38;
	[tilespmem:$0x1F8F0] =	vst v63  }
0x10b: {  	_ =	swait.ge [sflag:s22], $0x3200  }
0x10c: {  	[sflag:s22] =	ssyncset.done $0x0  }
.LBB2_11:
0x10d: {  	s24 =	sadd.s32 $0x1, s24  }
0x10e: {  	p0 =	sne.s32 s24, s17  }
.Ltmp7:
0x10f: {  	_ = 	snop;
	(pc) =	sbr.rel @p0 .LBB2_1-.Ltmp7, $4  }
.Ltmp8:
0x110: {  	_ = 	snop;
	(pc) =	sbr.rel @!p0 .LBB2_12-.Ltmp8, $4  }
0x111: {  	_ = 	snop  }
0x112: {  	_ = 	snop  }
0x113: {  	[sflag:s22] =	ssyncadd.s32 $0xFFFFCE00  }
0x114: {  	_ = 	snop  }
.LBB2_5:
.Ltmp9:
0x115: {  	(pc) =	sbr.rel .LBB2_8-.Ltmp9, $2  }
0x116: {  	_ =	sdelay $0x2  }
0x117: {  	s28 =	smov.u32 s18  }
.LBB2_12:
0x118: {  	_ =	sfence.sel $0x180000  }
0x119: {  	[bflag:$0x0] =	sbarrier.arrive $0xFFFF  }
0x11a: {  	_ =	strace $0x9000004A  }
0x11b: {  	s0 =	stileid.u32;
	[bflag:$0x2] =	sbarrier.arrive $0xFFFF  }
0x11c: {  	p0 =	sne.s32 s0, $0x0;
	s0 =	rddreg [dreg:$0x3]  }
0x11d: {  	s0 =	sadd.s32 @!p0 $0x100000, s0  }
0x11e: {  	[sflag:s0] =	ssyncadd.tile.s32 @!p0 $0x1;
	_ =	shalt  }
.Lfunc_end2:
_tile_overlayer_lowered:
.L_overlay_start_2:
0x11f: {  	(tag) =	ssettag $0x2  }
0x120: {  	s0 =	rddreg [dreg:$0x0];
	s2 =	stileid.u32  }
0x121: {  	s1 =	rddreg [dreg:$0x1];
	p0 =	sne.s32 s2, $0x0  }
0x122: {  	s3 =	rddreg [dreg:$0x2];
	[bflag:$0x3] =	sbarrier.arrive $0xFFFF;
	s2 =	simm.s32 @!p0 $0x1C06  }
0x123: {  	[timem:s3], [sflag:s2] =	dma.local @!p0 [hbm:s0], s1  }
0x124: {  	s0 =	simm.s32 @!p0 $0x6  }
0x125: {  	_ =	swait.ge @!p0 [sflag:s0], s1  }
0x126: {  	s1 =	ssub.s32 @!p0 $0x0, s1;
	[sflag:s0] =	ssyncset.done @!p0 $0x0  }
0x127: {  	[sflag:s0] =	ssyncadd.s32 @!p0 s1  }
0x128: {  	[bflag:$0x3] =	sbarrier.arrive $0xFFFF  }
0x129: {  	_ =	shalt  }

// kernel: kernel.16.cloned.1.call-start
scs
__scs_entry_jumppad:
0x0: {  	(pc) =	sbr.rel $0x88, $3  }
0x1: {  	(tag) =	ssettag $0x0;
	lr =	simm.s32 $0x1  }
0x2: {  	[smem:$0x3F96] =	sst lr;
	_ =	strace $0xD0000000  }
0x3: {  	_ = 	snop  }
0x4: {  	_ = 	snop  }
0x5: {  	_ = 	snop  }
0x6: {  	_ = 	snop  }
0x7: {  	_ = 	snop  }
__scs_overlays_trampoline_lowered:
0x8: {  	[smem:$0x3FA5] =	sst s0  }
0x9: {  	[smem:$0x3FA6] =	sst s1  }
0xa: {  	[smem:$0x3FA7] =	sst s2  }
0xb: {  	[smem:$0x3FA8] =	sst s3  }
0xc: {  	[smem:$0x3FA9] =	sst s4  }
0xd: {  	[smem:$0x3FAA] =	sst s5  }
0xe: {  	[smem:$0x3FAB] =	sst s6  }
0xf: {  	[smem:$0x3FAC] =	sst s7  }
0x10: {  	[smem:$0x3FAD] =	sst s8  }
0x11: {  	[smem:$0x3FAE] =	sst s9;
	s0 =	simm.s32 @!p0 $0x0  }
0x12: {  	s1 =	sld [smem:$0x3F94];
	s0 =	simm.s32 @p0 $0x1  }
0x13: {  	[smem:$0x3FAF] =	sst s0;
	s0 =	simm.s32 @!p1 $0x0  }
0x14: {  	s2 =	sld [smem:$0x3F93];
	s0 =	simm.s32 @p1 $0x1  }
0x15: {  	[smem:$0x3FB0] =	sst s0;
	s0 =	simm.s32 @!p2 $0x0  }
0x16: {  	s3 =	sld [smem:$0x3FDB];
	s0 =	simm.s32 @p2 $0x1  }
0x17: {  	s4 =	simm.s32 $0x1BF5;
	[smem:$0x3FB2] =	sst s0  }
0x18: {  	s0 =	sld [smem:$0x3F95];
	_ =	swait.ge [sflag:s4], $0x0  }
0x19: {  	s7 =	sld [smem:$0x3F96]  }
0x1a: {  	s8 =	sadd.s32 $0xFFFFE003, lr  }
0x1b: {  	s9 =	sadd.s32 $0xFFFFFEF7, lr;
	s5 =	simm.s32 $0xFFFFFFFF;
	p2 =	slt.u32 s8, $0xFFFFF086  }
0x1c: {  	p1 =	slt.u32 s9, $0xF7A;
	s5 =	simm.s32 @!p2 $0x0  }
0x1d: {  	s5 =	simm.s32 @p1 $0x1;
	p0 =	seq.s32 s7, s2  }
0x1e: {  	s7 =	smul.u32 @!p0 $0xF7A, s2;
	p2 =	seq.s32 @!p0 s5, $0x0  }
0x1f: {  	s9 =	smul.u32 $0xF7A, s1;
	s8 =	simm.s32 @!p0 $0x1BF5;
	p2 =	por !p2, p0  }
0x20: {  	[sflag:s8] =	ssyncset.s32 @!p0 $0xFFFFF086;
	s6 =	sadd.s32 @!p0 s3, s7;
	s7 =	simm.s32 @!p0 $0x108  }
0x21: {  	s3 =	sadd.s32 s3, s9;
	s6 =	sadd.s32 @!p0 $0x88, s6;
	s7 =	simm.s32 @p2 $0x1082  }
0x22: {  	[simem:s7], [sflag:s8] =	dma.local @!p0 [hbm:s6], $0xF7A  }
0x23: {  	s9 =	sor.u32 $0xD0000000, s2;
	s6 =	simm.s32 $0x108;
	_ =	swait.ge @!p0 [sflag:s8], $0x0  }
0x24: {  	s3 =	sadd.s32 $0x88, s3;
	s6 =	simm.s32 @!p1 $0x1082;
	[sflag:s4] =	ssyncset.s32 $0xFFFFF086  }
0x25: {  	[simem:s6], [sflag:s4] =	dma.local [hbm:s3], $0xF7A  }
0x26: {  	[smem:$0x3F96] =	sst s1;
	(tag) =	ssettag s2;
	_ =	strace s9  }
0x27: {  	s1 =	sld [smem:$0x3FA6]  }
0x28: {  	s2 =	sld [smem:$0x3FA7]  }
0x29: {  	s4 =	sld [smem:$0x3FA9]  }
0x2a: {  	p0 =	seq.s32 s5, $0x0;
	s5 =	sld [smem:$0x3FAA]  }
0x2b: {  	s6 =	sld [smem:$0x3FAB]  }
0x2c: {  	s7 =	sld [smem:$0x3FAC]  }
0x2d: {  	s3 =	simm.s32 $0x108;
	s8 =	sld [smem:$0x3FAD]  }
0x2e: {  	s3 =	simm.s32 @!p0 $0x1082;
	s9 =	sld [smem:$0x3FAE]  }
0x2f: {  	lr =	sadd.s32 s0, s3;
	s0 =	sld [smem:$0x3FA5]  }
0x30: {  	s3 =	sld [smem:$0x3FA8]  }
0x31: {  	[smem:$0x3FB1] =	sst s10  }
0x32: {  	s10 =	sld [smem:$0x3FAF];
	_ =	sdelay $0x3  }
0x33: {  	p0 =	seq.s32 s10, $0x1;
	s10 =	sld [smem:$0x3FB1];
	_ =	sdelay $0x3  }
0x34: {  	[smem:$0x3FB1] =	sst s10  }
0x35: {  	s10 =	sld [smem:$0x3FB0];
	_ =	sdelay $0x3  }
0x36: {  	p1 =	seq.s32 s10, $0x1;
	s10 =	sld [smem:$0x3FB1];
	_ =	sdelay $0x3  }
0x37: {  	[smem:$0x3FB1] =	sst s10  }
0x38: {  	s10 =	sld [smem:$0x3FB2]  }
0x39: {  	_ = 	snop;
	(pc) =	sbr.ind lr, $3  }
0x3a: {  	_ = 	snop  }
0x3b: {  	_ = 	snop  }
0x3c: {  	p2 =	seq.s32 s10, $0x1;
	s10 =	sld [smem:$0x3FB1]  }
0x3d: {  	_ =	shalt  }
0x3e: {  	_ =	shalt  }
0x3f: {  	_ =	shalt  }
0x40: {  	_ =	shalt  }
0x41: {  	_ =	shalt  }
0x42: {  	_ =	shalt  }
0x43: {  	_ =	shalt  }
0x44: {  	_ =	shalt  }
0x45: {  	_ =	shalt  }
0x46: {  	_ =	shalt  }
0x47: {  	_ =	shalt  }
0x48: {  	_ =	shalt  }
0x49: {  	_ =	shalt  }
0x4a: {  	_ =	shalt  }
0x4b: {  	_ =	shalt  }
0x4c: {  	_ =	shalt  }
0x4d: {  	_ =	shalt  }
0x4e: {  	_ =	shalt  }
0x4f: {  	_ =	shalt  }
0x50: {  	_ =	shalt  }
0x51: {  	_ =	shalt  }
0x52: {  	_ =	shalt  }
0x53: {  	_ =	shalt  }
0x54: {  	_ =	shalt  }
0x55: {  	_ =	shalt  }
0x56: {  	_ =	shalt  }
0x57: {  	_ =	shalt  }
0x58: {  	_ =	shalt  }
0x59: {  	_ =	shalt  }
0x5a: {  	_ =	shalt  }
0x5b: {  	_ =	shalt  }
0x5c: {  	_ =	shalt  }
0x5d: {  	_ =	shalt  }
0x5e: {  	_ =	shalt  }
0x5f: {  	_ =	shalt  }
0x60: {  	_ =	shalt  }
0x61: {  	_ =	shalt  }
0x62: {  	_ =	shalt  }
0x63: {  	_ =	shalt  }
0x64: {  	_ =	shalt  }
0x65: {  	_ =	shalt  }
0x66: {  	_ =	shalt  }
0x67: {  	_ =	shalt  }
0x68: {  	_ =	shalt  }
0x69: {  	_ =	shalt  }
0x6a: {  	_ =	shalt  }
0x6b: {  	_ =	shalt  }
0x6c: {  	_ =	shalt  }
0x6d: {  	_ =	shalt  }
0x6e: {  	_ =	shalt  }
0x6f: {  	_ =	shalt  }
0x70: {  	_ =	shalt  }
0x71: {  	_ =	shalt  }
0x72: {  	_ =	shalt  }
0x73: {  	_ =	shalt  }
0x74: {  	_ =	shalt  }
0x75: {  	_ =	shalt  }
0x76: {  	_ =	shalt  }
0x77: {  	_ =	shalt  }
0x78: {  	_ =	shalt  }
0x79: {  	_ =	shalt  }
0x7a: {  	_ =	shalt  }
0x7b: {  	_ =	shalt  }
0x7c: {  	_ =	shalt  }
0x7d: {  	_ =	shalt  }
0x7e: {  	_ =	shalt  }
0x7f: {  	_ =	shalt  }
0x80: {  	_ =	shalt  }
0x81: {  	_ =	shalt  }
0x82: {  	_ =	shalt  }
0x83: {  	_ =	shalt  }
0x84: {  	_ =	shalt  }
0x85: {  	_ =	shalt  }
0x86: {  	_ =	shalt  }
0x87: {  	_ =	shalt  }
.Lfunc_end0:
.L_simem_size_0:
called_computation.2_lowered:
.L_overlay_start_0:
0x88: {  	s2 =	sld [smem:$0x3FD9]  }
0x89: {  	s3 =	sld [smem:$0x3FFE];
	_ =	sdelay $0x1  }
0x8a: {  	s1 =	srdreg.scid  }
0x8b: {  	s0 =	sand.u32 $0x1, s1  }
0x8c: {  	s17 =	sshll.u32 s0, $0xA;
	s2 =	sadd.s32 s3, s2  }
0x8d: {  	s2 =	sadd.s32 s2, s17  }
0x8e: {  	[smem:$0x3FBD] =	sst s2  }
0x8f: {  	_ = 	snop  }
0x90: {  	s2 =	sld [smem:$0x3FD0];
	(tm) =	ssettm $0x1  }
0x91: {  	s18 =	sld [smem:$0x3FFB];
	_ =	sdelay $0x3  }
0x92: {  	_ =	strace s18  }
0x93: {  	s3 =	sld [smem:$0x3FFC];
	_ =	sdelay $0x3  }
0x94: {  	_ =	strace s3  }
0x95: {  	s3 =	sld [smem:$0x3FFD];
	_ =	sdelay $0x3  }
0x96: {  	_ =	strace s3  }
0x97: {  	_ =	strace $0x8FFFFFFF  }
0x98: {  	s19 =	sld [smem:$0x3FDB];
	_ =	sdelay $0x1  }
0x99: {  	s4 =	simm.s32 $_scs_section_size  }
0x9a: {  	s5 =	simm.s32 $_size__tile_overlayer_lowered;
	s6 =	simm.s32 $_tile_overlayer_lowered  }
0x9b: {  	s22 =	simm.s32 $0x1BFF;
	s21 =	sshll.u32 s6, $0x1;
	s3 =	sadd.s32 s4, s19  }
0x9c: {  	s7 =	simm.s32 $0x0;
	s20 =	sshll.u32 s5, $0x1;
	s5 =	sadd.s32 s21, s3  }
0x9d: {  	[timem:s7], [sflag:s22] =	dma.local [hbm:s5], s20  }
0x9e: {  	_ =	swait.ge [sflag:s22], s20  }
0x9f: {  	s4 =	ssub.s32 $0x0, s20;
	[sflag:s22] =	ssyncset.done $0x0  }
0xa0: {  	[sflag:s22] =	ssyncadd.s32 s4;
	_ =	sdelay $0x1  }
0xa1: {  	s23 =	simm.s32 $0x1B8B  }
0xa2: {  	_ =	swait.ge [sflag:s23], $0x1  }
0xa3: {  	[sflag:s23] =	ssyncset.done $0x0  }
0xa4: {  	s25 =	simm.s32 $0x1B8E;
	s24 =	sld [smem:$0x3FFE];
	[sflag:s23] =	ssyncadd.s32 $0xFFFFFFFF  }
0xa5: {  	s26 =	simm.s32 $execute0_lowered;
	[smem:$0x3FD2] =	sst s25  }
0xa6: {  	s5 =	sshll.u32 s26, $0x1;
	_ =	strace $0x8000004C;
	[dreg:$0x1] =	wrdreg $0xFFFFFFFF  }
0xa7: {  	s28 =	simm.s32 $_size_execute0_lowered;
	s3 =	sadd.s32 s3, s5;
	[dreg:$0x0] =	wrdreg $0x0  }
0xa8: {  	s5 =	sshll.u32 s28, $0x1;
	[dreg:$0x2] =	wrdreg s3  }
0xa9: {  	[dreg:$0x3] =	wrdreg s5  }
0xaa: {  	[dreg:$0x4] =	wrdreg $0xC0  }
0xab: {  	_ =	task [dreg:s7], $0x5FFFF  }
0xac: {  	[dreg:$0x1] =	wrdreg $0xFFFFFFFF  }
0xad: {  	[dreg:$0x0] =	wrdreg $0x60  }
0xae: {  	[dreg:$0x2] =	wrdreg s24  }
0xaf: {  	[dreg:$0x3] =	wrdreg s2  }
0xb0: {  	[dreg:$0x4] =	wrdreg $0x6A500  }
0xb1: {  	[dreg:$0x5] =	wrdreg $0x9  }
0xb2: {  	_ =	task.clear_ibuf [dreg:s7], $0x6FFFF;
	_ =	strace $0x9000004C  }
0xb3: {  	s29 =	simm.s32 $0x9;
	_ =	strace $0x8000004E  }
0xb4: {  	_ =	swait.ge [sflag:s29], $0x1  }
0xb5: {  	[sflag:s29] =	ssyncadd.s32 $0xFFFFFFFF  }
0xb6: {  	_ =	strace $0x9000004E  }
0xb7: {  	_ =	sfence  }
0xb8: {  	s30 =	sld [smem:$0x0];
	_ =	sdelay $0x2  }
0xb9: {  	s31 =	sshll.u32 s1, $0xD;
	s1 =	sshrl.u32 s1, $0x2  }
0xba: {  	s3 =	sand.u32 $0x4000, s31;
	s1 =	sadd.s32 s1, s30  }
0xbb: {  	s0 =	sor.u32 s3, s0;
	s1 =	sshll.u32 s1, $0x11  }
0xbc: {  	s0 =	sor.u32 s1, s0  }
0xbd: {  	s0 =	sadd.s32 $0x8F2B, s0  }
0xbe: {  	[sflag:s0] =	ssyncadd.remote.s32 $0x1  }
0xbf: {  	_ =	sfence.sel $0xFFFF  }
0xc0: {  	[dreg:$0x0] =	wrdreg $0xFFFFFFFF;
	(pc) =	sbr.abs _section_cstart, $3  }
0xc1: {  	[dreg:$0x1] =	wrdreg $0xFFFFFFFF  }
0xc2: {  	_ =	task.clear_ibuf [dreg:s7], $0x2FFFF;
	_ =	strace $0x9FFFFFFF  }
0xc3: {  	(tm) =	ssettm $0x7FFFFFFF  }
tec
execute0_lowered:
.L_overlay_start_1:
0x0: {  	(tag) =	ssettag $0x1  }
0x1: {  	s0 =	rddreg [dreg:$0x0]  }
0x2: {  	s15 =	rddreg [dreg:$0x1]  }
0x3: {  	s2 =	rddreg [dreg:$0x2];
	s3 =	simm.s32 $0x0;
	s1 =	stileid.u32  }
0x4: {  	s6 =	srdreg.scid;
	s30 =	simm.s32 $0x10;
	s22 =	simm.s32 $0x6  }
0x5: {  	s31 =	simm.s32 $0x330;
	s23 =	simm.s32 $0x3850;
	s7 =	smul.u32 $0x61C00, s1  }
0x6: {  	[smem:$0x7FF] =	sst s3;
	s4 =	sadd.s32 $0x2200, s0;
	s20 =	smul.u32 $0xC990, s1  }
0x7: {  	s5 =	sadd.s32 $0x67000, s0;
	s14 =	sand.u32 $0x1, s6;
	s26 =	smul.u32 $0x640, s1  }
0x8: {  	s6 =	sadd.s32 $0x99800, s0;
	s16 =	sshll.u32 s1, $0x1;
	s21 =	smul.u32 $0xC800, s1  }
0x9: {  	s28 =	ssub.s32 $0x8C, s1;
	_ =	strace $0x8000004D;
	s8 =	smul.u32 $0x30D40, s14  }
0xa: {  	s9 =	ssub.s32 $0x2, s14;
	s18 =	smul.u32 $0xC9900, s14;
	[dreg:$0x4] =	wrdreg s30  }
0xb: {  	s19 =	sshll.u32 s14, $0x5;
	[dreg:$0x5] =	wrdreg s31;
	s7 =	sshrl.u32 s7, $0x2  }
0xc: {  	s10 =	sshrl.u32 s9, $0x1;
	s16 =	sor.u32 s16, s19;
	s29 =	sshrl.u32 s21, $0x2  }
0xd: {  	s21 =	simm.s32 $0x650;
	s7 =	sadd.s32 s7, s2;
	s0 =	sadd.s32 s8, s0  }
0xe: {  	s17 =	ssub.s32 s9, s10;
	s15 =	sadd.s32 s15, s16;
	s16 =	sshrl.u32 s28, $0x4  }
0xf: {  	s18 =	sadd.s32 s20, s18;
	s20 =	sadd.s32 s29, s2;
	s24 =	sadd.s32 $0x3200, s7  }
0x10: {  	s25 =	sadd.s32 $0x6400, s7;
	s10 =	sadd.s32 $0x9600, s7;
	s11 =	sadd.s32 $0xC800, s7  }
0x11: {  	s12 =	sadd.s32 $0xFA00, s7;
	s13 =	sadd.s32 $0x12C00, s7;
	s14 =	sadd.s32 $0x15E00, s7  }
0x12: {  	s17 =	smax.u32 s17, $0x1;
	s0 =	sadd.s32 s26, s0;
	[dreg:$0x6] =	wrdreg s24  }
0x13: {  	v0 =	vimm.f32 $0.0e+00;
	[dreg:$0x7] =	wrdreg s25;
	s19 =	sadd.s32 $0x3D9400, s0;
	s24 =	simm.s32 $0x0  }
.LBB2_1:
0x14: {  	s0 =	simm.s32 $0x40;
	s25 =	simm.s32 $0x0  }
.LBB2_2:
0x15: {  	p0 =	sne.s32 s0, $0xC7C0;
	[tilespmem:s25+$0x650] =	vst v0;
	s26 =	smov.u32 s0;
	s0 =	sadd.s32 $0x40, s0  }
.Ltmp0:
0x16: {  	[tilespmem:s25+$0x3850] =	vst v0;
	(pc) =	sbr.rel @p0 .LBB2_2-.Ltmp0, $2  }
0x17: {  	_ =	sdelay $0x2  }
0x18: {  	s25 =	sshra.s32 s26, $0x2  }
0x19: {  	[tilespmem:s25+$0x650] =	vst v0  }
0x1a: {  	[tilespmem:s25+$0x3850] =	vst v0  }
0x1b: {  	[spmem:s7] =	stream.linear.scatter [tilespmem:s21], [sflag:$0x6], $0x3200, $0x38;
	[tilespmem:$0x1F8F0] =	vst v63  }
0x1c: {  	_ =	swait.ge [sflag:s22], $0x3200  }
0x1d: {  	[sflag:s22] =	ssyncset.done $0x0  }
0x1e: {  	s0 =	rddreg [dreg:$0x6];
	[sflag:s22] =	ssyncadd.s32 $0xFFFFCE00  }
0x1f: {  	[spmem:s0] =	stream.linear.scatter [tilespmem:s23], [sflag:$0x6], $0x3200, $0x38;
	[tilespmem:$0x1F8F0] =	vst v63  }
0x20: {  	_ =	swait.ge [sflag:s22], $0x3200  }
0x21: {  	[sflag:s22] =	ssyncset.done $0x0  }
0x22: {  	s9 =	rddreg [dreg:$0x7];
	[sflag:s22] =	ssyncadd.s32 $0xFFFFCE00  }
0x23: {  	[spmem:s9] =	stream.linear.scatter [tilespmem:s21], [sflag:$0x6], $0x3200, $0x38;
	[tilespmem:$0x1F8F0] =	vst v63  }
0x24: {  	_ =	swait.ge [sflag:s22], $0x3200  }
0x25: {  	[sflag:s22] =	ssyncset.done $0x0  }
0x26: {  	[sflag:s22] =	ssyncadd.s32 $0xFFFFCE00  }
0x27: {  	[spmem:s10] =	stream.linear.scatter [tilespmem:s23], [sflag:$0x6], $0x3200, $0x38;
	[tilespmem:$0x1F8F0] =	vst v63  }
0x28: {  	_ =	swait.ge [sflag:s22], $0x3200  }
0x29: {  	[sflag:s22] =	ssyncset.done $0x0  }
0x2a: {  	[sflag:s22] =	ssyncadd.s32 $0xFFFFCE00  }
0x2b: {  	[spmem:s11] =	stream.linear.scatter [tilespmem:s21], [sflag:$0x6], $0x3200, $0x38;
	[tilespmem:$0x1F8F0] =	vst v63  }
0x2c: {  	_ =	swait.ge [sflag:s22], $0x3200  }
0x2d: {  	[sflag:s22] =	ssyncset.done $0x0  }
0x2e: {  	[sflag:s22] =	ssyncadd.s32 $0xFFFFCE00  }
0x2f: {  	[spmem:s12] =	stream.linear.scatter [tilespmem:s23], [sflag:$0x6], $0x3200, $0x38;
	[tilespmem:$0x1F8F0] =	vst v63  }
0x30: {  	_ =	swait.ge [sflag:s22], $0x3200  }
0x31: {  	[sflag:s22] =	ssyncset.done $0x0  }
0x32: {  	[sflag:s22] =	ssyncadd.s32 $0xFFFFCE00  }
0x33: {  	[spmem:s13] =	stream.linear.scatter [tilespmem:s21], [sflag:$0x6], $0x3200, $0x38;
	[tilespmem:$0x1F8F0] =	vst v63  }
0x34: {  	_ =	swait.ge [sflag:s22], $0x3200  }
0x35: {  	[sflag:s22] =	ssyncset.done $0x0  }
0x36: {  	[sflag:s22] =	ssyncadd.s32 $0xFFFFCE00  }
0x37: {  	[spmem:s14] =	stream.linear.scatter [tilespmem:s23], [sflag:$0x6], $0x2900, $0x38;
	[tilespmem:$0x1F8F0] =	vst v63  }
0x38: {  	_ =	swait.ge [sflag:s22], $0x2900  }
0x39: {  	[sflag:s22] =	ssyncset.done $0x0  }
0x3a: {  	[sflag:s22] =	ssyncadd.s32 $0xFFFFD700  }
0x3b: {  	[bflag:$0x0] =	sbarrier.arrive $0xFFFF  }
0x3c: {  	[tilespmem:s3], [sflag:$0x6] =	stream.linear.gather [hbm4b:s15+s3], $0x10, $0x38;
	[tilespmem:$0x1F8F0] =	vst v63  }
0x3d: {  	_ =	swait.ge [sflag:s22], $0x10  }
0x3e: {  	[sflag:s22] =	ssyncset.done $0x0  }
0x3f: {  	[sflag:s22] =	ssyncadd.s32 $0xFFFFFFF0  }
0x40: {  	v1 =	vld [tilespmem:$0x0];
	_ =	sdelay $0x4  }
0x41: {  	v1 =	vxor.u32 $0x80000000, v1  }
0x42: {  	(xrf0) =	vmax.scan.msk.u32 $0xffff, v1;
	_ =	sdelay $0x5  }
0x43: {  	v1, _, _ =	vpop (xrf0)  }
0x44: {  	(v2sf) =	vpush v1, $0xF;
	_ =	sdelay $0xe  }
0x45: {  	s25 =	spop (v2sf)  }
0x46: {  	s29 =	sadd.s32 $0x8000018F, s25  }
0x47: {  	s26 =	smulhi.u32 $0x51EB851F, s29;
	s28 =	sshra.s32 s29, $0x1F  }
0x48: {  	s28 =	smul.u32 $0x51EB851F, s28;
	_ =	sdelay $0x1  }
0x49: {  	s26 =	sadd.s32 s28, s26  }
0x4a: {  	s28 =	sshrl.u32 s26, $0x1F;
	s26 =	sshra.s32 s26, $0x7  }
0x4b: {  	s26 =	sadd.s32 s28, s26  }
0x4c: {  	s28 =	smul.u32 $0xFFFFFE70, s26  }
0x4d: {  	s0 =	ssub.s32 $0x7FFFFE71, s25  }
0x4e: {  	p0 =	slt.s32 s29, $0x1;
	p1 =	sne.s32 s28, s0  }
0x4f: {  	p0 =	por !p0, !p1  }
0x50: {  	s0 =	simm.s32 $0x1;
	p0 =	por !p0, !p0  }
0x51: {  	s0 =	simm.s32 @!p0 $0x0  }
0x52: {  	s25 =	ssub.s32 s26, s0  }
0x53: {  	s0 =	sadd.s32 $0x1, s25  }
0x54: {  	s30 =	sand.u32 $0x1, s0  }
0x55: {  	p5 =	slt.s32 s25, $0x0;
	p6 =	seq.s32 s30, $0x1  }
0x56: {  	s31 =	sshrl.u32 s0, $0x1F;
	p0 =	por !p5, !p6  }
0x57: {  	s26 =	simm.s32 $0x1;
	s0 =	sadd.s32 s31, s0;
	p0 =	por !p0, !p0  }
0x58: {  	s0 =	sshra.s32 s0, $0x1;
	s26 =	simm.s32 @!p0 $0x0  }
0x59: {  	s0 =	ssub.s32 s0, s26  }
0x5a: {  	p0 =	slt.s32 s0, $0x1  }
.Ltmp1:
0x5b: {  	_ = 	snop;
	(pc) =	sbr.rel @p0 .LBB2_9-.Ltmp1, $2  }
0x5c: {  	_ =	sdelay $0x2  }
0x5d: {  	s26 =	simm.s32 $0x1  }
0x5e: {  	s28 =	sadd.s32 $0xFFFFFFFF, s0  }
0x5f: {  	p0 =	sne.s32 s28, $0x0  }
.Ltmp2:
0x60: {  	_ = 	snop;
	(pc) =	sbr.rel @!p0 .LBB2_5-.Ltmp2, $2  }
0x61: {  	_ =	sdelay $0x2  }
0x62: {  	p3 =	seq.s32 s26, $0x1;
	p1 =	por $0x0, $0x0  }
0x63: {  	s0 =	simm.s32 @!p3 $0x4  }
0x64: {  	p0 =	sge.s32 @!p3 s26, s25;
	_ =	swait.ge @!p3 [sflag:s0], $0x3200  }
0x65: {  	p1 =	por p0, p3;
	[sflag:s0] =	ssyncset.done @!p3 $0x0  }
0x66: {  	s29 =	simm.s32 @!p1 $0x5;
	[sflag:s0] =	ssyncadd.s32 @!p3 $0xFFFFCE00  }
0x67: {  	s9 =	sshrl.u32 s18, $0x3;
	_ =	swait.ge @!p1 [sflag:s29], $0x3200  }
0x68: {  	s31 =	sadd.s32 s5, s9;
	p0 =	slt.s32 s26, s25;
	[sflag:s29] =	ssyncset.done @!p1 $0x0  }
0x69: {  	s1 =	sadd.s32 @p0 $0x190, s18;
	s30 =	rddreg [dreg:$0x4];
	[sflag:s29] =	ssyncadd.s32 @!p1 $0xFFFFCE00  }
0x6a: {  	[tilespmem:s30], [sflag:$0x1] =	stream.linear.gather [hbm4b:s31+s3], $0x190, $0x38;
	[tilespmem:$0x1F8F0] =	vst v63  }
0x6b: {  	s0 =	sadd.s32 s6, s9;
	s1 =	sshrl.u32 @p0 s1, $0x3;
	s29 =	rddreg [dreg:$0x5]  }
0x6c: {  	[tilespmem:s29], [sflag:$0x1] =	stream.linear.gather [hbm4b:s0+s3], $0x190, $0x38;
	[tilespmem:$0x1F8F0] =	vst v63  }
0x6d: {  	s30 =	sadd.s32 @p0 s5, s1;
	s0 =	simm.s32 @p0 $0x0;
	s29 =	simm.s32 @p0 $0x1A0  }
0x6e: {  	[tilespmem:s29], [sflag:$0x1] =	stream.linear.gather @p0 [hbm4b:s30+s0], $0x190, $0x38;
	[tilespmem:$0x1F8F0] =	vst v63  }
0x6f: {  	s1 =	sadd.s32 @p0 s6, s1;
	s31 =	simm.s32 @p0 $0x1;
	s30 =	simm.s32 @p0 $0x4C0  }
0x70: {  	[tilespmem:s30], [sflag:$0x1] =	stream.linear.gather @p0 [hbm4b:s1+s0], $0x190, $0x38;
	[tilespmem:$0x1F8F0] =	vst v63  }
0x71: {  	_ =	swait.ge @p0 [sflag:s31], $0x190  }
0x72: {  	[sflag:s31] =	ssyncset.done @p0 $0x0  }
0x73: {  	[sflag:s31] =	ssyncadd.s32 @p0 $0xFFFFFE70  }
0x74: {  	_ =	swait.ge @p0 [sflag:s31], $0x190  }
0x75: {  	[sflag:s31] =	ssyncset.done @p0 $0x0  }
0x76: {  	[sflag:s31] =	ssyncadd.s32 @p0 $0xFFFFFE70  }
0x77: {  	_ =	swait.ge @p0 [sflag:s31], $0x190  }
0x78: {  	[sflag:s31] =	ssyncset.done @p0 $0x0  }
0x79: {  	[sflag:s31] =	ssyncadd.s32 @p0 $0xFFFFFE70  }
0x7a: {  	_ =	swait.ge @p0 [sflag:s31], $0x190  }
0x7b: {  	s8 =	simm.s32 @p0 $0x10;
	[sflag:s31] =	ssyncset.done @p0 $0x0  }
0x7c: {  	s0 =	simm.s32 @p0 $0x650;
	s1 =	simm.s32 @p0 $0x190;
	[sflag:s31] =	ssyncadd.s32 @p0 $0xFFFFFE70  }
0x7d: {  	[tilespmem:s0], [sflag:$0x2] =	stream.indirect.gather @p0 [hbm4b:s4+s1], $0x20, s8, s1, $0xb8;
	[tilespmem:$0x1F8F0] =	vst v63  }
0x7e: {  	s31 =	simm.s32 @p0 $0x2;
	s8 =	simm.s32 @p0 $0x3850  }
0x7f: {  	[tilespmem:s8], [sflag:$0x3] =	stream.indirect.gather @p0 [hbm4b:s4+s1], $0x20, s29, s1, $0xb8;
	[tilespmem:$0x1F8F0] =	vst v63  }
0x80: {  	_ =	swait.ge @p0 [sflag:s31], $0x3200  }
0x81: {  	[sflag:s31] =	ssyncset.done @p0 $0x0  }
0x82: {  	s29 =	simm.s32 @p0 $0x3;
	[sflag:s31] =	ssyncadd.s32 @p0 $0xFFFFCE00  }
0x83: {  	_ =	swait.ge @p0 [sflag:s29], $0x3200  }
0x84: {  	[sflag:s29] =	ssyncset.done @p0 $0x0  }
0x85: {  	s31 =	simm.s32 @p0 $0x330;
	[sflag:s29] =	ssyncadd.s32 @p0 $0xFFFFCE00  }
0x86: {  	[spmem:s2] =	stream.indirect.scatter.add.f32 @p0 [tilespmem:s0], [sflag:$0x4], $0x20, s31, s1, $0xb8;
	[tilespmem:$0x1F8F0] =	vst v63  }
0x87: {  	s0 =	simm.s32 @!p0 $0x1  }
0x88: {  	[spmem:s2] =	stream.indirect.scatter.add.f32 @p0 [tilespmem:s8], [sflag:$0x5], $0x20, s30, s1, $0xb8;
	[tilespmem:$0x1F8F0] =	vst v63  }
0x89: {  	s29 =	sadd.s32 $0xFFFFFFFF, s28;
	_ =	swait.ge @!p0 [sflag:s0], $0x190  }
0x8a: {  	s26 =	sadd.s32 $0x2, s26;
	p2 =	sne.s32 s29, $0x0;
	[sflag:s0] =	ssyncset.done @!p0 $0x0  }
.Ltmp3:
0x8b: {  	p3 =	seq.s32 s26, $0x1;
	[sflag:s0] =	ssyncadd.s32 @!p0 $0xFFFFFE70;
	(pc) =	sbr.rel @!p2 .LBB2_8-.Ltmp3, $4  }
0x8c: {  	p1 =	por $0x1, $0x1;
	s28 =	sadd.s32 $0x320, s18;
	_ =	swait.ge @!p0 [sflag:s0], $0x190  }
0x8d: {  	s31 =	simm.s32 @!p0 $0x190;
	s30 =	simm.s32 @!p0 $0x650;
	[sflag:s0] =	ssyncset.done @!p0 $0x0  }
0x8e: {  	s1 =	simm.s32 @!p0 $0x10;
	[sflag:s0] =	ssyncadd.s32 @!p0 $0xFFFFFE70;
	s0 =	simm.s32 @!p0 $0x2  }
0x8f: {  	[tilespmem:s30], [sflag:$0x2] =	stream.indirect.gather @!p0 [hbm4b:s4+s31], $0x20, s1, s31, $0xb8;
	[tilespmem:$0x1F8F0] =	vst v63  }
.LBB2_7:
0x90: {  	_ =	swait.ge @!p0 [sflag:s0], $0x3200  }
0x91: {  	[sflag:s0] =	ssyncset.done @!p0 $0x0  }
0x92: {  	s1 =	simm.s32 @!p3 $0x4;
	s8 =	simm.s32 @!p0 $0x330;
	[sflag:s0] =	ssyncadd.s32 @!p0 $0xFFFFCE00  }
0x93: {  	[spmem:s2] =	stream.indirect.scatter.add.f32 @!p0 [tilespmem:s30], [sflag:$0x4], $0x20, s8, s31, $0xb8;
	[tilespmem:$0x1F8F0] =	vst v63  }
0x94: {  	p4 =	sge.s32 @!p3 s26, s25;
	_ =	swait.ge @!p3 [sflag:s1], $0x3200  }
0x95: {  	p4 =	por p4, p3;
	[sflag:s1] =	ssyncset.done @!p3 $0x0  }
0x96: {  	s0 =	simm.s32 @!p4 $0x5;
	[sflag:s1] =	ssyncadd.s32 @!p3 $0xFFFFCE00  }
0x97: {  	s9 =	sshrl.u32 s28, $0x3;
	_ =	swait.ge @!p4 [sflag:s0], $0x3200  }
0x98: {  	s8 =	sadd.s32 s5, s9;
	p0 =	slt.s32 s26, s25;
	[sflag:s0] =	ssyncset.done @!p4 $0x0  }
0x99: {  	s31 =	sadd.s32 @p0 $0x190, s28;
	s30 =	rddreg [dreg:$0x4];
	[sflag:s0] =	ssyncadd.s32 @!p4 $0xFFFFCE00  }
0x9a: {  	[tilespmem:s30], [sflag:$0x1] =	stream.linear.gather [hbm4b:s8+s3], $0x190, $0x38;
	[tilespmem:$0x1F8F0] =	vst v63  }
0x9b: {  	s1 =	sadd.s32 s6, s9;
	s9 =	rddreg [dreg:$0x5];
	s8 =	sshrl.u32 @p0 s31, $0x3  }
0x9c: {  	[tilespmem:s9], [sflag:$0x1] =	stream.linear.gather [hbm4b:s1+s3], $0x190, $0x38;
	[tilespmem:$0x1F8F0] =	vst v63  }
0x9d: {  	s30 =	simm.s32 @p0 $0x0;
	s31 =	simm.s32 @p0 $0x1A0;
	s0 =	sadd.s32 @p0 s5, s8  }
0x9e: {  	[tilespmem:s31], [sflag:$0x1] =	stream.linear.gather @p0 [hbm4b:s0+s30], $0x190, $0x38;
	[tilespmem:$0x1F8F0] =	vst v63  }
0x9f: {  	s1 =	sadd.s32 @p0 s6, s8;
	s8 =	simm.s32 @p0 $0x4C0;
	s0 =	simm.s32 @p0 $0x1  }
0xa0: {  	[tilespmem:s8], [sflag:$0x1] =	stream.linear.gather @p0 [hbm4b:s1+s30], $0x190, $0x38;
	[tilespmem:$0x1F8F0] =	vst v63  }
0xa1: {  	_ =	swait.ge @p0 [sflag:s0], $0x190  }
0xa2: {  	[sflag:s0] =	ssyncset.done @p0 $0x0  }
0xa3: {  	[sflag:s0] =	ssyncadd.s32 @p0 $0xFFFFFE70  }
0xa4: {  	_ =	swait.ge @p0 [sflag:s0], $0x190  }
0xa5: {  	[sflag:s0] =	ssyncset.done @p0 $0x0  }
0xa6: {  	[sflag:s0] =	ssyncadd.s32 @p0 $0xFFFFFE70  }
0xa7: {  	_ =	swait.ge @p0 [sflag:s0], $0x190  }
0xa8: {  	[sflag:s0] =	ssyncset.done @p0 $0x0  }
0xa9: {  	[sflag:s0] =	ssyncadd.s32 @p0 $0xFFFFFE70  }
0xaa: {  	_ =	swait.ge @p0 [sflag:s0], $0x190  }
0xab: {  	s9 =	simm.s32 @p0 $0x10;
	[sflag:s0] =	ssyncset.done @p0 $0x0  }
0xac: {  	s1 =	simm.s32 @p0 $0x650;
	s30 =	simm.s32 @p0 $0x190;
	[sflag:s0] =	ssyncadd.s32 @p0 $0xFFFFFE70  }
0xad: {  	[tilespmem:s1], [sflag:$0x2] =	stream.indirect.gather @p0 [hbm4b:s4+s30], $0x20, s9, s30, $0xb8;
	[tilespmem:$0x1F8F0] =	vst v63  }
0xae: {  	s0 =	simm.s32 @p0 $0x3850;
	s9 =	simm.s32 @p0 $0x2  }
0xaf: {  	[tilespmem:s0], [sflag:$0x3] =	stream.indirect.gather @p0 [hbm4b:s4+s30], $0x20, s31, s30, $0xb8;
	[tilespmem:$0x1F8F0] =	vst v63  }
0xb0: {  	_ =	swait.ge @p0 [sflag:s9], $0x3200  }
0xb1: {  	[sflag:s9] =	ssyncset.done @p0 $0x0  }
0xb2: {  	s31 =	simm.s32 @p0 $0x3;
	[sflag:s9] =	ssyncadd.s32 @p0 $0xFFFFCE00  }
0xb3: {  	_ =	swait.ge @p0 [sflag:s31], $0x3200  }
0xb4: {  	[sflag:s31] =	ssyncset.done @p0 $0x0  }
0xb5: {  	s9 =	simm.s32 @p0 $0x330;
	[sflag:s31] =	ssyncadd.s32 @p0 $0xFFFFCE00  }
0xb6: {  	[spmem:s2] =	stream.indirect.scatter.add.f32 @p0 [tilespmem:s1], [sflag:$0x4], $0x20, s9, s30, $0xb8;
	[tilespmem:$0x1F8F0] =	vst v63  }
0xb7: {  	s1 =	simm.s32 @!p0 $0x1  }
0xb8: {  	[spmem:s2] =	stream.indirect.scatter.add.f32 @p0 [tilespmem:s0], [sflag:$0x5], $0x20, s8, s30, $0xb8;
	[tilespmem:$0x1F8F0] =	vst v63  }
0xb9: {  	s29 =	sadd.s32 $0xFFFFFFFF, s29;
	_ =	swait.ge @!p0 [sflag:s1], $0x190  }
0xba: {  	p2 =	sne.s32 s29, $0x0;
	[sflag:s1] =	ssyncset.done @!p0 $0x0  }
.Ltmp4:
0xbb: {  	s26 =	sadd.s32 $0x2, s26;
	[sflag:s1] =	ssyncadd.s32 @!p0 $0xFFFFFE70;
	(pc) =	sbr.rel @p2 .LBB2_7-.Ltmp4, $4  }
0xbc: {  	s28 =	sadd.s32 $0x320, s28;
	p3 =	seq.s32 s26, $0x1;
	_ =	swait.ge @!p0 [sflag:s1], $0x190  }
0xbd: {  	s31 =	simm.s32 @!p0 $0x190;
	s30 =	simm.s32 @!p0 $0x650;
	[sflag:s1] =	ssyncset.done @!p0 $0x0  }
0xbe: {  	s8 =	simm.s32 @!p0 $0x10;
	s0 =	simm.s32 @!p0 $0x2;
	[sflag:s1] =	ssyncadd.s32 @!p0 $0xFFFFFE70  }
0xbf: {  	[tilespmem:s30], [sflag:$0x2] =	stream.indirect.gather @!p0 [hbm4b:s4+s31], $0x20, s8, s31, $0xb8;
	[tilespmem:$0x1F8F0] =	vst v63  }
.LBB2_8:
0xc0: {  	p0 =	por p0, !p1  }
0xc1: {  	_ =	swait.ge @!p0 [sflag:s0], $0x3200  }
0xc2: {  	[sflag:s0] =	ssyncset.done @!p0 $0x0  }
0xc3: {  	s1 =	simm.s32 @!p3 $0x4;
	s8 =	simm.s32 @!p0 $0x330;
	[sflag:s0] =	ssyncadd.s32 @!p0 $0xFFFFCE00  }
0xc4: {  	[spmem:s2] =	stream.indirect.scatter.add.f32 @!p0 [tilespmem:s30], [sflag:$0x4], $0x20, s8, s31, $0xb8;
	[tilespmem:$0x1F8F0] =	vst v63  }
0xc5: {  	p0 =	sge.s32 @!p3 s26, s25;
	_ =	swait.ge @!p3 [sflag:s1], $0x3200  }
0xc6: {  	p1 =	por p0, p3;
	[sflag:s1] =	ssyncset.done @!p3 $0x0  }
0xc7: {  	s0 =	simm.s32 @!p1 $0x5;
	[sflag:s1] =	ssyncadd.s32 @!p3 $0xFFFFCE00  }
0xc8: {  	s29 =	sshrl.u32 s28, $0x3;
	_ =	swait.ge @!p1 [sflag:s0], $0x3200  }
0xc9: {  	s9 =	sadd.s32 s5, s29;
	p0 =	slt.s32 s26, s25;
	[sflag:s0] =	ssyncset.done @!p1 $0x0  }
0xca: {  	s26 =	sadd.s32 @p0 $0x190, s28;
	s30 =	rddreg [dreg:$0x4];
	[sflag:s0] =	ssyncadd.s32 @!p1 $0xFFFFCE00  }
0xcb: {  	[tilespmem:s30], [sflag:$0x1] =	stream.linear.gather [hbm4b:s9+s3], $0x190, $0x38;
	[tilespmem:$0x1F8F0] =	vst v63  }
0xcc: {  	s1 =	sadd.s32 s6, s29;
	s8 =	sshrl.u32 @p0 s26, $0x3;
	s31 =	rddreg [dreg:$0x5]  }
0xcd: {  	[tilespmem:s31], [sflag:$0x1] =	stream.linear.gather [hbm4b:s1+s3], $0x190, $0x38;
	[tilespmem:$0x1F8F0] =	vst v63  }
0xce: {  	s0 =	simm.s32 @p0 $0x0;
	s9 =	sadd.s32 @p0 s5, s8;
	s1 =	simm.s32 @p0 $0x1A0  }
0xcf: {  	[tilespmem:s1], [sflag:$0x1] =	stream.linear.gather @p0 [hbm4b:s9+s0], $0x190, $0x38;
	[tilespmem:$0x1F8F0] =	vst v63  }
0xd0: {  	s26 =	simm.s32 @p0 $0x1;
	s8 =	sadd.s32 @p0 s6, s8;
	s9 =	simm.s32 @p0 $0x4C0  }
0xd1: {  	[tilespmem:s9], [sflag:$0x1] =	stream.linear.gather @p0 [hbm4b:s8+s0], $0x190, $0x38;
	[tilespmem:$0x1F8F0] =	vst v63  }
0xd2: {  	_ =	swait.ge @p0 [sflag:s26], $0x190  }
0xd3: {  	[sflag:s26] =	ssyncset.done @p0 $0x0  }
0xd4: {  	[sflag:s26] =	ssyncadd.s32 @p0 $0xFFFFFE70  }
0xd5: {  	_ =	swait.ge @p0 [sflag:s26], $0x190  }
0xd6: {  	[sflag:s26] =	ssyncset.done @p0 $0x0  }
0xd7: {  	[sflag:s26] =	ssyncadd.s32 @p0 $0xFFFFFE70  }
0xd8: {  	_ =	swait.ge @p0 [sflag:s26], $0x190  }
0xd9: {  	[sflag:s26] =	ssyncset.done @p0 $0x0  }
0xda: {  	[sflag:s26] =	ssyncadd.s32 @p0 $0xFFFFFE70  }
0xdb: {  	_ =	swait.ge @p0 [sflag:s26], $0x190  }
0xdc: {  	s28 =	simm.s32 @p0 $0x10;
	[sflag:s26] =	ssyncset.done @p0 $0x0  }
0xdd: {  	s0 =	simm.s32 @p0 $0x650;
	s8 =	simm.s32 @p0 $0x190;
	[sflag:s26] =	ssyncadd.s32 @p0 $0xFFFFFE70  }
0xde: {  	[tilespmem:s0], [sflag:$0x2] =	stream.indirect.gather @p0 [hbm4b:s4+s8], $0x20, s28, s8, $0xb8;
	[tilespmem:$0x1F8F0] =	vst v63  }
0xdf: {  	s26 =	simm.s32 @p0 $0x3850;
	s28 =	simm.s32 @p0 $0x2  }
0xe0: {  	[tilespmem:s26], [sflag:$0x3] =	stream.indirect.gather @p0 [hbm4b:s4+s8], $0x20, s1, s8, $0xb8;
	[tilespmem:$0x1F8F0] =	vst v63  }
0xe1: {  	_ =	swait.ge @p0 [sflag:s28], $0x3200  }
0xe2: {  	[sflag:s28] =	ssyncset.done @p0 $0x0  }
0xe3: {  	s1 =	simm.s32 @p0 $0x3;
	[sflag:s28] =	ssyncadd.s32 @p0 $0xFFFFCE00  }
0xe4: {  	_ =	swait.ge @p0 [sflag:s1], $0x3200  }
0xe5: {  	[sflag:s1] =	ssyncset.done @p0 $0x0  }
0xe6: {  	s28 =	simm.s32 @p0 $0x330;
	[sflag:s1] =	ssyncadd.s32 @p0 $0xFFFFCE00  }
0xe7: {  	[spmem:s2] =	stream.indirect.scatter.add.f32 @p0 [tilespmem:s0], [sflag:$0x4], $0x20, s28, s8, $0xb8;
	[tilespmem:$0x1F8F0] =	vst v63  }
0xe8: {  	s0 =	simm.s32 @!p0 $0x1  }
0xe9: {  	[spmem:s2] =	stream.indirect.scatter.add.f32 @p0 [tilespmem:s26], [sflag:$0x5], $0x20, s9, s8, $0xb8;
	[tilespmem:$0x1F8F0] =	vst v63  }
0xea: {  	_ =	swait.ge @!p0 [sflag:s0], $0x190  }
0xeb: {  	[sflag:s0] =	ssyncset.done @!p0 $0x0  }
0xec: {  	[sflag:s0] =	ssyncadd.s32 @!p0 $0xFFFFFE70  }
0xed: {  	_ =	swait.ge @!p0 [sflag:s0], $0x190  }
0xee: {  	s1 =	simm.s32 @!p0 $0x650;
	s8 =	simm.s32 @!p0 $0x190;
	[sflag:s0] =	ssyncset.done @!p0 $0x0  }
0xef: {  	s9 =	simm.s32 @!p0 $0x10;
	[sflag:s0] =	ssyncadd.s32 @!p0 $0xFFFFFE70;
	s0 =	simm.s32 @!p0 $0x2  }
0xf0: {  	[tilespmem:s1], [sflag:$0x2] =	stream.indirect.gather @!p0 [hbm4b:s4+s8], $0x20, s9, s8, $0xb8;
	[tilespmem:$0x1F8F0] =	vst v63  }
0xf1: {  	_ =	swait.ge @!p0 [sflag:s0], $0x3200  }
0xf2: {  	[sflag:s0] =	ssyncset.done @!p0 $0x0  }
0xf3: {  	s9 =	simm.s32 @!p0 $0x330;
	[sflag:s0] =	ssyncadd.s32 @!p0 $0xFFFFCE00  }
0xf4: {  	[spmem:s2] =	stream.indirect.scatter.add.f32 @!p0 [tilespmem:s1], [sflag:$0x4], $0x20, s9, s8, $0xb8;
	[tilespmem:$0x1F8F0] =	vst v63  }
.LBB2_9:
0xf5: {  	p0 =	slt.s32 s25, $0x1  }
0xf6: {  	s0 =	simm.s32 @!p0 $0x4  }
0xf7: {  	p1 =	seq.s32 @!p0 s25, $0x1;
	_ =	swait.ge @!p0 [sflag:s0], $0x3200  }
0xf8: {  	p1 =	por p1, p0;
	[sflag:s0] =	ssyncset.done @!p0 $0x0  }
0xf9: {  	[sflag:s0] =	ssyncadd.s32 @!p0 $0xFFFFCE00;
	s0 =	simm.s32 @!p1 $0x5  }
0xfa: {  	_ =	swait.ge @!p1 [sflag:s0], $0x3200  }
0xfb: {  	[sflag:s0] =	ssyncset.done @!p1 $0x0  }
0xfc: {  	[sflag:s0] =	ssyncadd.s32 @!p1 $0xFFFFCE00  }
0xfd: {  	[bflag:$0x0] =	sbarrier.arrive $0xFFFF  }
0xfe: {  	[tilespmem:s21], [sflag:$0x6] =	stream.linear.gather [spmem:s20], $0x3200, $0x38;
	[tilespmem:$0x1F8F0] =	vst v63  }
0xff: {  	p0 =	sne.s32 s16, $0x1;
	_ =	swait.ge [sflag:s22], $0x3200  }
.Ltmp5:
0x100: {  	[sflag:s22] =	ssyncset.done $0x0;
	(pc) =	sbr.rel @!p0 .LBB2_11-.Ltmp5, $4  }
0x101: {  	[sflag:s22] =	ssyncadd.s32 $0xFFFFCE00  }
0x102: {  	[hbm4b:s19+s3] =	stream.linear.scatter [tilespmem:s21], [sflag:$0x6], $0x3200, $0x38;
	[tilespmem:$0x1F8F0] =	vst v63  }
0x103: {  	s26 =	smov.u32 s20;
	_ =	swait.ge [sflag:s22], $0x3200  }
0x104: {  	s25 =	smov.u32 s19;
	s0 =	sadd.s32 $0xFFFFFFFF, s16;
	[sflag:s22] =	ssyncset.done $0x0  }
.LBB2_10:
0x105: {  	[sflag:s22] =	ssyncadd.s32 $0xFFFFCE00;
	s25 =	sadd.s32 $0x6400, s25;
	s26 =	sadd.s32 $0x32000, s26  }
0x106: {  	[tilespmem:s21], [sflag:$0x6] =	stream.linear.gather [spmem:s26], $0x3200, $0x38;
	[tilespmem:$0x1F8F0] =	vst v63  }
0x107: {  	p0 =	sne.s32 s0, $0x1;
	s0 =	sadd.s32 $0xFFFFFFFF, s0;
	_ =	swait.ge [sflag:s22], $0x3200  }
.Ltmp6:
0x108: {  	[sflag:s22] =	ssyncset.done $0x0;
	(pc) =	sbr.rel @p0 .LBB2_10-.Ltmp6, $4  }
0x109: {  	[sflag:s22] =	ssyncadd.s32 $0xFFFFCE00  }
0x10a: {  	[hbm4b:s25+s3] =	stream.linear.scatter [tilespmem:s21], [sflag:$0x6], $0x3200, $0x38;
	[tilespmem:$0x1F8F0] =	vst v63  }
0x10b: {  	_ =	swait.ge [sflag:s22], $0x3200  }
0x10c: {  	[sflag:s22] =	ssyncset.done $0x0  }
.LBB2_11:
0x10d: {  	s24 =	sadd.s32 $0x1, s24  }
0x10e: {  	p0 =	sne.s32 s24, s17  }
.Ltmp7:
0x10f: {  	_ = 	snop;
	(pc) =	sbr.rel @p0 .LBB2_1-.Ltmp7, $4  }
.Ltmp8:
0x110: {  	_ = 	snop;
	(pc) =	sbr.rel @!p0 .LBB2_12-.Ltmp8, $4  }
0x111: {  	_ = 	snop  }
0x112: {  	_ = 	snop  }
0x113: {  	[sflag:s22] =	ssyncadd.s32 $0xFFFFCE00  }
0x114: {  	_ = 	snop  }
.LBB2_5:
.Ltmp9:
0x115: {  	(pc) =	sbr.rel .LBB2_8-.Ltmp9, $2  }
0x116: {  	_ =	sdelay $0x2  }
0x117: {  	s28 =	smov.u32 s18  }
.LBB2_12:
0x118: {  	_ =	sfence.sel $0x180000  }
0x119: {  	[bflag:$0x0] =	sbarrier.arrive $0xFFFF  }
0x11a: {  	_ =	strace $0x9000004D  }
0x11b: {  	s0 =	stileid.u32;
	[bflag:$0x2] =	sbarrier.arrive $0xFFFF  }
0x11c: {  	p0 =	sne.s32 s0, $0x0;
	s0 =	rddreg [dreg:$0x3]  }
0x11d: {  	s0 =	sadd.s32 @!p0 $0x100000, s0  }
0x11e: {  	[sflag:s0] =	ssyncadd.tile.s32 @!p0 $0x1;
	_ =	shalt  }
.Lfunc_end2:
_tile_overlayer_lowered:
.L_overlay_start_2:
0x11f: {  	(tag) =	ssettag $0x2  }
0x120: {  	s0 =	rddreg [dreg:$0x0];
	s2 =	stileid.u32  }
0x121: {  	s1 =	rddreg [dreg:$0x1];
	p0 =	sne.s32 s2, $0x0  }
0x122: {  	s3 =	rddreg [dreg:$0x2];
	[bflag:$0x3] =	sbarrier.arrive $0xFFFF;
	s2 =	simm.s32 @!p0 $0x1C06  }
0x123: {  	[timem:s3], [sflag:s2] =	dma.local @!p0 [hbm:s0], s1  }
0x124: {  	s0 =	simm.s32 @!p0 $0x6  }
0x125: {  	_ =	swait.ge @!p0 [sflag:s0], s1  }
0x126: {  	s1 =	ssub.s32 @!p0 $0x0, s1;
	[sflag:s0] =	ssyncset.done @!p0 $0x0  }
0x127: {  	[sflag:s0] =	ssyncadd.s32 @!p0 s1  }
0x128: {  	[bflag:$0x3] =	sbarrier.arrive $0xFFFF  }
0x129: {  	_ =	shalt  }

// kernel: kernel.19.cloned.1.call-start
scs
__scs_entry_jumppad:
0x0: {  	(pc) =	sbr.rel $0x88, $3  }
0x1: {  	(tag) =	ssettag $0x0;
	lr =	simm.s32 $0x1  }
0x2: {  	[smem:$0x3F96] =	sst lr;
	_ =	strace $0xD0000000  }
0x3: {  	_ = 	snop  }
0x4: {  	_ = 	snop  }
0x5: {  	_ = 	snop  }
0x6: {  	_ = 	snop  }
0x7: {  	_ = 	snop  }
__scs_overlays_trampoline_lowered:
0x8: {  	[smem:$0x3FA5] =	sst s0  }
0x9: {  	[smem:$0x3FA6] =	sst s1  }
0xa: {  	[smem:$0x3FA7] =	sst s2  }
0xb: {  	[smem:$0x3FA8] =	sst s3  }
0xc: {  	[smem:$0x3FA9] =	sst s4  }
0xd: {  	[smem:$0x3FAA] =	sst s5  }
0xe: {  	[smem:$0x3FAB] =	sst s6  }
0xf: {  	[smem:$0x3FAC] =	sst s7  }
0x10: {  	[smem:$0x3FAD] =	sst s8  }
0x11: {  	[smem:$0x3FAE] =	sst s9;
	s0 =	simm.s32 @!p0 $0x0  }
0x12: {  	s1 =	sld [smem:$0x3F94];
	s0 =	simm.s32 @p0 $0x1  }
0x13: {  	[smem:$0x3FAF] =	sst s0;
	s0 =	simm.s32 @!p1 $0x0  }
0x14: {  	s2 =	sld [smem:$0x3F93];
	s0 =	simm.s32 @p1 $0x1  }
0x15: {  	[smem:$0x3FB0] =	sst s0;
	s0 =	simm.s32 @!p2 $0x0  }
0x16: {  	s3 =	sld [smem:$0x3FDB];
	s0 =	simm.s32 @p2 $0x1  }
0x17: {  	s4 =	simm.s32 $0x1BF5;
	[smem:$0x3FB2] =	sst s0  }
0x18: {  	s0 =	sld [smem:$0x3F95];
	_ =	swait.ge [sflag:s4], $0x0  }
0x19: {  	s7 =	sld [smem:$0x3F96]  }
0x1a: {  	s8 =	sadd.s32 $0xFFFFE003, lr  }
0x1b: {  	s9 =	sadd.s32 $0xFFFFFEF7, lr;
	s5 =	simm.s32 $0xFFFFFFFF;
	p2 =	slt.u32 s8, $0xFFFFF086  }
0x1c: {  	p1 =	slt.u32 s9, $0xF7A;
	s5 =	simm.s32 @!p2 $0x0  }
0x1d: {  	s5 =	simm.s32 @p1 $0x1;
	p0 =	seq.s32 s7, s2  }
0x1e: {  	s7 =	smul.u32 @!p0 $0xF7A, s2;
	p2 =	seq.s32 @!p0 s5, $0x0  }
0x1f: {  	s9 =	smul.u32 $0xF7A, s1;
	s8 =	simm.s32 @!p0 $0x1BF5;
	p2 =	por !p2, p0  }
0x20: {  	[sflag:s8] =	ssyncset.s32 @!p0 $0xFFFFF086;
	s6 =	sadd.s32 @!p0 s3, s7;
	s7 =	simm.s32 @!p0 $0x108  }
0x21: {  	s3 =	sadd.s32 s3, s9;
	s6 =	sadd.s32 @!p0 $0x88, s6;
	s7 =	simm.s32 @p2 $0x1082  }
0x22: {  	[simem:s7], [sflag:s8] =	dma.local @!p0 [hbm:s6], $0xF7A  }
0x23: {  	s9 =	sor.u32 $0xD0000000, s2;
	s6 =	simm.s32 $0x108;
	_ =	swait.ge @!p0 [sflag:s8], $0x0  }
0x24: {  	s3 =	sadd.s32 $0x88, s3;
	s6 =	simm.s32 @!p1 $0x1082;
	[sflag:s4] =	ssyncset.s32 $0xFFFFF086  }
0x25: {  	[simem:s6], [sflag:s4] =	dma.local [hbm:s3], $0xF7A  }
0x26: {  	[smem:$0x3F96] =	sst s1;
	(tag) =	ssettag s2;
	_ =	strace s9  }
0x27: {  	s1 =	sld [smem:$0x3FA6]  }
0x28: {  	s2 =	sld [smem:$0x3FA7]  }
0x29: {  	s4 =	sld [smem:$0x3FA9]  }
0x2a: {  	p0 =	seq.s32 s5, $0x0;
	s5 =	sld [smem:$0x3FAA]  }
0x2b: {  	s6 =	sld [smem:$0x3FAB]  }
0x2c: {  	s7 =	sld [smem:$0x3FAC]  }
0x2d: {  	s3 =	simm.s32 $0x108;
	s8 =	sld [smem:$0x3FAD]  }
0x2e: {  	s3 =	simm.s32 @!p0 $0x1082;
	s9 =	sld [smem:$0x3FAE]  }
0x2f: {  	lr =	sadd.s32 s0, s3;
	s0 =	sld [smem:$0x3FA5]  }
0x30: {  	s3 =	sld [smem:$0x3FA8]  }
0x31: {  	[smem:$0x3FB1] =	sst s10  }
0x32: {  	s10 =	sld [smem:$0x3FAF];
	_ =	sdelay $0x3  }
0x33: {  	p0 =	seq.s32 s10, $0x1;
	s10 =	sld [smem:$0x3FB1];
	_ =	sdelay $0x3  }
0x34: {  	[smem:$0x3FB1] =	sst s10  }
0x35: {  	s10 =	sld [smem:$0x3FB0];
	_ =	sdelay $0x3  }
0x36: {  	p1 =	seq.s32 s10, $0x1;
	s10 =	sld [smem:$0x3FB1];
	_ =	sdelay $0x3  }
0x37: {  	[smem:$0x3FB1] =	sst s10  }
0x38: {  	s10 =	sld [smem:$0x3FB2]  }
0x39: {  	_ = 	snop;
	(pc) =	sbr.ind lr, $3  }
0x3a: {  	_ = 	snop  }
0x3b: {  	_ = 	snop  }
0x3c: {  	p2 =	seq.s32 s10, $0x1;
	s10 =	sld [smem:$0x3FB1]  }
0x3d: {  	_ =	shalt  }
0x3e: {  	_ =	shalt  }
0x3f: {  	_ =	shalt  }
0x40: {  	_ =	shalt  }
0x41: {  	_ =	shalt  }
0x42: {  	_ =	shalt  }
0x43: {  	_ =	shalt  }
0x44: {  	_ =	shalt  }
0x45: {  	_ =	shalt  }
0x46: {  	_ =	shalt  }
0x47: {  	_ =	shalt  }
0x48: {  	_ =	shalt  }
0x49: {  	_ =	shalt  }
0x4a: {  	_ =	shalt  }
0x4b: {  	_ =	shalt  }
0x4c: {  	_ =	shalt  }
0x4d: {  	_ =	shalt  }
0x4e: {  	_ =	shalt  }
0x4f: {  	_ =	shalt  }
0x50: {  	_ =	shalt  }
0x51: {  	_ =	shalt  }
0x52: {  	_ =	shalt  }
0x53: {  	_ =	shalt  }
0x54: {  	_ =	shalt  }
0x55: {  	_ =	shalt  }
0x56: {  	_ =	shalt  }
0x57: {  	_ =	shalt  }
0x58: {  	_ =	shalt  }
0x59: {  	_ =	shalt  }
0x5a: {  	_ =	shalt  }
0x5b: {  	_ =	shalt  }
0x5c: {  	_ =	shalt  }
0x5d: {  	_ =	shalt  }
0x5e: {  	_ =	shalt  }
0x5f: {  	_ =	shalt  }
0x60: {  	_ =	shalt  }
0x61: {  	_ =	shalt  }
0x62: {  	_ =	shalt  }
0x63: {  	_ =	shalt  }
0x64: {  	_ =	shalt  }
0x65: {  	_ =	shalt  }
0x66: {  	_ =	shalt  }
0x67: {  	_ =	shalt  }
0x68: {  	_ =	shalt  }
0x69: {  	_ =	shalt  }
0x6a: {  	_ =	shalt  }
0x6b: {  	_ =	shalt  }
0x6c: {  	_ =	shalt  }
0x6d: {  	_ =	shalt  }
0x6e: {  	_ =	shalt  }
0x6f: {  	_ =	shalt  }
0x70: {  	_ =	shalt  }
0x71: {  	_ =	shalt  }
0x72: {  	_ =	shalt  }
0x73: {  	_ =	shalt  }
0x74: {  	_ =	shalt  }
0x75: {  	_ =	shalt  }
0x76: {  	_ =	shalt  }
0x77: {  	_ =	shalt  }
0x78: {  	_ =	shalt  }
0x79: {  	_ =	shalt  }
0x7a: {  	_ =	shalt  }
0x7b: {  	_ =	shalt  }
0x7c: {  	_ =	shalt  }
0x7d: {  	_ =	shalt  }
0x7e: {  	_ =	shalt  }
0x7f: {  	_ =	shalt  }
0x80: {  	_ =	shalt  }
0x81: {  	_ =	shalt  }
0x82: {  	_ =	shalt  }
0x83: {  	_ =	shalt  }
0x84: {  	_ =	shalt  }
0x85: {  	_ =	shalt  }
0x86: {  	_ =	shalt  }
0x87: {  	_ =	shalt  }
.Lfunc_end0:
.L_simem_size_0:
called_computation.3_lowered:
.L_overlay_start_0:
0x88: {  	s2 =	sld [smem:$0x3FD9]  }
0x89: {  	s3 =	sld [smem:$0x3FFE];
	_ =	sdelay $0x1  }
0x8a: {  	s1 =	srdreg.scid  }
0x8b: {  	s0 =	sand.u32 $0x1, s1  }
0x8c: {  	s17 =	sshll.u32 s0, $0xA;
	s2 =	sadd.s32 s3, s2  }
0x8d: {  	s2 =	sadd.s32 s2, s17  }
0x8e: {  	[smem:$0x3FBD] =	sst s2  }
0x8f: {  	_ = 	snop  }
0x90: {  	s2 =	sld [smem:$0x3FD0];
	(tm) =	ssettm $0x1  }
0x91: {  	s18 =	sld [smem:$0x3FFB];
	_ =	sdelay $0x3  }
0x92: {  	_ =	strace s18  }
0x93: {  	s3 =	sld [smem:$0x3FFC];
	_ =	sdelay $0x3  }
0x94: {  	_ =	strace s3  }
0x95: {  	s3 =	sld [smem:$0x3FFD];
	_ =	sdelay $0x3  }
0x96: {  	_ =	strace s3  }
0x97: {  	_ =	strace $0x8FFFFFFF  }
0x98: {  	s19 =	sld [smem:$0x3FDB];
	_ =	sdelay $0x1  }
0x99: {  	s4 =	simm.s32 $_scs_section_size  }
0x9a: {  	s5 =	simm.s32 $_size__tile_overlayer_lowered;
	s6 =	simm.s32 $_tile_overlayer_lowered  }
0x9b: {  	s22 =	simm.s32 $0x1BFF;
	s21 =	sshll.u32 s6, $0x1;
	s3 =	sadd.s32 s4, s19  }
0x9c: {  	s7 =	simm.s32 $0x0;
	s20 =	sshll.u32 s5, $0x1;
	s5 =	sadd.s32 s21, s3  }
0x9d: {  	[timem:s7], [sflag:s22] =	dma.local [hbm:s5], s20  }
0x9e: {  	_ =	swait.ge [sflag:s22], s20  }
0x9f: {  	s4 =	ssub.s32 $0x0, s20;
	[sflag:s22] =	ssyncset.done $0x0  }
0xa0: {  	[sflag:s22] =	ssyncadd.s32 s4;
	_ =	sdelay $0x1  }
0xa1: {  	s23 =	simm.s32 $0x1B8B  }
0xa2: {  	_ =	swait.ge [sflag:s23], $0x1  }
0xa3: {  	[sflag:s23] =	ssyncset.done $0x0  }
0xa4: {  	s25 =	simm.s32 $0x1B8E;
	s24 =	sld [smem:$0x3FFE];
	[sflag:s23] =	ssyncadd.s32 $0xFFFFFFFF  }
0xa5: {  	s26 =	simm.s32 $execute0_lowered;
	[smem:$0x3FD2] =	sst s25  }
0xa6: {  	s5 =	sshll.u32 s26, $0x1;
	_ =	strace $0x8000004F;
	[dreg:$0x1] =	wrdreg $0xFFFFFFFF  }
0xa7: {  	s28 =	simm.s32 $_size_execute0_lowered;
	s3 =	sadd.s32 s3, s5;
	[dreg:$0x0] =	wrdreg $0x0  }
0xa8: {  	s5 =	sshll.u32 s28, $0x1;
	[dreg:$0x2] =	wrdreg s3  }
0xa9: {  	[dreg:$0x3] =	wrdreg s5  }
0xaa: {  	[dreg:$0x4] =	wrdreg $0xC0  }
0xab: {  	_ =	task [dreg:s7], $0x5FFFF  }
0xac: {  	[dreg:$0x1] =	wrdreg $0xFFFFFFFF  }
0xad: {  	[dreg:$0x0] =	wrdreg $0x60  }
0xae: {  	[dreg:$0x2] =	wrdreg s24  }
0xaf: {  	[dreg:$0x3] =	wrdreg s2  }
0xb0: {  	[dreg:$0x4] =	wrdreg $0x6A500  }
0xb1: {  	[dreg:$0x5] =	wrdreg $0x9  }
0xb2: {  	_ =	task.clear_ibuf [dreg:s7], $0x6FFFF;
	_ =	strace $0x9000004F  }
0xb3: {  	s29 =	simm.s32 $0x9;
	_ =	strace $0x80000051  }
0xb4: {  	_ =	swait.ge [sflag:s29], $0x1  }
0xb5: {  	[sflag:s29] =	ssyncadd.s32 $0xFFFFFFFF  }
0xb6: {  	_ =	strace $0x90000051  }
0xb7: {  	_ =	sfence  }
0xb8: {  	s30 =	sld [smem:$0x0];
	_ =	sdelay $0x2  }
0xb9: {  	s31 =	sshll.u32 s1, $0xD;
	s1 =	sshrl.u32 s1, $0x2  }
0xba: {  	s3 =	sand.u32 $0x4000, s31;
	s1 =	sadd.s32 s1, s30  }
0xbb: {  	s0 =	sor.u32 s3, s0;
	s1 =	sshll.u32 s1, $0x11  }
0xbc: {  	s0 =	sor.u32 s1, s0  }
0xbd: {  	s0 =	sadd.s32 $0x8F2B, s0  }
0xbe: {  	[sflag:s0] =	ssyncadd.remote.s32 $0x1  }
0xbf: {  	_ =	sfence.sel $0xFFFF  }
0xc0: {  	[dreg:$0x0] =	wrdreg $0xFFFFFFFF;
	(pc) =	sbr.abs _section_cstart, $3  }
0xc1: {  	[dreg:$0x1] =	wrdreg $0xFFFFFFFF  }
0xc2: {  	_ =	task.clear_ibuf [dreg:s7], $0x2FFFF;
	_ =	strace $0x9FFFFFFF  }
0xc3: {  	(tm) =	ssettm $0x7FFFFFFF  }
tec
execute0_lowered:
.L_overlay_start_1:
0x0: {  	(tag) =	ssettag $0x1  }
0x1: {  	s0 =	rddreg [dreg:$0x0]  }
0x2: {  	s15 =	rddreg [dreg:$0x1]  }
0x3: {  	s2 =	rddreg [dreg:$0x2];
	s3 =	simm.s32 $0x0;
	s1 =	stileid.u32  }
0x4: {  	s6 =	srdreg.scid;
	s30 =	simm.s32 $0x10;
	s22 =	simm.s32 $0x6  }
0x5: {  	s31 =	simm.s32 $0x330;
	s23 =	simm.s32 $0x3850;
	s7 =	smul.u32 $0x61C00, s1  }
0x6: {  	[smem:$0x7FF] =	sst s3;
	s4 =	sadd.s32 $0x2200, s0;
	s20 =	smul.u32 $0xC990, s1  }
0x7: {  	s5 =	sadd.s32 $0x67000, s0;
	s14 =	sand.u32 $0x1, s6;
	s26 =	smul.u32 $0x640, s1  }
0x8: {  	s6 =	sadd.s32 $0x99800, s0;
	s16 =	sshll.u32 s1, $0x1;
	s21 =	smul.u32 $0xC800, s1  }
0x9: {  	s28 =	ssub.s32 $0x8C, s1;
	_ =	strace $0x80000050;
	s8 =	smul.u32 $0x30D40, s14  }
0xa: {  	s9 =	ssub.s32 $0x2, s14;
	s18 =	smul.u32 $0xC9900, s14;
	[dreg:$0x4] =	wrdreg s30  }
0xb: {  	s19 =	sshll.u32 s14, $0x5;
	[dreg:$0x5] =	wrdreg s31;
	s7 =	sshrl.u32 s7, $0x2  }
0xc: {  	s10 =	sshrl.u32 s9, $0x1;
	s16 =	sor.u32 s16, s19;
	s29 =	sshrl.u32 s21, $0x2  }
0xd: {  	s21 =	simm.s32 $0x650;
	s7 =	sadd.s32 s7, s2;
	s0 =	sadd.s32 s8, s0  }
0xe: {  	s17 =	ssub.s32 s9, s10;
	s15 =	sadd.s32 s15, s16;
	s16 =	sshrl.u32 s28, $0x4  }
0xf: {  	s18 =	sadd.s32 s20, s18;
	s20 =	sadd.s32 s29, s2;
	s24 =	sadd.s32 $0x3200, s7  }
0x10: {  	s25 =	sadd.s32 $0x6400, s7;
	s10 =	sadd.s32 $0x9600, s7;
	s11 =	sadd.s32 $0xC800, s7  }
0x11: {  	s12 =	sadd.s32 $0xFA00, s7;
	s13 =	sadd.s32 $0x12C00, s7;
	s14 =	sadd.s32 $0x15E00, s7  }
0x12: {  	s17 =	smax.u32 s17, $0x1;
	s0 =	sadd.s32 s26, s0;
	[dreg:$0x6] =	wrdreg s24  }
0x13: {  	v0 =	vimm.f32 $0.0e+00;
	[dreg:$0x7] =	wrdreg s25;
	s19 =	sadd.s32 $0xCC000, s0;
	s24 =	simm.s32 $0x0  }
.LBB2_1:
0x14: {  	s0 =	simm.s32 $0x40;
	s25 =	simm.s32 $0x0  }
.LBB2_2:
0x15: {  	p0 =	sne.s32 s0, $0xC7C0;
	[tilespmem:s25+$0x650] =	vst v0;
	s26 =	smov.u32 s0;
	s0 =	sadd.s32 $0x40, s0  }
.Ltmp0:
0x16: {  	[tilespmem:s25+$0x3850] =	vst v0;
	(pc) =	sbr.rel @p0 .LBB2_2-.Ltmp0, $2  }
0x17: {  	_ =	sdelay $0x2  }
0x18: {  	s25 =	sshra.s32 s26, $0x2  }
0x19: {  	[tilespmem:s25+$0x650] =	vst v0  }
0x1a: {  	[tilespmem:s25+$0x3850] =	vst v0  }
0x1b: {  	[spmem:s7] =	stream.linear.scatter [tilespmem:s21], [sflag:$0x6], $0x3200, $0x38;
	[tilespmem:$0x1F8F0] =	vst v63  }
0x1c: {  	_ =	swait.ge [sflag:s22], $0x3200  }
0x1d: {  	[sflag:s22] =	ssyncset.done $0x0  }
0x1e: {  	s0 =	rddreg [dreg:$0x6];
	[sflag:s22] =	ssyncadd.s32 $0xFFFFCE00  }
0x1f: {  	[spmem:s0] =	stream.linear.scatter [tilespmem:s23], [sflag:$0x6], $0x3200, $0x38;
	[tilespmem:$0x1F8F0] =	vst v63  }
0x20: {  	_ =	swait.ge [sflag:s22], $0x3200  }
0x21: {  	[sflag:s22] =	ssyncset.done $0x0  }
0x22: {  	s9 =	rddreg [dreg:$0x7];
	[sflag:s22] =	ssyncadd.s32 $0xFFFFCE00  }
0x23: {  	[spmem:s9] =	stream.linear.scatter [tilespmem:s21], [sflag:$0x6], $0x3200, $0x38;
	[tilespmem:$0x1F8F0] =	vst v63  }
0x24: {  	_ =	swait.ge [sflag:s22], $0x3200  }
0x25: {  	[sflag:s22] =	ssyncset.done $0x0  }
0x26: {  	[sflag:s22] =	ssyncadd.s32 $0xFFFFCE00  }
0x27: {  	[spmem:s10] =	stream.linear.scatter [tilespmem:s23], [sflag:$0x6], $0x3200, $0x38;
	[tilespmem:$0x1F8F0] =	vst v63  }
0x28: {  	_ =	swait.ge [sflag:s22], $0x3200  }
0x29: {  	[sflag:s22] =	ssyncset.done $0x0  }
0x2a: {  	[sflag:s22] =	ssyncadd.s32 $0xFFFFCE00  }
0x2b: {  	[spmem:s11] =	stream.linear.scatter [tilespmem:s21], [sflag:$0x6], $0x3200, $0x38;
	[tilespmem:$0x1F8F0] =	vst v63  }
0x2c: {  	_ =	swait.ge [sflag:s22], $0x3200  }
0x2d: {  	[sflag:s22] =	ssyncset.done $0x0  }
0x2e: {  	[sflag:s22] =	ssyncadd.s32 $0xFFFFCE00  }
0x2f: {  	[spmem:s12] =	stream.linear.scatter [tilespmem:s23], [sflag:$0x6], $0x3200, $0x38;
	[tilespmem:$0x1F8F0] =	vst v63  }
0x30: {  	_ =	swait.ge [sflag:s22], $0x3200  }
0x31: {  	[sflag:s22] =	ssyncset.done $0x0  }
0x32: {  	[sflag:s22] =	ssyncadd.s32 $0xFFFFCE00  }
0x33: {  	[spmem:s13] =	stream.linear.scatter [tilespmem:s21], [sflag:$0x6], $0x3200, $0x38;
	[tilespmem:$0x1F8F0] =	vst v63  }
0x34: {  	_ =	swait.ge [sflag:s22], $0x3200  }
0x35: {  	[sflag:s22] =	ssyncset.done $0x0  }
0x36: {  	[sflag:s22] =	ssyncadd.s32 $0xFFFFCE00  }
0x37: {  	[spmem:s14] =	stream.linear.scatter [tilespmem:s23], [sflag:$0x6], $0x2900, $0x38;
	[tilespmem:$0x1F8F0] =	vst v63  }
0x38: {  	_ =	swait.ge [sflag:s22], $0x2900  }
0x39: {  	[sflag:s22] =	ssyncset.done $0x0  }
0x3a: {  	[sflag:s22] =	ssyncadd.s32 $0xFFFFD700  }
0x3b: {  	[bflag:$0x0] =	sbarrier.arrive $0xFFFF  }
0x3c: {  	[tilespmem:s3], [sflag:$0x6] =	stream.linear.gather [hbm4b:s15+s3], $0x10, $0x38;
	[tilespmem:$0x1F8F0] =	vst v63  }
0x3d: {  	_ =	swait.ge [sflag:s22], $0x10  }
0x3e: {  	[sflag:s22] =	ssyncset.done $0x0  }
0x3f: {  	[sflag:s22] =	ssyncadd.s32 $0xFFFFFFF0  }
0x40: {  	v1 =	vld [tilespmem:$0x0];
	_ =	sdelay $0x4  }
0x41: {  	v1 =	vxor.u32 $0x80000000, v1  }
0x42: {  	(xrf0) =	vmax.scan.msk.u32 $0xffff, v1;
	_ =	sdelay $0x5  }
0x43: {  	v1, _, _ =	vpop (xrf0)  }
0x44: {  	(v2sf) =	vpush v1, $0xF;
	_ =	sdelay $0xe  }
0x45: {  	s25 =	spop (v2sf)  }
0x46: {  	s29 =	sadd.s32 $0x8000018F, s25  }
0x47: {  	s26 =	smulhi.u32 $0x51EB851F, s29;
	s28 =	sshra.s32 s29, $0x1F  }
0x48: {  	s28 =	smul.u32 $0x51EB851F, s28;
	_ =	sdelay $0x1  }
0x49: {  	s26 =	sadd.s32 s28, s26  }
0x4a: {  	s28 =	sshrl.u32 s26, $0x1F;
	s26 =	sshra.s32 s26, $0x7  }
0x4b: {  	s26 =	sadd.s32 s28, s26  }
0x4c: {  	s28 =	smul.u32 $0xFFFFFE70, s26  }
0x4d: {  	s0 =	ssub.s32 $0x7FFFFE71, s25  }
0x4e: {  	p0 =	slt.s32 s29, $0x1;
	p1 =	sne.s32 s28, s0  }
0x4f: {  	p0 =	por !p0, !p1  }
0x50: {  	s0 =	simm.s32 $0x1;
	p0 =	por !p0, !p0  }
0x51: {  	s0 =	simm.s32 @!p0 $0x0  }
0x52: {  	s25 =	ssub.s32 s26, s0  }
0x53: {  	s0 =	sadd.s32 $0x1, s25  }
0x54: {  	s30 =	sand.u32 $0x1, s0  }
0x55: {  	p5 =	slt.s32 s25, $0x0;
	p6 =	seq.s32 s30, $0x1  }
0x56: {  	s31 =	sshrl.u32 s0, $0x1F;
	p0 =	por !p5, !p6  }
0x57: {  	s26 =	simm.s32 $0x1;
	s0 =	sadd.s32 s31, s0;
	p0 =	por !p0, !p0  }
0x58: {  	s0 =	sshra.s32 s0, $0x1;
	s26 =	simm.s32 @!p0 $0x0  }
0x59: {  	s0 =	ssub.s32 s0, s26  }
0x5a: {  	p0 =	slt.s32 s0, $0x1  }
.Ltmp1:
0x5b: {  	_ = 	snop;
	(pc) =	sbr.rel @p0 .LBB2_9-.Ltmp1, $2  }
0x5c: {  	_ =	sdelay $0x2  }
0x5d: {  	s26 =	simm.s32 $0x1  }
0x5e: {  	s28 =	sadd.s32 $0xFFFFFFFF, s0  }
0x5f: {  	p0 =	sne.s32 s28, $0x0  }
.Ltmp2:
0x60: {  	_ = 	snop;
	(pc) =	sbr.rel @!p0 .LBB2_5-.Ltmp2, $2  }
0x61: {  	_ =	sdelay $0x2  }
0x62: {  	p3 =	seq.s32 s26, $0x1;
	p1 =	por $0x0, $0x0  }
0x63: {  	s0 =	simm.s32 @!p3 $0x4  }
0x64: {  	p0 =	sge.s32 @!p3 s26, s25;
	_ =	swait.ge @!p3 [sflag:s0], $0x3200  }
0x65: {  	p1 =	por p0, p3;
	[sflag:s0] =	ssyncset.done @!p3 $0x0  }
0x66: {  	s29 =	simm.s32 @!p1 $0x5;
	[sflag:s0] =	ssyncadd.s32 @!p3 $0xFFFFCE00  }
0x67: {  	s9 =	sshrl.u32 s18, $0x3;
	_ =	swait.ge @!p1 [sflag:s29], $0x3200  }
0x68: {  	s31 =	sadd.s32 s5, s9;
	p0 =	slt.s32 s26, s25;
	[sflag:s29] =	ssyncset.done @!p1 $0x0  }
0x69: {  	s1 =	sadd.s32 @p0 $0x190, s18;
	s30 =	rddreg [dreg:$0x4];
	[sflag:s29] =	ssyncadd.s32 @!p1 $0xFFFFCE00  }
0x6a: {  	[tilespmem:s30], [sflag:$0x1] =	stream.linear.gather [hbm4b:s31+s3], $0x190, $0x38;
	[tilespmem:$0x1F8F0] =	vst v63  }
0x6b: {  	s0 =	sadd.s32 s6, s9;
	s1 =	sshrl.u32 @p0 s1, $0x3;
	s29 =	rddreg [dreg:$0x5]  }
0x6c: {  	[tilespmem:s29], [sflag:$0x1] =	stream.linear.gather [hbm4b:s0+s3], $0x190, $0x38;
	[tilespmem:$0x1F8F0] =	vst v63  }
0x6d: {  	s30 =	sadd.s32 @p0 s5, s1;
	s0 =	simm.s32 @p0 $0x0;
	s29 =	simm.s32 @p0 $0x1A0  }
0x6e: {  	[tilespmem:s29], [sflag:$0x1] =	stream.linear.gather @p0 [hbm4b:s30+s0], $0x190, $0x38;
	[tilespmem:$0x1F8F0] =	vst v63  }
0x6f: {  	s1 =	sadd.s32 @p0 s6, s1;
	s31 =	simm.s32 @p0 $0x1;
	s30 =	simm.s32 @p0 $0x4C0  }
0x70: {  	[tilespmem:s30], [sflag:$0x1] =	stream.linear.gather @p0 [hbm4b:s1+s0], $0x190, $0x38;
	[tilespmem:$0x1F8F0] =	vst v63  }
0x71: {  	_ =	swait.ge @p0 [sflag:s31], $0x190  }
0x72: {  	[sflag:s31] =	ssyncset.done @p0 $0x0  }
0x73: {  	[sflag:s31] =	ssyncadd.s32 @p0 $0xFFFFFE70  }
0x74: {  	_ =	swait.ge @p0 [sflag:s31], $0x190  }
0x75: {  	[sflag:s31] =	ssyncset.done @p0 $0x0  }
0x76: {  	[sflag:s31] =	ssyncadd.s32 @p0 $0xFFFFFE70  }
0x77: {  	_ =	swait.ge @p0 [sflag:s31], $0x190  }
0x78: {  	[sflag:s31] =	ssyncset.done @p0 $0x0  }
0x79: {  	[sflag:s31] =	ssyncadd.s32 @p0 $0xFFFFFE70  }
0x7a: {  	_ =	swait.ge @p0 [sflag:s31], $0x190  }
0x7b: {  	s8 =	simm.s32 @p0 $0x10;
	[sflag:s31] =	ssyncset.done @p0 $0x0  }
0x7c: {  	s0 =	simm.s32 @p0 $0x650;
	s1 =	simm.s32 @p0 $0x190;
	[sflag:s31] =	ssyncadd.s32 @p0 $0xFFFFFE70  }
0x7d: {  	[tilespmem:s0], [sflag:$0x2] =	stream.indirect.gather @p0 [hbm4b:s4+s1], $0x20, s8, s1, $0xb8;
	[tilespmem:$0x1F8F0] =	vst v63  }
0x7e: {  	s31 =	simm.s32 @p0 $0x2;
	s8 =	simm.s32 @p0 $0x3850  }
0x7f: {  	[tilespmem:s8], [sflag:$0x3] =	stream.indirect.gather @p0 [hbm4b:s4+s1], $0x20, s29, s1, $0xb8;
	[tilespmem:$0x1F8F0] =	vst v63  }
0x80: {  	_ =	swait.ge @p0 [sflag:s31], $0x3200  }
0x81: {  	[sflag:s31] =	ssyncset.done @p0 $0x0  }
0x82: {  	s29 =	simm.s32 @p0 $0x3;
	[sflag:s31] =	ssyncadd.s32 @p0 $0xFFFFCE00  }
0x83: {  	_ =	swait.ge @p0 [sflag:s29], $0x3200  }
0x84: {  	[sflag:s29] =	ssyncset.done @p0 $0x0  }
0x85: {  	s31 =	simm.s32 @p0 $0x330;
	[sflag:s29] =	ssyncadd.s32 @p0 $0xFFFFCE00  }
0x86: {  	[spmem:s2] =	stream.indirect.scatter.add.f32 @p0 [tilespmem:s0], [sflag:$0x4], $0x20, s31, s1, $0xb8;
	[tilespmem:$0x1F8F0] =	vst v63  }
0x87: {  	s0 =	simm.s32 @!p0 $0x1  }
0x88: {  	[spmem:s2] =	stream.indirect.scatter.add.f32 @p0 [tilespmem:s8], [sflag:$0x5], $0x20, s30, s1, $0xb8;
	[tilespmem:$0x1F8F0] =	vst v63  }
0x89: {  	s29 =	sadd.s32 $0xFFFFFFFF, s28;
	_ =	swait.ge @!p0 [sflag:s0], $0x190  }
0x8a: {  	s26 =	sadd.s32 $0x2, s26;
	p2 =	sne.s32 s29, $0x0;
	[sflag:s0] =	ssyncset.done @!p0 $0x0  }
.Ltmp3:
0x8b: {  	p3 =	seq.s32 s26, $0x1;
	[sflag:s0] =	ssyncadd.s32 @!p0 $0xFFFFFE70;
	(pc) =	sbr.rel @!p2 .LBB2_8-.Ltmp3, $4  }
0x8c: {  	p1 =	por $0x1, $0x1;
	s28 =	sadd.s32 $0x320, s18;
	_ =	swait.ge @!p0 [sflag:s0], $0x190  }
0x8d: {  	s31 =	simm.s32 @!p0 $0x190;
	s30 =	simm.s32 @!p0 $0x650;
	[sflag:s0] =	ssyncset.done @!p0 $0x0  }
0x8e: {  	s1 =	simm.s32 @!p0 $0x10;
	[sflag:s0] =	ssyncadd.s32 @!p0 $0xFFFFFE70;
	s0 =	simm.s32 @!p0 $0x2  }
0x8f: {  	[tilespmem:s30], [sflag:$0x2] =	stream.indirect.gather @!p0 [hbm4b:s4+s31], $0x20, s1, s31, $0xb8;
	[tilespmem:$0x1F8F0] =	vst v63  }
.LBB2_7:
0x90: {  	_ =	swait.ge @!p0 [sflag:s0], $0x3200  }
0x91: {  	[sflag:s0] =	ssyncset.done @!p0 $0x0  }
0x92: {  	s1 =	simm.s32 @!p3 $0x4;
	s8 =	simm.s32 @!p0 $0x330;
	[sflag:s0] =	ssyncadd.s32 @!p0 $0xFFFFCE00  }
0x93: {  	[spmem:s2] =	stream.indirect.scatter.add.f32 @!p0 [tilespmem:s30], [sflag:$0x4], $0x20, s8, s31, $0xb8;
	[tilespmem:$0x1F8F0] =	vst v63  }
0x94: {  	p4 =	sge.s32 @!p3 s26, s25;
	_ =	swait.ge @!p3 [sflag:s1], $0x3200  }
0x95: {  	p4 =	por p4, p3;
	[sflag:s1] =	ssyncset.done @!p3 $0x0  }
0x96: {  	s0 =	simm.s32 @!p4 $0x5;
	[sflag:s1] =	ssyncadd.s32 @!p3 $0xFFFFCE00  }
0x97: {  	s9 =	sshrl.u32 s28, $0x3;
	_ =	swait.ge @!p4 [sflag:s0], $0x3200  }
0x98: {  	s8 =	sadd.s32 s5, s9;
	p0 =	slt.s32 s26, s25;
	[sflag:s0] =	ssyncset.done @!p4 $0x0  }
0x99: {  	s31 =	sadd.s32 @p0 $0x190, s28;
	s30 =	rddreg [dreg:$0x4];
	[sflag:s0] =	ssyncadd.s32 @!p4 $0xFFFFCE00  }
0x9a: {  	[tilespmem:s30], [sflag:$0x1] =	stream.linear.gather [hbm4b:s8+s3], $0x190, $0x38;
	[tilespmem:$0x1F8F0] =	vst v63  }
0x9b: {  	s1 =	sadd.s32 s6, s9;
	s9 =	rddreg [dreg:$0x5];
	s8 =	sshrl.u32 @p0 s31, $0x3  }
0x9c: {  	[tilespmem:s9], [sflag:$0x1] =	stream.linear.gather [hbm4b:s1+s3], $0x190, $0x38;
	[tilespmem:$0x1F8F0] =	vst v63  }
0x9d: {  	s30 =	simm.s32 @p0 $0x0;
	s31 =	simm.s32 @p0 $0x1A0;
	s0 =	sadd.s32 @p0 s5, s8  }
0x9e: {  	[tilespmem:s31], [sflag:$0x1] =	stream.linear.gather @p0 [hbm4b:s0+s30], $0x190, $0x38;
	[tilespmem:$0x1F8F0] =	vst v63  }
0x9f: {  	s1 =	sadd.s32 @p0 s6, s8;
	s8 =	simm.s32 @p0 $0x4C0;
	s0 =	simm.s32 @p0 $0x1  }
0xa0: {  	[tilespmem:s8], [sflag:$0x1] =	stream.linear.gather @p0 [hbm4b:s1+s30], $0x190, $0x38;
	[tilespmem:$0x1F8F0] =	vst v63  }
0xa1: {  	_ =	swait.ge @p0 [sflag:s0], $0x190  }
0xa2: {  	[sflag:s0] =	ssyncset.done @p0 $0x0  }
0xa3: {  	[sflag:s0] =	ssyncadd.s32 @p0 $0xFFFFFE70  }
0xa4: {  	_ =	swait.ge @p0 [sflag:s0], $0x190  }
0xa5: {  	[sflag:s0] =	ssyncset.done @p0 $0x0  }
0xa6: {  	[sflag:s0] =	ssyncadd.s32 @p0 $0xFFFFFE70  }
0xa7: {  	_ =	swait.ge @p0 [sflag:s0], $0x190  }
0xa8: {  	[sflag:s0] =	ssyncset.done @p0 $0x0  }
0xa9: {  	[sflag:s0] =	ssyncadd.s32 @p0 $0xFFFFFE70  }
0xaa: {  	_ =	swait.ge @p0 [sflag:s0], $0x190  }
0xab: {  	s9 =	simm.s32 @p0 $0x10;
	[sflag:s0] =	ssyncset.done @p0 $0x0  }
0xac: {  	s1 =	simm.s32 @p0 $0x650;
	s30 =	simm.s32 @p0 $0x190;
	[sflag:s0] =	ssyncadd.s32 @p0 $0xFFFFFE70  }
0xad: {  	[tilespmem:s1], [sflag:$0x2] =	stream.indirect.gather @p0 [hbm4b:s4+s30], $0x20, s9, s30, $0xb8;
	[tilespmem:$0x1F8F0] =	vst v63  }
0xae: {  	s0 =	simm.s32 @p0 $0x3850;
	s9 =	simm.s32 @p0 $0x2  }
0xaf: {  	[tilespmem:s0], [sflag:$0x3] =	stream.indirect.gather @p0 [hbm4b:s4+s30], $0x20, s31, s30, $0xb8;
	[tilespmem:$0x1F8F0] =	vst v63  }
0xb0: {  	_ =	swait.ge @p0 [sflag:s9], $0x3200  }
0xb1: {  	[sflag:s9] =	ssyncset.done @p0 $0x0  }
0xb2: {  	s31 =	simm.s32 @p0 $0x3;
	[sflag:s9] =	ssyncadd.s32 @p0 $0xFFFFCE00  }
0xb3: {  	_ =	swait.ge @p0 [sflag:s31], $0x3200  }
0xb4: {  	[sflag:s31] =	ssyncset.done @p0 $0x0  }
0xb5: {  	s9 =	simm.s32 @p0 $0x330;
	[sflag:s31] =	ssyncadd.s32 @p0 $0xFFFFCE00  }
0xb6: {  	[spmem:s2] =	stream.indirect.scatter.add.f32 @p0 [tilespmem:s1], [sflag:$0x4], $0x20, s9, s30, $0xb8;
	[tilespmem:$0x1F8F0] =	vst v63  }
0xb7: {  	s1 =	simm.s32 @!p0 $0x1  }
0xb8: {  	[spmem:s2] =	stream.indirect.scatter.add.f32 @p0 [tilespmem:s0], [sflag:$0x5], $0x20, s8, s30, $0xb8;
	[tilespmem:$0x1F8F0] =	vst v63  }
0xb9: {  	s29 =	sadd.s32 $0xFFFFFFFF, s29;
	_ =	swait.ge @!p0 [sflag:s1], $0x190  }
0xba: {  	p2 =	sne.s32 s29, $0x0;
	[sflag:s1] =	ssyncset.done @!p0 $0x0  }
.Ltmp4:
0xbb: {  	s26 =	sadd.s32 $0x2, s26;
	[sflag:s1] =	ssyncadd.s32 @!p0 $0xFFFFFE70;
	(pc) =	sbr.rel @p2 .LBB2_7-.Ltmp4, $4  }
0xbc: {  	s28 =	sadd.s32 $0x320, s28;
	p3 =	seq.s32 s26, $0x1;
	_ =	swait.ge @!p0 [sflag:s1], $0x190  }
0xbd: {  	s31 =	simm.s32 @!p0 $0x190;
	s30 =	simm.s32 @!p0 $0x650;
	[sflag:s1] =	ssyncset.done @!p0 $0x0  }
0xbe: {  	s8 =	simm.s32 @!p0 $0x10;
	s0 =	simm.s32 @!p0 $0x2;
	[sflag:s1] =	ssyncadd.s32 @!p0 $0xFFFFFE70  }
0xbf: {  	[tilespmem:s30], [sflag:$0x2] =	stream.indirect.gather @!p0 [hbm4b:s4+s31], $0x20, s8, s31, $0xb8;
	[tilespmem:$0x1F8F0] =	vst v63  }
.LBB2_8:
0xc0: {  	p0 =	por p0, !p1  }
0xc1: {  	_ =	swait.ge @!p0 [sflag:s0], $0x3200  }
0xc2: {  	[sflag:s0] =	ssyncset.done @!p0 $0x0  }
0xc3: {  	s1 =	simm.s32 @!p3 $0x4;
	s8 =	simm.s32 @!p0 $0x330;
	[sflag:s0] =	ssyncadd.s32 @!p0 $0xFFFFCE00  }
0xc4: {  	[spmem:s2] =	stream.indirect.scatter.add.f32 @!p0 [tilespmem:s30], [sflag:$0x4], $0x20, s8, s31, $0xb8;
	[tilespmem:$0x1F8F0] =	vst v63  }
0xc5: {  	p0 =	sge.s32 @!p3 s26, s25;
	_ =	swait.ge @!p3 [sflag:s1], $0x3200  }
0xc6: {  	p1 =	por p0, p3;
	[sflag:s1] =	ssyncset.done @!p3 $0x0  }
0xc7: {  	s0 =	simm.s32 @!p1 $0x5;
	[sflag:s1] =	ssyncadd.s32 @!p3 $0xFFFFCE00  }
0xc8: {  	s29 =	sshrl.u32 s28, $0x3;
	_ =	swait.ge @!p1 [sflag:s0], $0x3200  }
0xc9: {  	s9 =	sadd.s32 s5, s29;
	p0 =	slt.s32 s26, s25;
	[sflag:s0] =	ssyncset.done @!p1 $0x0  }
0xca: {  	s26 =	sadd.s32 @p0 $0x190, s28;
	s30 =	rddreg [dreg:$0x4];
	[sflag:s0] =	ssyncadd.s32 @!p1 $0xFFFFCE00  }
0xcb: {  	[tilespmem:s30], [sflag:$0x1] =	stream.linear.gather [hbm4b:s9+s3], $0x190, $0x38;
	[tilespmem:$0x1F8F0] =	vst v63  }
0xcc: {  	s1 =	sadd.s32 s6, s29;
	s8 =	sshrl.u32 @p0 s26, $0x3;
	s31 =	rddreg [dreg:$0x5]  }
0xcd: {  	[tilespmem:s31], [sflag:$0x1] =	stream.linear.gather [hbm4b:s1+s3], $0x190, $0x38;
	[tilespmem:$0x1F8F0] =	vst v63  }
0xce: {  	s0 =	simm.s32 @p0 $0x0;
	s9 =	sadd.s32 @p0 s5, s8;
	s1 =	simm.s32 @p0 $0x1A0  }
0xcf: {  	[tilespmem:s1], [sflag:$0x1] =	stream.linear.gather @p0 [hbm4b:s9+s0], $0x190, $0x38;
	[tilespmem:$0x1F8F0] =	vst v63  }
0xd0: {  	s26 =	simm.s32 @p0 $0x1;
	s8 =	sadd.s32 @p0 s6, s8;
	s9 =	simm.s32 @p0 $0x4C0  }
0xd1: {  	[tilespmem:s9], [sflag:$0x1] =	stream.linear.gather @p0 [hbm4b:s8+s0], $0x190, $0x38;
	[tilespmem:$0x1F8F0] =	vst v63  }
0xd2: {  	_ =	swait.ge @p0 [sflag:s26], $0x190  }
0xd3: {  	[sflag:s26] =	ssyncset.done @p0 $0x0  }
0xd4: {  	[sflag:s26] =	ssyncadd.s32 @p0 $0xFFFFFE70  }
0xd5: {  	_ =	swait.ge @p0 [sflag:s26], $0x190  }
0xd6: {  	[sflag:s26] =	ssyncset.done @p0 $0x0  }
0xd7: {  	[sflag:s26] =	ssyncadd.s32 @p0 $0xFFFFFE70  }
0xd8: {  	_ =	swait.ge @p0 [sflag:s26], $0x190  }
0xd9: {  	[sflag:s26] =	ssyncset.done @p0 $0x0  }
0xda: {  	[sflag:s26] =	ssyncadd.s32 @p0 $0xFFFFFE70  }
0xdb: {  	_ =	swait.ge @p0 [sflag:s26], $0x190  }
0xdc: {  	s28 =	simm.s32 @p0 $0x10;
	[sflag:s26] =	ssyncset.done @p0 $0x0  }
0xdd: {  	s0 =	simm.s32 @p0 $0x650;
	s8 =	simm.s32 @p0 $0x190;
	[sflag:s26] =	ssyncadd.s32 @p0 $0xFFFFFE70  }
0xde: {  	[tilespmem:s0], [sflag:$0x2] =	stream.indirect.gather @p0 [hbm4b:s4+s8], $0x20, s28, s8, $0xb8;
	[tilespmem:$0x1F8F0] =	vst v63  }
0xdf: {  	s26 =	simm.s32 @p0 $0x3850;
	s28 =	simm.s32 @p0 $0x2  }
0xe0: {  	[tilespmem:s26], [sflag:$0x3] =	stream.indirect.gather @p0 [hbm4b:s4+s8], $0x20, s1, s8, $0xb8;
	[tilespmem:$0x1F8F0] =	vst v63  }
0xe1: {  	_ =	swait.ge @p0 [sflag:s28], $0x3200  }
0xe2: {  	[sflag:s28] =	ssyncset.done @p0 $0x0  }
0xe3: {  	s1 =	simm.s32 @p0 $0x3;
	[sflag:s28] =	ssyncadd.s32 @p0 $0xFFFFCE00  }
0xe4: {  	_ =	swait.ge @p0 [sflag:s1], $0x3200  }
0xe5: {  	[sflag:s1] =	ssyncset.done @p0 $0x0  }
0xe6: {  	s28 =	simm.s32 @p0 $0x330;
	[sflag:s1] =	ssyncadd.s32 @p0 $0xFFFFCE00  }
0xe7: {  	[spmem:s2] =	stream.indirect.scatter.add.f32 @p0 [tilespmem:s0], [sflag:$0x4], $0x20, s28, s8, $0xb8;
	[tilespmem:$0x1F8F0] =	vst v63  }
0xe8: {  	s0 =	simm.s32 @!p0 $0x1  }
0xe9: {  	[spmem:s2] =	stream.indirect.scatter.add.f32 @p0 [tilespmem:s26], [sflag:$0x5], $0x20, s9, s8, $0xb8;
	[tilespmem:$0x1F8F0] =	vst v63  }
0xea: {  	_ =	swait.ge @!p0 [sflag:s0], $0x190  }
0xeb: {  	[sflag:s0] =	ssyncset.done @!p0 $0x0  }
0xec: {  	[sflag:s0] =	ssyncadd.s32 @!p0 $0xFFFFFE70  }
0xed: {  	_ =	swait.ge @!p0 [sflag:s0], $0x190  }
0xee: {  	s1 =	simm.s32 @!p0 $0x650;
	s8 =	simm.s32 @!p0 $0x190;
	[sflag:s0] =	ssyncset.done @!p0 $0x0  }
0xef: {  	s9 =	simm.s32 @!p0 $0x10;
	[sflag:s0] =	ssyncadd.s32 @!p0 $0xFFFFFE70;
	s0 =	simm.s32 @!p0 $0x2  }
0xf0: {  	[tilespmem:s1], [sflag:$0x2] =	stream.indirect.gather @!p0 [hbm4b:s4+s8], $0x20, s9, s8, $0xb8;
	[tilespmem:$0x1F8F0] =	vst v63  }
0xf1: {  	_ =	swait.ge @!p0 [sflag:s0], $0x3200  }
0xf2: {  	[sflag:s0] =	ssyncset.done @!p0 $0x0  }
0xf3: {  	s9 =	simm.s32 @!p0 $0x330;
	[sflag:s0] =	ssyncadd.s32 @!p0 $0xFFFFCE00  }
0xf4: {  	[spmem:s2] =	stream.indirect.scatter.add.f32 @!p0 [tilespmem:s1], [sflag:$0x4], $0x20, s9, s8, $0xb8;
	[tilespmem:$0x1F8F0] =	vst v63  }
.LBB2_9:
0xf5: {  	p0 =	slt.s32 s25, $0x1  }
0xf6: {  	s0 =	simm.s32 @!p0 $0x4  }
0xf7: {  	p1 =	seq.s32 @!p0 s25, $0x1;
	_ =	swait.ge @!p0 [sflag:s0], $0x3200  }
0xf8: {  	p1 =	por p1, p0;
	[sflag:s0] =	ssyncset.done @!p0 $0x0  }
0xf9: {  	[sflag:s0] =	ssyncadd.s32 @!p0 $0xFFFFCE00;
	s0 =	simm.s32 @!p1 $0x5  }
0xfa: {  	_ =	swait.ge @!p1 [sflag:s0], $0x3200  }
0xfb: {  	[sflag:s0] =	ssyncset.done @!p1 $0x0  }
0xfc: {  	[sflag:s0] =	ssyncadd.s32 @!p1 $0xFFFFCE00  }
0xfd: {  	[bflag:$0x0] =	sbarrier.arrive $0xFFFF  }
0xfe: {  	[tilespmem:s21], [sflag:$0x6] =	stream.linear.gather [spmem:s20], $0x3200, $0x38;
	[tilespmem:$0x1F8F0] =	vst v63  }
0xff: {  	p0 =	sne.s32 s16, $0x1;
	_ =	swait.ge [sflag:s22], $0x3200  }
.Ltmp5:
0x100: {  	[sflag:s22] =	ssyncset.done $0x0;
	(pc) =	sbr.rel @!p0 .LBB2_11-.Ltmp5, $4  }
0x101: {  	[sflag:s22] =	ssyncadd.s32 $0xFFFFCE00  }
0x102: {  	[hbm4b:s19+s3] =	stream.linear.scatter [tilespmem:s21], [sflag:$0x6], $0x3200, $0x38;
	[tilespmem:$0x1F8F0] =	vst v63  }
0x103: {  	s26 =	smov.u32 s20;
	_ =	swait.ge [sflag:s22], $0x3200  }
0x104: {  	s25 =	smov.u32 s19;
	s0 =	sadd.s32 $0xFFFFFFFF, s16;
	[sflag:s22] =	ssyncset.done $0x0  }
.LBB2_10:
0x105: {  	[sflag:s22] =	ssyncadd.s32 $0xFFFFCE00;
	s25 =	sadd.s32 $0x6400, s25;
	s26 =	sadd.s32 $0x32000, s26  }
0x106: {  	[tilespmem:s21], [sflag:$0x6] =	stream.linear.gather [spmem:s26], $0x3200, $0x38;
	[tilespmem:$0x1F8F0] =	vst v63  }
0x107: {  	p0 =	sne.s32 s0, $0x1;
	s0 =	sadd.s32 $0xFFFFFFFF, s0;
	_ =	swait.ge [sflag:s22], $0x3200  }
.Ltmp6:
0x108: {  	[sflag:s22] =	ssyncset.done $0x0;
	(pc) =	sbr.rel @p0 .LBB2_10-.Ltmp6, $4  }
0x109: {  	[sflag:s22] =	ssyncadd.s32 $0xFFFFCE00  }
0x10a: {  	[hbm4b:s25+s3] =	stream.linear.scatter [tilespmem:s21], [sflag:$0x6], $0x3200, $0x38;
	[tilespmem:$0x1F8F0] =	vst v63  }
0x10b: {  	_ =	swait.ge [sflag:s22], $0x3200  }
0x10c: {  	[sflag:s22] =	ssyncset.done $0x0  }
.LBB2_11:
0x10d: {  	s24 =	sadd.s32 $0x1, s24  }
0x10e: {  	p0 =	sne.s32 s24, s17  }
.Ltmp7:
0x10f: {  	_ = 	snop;
	(pc) =	sbr.rel @p0 .LBB2_1-.Ltmp7, $4  }
.Ltmp8:
0x110: {  	_ = 	snop;
	(pc) =	sbr.rel @!p0 .LBB2_12-.Ltmp8, $4  }
0x111: {  	_ = 	snop  }
0x112: {  	_ = 	snop  }
0x113: {  	[sflag:s22] =	ssyncadd.s32 $0xFFFFCE00  }
0x114: {  	_ = 	snop  }
.LBB2_5:
.Ltmp9:
0x115: {  	(pc) =	sbr.rel .LBB2_8-.Ltmp9, $2  }
0x116: {  	_ =	sdelay $0x2  }
0x117: {  	s28 =	smov.u32 s18  }
.LBB2_12:
0x118: {  	_ =	sfence.sel $0x180000  }
0x119: {  	[bflag:$0x0] =	sbarrier.arrive $0xFFFF  }
0x11a: {  	_ =	strace $0x90000050  }
0x11b: {  	s0 =	stileid.u32;
	[bflag:$0x2] =	sbarrier.arrive $0xFFFF  }
0x11c: {  	p0 =	sne.s32 s0, $0x0;
	s0 =	rddreg [dreg:$0x3]  }
0x11d: {  	s0 =	sadd.s32 @!p0 $0x100000, s0  }
0x11e: {  	[sflag:s0] =	ssyncadd.tile.s32 @!p0 $0x1;
	_ =	shalt  }
.Lfunc_end2:
_tile_overlayer_lowered:
.L_overlay_start_2:
0x11f: {  	(tag) =	ssettag $0x2  }
0x120: {  	s0 =	rddreg [dreg:$0x0];
	s2 =	stileid.u32  }
0x121: {  	s1 =	rddreg [dreg:$0x1];
	p0 =	sne.s32 s2, $0x0  }
0x122: {  	s3 =	rddreg [dreg:$0x2];
	[bflag:$0x3] =	sbarrier.arrive $0xFFFF;
	s2 =	simm.s32 @!p0 $0x1C06  }
0x123: {  	[timem:s3], [sflag:s2] =	dma.local @!p0 [hbm:s0], s1  }
0x124: {  	s0 =	simm.s32 @!p0 $0x6  }
0x125: {  	_ =	swait.ge @!p0 [sflag:s0], s1  }
0x126: {  	s1 =	ssub.s32 @!p0 $0x0, s1;
	[sflag:s0] =	ssyncset.done @!p0 $0x0  }
0x127: {  	[sflag:s0] =	ssyncadd.s32 @!p0 s1  }
0x128: {  	[bflag:$0x3] =	sbarrier.arrive $0xFFFF  }
0x129: {  	_ =	shalt  }

</sc_bundles>
